<compile_context>
chip_gen: v7x
topology: tpu7x:2x2x1
jax: 0.10.2.dev20260603
libtpu: 0.0.44.dev20260713+nightly
codegen_flags: <defaults>
</compile_context>

<pallas_src>
import functools

import jax
import jax.numpy as jnp
from jax import lax
from jax.experimental import pallas as pl
from jax.experimental.pallas import tpu as pltpu
from jax.experimental.pallas import tpu_sc as plsc

N = 10000
E = 320000
D_IN = 128
H = 256
HH = H // 2
NC = 2
NS = 16
L = 16
CH = 128
G_TOTAL = E // CH
K_MAX = (G_TOTAL + NS - 1) // NS

ROWS_BIG = 640
ROWS_LAST = N - 15 * ROWS_BIG

NP = 10240
ROWS_P = NP // NS

_mesh = plsc.VectorSubcoreMesh(core_axis_name="c", subcore_axis_name="s",
                               num_cores=NC, num_subcores=NS)


def _fill(ref, n, value, dtype=jnp.float32):
    v = jnp.full((L,), value, dtype)
    for i in range(n // L):
        ref[pl.ds(i * L, L)] = v


def _rows_init(copy_fn, s):

    @pl.when(s < 15)
    def _():
        copy_fn(s * ROWS_BIG, ROWS_BIG)

    @pl.when(s == 15)
    def _():
        copy_fn(15 * ROWS_BIG, ROWS_LAST)


@functools.partial(
    pl.kernel,
    out_type=jax.ShapeDtypeStruct((NC, NP), jnp.float32),
    mesh=_mesh,
    scratch_types=[
        pltpu.VMEM_SHARED((NP,), jnp.float32),
        pltpu.VMEM((ROWS_P,), jnp.float32),
        pltpu.VMEM((CH,), jnp.int32),
        pltpu.VMEM((CH,), jnp.float32),
    ],
)
def _deg_kernel(dst_hbm, deg_hbm, acc_sh, init_v, idx_v, ones_v):
    c = lax.axis_index("c")
    s = lax.axis_index("s")

    fill_val = jnp.where(c == 0, 1.0, 0.0)
    v = jnp.full((L,), 1.0, jnp.float32) * fill_val
    for i in range(ROWS_P // L):
        init_v[pl.ds(i * L, L)] = v
    _fill(ones_v, CH, 1.0)

    pltpu.sync_copy(init_v, acc_sh.at[pl.ds(s * ROWS_P, ROWS_P)])
    plsc.subcore_barrier()

    g0 = c * (G_TOTAL // NC)
    g1 = (c + 1) * (G_TOTAL // NC)

    def body(k, _):
        g = g0 + s + k * NS

        @pl.when(g < g1)
        def _():
            pltpu.sync_copy(dst_hbm.at[pl.ds(g * CH, CH)], idx_v)
            pltpu.sync_copy(ones_v, acc_sh.at[idx_v], add=True)

        return _

    lax.fori_loop(0, (G_TOTAL // NC + NS - 1) // NS, body, None)
    plsc.subcore_barrier()

    pltpu.sync_copy(acc_sh.at[pl.ds(s * ROWS_P, ROWS_P)],
                    deg_hbm.at[c, pl.ds(s * ROWS_P, ROWS_P)])


@functools.partial(
    pl.kernel,
    out_type=jax.ShapeDtypeStruct((NC, N, HH), jnp.float32),
    mesh=_mesh,
    scratch_types=[
        pltpu.VMEM_SHARED((N, HH), jnp.float32),
        pltpu.VMEM((CH,), jnp.int32),
        pltpu.VMEM((CH,), jnp.int32),
        pltpu.VMEM((CH, HH), jnp.float32),
        pltpu.SemaphoreType.DMA,
    ],
)
def _agg_kernel(y_a, y_b, src_hbm, dst_hbm, out_hbm, acc_sh, sidx, didx, rows, sem):
    c = lax.axis_index("c")
    s = lax.axis_index("s")

    def _run(tab):
        def _cp(row0, nrows):
            pltpu.sync_copy(tab.at[pl.ds(row0, nrows)],
                            acc_sh.at[pl.ds(row0, nrows)])

        _rows_init(_cp, s)
        plsc.subcore_barrier()

        def body(k, _):
            g = s + k * NS

            @pl.when(g < G_TOTAL)
            def _():
                pltpu.sync_copy(src_hbm.at[pl.ds(g * CH, CH)], sidx)
                pltpu.sync_copy(dst_hbm.at[pl.ds(g * CH, CH)], didx)
                pltpu.async_copy(tab.at[sidx], rows, sem).wait()
                pltpu.sync_copy(rows, acc_sh.at[didx], add=True)

            return _

        lax.fori_loop(0, K_MAX, body, None)
        plsc.subcore_barrier()

        def _out(row0, nrows):
            pltpu.sync_copy(acc_sh.at[pl.ds(row0, nrows)],
                            out_hbm.at[c, pl.ds(row0, nrows)])

        _rows_init(_out, s)

    @pl.when(c == 0)
    def _():
        _run(y_a)

    @pl.when(c == 1)
    def _():
        _run(y_b)


@functools.partial(
    pl.kernel,
    out_type=jax.ShapeDtypeStruct((NP,), jnp.float32),
    mesh=_mesh,
    scratch_types=[
        pltpu.VMEM_SHARED((NP,), jnp.float32),
        pltpu.VMEM((CH,), jnp.int32),
        pltpu.VMEM((CH,), jnp.int32),
        pltpu.VMEM((CH,), jnp.float32),
        pltpu.VMEM((ROWS_P,), jnp.float32),
        pltpu.VMEM((ROWS_P,), jnp.float32),
        pltpu.VMEM((L,), jnp.float32),
        pltpu.SemaphoreType.DMA,
    ],
)
def _final_kernel(z_hbm, dinv_hbm, bo_hbm, src_hbm, dst_hbm, out_hbm,
                  acc_sh, sidx, didx, vals, acc_v, dinv_v, bo_v, sem):
    c = lax.axis_index("c")
    s = lax.axis_index("s")

    pltpu.sync_copy(z_hbm.at[pl.ds(s * ROWS_P, ROWS_P)],
                    acc_sh.at[pl.ds(s * ROWS_P, ROWS_P)])
    pltpu.sync_copy(bo_hbm, bo_v)
    plsc.subcore_barrier()

    def body(k, _):
        g = s + k * NS

        @pl.when(g < G_TOTAL)
        def _():
            pltpu.sync_copy(src_hbm.at[pl.ds(g * CH, CH)], sidx)
            pltpu.sync_copy(dst_hbm.at[pl.ds(g * CH, CH)], didx)
            pltpu.async_copy(z_hbm.at[sidx], vals, sem).wait()
            pltpu.sync_copy(vals, acc_sh.at[didx], add=True)

        return _

    lax.fori_loop(0, K_MAX, body, None)
    plsc.subcore_barrier()

    @pl.when(c == 0)
    def _():
        row0 = s * ROWS_P
        pltpu.sync_copy(acc_sh.at[pl.ds(row0, ROWS_P)], acc_v)
        pltpu.sync_copy(dinv_hbm.at[pl.ds(row0, ROWS_P)], dinv_v)
        bo = bo_v[...]
        for i in range(ROWS_P // L):
            a = acc_v[pl.ds(i * L, L)]
            d = dinv_v[pl.ds(i * L, L)]
            val = d * a + bo
            acc_v[pl.ds(i * L, L)] = 1.0 / (1.0 + jnp.exp(-val))
        pltpu.sync_copy(acc_v, out_hbm.at[pl.ds(row0, ROWS_P)])


R = 1000


def _s0_body(x_ref, Wp_ref, bp_ref, W0_ref, dinv_ref, h_ref, y_ref):
    h = jnp.dot(x_ref[...], Wp_ref[...],
                preferred_element_type=jnp.float32) + bp_ref[...]
    h_ref[...] = h
    y_ref[0] = dinv_ref[...] * jnp.dot(h, W0_ref[...],
                                       preferred_element_type=jnp.float32)


_stage0 = pl.pallas_call(
    _s0_body,
    grid=(N // R, 2),
    in_specs=[
        pl.BlockSpec((R, D_IN), lambda i, j: (i, 0)),
        pl.BlockSpec((D_IN, H), lambda i, j: (0, 0)),
        pl.BlockSpec((1, H), lambda i, j: (0, 0)),
        pl.BlockSpec((H, HH), lambda i, j: (0, j)),
        pl.BlockSpec((R, 1), lambda i, j: (i, 0)),
    ],
    out_specs=[
        pl.BlockSpec((R, H), lambda i, j: (i, 0)),
        pl.BlockSpec((1, R, HH), lambda i, j: (j, i, 0)),
    ],
    out_shape=[
        jax.ShapeDtypeStruct((N, H), jnp.float32),
        jax.ShapeDtypeStruct((2, N, HH), jnp.float32),
    ],
)


def _sk_body(agg_a, agg_b, hprev, dinv, b_ref, W_ref, hout, yout):
    aggf = jnp.concatenate([agg_a[0], agg_b[0]], axis=1)
    hn = jnp.maximum(dinv[...] * aggf + b_ref[...], 0.0) + hprev[...]
    hout[...] = hn
    yout[0] = dinv[...] * jnp.dot(hn, W_ref[...],
                                  preferred_element_type=jnp.float32)


_stage_k = pl.pallas_call(
    _sk_body,
    grid=(N // R, 2),
    in_specs=[
        pl.BlockSpec((1, R, HH), lambda i, j: (0, i, 0)),
        pl.BlockSpec((1, R, HH), lambda i, j: (1, i, 0)),
        pl.BlockSpec((R, H), lambda i, j: (i, 0)),
        pl.BlockSpec((R, 1), lambda i, j: (i, 0)),
        pl.BlockSpec((1, H), lambda i, j: (0, 0)),
        pl.BlockSpec((H, HH), lambda i, j: (0, j)),
    ],
    out_specs=[
        pl.BlockSpec((R, H), lambda i, j: (i, 0)),
        pl.BlockSpec((1, R, HH), lambda i, j: (j, i, 0)),
    ],
    out_shape=[
        jax.ShapeDtypeStruct((N, H), jnp.float32),
        jax.ShapeDtypeStruct((2, N, HH), jnp.float32),
    ],
)


def _s3_body(agg_a, agg_b, hprev, dinv, b_ref, Wo_ref, z_out):
    aggf = jnp.concatenate([agg_a[0], agg_b[0]], axis=1)
    h3 = jnp.maximum(dinv[...] * aggf + b_ref[...], 0.0) + hprev[...]
    z_out[...] = dinv[...] * jnp.dot(h3, Wo_ref[...],
                                     preferred_element_type=jnp.float32)


_stage3 = pl.pallas_call(
    _s3_body,
    grid=(N // R,),
    in_specs=[
        pl.BlockSpec((1, R, HH), lambda i: (0, i, 0)),
        pl.BlockSpec((1, R, HH), lambda i: (1, i, 0)),
        pl.BlockSpec((R, H), lambda i: (i, 0)),
        pl.BlockSpec((R, 1), lambda i: (i, 0)),
        pl.BlockSpec((1, H), lambda i: (0, 0)),
        pl.BlockSpec((H, 1), lambda i: (0, 0)),
    ],
    out_specs=pl.BlockSpec((R, 1), lambda i: (i, 0)),
    out_shape=jax.ShapeDtypeStruct((N, 1), jnp.float32),
)


def kernel(x, edge_index, batch, Wp, bp, W0, b0, W1, b1, W2, b2, Wo, bo):
    del batch
    src = edge_index[0].astype(jnp.int32)
    dst = edge_index[1].astype(jnp.int32)

    deg2 = _deg_kernel(dst)
    dinv_p = lax.rsqrt(deg2[0] + deg2[1])
    dinv = dinv_p[:N].reshape(N, 1)

    h, y = _stage0(x, Wp, bp.reshape(1, H), W0, dinv)
    agg = _agg_kernel(y[0], y[1], src, dst)
    h, y = _stage_k(agg, agg, h, dinv, b0.reshape(1, H), W1)
    agg = _agg_kernel(y[0], y[1], src, dst)
    h, y = _stage_k(agg, agg, h, dinv, b1.reshape(1, H), W2)
    agg = _agg_kernel(y[0], y[1], src, dst)
    z = _stage3(agg, agg, h, dinv, b2.reshape(1, H), Wo)

    bo16 = jnp.broadcast_to(bo, (L,)).astype(jnp.float32)
    z_p = jnp.concatenate([z.reshape(N), jnp.zeros((NP - N,), jnp.float32)])
    out = _final_kernel(z_p, dinv_p, bo16, src, dst)
    return out[:N]

# --- scband reference (transcript-rebuilt; emitter-appended) ---
"""Pipeline reference for scband-quick-residual-gnn-47502338293763 (READ-ONLY COPY).

The authoritative reference and input builder live on the scoring server;
editing this copy changes nothing except your own understanding.
"""

import jax, jax.numpy as jnp
import numpy as np

N = 10000
E = 320000
D_IN = 128
H = 256


def add_self_loops(edge_index, n):
    loop = jnp.arange(n, dtype=edge_index.dtype)
    src = jnp.concatenate([edge_index[0], loop])
    dst = jnp.concatenate([edge_index[1], loop])
    return src, dst


def gcn_conv(x, src, dst, W, b, n):
    # x @ W, then symmetric-normalized aggregation (GCNConv with self-loops)
    xw = x @ W
    deg = jax.ops.segment_sum(jnp.ones(src.shape[0], dtype=xw.dtype), dst, num_segments=n)
    dinv = jnp.where(deg > 0, 1.0 / jnp.sqrt(deg), 0.0)
    norm = dinv[src] * dinv[dst]
    msg = xw[src] * norm[:, None]
    out = jax.ops.segment_sum(msg, dst, num_segments=n)
    return out + b


def setup_inputs(seed: int = 0) -> dict:
    key = jax.random.key(seed)
    ks = jax.random.split(key, 16)
    x = jax.random.normal(ks[0], (N, D_IN), dtype=jnp.float32)
    edge_index = jax.random.randint(ks[1], (2, E), 0, N, dtype=jnp.int64)
    batch = jnp.zeros((N,), dtype=jnp.int64)
    s = 0.05
    Wp = jax.random.normal(ks[2], (D_IN, H), dtype=jnp.float32) * s
    bp = jnp.zeros((H,), dtype=jnp.float32)
    W0 = jax.random.normal(ks[3], (H, H), dtype=jnp.float32) * s
    b0 = jnp.zeros((H,), dtype=jnp.float32)
    W1 = jax.random.normal(ks[4], (H, H), dtype=jnp.float32) * s
    b1 = jnp.zeros((H,), dtype=jnp.float32)
    W2 = jax.random.normal(ks[5], (H, H), dtype=jnp.float32) * s
    b2 = jnp.zeros((H,), dtype=jnp.float32)
    Wo = jax.random.normal(ks[6], (H, 1), dtype=jnp.float32) * s
    bo = jnp.zeros((1,), dtype=jnp.float32)
    return {"x": x, "edge_index": edge_index, "batch": batch,
            "Wp": Wp, "bp": bp, "W0": W0, "b0": b0, "W1": W1, "b1": b1,
            "W2": W2, "b2": b2, "Wo": Wo, "bo": bo}


def reference(x, edge_index, batch, Wp, bp, W0, b0, W1, b1, W2, b2, Wo, bo):
    n = x.shape[0]
    src, dst = add_self_loops(edge_index, n)
    h = x @ Wp + bp
    for (W, b) in ((W0, b0), (W1, b1), (W2, b2)):
        res = h
        h = gcn_conv(h, src, dst, W, b, n)
        h = jax.nn.relu(h)
        # dropout is identity in eval mode
        h = h + res
    out = gcn_conv(h, src, dst, Wo, bo, n)
    return jax.nn.sigmoid(out).reshape(-1)

if __name__ == "__main__":
    import jax
    _d = setup_inputs()
    print(jax.jit(kernel)(*tuple(_d.values())))

</pallas_src>

<mosaic_0001>
#map = affine_map<(d0, d1) -> (0)>
#map1 = affine_map<(d0, d1) -> (0, 0)>
module attributes {stable_mosaic.version = 14 : i64} {
  func.func @_deg_kernel(%arg0: i32, %arg1: i32, %arg2: memref<320000xi32, #tpu.memory_space<hbm>>, %arg3: memref<2x10240xf32, #tpu.memory_space<hbm>>, %arg4: memref<10240xf32, #tpu.memory_space<vmem_shared>>, %arg5: memref<640xf32, #tpu.memory_space<vmem>>, %arg6: memref<128xi32, #tpu.memory_space<vmem>>, %arg7: memref<128xf32, #tpu.memory_space<vmem>>) attributes {dimension_semantics = [#tpu.dimension_semantics<core_parallel>, #tpu.dimension_semantics<subcore_parallel>], iteration_bounds = array<i64: 2, 16>, scalar_prefetch = 0 : i64, scratch_operands = 4 : i64, tpu.core_type = #tpu.core_type<sc_vector_subcore>, window_params = [{transform_indices = #map}, {transform_indices = #map1}]} {
    %eq3A = arith.constant 0 : i32
    %eq3A_0 = arith.cmpi eq, %arg0, %eq3A : i32
    %jit3A = arith.constant 1.000000e+00 : f32
    %jit3A_1 = arith.constant 0.000000e+00 : f32
    %select_n3A = arith.select %eq3A_0, %jit3A, %jit3A_1 : f32
    %broadcast_in_dim3A = arith.constant 1.000000e+00 : f32
    %broadcast_in_dim3A_2 = vector.broadcast %broadcast_in_dim3A : f32 to vector<16xf32>
    %mul3A = vector.broadcast %select_n3A : f32 to vector<16xf32>
    %mul3A_3 = arith.mulf %broadcast_in_dim3A_2, %mul3A : vector<16xf32>
    %swap3A = arith.constant 0 : index
    %swap3A_4 = tpu.vector_load %arg5[%swap3A] {strides = array<i32>} : memref<640xf32, #tpu.memory_space<vmem>>, vector<16xf32>,
    %swap3A_5 = vector.shape_cast %swap3A_4 : vector<16xf32> to vector<16xf32>
    %swap3A_6 = vector.shape_cast %mul3A_3 : vector<16xf32> to vector<16xf32>
    tpu.vector_store %arg5[%swap3A], %swap3A_6 {strides = array<i32>} : memref<640xf32, #tpu.memory_space<vmem>>, vector<16xf32>,
    %swap3A_7 = arith.constant 16 : index
    %swap3A_8 = tpu.vector_load %arg5[%swap3A_7] {strides = array<i32>} : memref<640xf32, #tpu.memory_space<vmem>>, vector<16xf32>,
    %swap3A_9 = vector.shape_cast %swap3A_8 : vector<16xf32> to vector<16xf32>
    %swap3A_10 = vector.shape_cast %mul3A_3 : vector<16xf32> to vector<16xf32>
    tpu.vector_store %arg5[%swap3A_7], %swap3A_10 {strides = array<i32>} : memref<640xf32, #tpu.memory_space<vmem>>, vector<16xf32>,
    %swap3A_11 = arith.constant 32 : index
    %swap3A_12 = tpu.vector_load %arg5[%swap3A_11] {strides = array<i32>} : memref<640xf32, #tpu.memory_space<vmem>>, vector<16xf32>,
    %swap3A_13 = vector.shape_cast %swap3A_12 : vector<16xf32> to vector<16xf32>
    %swap3A_14 = vector.shape_cast %mul3A_3 : vector<16xf32> to vector<16xf32>
    tpu.vector_store %arg5[%swap3A_11], %swap3A_14 {strides = array<i32>} : memref<640xf32, #tpu.memory_space<vmem>>, vector<16xf32>,
    %swap3A_15 = arith.constant 48 : index
    %swap3A_16 = tpu.vector_load %arg5[%swap3A_15] {strides = array<i32>} : memref<640xf32, #tpu.memory_space<vmem>>, vector<16xf32>,
    %swap3A_17 = vector.shape_cast %swap3A_16 : vector<16xf32> to vector<16xf32>
    %swap3A_18 = vector.shape_cast %mul3A_3 : vector<16xf32> to vector<16xf32>
    tpu.vector_store %arg5[%swap3A_15], %swap3A_18 {strides = array<i32>} : memref<640xf32, #tpu.memory_space<vmem>>, vector<16xf32>,
    %swap3A_19 = arith.constant 64 : index
    %swap3A_20 = tpu.vector_load %arg5[%swap3A_19] {strides = array<i32>} : memref<640xf32, #tpu.memory_space<vmem>>, vector<16xf32>,
    %swap3A_21 = vector.shape_cast %swap3A_20 : vector<16xf32> to vector<16xf32>
    %swap3A_22 = vector.shape_cast %mul3A_3 : vector<16xf32> to vector<16xf32>
    tpu.vector_store %arg5[%swap3A_19], %swap3A_22 {strides = array<i32>} : memref<640xf32, #tpu.memory_space<vmem>>, vector<16xf32>,
    %swap3A_23 = arith.constant 80 : index
    %swap3A_24 = tpu.vector_load %arg5[%swap3A_23] {strides = array<i32>} : memref<640xf32, #tpu.memory_space<vmem>>, vector<16xf32>,
    %swap3A_25 = vector.shape_cast %swap3A_24 : vector<16xf32> to vector<16xf32>
    %swap3A_26 = vector.shape_cast %mul3A_3 : vector<16xf32> to vector<16xf32>
    tpu.vector_store %arg5[%swap3A_23], %swap3A_26 {strides = array<i32>} : memref<640xf32, #tpu.memory_space<vmem>>, vector<16xf32>,
    %swap3A_27 = arith.constant 96 : index
    %swap3A_28 = tpu.vector_load %arg5[%swap3A_27] {strides = array<i32>} : memref<640xf32, #tpu.memory_space<vmem>>, vector<16xf32>,
    %swap3A_29 = vector.shape_cast %swap3A_28 : vector<16xf32> to vector<16xf32>
    %swap3A_30 = vector.shape_cast %mul3A_3 : vector<16xf32> to vector<16xf32>
    tpu.vector_store %arg5[%swap3A_27], %swap3A_30 {strides = array<i32>} : memref<640xf32, #tpu.memory_space<vmem>>, vector<16xf32>,
    %swap3A_31 = arith.constant 112 : index
    %swap3A_32 = tpu.vector_load %arg5[%swap3A_31] {strides = array<i32>} : memref<640xf32, #tpu.memory_space<vmem>>, vector<16xf32>,
    %swap3A_33 = vector.shape_cast %swap3A_32 : vector<16xf32> to vector<16xf32>
    %swap3A_34 = vector.shape_cast %mul3A_3 : vector<16xf32> to vector<16xf32>
    tpu.vector_store %arg5[%swap3A_31], %swap3A_34 {strides = array<i32>} : memref<640xf32, #tpu.memory_space<vmem>>, vector<16xf32>,
    %swap3A_35 = arith.constant 128 : index
    %swap3A_36 = tpu.vector_load %arg5[%swap3A_35] {strides = array<i32>} : memref<640xf32, #tpu.memory_space<vmem>>, vector<16xf32>,
    %swap3A_37 = vector.shape_cast %swap3A_36 : vector<16xf32> to vector<16xf32>
    %swap3A_38 = vector.shape_cast %mul3A_3 : vector<16xf32> to vector<16xf32>
    tpu.vector_store %arg5[%swap3A_35], %swap3A_38 {strides = array<i32>} : memref<640xf32, #tpu.memory_space<vmem>>, vector<16xf32>,
    %swap3A_39 = arith.constant 144 : index
    %swap3A_40 = tpu.vector_load %arg5[%swap3A_39] {strides = array<i32>} : memref<640xf32, #tpu.memory_space<vmem>>, vector<16xf32>,
    %swap3A_41 = vector.shape_cast %swap3A_40 : vector<16xf32> to vector<16xf32>
    %swap3A_42 = vector.shape_cast %mul3A_3 : vector<16xf32> to vector<16xf32>
    tpu.vector_store %arg5[%swap3A_39], %swap3A_42 {strides = array<i32>} : memref<640xf32, #tpu.memory_space<vmem>>, vector<16xf32>,
    %swap3A_43 = arith.constant 160 : index
    %swap3A_44 = tpu.vector_load %arg5[%swap3A_43] {strides = array<i32>} : memref<640xf32, #tpu.memory_space<vmem>>, vector<16xf32>,
    %swap3A_45 = vector.shape_cast %swap3A_44 : vector<16xf32> to vector<16xf32>
    %swap3A_46 = vector.shape_cast %mul3A_3 : vector<16xf32> to vector<16xf32>
    tpu.vector_store %arg5[%swap3A_43], %swap3A_46 {strides = array<i32>} : memref<640xf32, #tpu.memory_space<vmem>>, vector<16xf32>,
    %swap3A_47 = arith.constant 176 : index
    %swap3A_48 = tpu.vector_load %arg5[%swap3A_47] {strides = array<i32>} : memref<640xf32, #tpu.memory_space<vmem>>, vector<16xf32>,
    %swap3A_49 = vector.shape_cast %swap3A_48 : vector<16xf32> to vector<16xf32>
    %swap3A_50 = vector.shape_cast %mul3A_3 : vector<16xf32> to vector<16xf32>
    tpu.vector_store %arg5[%swap3A_47], %swap3A_50 {strides = array<i32>} : memref<640xf32, #tpu.memory_space<vmem>>, vector<16xf32>,
    %swap3A_51 = arith.constant 192 : index
    %swap3A_52 = tpu.vector_load %arg5[%swap3A_51] {strides = array<i32>} : memref<640xf32, #tpu.memory_space<vmem>>, vector<16xf32>,
    %swap3A_53 = vector.shape_cast %swap3A_52 : vector<16xf32> to vector<16xf32>
    %swap3A_54 = vector.shape_cast %mul3A_3 : vector<16xf32> to vector<16xf32>
    tpu.vector_store %arg5[%swap3A_51], %swap3A_54 {strides = array<i32>} : memref<640xf32, #tpu.memory_space<vmem>>, vector<16xf32>,
    %swap3A_55 = arith.constant 208 : index
    %swap3A_56 = tpu.vector_load %arg5[%swap3A_55] {strides = array<i32>} : memref<640xf32, #tpu.memory_space<vmem>>, vector<16xf32>,
    %swap3A_57 = vector.shape_cast %swap3A_56 : vector<16xf32> to vector<16xf32>
    %swap3A_58 = vector.shape_cast %mul3A_3 : vector<16xf32> to vector<16xf32>
    tpu.vector_store %arg5[%swap3A_55], %swap3A_58 {strides = array<i32>} : memref<640xf32, #tpu.memory_space<vmem>>, vector<16xf32>,
    %swap3A_59 = arith.constant 224 : index
    %swap3A_60 = tpu.vector_load %arg5[%swap3A_59] {strides = array<i32>} : memref<640xf32, #tpu.memory_space<vmem>>, vector<16xf32>,
    %swap3A_61 = vector.shape_cast %swap3A_60 : vector<16xf32> to vector<16xf32>
    %swap3A_62 = vector.shape_cast %mul3A_3 : vector<16xf32> to vector<16xf32>
    tpu.vector_store %arg5[%swap3A_59], %swap3A_62 {strides = array<i32>} : memref<640xf32, #tpu.memory_space<vmem>>, vector<16xf32>,
    %swap3A_63 = arith.constant 240 : index
    %swap3A_64 = tpu.vector_load %arg5[%swap3A_63] {strides = array<i32>} : memref<640xf32, #tpu.memory_space<vmem>>, vector<16xf32>,
    %swap3A_65 = vector.shape_cast %swap3A_64 : vector<16xf32> to vector<16xf32>
    %swap3A_66 = vector.shape_cast %mul3A_3 : vector<16xf32> to vector<16xf32>
    tpu.vector_store %arg5[%swap3A_63], %swap3A_66 {strides = array<i32>} : memref<640xf32, #tpu.memory_space<vmem>>, vector<16xf32>,
    %swap3A_67 = arith.constant 256 : index
    %swap3A_68 = tpu.vector_load %arg5[%swap3A_67] {strides = array<i32>} : memref<640xf32, #tpu.memory_space<vmem>>, vector<16xf32>,
    %swap3A_69 = vector.shape_cast %swap3A_68 : vector<16xf32> to vector<16xf32>
    %swap3A_70 = vector.shape_cast %mul3A_3 : vector<16xf32> to vector<16xf32>
    tpu.vector_store %arg5[%swap3A_67], %swap3A_70 {strides = array<i32>} : memref<640xf32, #tpu.memory_space<vmem>>, vector<16xf32>,
    %swap3A_71 = arith.constant 272 : index
    %swap3A_72 = tpu.vector_load %arg5[%swap3A_71] {strides = array<i32>} : memref<640xf32, #tpu.memory_space<vmem>>, vector<16xf32>,
    %swap3A_73 = vector.shape_cast %swap3A_72 : vector<16xf32> to vector<16xf32>
    %swap3A_74 = vector.shape_cast %mul3A_3 : vector<16xf32> to vector<16xf32>
    tpu.vector_store %arg5[%swap3A_71], %swap3A_74 {strides = array<i32>} : memref<640xf32, #tpu.memory_space<vmem>>, vector<16xf32>,
    %swap3A_75 = arith.constant 288 : index
    %swap3A_76 = tpu.vector_load %arg5[%swap3A_75] {strides = array<i32>} : memref<640xf32, #tpu.memory_space<vmem>>, vector<16xf32>,
    %swap3A_77 = vector.shape_cast %swap3A_76 : vector<16xf32> to vector<16xf32>
    %swap3A_78 = vector.shape_cast %mul3A_3 : vector<16xf32> to vector<16xf32>
    tpu.vector_store %arg5[%swap3A_75], %swap3A_78 {strides = array<i32>} : memref<640xf32, #tpu.memory_space<vmem>>, vector<16xf32>,
    %swap3A_79 = arith.constant 304 : index
    %swap3A_80 = tpu.vector_load %arg5[%swap3A_79] {strides = array<i32>} : memref<640xf32, #tpu.memory_space<vmem>>, vector<16xf32>,
    %swap3A_81 = vector.shape_cast %swap3A_80 : vector<16xf32> to vector<16xf32>
    %swap3A_82 = vector.shape_cast %mul3A_3 : vector<16xf32> to vector<16xf32>
    tpu.vector_store %arg5[%swap3A_79], %swap3A_82 {strides = array<i32>} : memref<640xf32, #tpu.memory_space<vmem>>, vector<16xf32>,
    %swap3A_83 = arith.constant 320 : index
    %swap3A_84 = tpu.vector_load %arg5[%swap3A_83] {strides = array<i32>} : memref<640xf32, #tpu.memory_space<vmem>>, vector<16xf32>,
    %swap3A_85 = vector.shape_cast %swap3A_84 : vector<16xf32> to vector<16xf32>
    %swap3A_86 = vector.shape_cast %mul3A_3 : vector<16xf32> to vector<16xf32>
    tpu.vector_store %arg5[%swap3A_83], %swap3A_86 {strides = array<i32>} : memref<640xf32, #tpu.memory_space<vmem>>, vector<16xf32>,
    %swap3A_87 = arith.constant 336 : index
    %swap3A_88 = tpu.vector_load %arg5[%swap3A_87] {strides = array<i32>} : memref<640xf32, #tpu.memory_space<vmem>>, vector<16xf32>,
    %swap3A_89 = vector.shape_cast %swap3A_88 : vector<16xf32> to vector<16xf32>
    %swap3A_90 = vector.shape_cast %mul3A_3 : vector<16xf32> to vector<16xf32>
    tpu.vector_store %arg5[%swap3A_87], %swap3A_90 {strides = array<i32>} : memref<640xf32, #tpu.memory_space<vmem>>, vector<16xf32>,
    %swap3A_91 = arith.constant 352 : index
    %swap3A_92 = tpu.vector_load %arg5[%swap3A_91] {strides = array<i32>} : memref<640xf32, #tpu.memory_space<vmem>>, vector<16xf32>,
    %swap3A_93 = vector.shape_cast %swap3A_92 : vector<16xf32> to vector<16xf32>
    %swap3A_94 = vector.shape_cast %mul3A_3 : vector<16xf32> to vector<16xf32>
    tpu.vector_store %arg5[%swap3A_91], %swap3A_94 {strides = array<i32>} : memref<640xf32, #tpu.memory_space<vmem>>, vector<16xf32>,
    %swap3A_95 = arith.constant 368 : index
    %swap3A_96 = tpu.vector_load %arg5[%swap3A_95] {strides = array<i32>} : memref<640xf32, #tpu.memory_space<vmem>>, vector<16xf32>,
    %swap3A_97 = vector.shape_cast %swap3A_96 : vector<16xf32> to vector<16xf32>
    %swap3A_98 = vector.shape_cast %mul3A_3 : vector<16xf32> to vector<16xf32>
    tpu.vector_store %arg5[%swap3A_95], %swap3A_98 {strides = array<i32>} : memref<640xf32, #tpu.memory_space<vmem>>, vector<16xf32>,
    %swap3A_99 = arith.constant 384 : index
    %swap3A_100 = tpu.vector_load %arg5[%swap3A_99] {strides = array<i32>} : memref<640xf32, #tpu.memory_space<vmem>>, vector<16xf32>,
    %swap3A_101 = vector.shape_cast %swap3A_100 : vector<16xf32> to vector<16xf32>
    %swap3A_102 = vector.shape_cast %mul3A_3 : vector<16xf32> to vector<16xf32>
    tpu.vector_store %arg5[%swap3A_99], %swap3A_102 {strides = array<i32>} : memref<640xf32, #tpu.memory_space<vmem>>, vector<16xf32>,
    %swap3A_103 = arith.constant 400 : index
    %swap3A_104 = tpu.vector_load %arg5[%swap3A_103] {strides = array<i32>} : memref<640xf32, #tpu.memory_space<vmem>>, vector<16xf32>,
    %swap3A_105 = vector.shape_cast %swap3A_104 : vector<16xf32> to vector<16xf32>
    %swap3A_106 = vector.shape_cast %mul3A_3 : vector<16xf32> to vector<16xf32>
    tpu.vector_store %arg5[%swap3A_103], %swap3A_106 {strides = array<i32>} : memref<640xf32, #tpu.memory_space<vmem>>, vector<16xf32>,
    %swap3A_107 = arith.constant 416 : index
    %swap3A_108 = tpu.vector_load %arg5[%swap3A_107] {strides = array<i32>} : memref<640xf32, #tpu.memory_space<vmem>>, vector<16xf32>,
    %swap3A_109 = vector.shape_cast %swap3A_108 : vector<16xf32> to vector<16xf32>
    %swap3A_110 = vector.shape_cast %mul3A_3 : vector<16xf32> to vector<16xf32>
    tpu.vector_store %arg5[%swap3A_107], %swap3A_110 {strides = array<i32>} : memref<640xf32, #tpu.memory_space<vmem>>, vector<16xf32>,
    %swap3A_111 = arith.constant 432 : index
    %swap3A_112 = tpu.vector_load %arg5[%swap3A_111] {strides = array<i32>} : memref<640xf32, #tpu.memory_space<vmem>>, vector<16xf32>,
    %swap3A_113 = vector.shape_cast %swap3A_112 : vector<16xf32> to vector<16xf32>
    %swap3A_114 = vector.shape_cast %mul3A_3 : vector<16xf32> to vector<16xf32>
    tpu.vector_store %arg5[%swap3A_111], %swap3A_114 {strides = array<i32>} : memref<640xf32, #tpu.memory_space<vmem>>, vector<16xf32>,
    %swap3A_115 = arith.constant 448 : index
    %swap3A_116 = tpu.vector_load %arg5[%swap3A_115] {strides = array<i32>} : memref<640xf32, #tpu.memory_space<vmem>>, vector<16xf32>,
    %swap3A_117 = vector.shape_cast %swap3A_116 : vector<16xf32> to vector<16xf32>
    %swap3A_118 = vector.shape_cast %mul3A_3 : vector<16xf32> to vector<16xf32>
    tpu.vector_store %arg5[%swap3A_115], %swap3A_118 {strides = array<i32>} : memref<640xf32, #tpu.memory_space<vmem>>, vector<16xf32>,
    %swap3A_119 = arith.constant 464 : index
    %swap3A_120 = tpu.vector_load %arg5[%swap3A_119] {strides = array<i32>} : memref<640xf32, #tpu.memory_space<vmem>>, vector<16xf32>,
    %swap3A_121 = vector.shape_cast %swap3A_120 : vector<16xf32> to vector<16xf32>
    %swap3A_122 = vector.shape_cast %mul3A_3 : vector<16xf32> to vector<16xf32>
    tpu.vector_store %arg5[%swap3A_119], %swap3A_122 {strides = array<i32>} : memref<640xf32, #tpu.memory_space<vmem>>, vector<16xf32>,
    %swap3A_123 = arith.constant 480 : index
    %swap3A_124 = tpu.vector_load %arg5[%swap3A_123] {strides = array<i32>} : memref<640xf32, #tpu.memory_space<vmem>>, vector<16xf32>,
    %swap3A_125 = vector.shape_cast %swap3A_124 : vector<16xf32> to vector<16xf32>
    %swap3A_126 = vector.shape_cast %mul3A_3 : vector<16xf32> to vector<16xf32>
    tpu.vector_store %arg5[%swap3A_123], %swap3A_126 {strides = array<i32>} : memref<640xf32, #tpu.memory_space<vmem>>, vector<16xf32>,
    %swap3A_127 = arith.constant 496 : index
    %swap3A_128 = tpu.vector_load %arg5[%swap3A_127] {strides = array<i32>} : memref<640xf32, #tpu.memory_space<vmem>>, vector<16xf32>,
    %swap3A_129 = vector.shape_cast %swap3A_128 : vector<16xf32> to vector<16xf32>
    %swap3A_130 = vector.shape_cast %mul3A_3 : vector<16xf32> to vector<16xf32>
    tpu.vector_store %arg5[%swap3A_127], %swap3A_130 {strides = array<i32>} : memref<640xf32, #tpu.memory_space<vmem>>, vector<16xf32>,
    %swap3A_131 = arith.constant 512 : index
    %swap3A_132 = tpu.vector_load %arg5[%swap3A_131] {strides = array<i32>} : memref<640xf32, #tpu.memory_space<vmem>>, vector<16xf32>,
    %swap3A_133 = vector.shape_cast %swap3A_132 : vector<16xf32> to vector<16xf32>
    %swap3A_134 = vector.shape_cast %mul3A_3 : vector<16xf32> to vector<16xf32>
    tpu.vector_store %arg5[%swap3A_131], %swap3A_134 {strides = array<i32>} : memref<640xf32, #tpu.memory_space<vmem>>, vector<16xf32>,
    %swap3A_135 = arith.constant 528 : index
    %swap3A_136 = tpu.vector_load %arg5[%swap3A_135] {strides = array<i32>} : memref<640xf32, #tpu.memory_space<vmem>>, vector<16xf32>,
    %swap3A_137 = vector.shape_cast %swap3A_136 : vector<16xf32> to vector<16xf32>
    %swap3A_138 = vector.shape_cast %mul3A_3 : vector<16xf32> to vector<16xf32>
    tpu.vector_store %arg5[%swap3A_135], %swap3A_138 {strides = array<i32>} : memref<640xf32, #tpu.memory_space<vmem>>, vector<16xf32>,
    %swap3A_139 = arith.constant 544 : index
    %swap3A_140 = tpu.vector_load %arg5[%swap3A_139] {strides = array<i32>} : memref<640xf32, #tpu.memory_space<vmem>>, vector<16xf32>,
    %swap3A_141 = vector.shape_cast %swap3A_140 : vector<16xf32> to vector<16xf32>
    %swap3A_142 = vector.shape_cast %mul3A_3 : vector<16xf32> to vector<16xf32>
    tpu.vector_store %arg5[%swap3A_139], %swap3A_142 {strides = array<i32>} : memref<640xf32, #tpu.memory_space<vmem>>, vector<16xf32>,
    %swap3A_143 = arith.constant 560 : index
    %swap3A_144 = tpu.vector_load %arg5[%swap3A_143] {strides = array<i32>} : memref<640xf32, #tpu.memory_space<vmem>>, vector<16xf32>,
    %swap3A_145 = vector.shape_cast %swap3A_144 : vector<16xf32> to vector<16xf32>
    %swap3A_146 = vector.shape_cast %mul3A_3 : vector<16xf32> to vector<16xf32>
    tpu.vector_store %arg5[%swap3A_143], %swap3A_146 {strides = array<i32>} : memref<640xf32, #tpu.memory_space<vmem>>, vector<16xf32>,
    %swap3A_147 = arith.constant 576 : index
    %swap3A_148 = tpu.vector_load %arg5[%swap3A_147] {strides = array<i32>} : memref<640xf32, #tpu.memory_space<vmem>>, vector<16xf32>,
    %swap3A_149 = vector.shape_cast %swap3A_148 : vector<16xf32> to vector<16xf32>
    %swap3A_150 = vector.shape_cast %mul3A_3 : vector<16xf32> to vector<16xf32>
    tpu.vector_store %arg5[%swap3A_147], %swap3A_150 {strides = array<i32>} : memref<640xf32, #tpu.memory_space<vmem>>, vector<16xf32>,
    %swap3A_151 = arith.constant 592 : index
    %swap3A_152 = tpu.vector_load %arg5[%swap3A_151] {strides = array<i32>} : memref<640xf32, #tpu.memory_space<vmem>>, vector<16xf32>,
    %swap3A_153 = vector.shape_cast %swap3A_152 : vector<16xf32> to vector<16xf32>
    %swap3A_154 = vector.shape_cast %mul3A_3 : vector<16xf32> to vector<16xf32>
    tpu.vector_store %arg5[%swap3A_151], %swap3A_154 {strides = array<i32>} : memref<640xf32, #tpu.memory_space<vmem>>, vector<16xf32>,
    %swap3A_155 = arith.constant 608 : index
    %swap3A_156 = tpu.vector_load %arg5[%swap3A_155] {strides = array<i32>} : memref<640xf32, #tpu.memory_space<vmem>>, vector<16xf32>,
    %swap3A_157 = vector.shape_cast %swap3A_156 : vector<16xf32> to vector<16xf32>
    %swap3A_158 = vector.shape_cast %mul3A_3 : vector<16xf32> to vector<16xf32>
    tpu.vector_store %arg5[%swap3A_155], %swap3A_158 {strides = array<i32>} : memref<640xf32, #tpu.memory_space<vmem>>, vector<16xf32>,
    %swap3A_159 = arith.constant 624 : index
    %swap3A_160 = tpu.vector_load %arg5[%swap3A_159] {strides = array<i32>} : memref<640xf32, #tpu.memory_space<vmem>>, vector<16xf32>,
    %swap3A_161 = vector.shape_cast %swap3A_160 : vector<16xf32> to vector<16xf32>
    %swap3A_162 = vector.shape_cast %mul3A_3 : vector<16xf32> to vector<16xf32>
    tpu.vector_store %arg5[%swap3A_159], %swap3A_162 {strides = array<i32>} : memref<640xf32, #tpu.memory_space<vmem>>, vector<16xf32>,
    %broadcast_in_dim3A_163 = arith.constant 1.000000e+00 : f32
    %broadcast_in_dim3A_164 = vector.broadcast %broadcast_in_dim3A_163 : f32 to vector<16xf32>
    %swap3A_165 = arith.constant 0 : index
    %swap3A_166 = tpu.vector_load %arg7[%swap3A_165] {strides = array<i32>} : memref<128xf32, #tpu.memory_space<vmem>>, vector<16xf32>,
    %swap3A_167 = vector.shape_cast %swap3A_166 : vector<16xf32> to vector<16xf32>
    %swap3A_168 = vector.shape_cast %broadcast_in_dim3A_164 : vector<16xf32> to vector<16xf32>
    tpu.vector_store %arg7[%swap3A_165], %swap3A_168 {strides = array<i32>} : memref<128xf32, #tpu.memory_space<vmem>>, vector<16xf32>,
    %swap3A_169 = arith.constant 16 : index
    %swap3A_170 = tpu.vector_load %arg7[%swap3A_169] {strides = array<i32>} : memref<128xf32, #tpu.memory_space<vmem>>, vector<16xf32>,
    %swap3A_171 = vector.shape_cast %swap3A_170 : vector<16xf32> to vector<16xf32>
    %swap3A_172 = vector.shape_cast %broadcast_in_dim3A_164 : vector<16xf32> to vector<16xf32>
    tpu.vector_store %arg7[%swap3A_169], %swap3A_172 {strides = array<i32>} : memref<128xf32, #tpu.memory_space<vmem>>, vector<16xf32>,
    %swap3A_173 = arith.constant 32 : index
    %swap3A_174 = tpu.vector_load %arg7[%swap3A_173] {strides = array<i32>} : memref<128xf32, #tpu.memory_space<vmem>>, vector<16xf32>,
    %swap3A_175 = vector.shape_cast %swap3A_174 : vector<16xf32> to vector<16xf32>
    %swap3A_176 = vector.shape_cast %broadcast_in_dim3A_164 : vector<16xf32> to vector<16xf32>
    tpu.vector_store %arg7[%swap3A_173], %swap3A_176 {strides = array<i32>} : memref<128xf32, #tpu.memory_space<vmem>>, vector<16xf32>,
    %swap3A_177 = arith.constant 48 : index
    %swap3A_178 = tpu.vector_load %arg7[%swap3A_177] {strides = array<i32>} : memref<128xf32, #tpu.memory_space<vmem>>, vector<16xf32>,
    %swap3A_179 = vector.shape_cast %swap3A_178 : vector<16xf32> to vector<16xf32>
    %swap3A_180 = vector.shape_cast %broadcast_in_dim3A_164 : vector<16xf32> to vector<16xf32>
    tpu.vector_store %arg7[%swap3A_177], %swap3A_180 {strides = array<i32>} : memref<128xf32, #tpu.memory_space<vmem>>, vector<16xf32>,
    %swap3A_181 = arith.constant 64 : index
    %swap3A_182 = tpu.vector_load %arg7[%swap3A_181] {strides = array<i32>} : memref<128xf32, #tpu.memory_space<vmem>>, vector<16xf32>,
    %swap3A_183 = vector.shape_cast %swap3A_182 : vector<16xf32> to vector<16xf32>
    %swap3A_184 = vector.shape_cast %broadcast_in_dim3A_164 : vector<16xf32> to vector<16xf32>
    tpu.vector_store %arg7[%swap3A_181], %swap3A_184 {strides = array<i32>} : memref<128xf32, #tpu.memory_space<vmem>>, vector<16xf32>,
    %swap3A_185 = arith.constant 80 : index
    %swap3A_186 = tpu.vector_load %arg7[%swap3A_185] {strides = array<i32>} : memref<128xf32, #tpu.memory_space<vmem>>, vector<16xf32>,
    %swap3A_187 = vector.shape_cast %swap3A_186 : vector<16xf32> to vector<16xf32>
    %swap3A_188 = vector.shape_cast %broadcast_in_dim3A_164 : vector<16xf32> to vector<16xf32>
    tpu.vector_store %arg7[%swap3A_185], %swap3A_188 {strides = array<i32>} : memref<128xf32, #tpu.memory_space<vmem>>, vector<16xf32>,
    %swap3A_189 = arith.constant 96 : index
    %swap3A_190 = tpu.vector_load %arg7[%swap3A_189] {strides = array<i32>} : memref<128xf32, #tpu.memory_space<vmem>>, vector<16xf32>,
    %swap3A_191 = vector.shape_cast %swap3A_190 : vector<16xf32> to vector<16xf32>
    %swap3A_192 = vector.shape_cast %broadcast_in_dim3A_164 : vector<16xf32> to vector<16xf32>
    tpu.vector_store %arg7[%swap3A_189], %swap3A_192 {strides = array<i32>} : memref<128xf32, #tpu.memory_space<vmem>>, vector<16xf32>,
    %swap3A_193 = arith.constant 112 : index
    %swap3A_194 = tpu.vector_load %arg7[%swap3A_193] {strides = array<i32>} : memref<128xf32, #tpu.memory_space<vmem>>, vector<16xf32>,
    %swap3A_195 = vector.shape_cast %swap3A_194 : vector<16xf32> to vector<16xf32>
    %swap3A_196 = vector.shape_cast %broadcast_in_dim3A_164 : vector<16xf32> to vector<16xf32>
    tpu.vector_store %arg7[%swap3A_193], %swap3A_196 {strides = array<i32>} : memref<128xf32, #tpu.memory_space<vmem>>, vector<16xf32>,
    %mul3A_197 = arith.constant 640 : i32
    %mul3A_198 = arith.muli %arg1, %mul3A_197 : i32
    "tpu.region"() ({
      %run_scoped3A = tpu.sem_alloc : memref<!tpu.dma_semaphore, #tpu.memory_space<semaphore_mem>>
      %dma_start3A = tpu.memref_slice %arg4[%mul3A_198] : memref<10240xf32, #tpu.memory_space<vmem_shared>> -> memref<640xf32, #tpu.memory_space<vmem_shared>>
      %dma_start3A_213 = tpu.memref_slice %arg4[%mul3A_198] : memref<10240xf32, #tpu.memory_space<vmem_shared>> -> memref<640xf32, #tpu.memory_space<vmem_shared>>
      tpu.enqueue_dma source(%arg5 : memref<640xf32, #tpu.memory_space<vmem>>) target(%dma_start3A_213 : memref<640xf32, #tpu.memory_space<vmem_shared>>) target_semaphore(%run_scoped3A : memref<!tpu.dma_semaphore, #tpu.memory_space<semaphore_mem>>)
      %dma_wait3A = tpu.memref_slice %arg4[%mul3A_198] : memref<10240xf32, #tpu.memory_space<vmem_shared>> -> memref<640xf32, #tpu.memory_space<vmem_shared>>
      %dma_wait3A_214 = tpu.memref_slice %arg4[%mul3A_198] : memref<10240xf32, #tpu.memory_space<vmem_shared>> -> memref<640xf32, #tpu.memory_space<vmem_shared>>
      tpu.wait_dma2 semaphore(%run_scoped3A : memref<!tpu.dma_semaphore, #tpu.memory_space<semaphore_mem>>) src(%arg5 : memref<640xf32, #tpu.memory_space<vmem>>) dst(%dma_wait3A_214 : memref<640xf32, #tpu.memory_space<vmem_shared>>)
      tpu.yield
    }) : () -> ()
    %barrier3A = arith.constant 0 : index
    tpu.barrier barrier_id(%barrier3A)
    %mul3A_199 = arith.constant 1250 : i32
    %mul3A_200 = arith.muli %arg0, %mul3A_199 : i32
    %add3A = arith.constant 1 : i32
    %add3A_201 = arith.addi %arg0, %add3A : i32
    %mul3A_202 = arith.constant 1250 : i32
    %mul3A_203 = arith.muli %add3A_201, %mul3A_202 : i32
    %scan3A = arith.constant 0 : i32
    %scan3A_204 = arith.constant 79 : i32
    %scan3A_205 = arith.addi %scan3A, %scan3A_204 : i32
    %scan3A_206 = arith.constant 1 : i32
    scf.for %scan3A_213 = %scan3A to %scan3A_205 step %scan3A_206  : i32 {
      %add3A_214 = arith.addi %mul3A_200, %arg1 : i32
      %mul3A_215 = arith.constant 16 : i32
      %mul3A_216 = arith.muli %scan3A_213, %mul3A_215 : i32
      %add3A_217 = arith.addi %add3A_214, %mul3A_216 : i32
      %lt3A = arith.cmpi slt, %add3A_217, %mul3A_203 : i32
      %convert_element_type3A = arith.extui %lt3A : i1 to i32
      %cond3A = arith.constant 0 : i32
      %cond3A_218 = arith.cmpi ne, %convert_element_type3A, %cond3A : i32
      scf.if %cond3A_218 {
        %mul3A_219 = arith.constant 128 : i32
        %mul3A_220 = arith.muli %add3A_217, %mul3A_219 : i32
        "tpu.region"() ({
          %run_scoped3A = tpu.sem_alloc : memref<!tpu.dma_semaphore, #tpu.memory_space<semaphore_mem>>
          %dma_start3A = tpu.memref_slice %arg2[%mul3A_220] : memref<320000xi32, #tpu.memory_space<hbm>> -> memref<128xi32, #tpu.memory_space<hbm>>
          %dma_start3A_221 = tpu.memref_slice %arg2[%mul3A_220] : memref<320000xi32, #tpu.memory_space<hbm>> -> memref<128xi32, #tpu.memory_space<hbm>>
          tpu.enqueue_dma source(%dma_start3A_221 : memref<128xi32, #tpu.memory_space<hbm>>) target(%arg6 : memref<128xi32, #tpu.memory_space<vmem>>) target_semaphore(%run_scoped3A : memref<!tpu.dma_semaphore, #tpu.memory_space<semaphore_mem>>)
          %dma_wait3A = tpu.memref_slice %arg2[%mul3A_220] : memref<320000xi32, #tpu.memory_space<hbm>> -> memref<128xi32, #tpu.memory_space<hbm>>
          %dma_wait3A_222 = tpu.memref_slice %arg2[%mul3A_220] : memref<320000xi32, #tpu.memory_space<hbm>> -> memref<128xi32, #tpu.memory_space<hbm>>
          tpu.wait_dma2 semaphore(%run_scoped3A : memref<!tpu.dma_semaphore, #tpu.memory_space<semaphore_mem>>) src(%dma_wait3A_222 : memref<128xi32, #tpu.memory_space<hbm>>) dst(%arg6 : memref<128xi32, #tpu.memory_space<vmem>>)
          tpu.yield
        }) : () -> ()
        "tpu.region"() ({
          %run_scoped3A = tpu.sem_alloc : memref<!tpu.dma_semaphore, #tpu.memory_space<semaphore_mem>>
          %dma_start3A = arith.constant 0 : i32
          %dma_start3A_221 = tpu.memref_slice %arg4[%dma_start3A] : memref<10240xf32, #tpu.memory_space<vmem_shared>> -> memref<10240xf32, #tpu.memory_space<vmem_shared>>
          tpu.enqueue_indirect_dma source(%arg7 : memref<128xf32, #tpu.memory_space<vmem>>) target(%dma_start3A_221 : memref<10240xf32, #tpu.memory_space<vmem_shared>>) offsets(%arg6 : memref<128xi32, #tpu.memory_space<vmem>>) semaphore(%run_scoped3A : memref<!tpu.dma_semaphore, #tpu.memory_space<semaphore_mem>>) {add = true}
          %dma_wait3A = arith.constant 0 : i32
          %dma_wait3A_222 = tpu.memref_slice %arg4[%dma_wait3A] : memref<10240xf32, #tpu.memory_space<vmem_shared>> -> memref<10240xf32, #tpu.memory_space<vmem_shared>>
          tpu.wait_indirect_dma semaphore(%run_scoped3A : memref<!tpu.dma_semaphore, #tpu.memory_space<semaphore_mem>>) src(%arg7 : memref<128xf32, #tpu.memory_space<vmem>>) dst(%dma_wait3A_222 : memref<10240xf32, #tpu.memory_space<vmem_shared>>)
          tpu.yield
        }) : () -> ()
      } else {
      }
    }
    %scan3A_207 = arith.constant 79 : i32
    %barrier3A_208 = arith.constant 0 : index
    tpu.barrier barrier_id(%barrier3A_208)
    %mul3A_209 = arith.constant 640 : i32
    %mul3A_210 = arith.muli %arg1, %mul3A_209 : i32
    %mul3A_211 = arith.constant 640 : i32
    %mul3A_212 = arith.muli %arg1, %mul3A_211 : i32
    "tpu.region"() ({
      %run_scoped3A = tpu.sem_alloc : memref<!tpu.dma_semaphore, #tpu.memory_space<semaphore_mem>>
      %dma_start3A = tpu.memref_slice %arg3[%arg0, %mul3A_212] : memref<2x10240xf32, #tpu.memory_space<hbm>> -> memref<1x640xf32, #tpu.memory_space<hbm>>
      %dma_start3A_213 = tpu.memref_squeeze %dma_start3A : memref<1x640xf32, #tpu.memory_space<hbm>> -> memref<640xf32, #tpu.memory_space<hbm>>
      %dma_start3A_214 = tpu.memref_slice %arg4[%mul3A_210] : memref<10240xf32, #tpu.memory_space<vmem_shared>> -> memref<640xf32, #tpu.memory_space<vmem_shared>>
      tpu.enqueue_dma source(%dma_start3A_214 : memref<640xf32, #tpu.memory_space<vmem_shared>>) target(%dma_start3A_213 : memref<640xf32, #tpu.memory_space<hbm>>) target_semaphore(%run_scoped3A : memref<!tpu.dma_semaphore, #tpu.memory_space<semaphore_mem>>)
      %dma_wait3A = tpu.memref_slice %arg3[%arg0, %mul3A_212] : memref<2x10240xf32, #tpu.memory_space<hbm>> -> memref<1x640xf32, #tpu.memory_space<hbm>>
      %dma_wait3A_215 = tpu.memref_squeeze %dma_wait3A : memref<1x640xf32, #tpu.memory_space<hbm>> -> memref<640xf32, #tpu.memory_space<hbm>>
      %dma_wait3A_216 = tpu.memref_slice %arg4[%mul3A_210] : memref<10240xf32, #tpu.memory_space<vmem_shared>> -> memref<640xf32, #tpu.memory_space<vmem_shared>>
      tpu.wait_dma2 semaphore(%run_scoped3A : memref<!tpu.dma_semaphore, #tpu.memory_space<semaphore_mem>>) src(%dma_wait3A_216 : memref<640xf32, #tpu.memory_space<vmem_shared>>) dst(%dma_wait3A_215 : memref<640xf32, #tpu.memory_space<hbm>>)
      tpu.yield
    }) : () -> ()
    return
  }
}

#map = affine_map<(d0, d1) -> (0, 0)>
#map1 = affine_map<(d0, d1) -> (0)>
#map2 = affine_map<(d0, d1) -> (0, 0, 0)>
module attributes {stable_mosaic.version = 14 : i64} {
  func.func @_agg_kernel(%arg0: i32, %arg1: i32, %arg2: memref<10000x128xf32, #tpu.memory_space<hbm>>, %arg3: memref<10000x128xf32, #tpu.memory_space<hbm>>, %arg4: memref<320000xi32, #tpu.memory_space<hbm>>, %arg5: memref<320000xi32, #tpu.memory_space<hbm>>, %arg6: memref<2x10000x128xf32, #tpu.memory_space<hbm>>, %arg7: memref<10000x128xf32, #tpu.memory_space<vmem_shared>>, %arg8: memref<128xi32, #tpu.memory_space<vmem>>, %arg9: memref<128xi32, #tpu.memory_space<vmem>>, %arg10: memref<128x128xf32, #tpu.memory_space<vmem>>, %arg11: memref<!tpu.dma_semaphore, #tpu.memory_space<semaphore_mem>>) attributes {dimension_semantics = [#tpu.dimension_semantics<core_parallel>, #tpu.dimension_semantics<subcore_parallel>], iteration_bounds = array<i64: 2, 16>, scalar_prefetch = 0 : i64, scratch_operands = 5 : i64, tpu.core_type = #tpu.core_type<sc_vector_subcore>, window_params = [{transform_indices = #map}, {transform_indices = #map}, {transform_indices = #map1}, {transform_indices = #map1}, {transform_indices = #map2}]} {
    %eq3A = arith.constant 0 : i32
    %eq3A_0 = arith.cmpi eq, %arg0, %eq3A : i32
    %convert_element_type3A = arith.extui %eq3A_0 : i1 to i32
    %cond3A = arith.constant 0 : i32
    %cond3A_1 = arith.cmpi ne, %convert_element_type3A, %cond3A : i32
    scf.if %cond3A_1 {
      %lt3A = arith.constant 15 : i32
      %lt3A_7 = arith.cmpi slt, %arg1, %lt3A : i32
      %convert_element_type3A_8 = arith.extui %lt3A_7 : i1 to i32
      %cond3A_9 = arith.constant 0 : i32
      %cond3A_10 = arith.cmpi ne, %convert_element_type3A_8, %cond3A_9 : i32
      scf.if %cond3A_10 {
        %mul3A = arith.constant 640 : i32
        %mul3A_31 = arith.muli %arg1, %mul3A : i32
        "tpu.region"() ({
          %run_scoped3A = tpu.sem_alloc : memref<!tpu.dma_semaphore, #tpu.memory_space<semaphore_mem>>
          %dma_start3A = arith.constant 0 : i32
          %dma_start3A_32 = tpu.memref_slice %arg7[%mul3A_31, %dma_start3A] : memref<10000x128xf32, #tpu.memory_space<vmem_shared>> -> memref<640x128xf32, #tpu.memory_space<vmem_shared>>
          %dma_start3A_33 = arith.constant 0 : i32
          %dma_start3A_34 = tpu.memref_slice %arg2[%mul3A_31, %dma_start3A_33] : memref<10000x128xf32, #tpu.memory_space<hbm>> -> memref<640x128xf32, #tpu.memory_space<hbm>>
          tpu.enqueue_dma source(%dma_start3A_34 : memref<640x128xf32, #tpu.memory_space<hbm>>) target(%dma_start3A_32 : memref<640x128xf32, #tpu.memory_space<vmem_shared>>) target_semaphore(%run_scoped3A : memref<!tpu.dma_semaphore, #tpu.memory_space<semaphore_mem>>)
          %dma_wait3A = arith.constant 0 : i32
          %dma_wait3A_35 = tpu.memref_slice %arg7[%mul3A_31, %dma_wait3A] : memref<10000x128xf32, #tpu.memory_space<vmem_shared>> -> memref<640x128xf32, #tpu.memory_space<vmem_shared>>
          %dma_wait3A_36 = arith.constant 0 : i32
          %dma_wait3A_37 = tpu.memref_slice %arg2[%mul3A_31, %dma_wait3A_36] : memref<10000x128xf32, #tpu.memory_space<hbm>> -> memref<640x128xf32, #tpu.memory_space<hbm>>
          tpu.wait_dma2 semaphore(%run_scoped3A : memref<!tpu.dma_semaphore, #tpu.memory_space<semaphore_mem>>) src(%dma_wait3A_37 : memref<640x128xf32, #tpu.memory_space<hbm>>) dst(%dma_wait3A_35 : memref<640x128xf32, #tpu.memory_space<vmem_shared>>)
          tpu.yield
        }) : () -> ()
      } else {
      }
      %eq3A_11 = arith.constant 15 : i32
      %eq3A_12 = arith.cmpi eq, %arg1, %eq3A_11 : i32
      %convert_element_type3A_13 = arith.extui %eq3A_12 : i1 to i32
      %cond3A_14 = arith.constant 0 : i32
      %cond3A_15 = arith.cmpi ne, %convert_element_type3A_13, %cond3A_14 : i32
      scf.if %cond3A_15 {
        "tpu.region"() ({
          %run_scoped3A = tpu.sem_alloc : memref<!tpu.dma_semaphore, #tpu.memory_space<semaphore_mem>>
          %dma_start3A = arith.constant 9600 : i32
          %dma_start3A_31 = arith.constant 0 : i32
          %dma_start3A_32 = tpu.memref_slice %arg7[%dma_start3A, %dma_start3A_31] : memref<10000x128xf32, #tpu.memory_space<vmem_shared>> -> memref<400x128xf32, #tpu.memory_space<vmem_shared>>
          %dma_start3A_33 = arith.constant 9600 : i32
          %dma_start3A_34 = arith.constant 0 : i32
          %dma_start3A_35 = tpu.memref_slice %arg2[%dma_start3A_33, %dma_start3A_34] : memref<10000x128xf32, #tpu.memory_space<hbm>> -> memref<400x128xf32, #tpu.memory_space<hbm>>
          tpu.enqueue_dma source(%dma_start3A_35 : memref<400x128xf32, #tpu.memory_space<hbm>>) target(%dma_start3A_32 : memref<400x128xf32, #tpu.memory_space<vmem_shared>>) target_semaphore(%run_scoped3A : memref<!tpu.dma_semaphore, #tpu.memory_space<semaphore_mem>>)
          %dma_wait3A = arith.constant 9600 : i32
          %dma_wait3A_36 = arith.constant 0 : i32
          %dma_wait3A_37 = tpu.memref_slice %arg7[%dma_wait3A, %dma_wait3A_36] : memref<10000x128xf32, #tpu.memory_space<vmem_shared>> -> memref<400x128xf32, #tpu.memory_space<vmem_shared>>
          %dma_wait3A_38 = arith.constant 9600 : i32
          %dma_wait3A_39 = arith.constant 0 : i32
          %dma_wait3A_40 = tpu.memref_slice %arg2[%dma_wait3A_38, %dma_wait3A_39] : memref<10000x128xf32, #tpu.memory_space<hbm>> -> memref<400x128xf32, #tpu.memory_space<hbm>>
          tpu.wait_dma2 semaphore(%run_scoped3A : memref<!tpu.dma_semaphore, #tpu.memory_space<semaphore_mem>>) src(%dma_wait3A_40 : memref<400x128xf32, #tpu.memory_space<hbm>>) dst(%dma_wait3A_37 : memref<400x128xf32, #tpu.memory_space<vmem_shared>>)
          tpu.yield
        }) : () -> ()
      } else {
      }
      %barrier3A = arith.constant 0 : index
      tpu.barrier barrier_id(%barrier3A)
      %scan3A = arith.constant 0 : i32
      %scan3A_16 = arith.constant 157 : i32
      %scan3A_17 = arith.addi %scan3A, %scan3A_16 : i32
      %scan3A_18 = arith.constant 1 : i32
      scf.for %scan3A_31 = %scan3A to %scan3A_17 step %scan3A_18  : i32 {
        %mul3A = arith.constant 16 : i32
        %mul3A_32 = arith.muli %scan3A_31, %mul3A : i32
        %add3A = arith.addi %arg1, %mul3A_32 : i32
        %lt3A_33 = arith.constant 2500 : i32
        %lt3A_34 = arith.cmpi slt, %add3A, %lt3A_33 : i32
        %convert_element_type3A_35 = arith.extui %lt3A_34 : i1 to i32
        %cond3A_36 = arith.constant 0 : i32
        %cond3A_37 = arith.cmpi ne, %convert_element_type3A_35, %cond3A_36 : i32
        scf.if %cond3A_37 {
          %mul3A_38 = arith.constant 128 : i32
          %mul3A_39 = arith.muli %add3A, %mul3A_38 : i32
          "tpu.region"() ({
            %run_scoped3A = tpu.sem_alloc : memref<!tpu.dma_semaphore, #tpu.memory_space<semaphore_mem>>
            %dma_start3A_46 = tpu.memref_slice %arg4[%mul3A_39] : memref<320000xi32, #tpu.memory_space<hbm>> -> memref<128xi32, #tpu.memory_space<hbm>>
            %dma_start3A_47 = tpu.memref_slice %arg4[%mul3A_39] : memref<320000xi32, #tpu.memory_space<hbm>> -> memref<128xi32, #tpu.memory_space<hbm>>
            tpu.enqueue_dma source(%dma_start3A_47 : memref<128xi32, #tpu.memory_space<hbm>>) target(%arg8 : memref<128xi32, #tpu.memory_space<vmem>>) target_semaphore(%run_scoped3A : memref<!tpu.dma_semaphore, #tpu.memory_space<semaphore_mem>>)
            %dma_wait3A_48 = tpu.memref_slice %arg4[%mul3A_39] : memref<320000xi32, #tpu.memory_space<hbm>> -> memref<128xi32, #tpu.memory_space<hbm>>
            %dma_wait3A_49 = tpu.memref_slice %arg4[%mul3A_39] : memref<320000xi32, #tpu.memory_space<hbm>> -> memref<128xi32, #tpu.memory_space<hbm>>
            tpu.wait_dma2 semaphore(%run_scoped3A : memref<!tpu.dma_semaphore, #tpu.memory_space<semaphore_mem>>) src(%dma_wait3A_49 : memref<128xi32, #tpu.memory_space<hbm>>) dst(%arg8 : memref<128xi32, #tpu.memory_space<vmem>>)
            tpu.yield
          }) : () -> ()
          %mul3A_40 = arith.constant 128 : i32
          %mul3A_41 = arith.muli %add3A, %mul3A_40 : i32
          "tpu.region"() ({
            %run_scoped3A = tpu.sem_alloc : memref<!tpu.dma_semaphore, #tpu.memory_space<semaphore_mem>>
            %dma_start3A_46 = tpu.memref_slice %arg5[%mul3A_41] : memref<320000xi32, #tpu.memory_space<hbm>> -> memref<128xi32, #tpu.memory_space<hbm>>
            %dma_start3A_47 = tpu.memref_slice %arg5[%mul3A_41] : memref<320000xi32, #tpu.memory_space<hbm>> -> memref<128xi32, #tpu.memory_space<hbm>>
            tpu.enqueue_dma source(%dma_start3A_47 : memref<128xi32, #tpu.memory_space<hbm>>) target(%arg9 : memref<128xi32, #tpu.memory_space<vmem>>) target_semaphore(%run_scoped3A : memref<!tpu.dma_semaphore, #tpu.memory_space<semaphore_mem>>)
            %dma_wait3A_48 = tpu.memref_slice %arg5[%mul3A_41] : memref<320000xi32, #tpu.memory_space<hbm>> -> memref<128xi32, #tpu.memory_space<hbm>>
            %dma_wait3A_49 = tpu.memref_slice %arg5[%mul3A_41] : memref<320000xi32, #tpu.memory_space<hbm>> -> memref<128xi32, #tpu.memory_space<hbm>>
            tpu.wait_dma2 semaphore(%run_scoped3A : memref<!tpu.dma_semaphore, #tpu.memory_space<semaphore_mem>>) src(%dma_wait3A_49 : memref<128xi32, #tpu.memory_space<hbm>>) dst(%arg9 : memref<128xi32, #tpu.memory_space<vmem>>)
            tpu.yield
          }) : () -> ()
          %dma_start3A = arith.constant 0 : i32
          %dma_start3A_42 = arith.constant 0 : i32
          %dma_start3A_43 = tpu.memref_slice %arg2[%dma_start3A, %dma_start3A_42] : memref<10000x128xf32, #tpu.memory_space<hbm>> -> memref<10000x128xf32, #tpu.memory_space<hbm>>
          tpu.enqueue_indirect_dma source(%dma_start3A_43 : memref<10000x128xf32, #tpu.memory_space<hbm>>) target(%arg10 : memref<128x128xf32, #tpu.memory_space<vmem>>) offsets(%arg8 : memref<128xi32, #tpu.memory_space<vmem>>) semaphore(%arg11 : memref<!tpu.dma_semaphore, #tpu.memory_space<semaphore_mem>>)
          %dma_wait3A = arith.constant 0 : i32
          %dma_wait3A_44 = arith.constant 0 : i32
          %dma_wait3A_45 = tpu.memref_slice %arg2[%dma_wait3A, %dma_wait3A_44] : memref<10000x128xf32, #tpu.memory_space<hbm>> -> memref<10000x128xf32, #tpu.memory_space<hbm>>
          tpu.wait_indirect_dma semaphore(%arg11 : memref<!tpu.dma_semaphore, #tpu.memory_space<semaphore_mem>>) src(%dma_wait3A_45 : memref<10000x128xf32, #tpu.memory_space<hbm>>) dst(%arg10 : memref<128x128xf32, #tpu.memory_space<vmem>>)
          "tpu.region"() ({
            %run_scoped3A = tpu.sem_alloc : memref<!tpu.dma_semaphore, #tpu.memory_space<semaphore_mem>>
            %dma_start3A_46 = arith.constant 0 : i32
            %dma_start3A_47 = arith.constant 0 : i32
            %dma_start3A_48 = tpu.memref_slice %arg7[%dma_start3A_46, %dma_start3A_47] : memref<10000x128xf32, #tpu.memory_space<vmem_shared>> -> memref<10000x128xf32, #tpu.memory_space<vmem_shared>>
            tpu.enqueue_indirect_dma source(%arg10 : memref<128x128xf32, #tpu.memory_space<vmem>>) target(%dma_start3A_48 : memref<10000x128xf32, #tpu.memory_space<vmem_shared>>) offsets(%arg9 : memref<128xi32, #tpu.memory_space<vmem>>) semaphore(%run_scoped3A : memref<!tpu.dma_semaphore, #tpu.memory_space<semaphore_mem>>) {add = true}
            %dma_wait3A_49 = arith.constant 0 : i32
            %dma_wait3A_50 = arith.constant 0 : i32
            %dma_wait3A_51 = tpu.memref_slice %arg7[%dma_wait3A_49, %dma_wait3A_50] : memref<10000x128xf32, #tpu.memory_space<vmem_shared>> -> memref<10000x128xf32, #tpu.memory_space<vmem_shared>>
            tpu.wait_indirect_dma semaphore(%run_scoped3A : memref<!tpu.dma_semaphore, #tpu.memory_space<semaphore_mem>>) src(%arg10 : memref<128x128xf32, #tpu.memory_space<vmem>>) dst(%dma_wait3A_51 : memref<10000x128xf32, #tpu.memory_space<vmem_shared>>)
            tpu.yield
          }) : () -> ()
        } else {
        }
      }
      %scan3A_19 = arith.constant 157 : i32
      %barrier3A_20 = arith.constant 0 : index
      tpu.barrier barrier_id(%barrier3A_20)
      %lt3A_21 = arith.constant 15 : i32
      %lt3A_22 = arith.cmpi slt, %arg1, %lt3A_21 : i32
      %convert_element_type3A_23 = arith.extui %lt3A_22 : i1 to i32
      %cond3A_24 = arith.constant 0 : i32
      %cond3A_25 = arith.cmpi ne, %convert_element_type3A_23, %cond3A_24 : i32
      scf.if %cond3A_25 {
        %mul3A = arith.constant 640 : i32
        %mul3A_31 = arith.muli %arg1, %mul3A : i32
        "tpu.region"() ({
          %run_scoped3A = tpu.sem_alloc : memref<!tpu.dma_semaphore, #tpu.memory_space<semaphore_mem>>
          %dma_start3A = arith.constant 0 : i32
          %dma_start3A_32 = tpu.memref_slice %arg6[%arg0, %mul3A_31, %dma_start3A] : memref<2x10000x128xf32, #tpu.memory_space<hbm>> -> memref<1x640x128xf32, #tpu.memory_space<hbm>>
          %dma_start3A_33 = tpu.memref_squeeze %dma_start3A_32 : memref<1x640x128xf32, #tpu.memory_space<hbm>> -> memref<640x128xf32, #tpu.memory_space<hbm>>
          %dma_start3A_34 = arith.constant 0 : i32
          %dma_start3A_35 = tpu.memref_slice %arg7[%mul3A_31, %dma_start3A_34] : memref<10000x128xf32, #tpu.memory_space<vmem_shared>> -> memref<640x128xf32, #tpu.memory_space<vmem_shared>>
          tpu.enqueue_dma source(%dma_start3A_35 : memref<640x128xf32, #tpu.memory_space<vmem_shared>>) target(%dma_start3A_33 : memref<640x128xf32, #tpu.memory_space<hbm>>) target_semaphore(%run_scoped3A : memref<!tpu.dma_semaphore, #tpu.memory_space<semaphore_mem>>)
          %dma_wait3A = arith.constant 0 : i32
          %dma_wait3A_36 = tpu.memref_slice %arg6[%arg0, %mul3A_31, %dma_wait3A] : memref<2x10000x128xf32, #tpu.memory_space<hbm>> -> memref<1x640x128xf32, #tpu.memory_space<hbm>>
          %dma_wait3A_37 = tpu.memref_squeeze %dma_wait3A_36 : memref<1x640x128xf32, #tpu.memory_space<hbm>> -> memref<640x128xf32, #tpu.memory_space<hbm>>
          %dma_wait3A_38 = arith.constant 0 : i32
          %dma_wait3A_39 = tpu.memref_slice %arg7[%mul3A_31, %dma_wait3A_38] : memref<10000x128xf32, #tpu.memory_space<vmem_shared>> -> memref<640x128xf32, #tpu.memory_space<vmem_shared>>
          tpu.wait_dma2 semaphore(%run_scoped3A : memref<!tpu.dma_semaphore, #tpu.memory_space<semaphore_mem>>) src(%dma_wait3A_39 : memref<640x128xf32, #tpu.memory_space<vmem_shared>>) dst(%dma_wait3A_37 : memref<640x128xf32, #tpu.memory_space<hbm>>)
          tpu.yield
        }) : () -> ()
      } else {
      }
      %eq3A_26 = arith.constant 15 : i32
      %eq3A_27 = arith.cmpi eq, %arg1, %eq3A_26 : i32
      %convert_element_type3A_28 = arith.extui %eq3A_27 : i1 to i32
      %cond3A_29 = arith.constant 0 : i32
      %cond3A_30 = arith.cmpi ne, %convert_element_type3A_28, %cond3A_29 : i32
      scf.if %cond3A_30 {
        "tpu.region"() ({
          %run_scoped3A = tpu.sem_alloc : memref<!tpu.dma_semaphore, #tpu.memory_space<semaphore_mem>>
          %dma_start3A = arith.constant 9600 : i32
          %dma_start3A_31 = arith.constant 0 : i32
          %dma_start3A_32 = tpu.memref_slice %arg6[%arg0, %dma_start3A, %dma_start3A_31] : memref<2x10000x128xf32, #tpu.memory_space<hbm>> -> memref<1x400x128xf32, #tpu.memory_space<hbm>>
          %dma_start3A_33 = tpu.memref_squeeze %dma_start3A_32 : memref<1x400x128xf32, #tpu.memory_space<hbm>> -> memref<400x128xf32, #tpu.memory_space<hbm>>
          %dma_start3A_34 = arith.constant 9600 : i32
          %dma_start3A_35 = arith.constant 0 : i32
          %dma_start3A_36 = tpu.memref_slice %arg7[%dma_start3A_34, %dma_start3A_35] : memref<10000x128xf32, #tpu.memory_space<vmem_shared>> -> memref<400x128xf32, #tpu.memory_space<vmem_shared>>
          tpu.enqueue_dma source(%dma_start3A_36 : memref<400x128xf32, #tpu.memory_space<vmem_shared>>) target(%dma_start3A_33 : memref<400x128xf32, #tpu.memory_space<hbm>>) target_semaphore(%run_scoped3A : memref<!tpu.dma_semaphore, #tpu.memory_space<semaphore_mem>>)
          %dma_wait3A = arith.constant 9600 : i32
          %dma_wait3A_37 = arith.constant 0 : i32
          %dma_wait3A_38 = tpu.memref_slice %arg6[%arg0, %dma_wait3A, %dma_wait3A_37] : memref<2x10000x128xf32, #tpu.memory_space<hbm>> -> memref<1x400x128xf32, #tpu.memory_space<hbm>>
          %dma_wait3A_39 = tpu.memref_squeeze %dma_wait3A_38 : memref<1x400x128xf32, #tpu.memory_space<hbm>> -> memref<400x128xf32, #tpu.memory_space<hbm>>
          %dma_wait3A_40 = arith.constant 9600 : i32
          %dma_wait3A_41 = arith.constant 0 : i32
          %dma_wait3A_42 = tpu.memref_slice %arg7[%dma_wait3A_40, %dma_wait3A_41] : memref<10000x128xf32, #tpu.memory_space<vmem_shared>> -> memref<400x128xf32, #tpu.memory_space<vmem_shared>>
          tpu.wait_dma2 semaphore(%run_scoped3A : memref<!tpu.dma_semaphore, #tpu.memory_space<semaphore_mem>>) src(%dma_wait3A_42 : memref<400x128xf32, #tpu.memory_space<vmem_shared>>) dst(%dma_wait3A_39 : memref<400x128xf32, #tpu.memory_space<hbm>>)
          tpu.yield
        }) : () -> ()
      } else {
      }
    } else {
    }
    %eq3A_2 = arith.constant 1 : i32
    %eq3A_3 = arith.cmpi eq, %arg0, %eq3A_2 : i32
    %convert_element_type3A_4 = arith.extui %eq3A_3 : i1 to i32
    %cond3A_5 = arith.constant 0 : i32
    %cond3A_6 = arith.cmpi ne, %convert_element_type3A_4, %cond3A_5 : i32
    scf.if %cond3A_6 {
      %lt3A = arith.constant 15 : i32
      %lt3A_7 = arith.cmpi slt, %arg1, %lt3A : i32
      %convert_element_type3A_8 = arith.extui %lt3A_7 : i1 to i32
      %cond3A_9 = arith.constant 0 : i32
      %cond3A_10 = arith.cmpi ne, %convert_element_type3A_8, %cond3A_9 : i32
      scf.if %cond3A_10 {
        %mul3A = arith.constant 640 : i32
        %mul3A_31 = arith.muli %arg1, %mul3A : i32
        "tpu.region"() ({
          %run_scoped3A = tpu.sem_alloc : memref<!tpu.dma_semaphore, #tpu.memory_space<semaphore_mem>>
          %dma_start3A = arith.constant 0 : i32
          %dma_start3A_32 = tpu.memref_slice %arg7[%mul3A_31, %dma_start3A] : memref<10000x128xf32, #tpu.memory_space<vmem_shared>> -> memref<640x128xf32, #tpu.memory_space<vmem_shared>>
          %dma_start3A_33 = arith.constant 0 : i32
          %dma_start3A_34 = tpu.memref_slice %arg3[%mul3A_31, %dma_start3A_33] : memref<10000x128xf32, #tpu.memory_space<hbm>> -> memref<640x128xf32, #tpu.memory_space<hbm>>
          tpu.enqueue_dma source(%dma_start3A_34 : memref<640x128xf32, #tpu.memory_space<hbm>>) target(%dma_start3A_32 : memref<640x128xf32, #tpu.memory_space<vmem_shared>>) target_semaphore(%run_scoped3A : memref<!tpu.dma_semaphore, #tpu.memory_space<semaphore_mem>>)
          %dma_wait3A = arith.constant 0 : i32
          %dma_wait3A_35 = tpu.memref_slice %arg7[%mul3A_31, %dma_wait3A] : memref<10000x128xf32, #tpu.memory_space<vmem_shared>> -> memref<640x128xf32, #tpu.memory_space<vmem_shared>>
          %dma_wait3A_36 = arith.constant 0 : i32
          %dma_wait3A_37 = tpu.memref_slice %arg3[%mul3A_31, %dma_wait3A_36] : memref<10000x128xf32, #tpu.memory_space<hbm>> -> memref<640x128xf32, #tpu.memory_space<hbm>>
          tpu.wait_dma2 semaphore(%run_scoped3A : memref<!tpu.dma_semaphore, #tpu.memory_space<semaphore_mem>>) src(%dma_wait3A_37 : memref<640x128xf32, #tpu.memory_space<hbm>>) dst(%dma_wait3A_35 : memref<640x128xf32, #tpu.memory_space<vmem_shared>>)
          tpu.yield
        }) : () -> ()
      } else {
      }
      %eq3A_11 = arith.constant 15 : i32
      %eq3A_12 = arith.cmpi eq, %arg1, %eq3A_11 : i32
      %convert_element_type3A_13 = arith.extui %eq3A_12 : i1 to i32
      %cond3A_14 = arith.constant 0 : i32
      %cond3A_15 = arith.cmpi ne, %convert_element_type3A_13, %cond3A_14 : i32
      scf.if %cond3A_15 {
        "tpu.region"() ({
          %run_scoped3A = tpu.sem_alloc : memref<!tpu.dma_semaphore, #tpu.memory_space<semaphore_mem>>
          %dma_start3A = arith.constant 9600 : i32
          %dma_start3A_31 = arith.constant 0 : i32
          %dma_start3A_32 = tpu.memref_slice %arg7[%dma_start3A, %dma_start3A_31] : memref<10000x128xf32, #tpu.memory_space<vmem_shared>> -> memref<400x128xf32, #tpu.memory_space<vmem_shared>>
          %dma_start3A_33 = arith.constant 9600 : i32
          %dma_start3A_34 = arith.constant 0 : i32
          %dma_start3A_35 = tpu.memref_slice %arg3[%dma_start3A_33, %dma_start3A_34] : memref<10000x128xf32, #tpu.memory_space<hbm>> -> memref<400x128xf32, #tpu.memory_space<hbm>>
          tpu.enqueue_dma source(%dma_start3A_35 : memref<400x128xf32, #tpu.memory_space<hbm>>) target(%dma_start3A_32 : memref<400x128xf32, #tpu.memory_space<vmem_shared>>) target_semaphore(%run_scoped3A : memref<!tpu.dma_semaphore, #tpu.memory_space<semaphore_mem>>)
          %dma_wait3A = arith.constant 9600 : i32
          %dma_wait3A_36 = arith.constant 0 : i32
          %dma_wait3A_37 = tpu.memref_slice %arg7[%dma_wait3A, %dma_wait3A_36] : memref<10000x128xf32, #tpu.memory_space<vmem_shared>> -> memref<400x128xf32, #tpu.memory_space<vmem_shared>>
          %dma_wait3A_38 = arith.constant 9600 : i32
          %dma_wait3A_39 = arith.constant 0 : i32
          %dma_wait3A_40 = tpu.memref_slice %arg3[%dma_wait3A_38, %dma_wait3A_39] : memref<10000x128xf32, #tpu.memory_space<hbm>> -> memref<400x128xf32, #tpu.memory_space<hbm>>
          tpu.wait_dma2 semaphore(%run_scoped3A : memref<!tpu.dma_semaphore, #tpu.memory_space<semaphore_mem>>) src(%dma_wait3A_40 : memref<400x128xf32, #tpu.memory_space<hbm>>) dst(%dma_wait3A_37 : memref<400x128xf32, #tpu.memory_space<vmem_shared>>)
          tpu.yield
        }) : () -> ()
      } else {
      }
      %barrier3A = arith.constant 0 : index
      tpu.barrier barrier_id(%barrier3A)
      %scan3A = arith.constant 0 : i32
      %scan3A_16 = arith.constant 157 : i32
      %scan3A_17 = arith.addi %scan3A, %scan3A_16 : i32
      %scan3A_18 = arith.constant 1 : i32
      scf.for %scan3A_31 = %scan3A to %scan3A_17 step %scan3A_18  : i32 {
        %mul3A = arith.constant 16 : i32
        %mul3A_32 = arith.muli %scan3A_31, %mul3A : i32
        %add3A = arith.addi %arg1, %mul3A_32 : i32
        %lt3A_33 = arith.constant 2500 : i32
        %lt3A_34 = arith.cmpi slt, %add3A, %lt3A_33 : i32
        %convert_element_type3A_35 = arith.extui %lt3A_34 : i1 to i32
        %cond3A_36 = arith.constant 0 : i32
        %cond3A_37 = arith.cmpi ne, %convert_element_type3A_35, %cond3A_36 : i32
        scf.if %cond3A_37 {
          %mul3A_38 = arith.constant 128 : i32
          %mul3A_39 = arith.muli %add3A, %mul3A_38 : i32
          "tpu.region"() ({
            %run_scoped3A = tpu.sem_alloc : memref<!tpu.dma_semaphore, #tpu.memory_space<semaphore_mem>>
            %dma_start3A_46 = tpu.memref_slice %arg4[%mul3A_39] : memref<320000xi32, #tpu.memory_space<hbm>> -> memref<128xi32, #tpu.memory_space<hbm>>
            %dma_start3A_47 = tpu.memref_slice %arg4[%mul3A_39] : memref<320000xi32, #tpu.memory_space<hbm>> -> memref<128xi32, #tpu.memory_space<hbm>>
            tpu.enqueue_dma source(%dma_start3A_47 : memref<128xi32, #tpu.memory_space<hbm>>) target(%arg8 : memref<128xi32, #tpu.memory_space<vmem>>) target_semaphore(%run_scoped3A : memref<!tpu.dma_semaphore, #tpu.memory_space<semaphore_mem>>)
            %dma_wait3A_48 = tpu.memref_slice %arg4[%mul3A_39] : memref<320000xi32, #tpu.memory_space<hbm>> -> memref<128xi32, #tpu.memory_space<hbm>>
            %dma_wait3A_49 = tpu.memref_slice %arg4[%mul3A_39] : memref<320000xi32, #tpu.memory_space<hbm>> -> memref<128xi32, #tpu.memory_space<hbm>>
            tpu.wait_dma2 semaphore(%run_scoped3A : memref<!tpu.dma_semaphore, #tpu.memory_space<semaphore_mem>>) src(%dma_wait3A_49 : memref<128xi32, #tpu.memory_space<hbm>>) dst(%arg8 : memref<128xi32, #tpu.memory_space<vmem>>)
            tpu.yield
          }) : () -> ()
          %mul3A_40 = arith.constant 128 : i32
          %mul3A_41 = arith.muli %add3A, %mul3A_40 : i32
          "tpu.region"() ({
            %run_scoped3A = tpu.sem_alloc : memref<!tpu.dma_semaphore, #tpu.memory_space<semaphore_mem>>
            %dma_start3A_46 = tpu.memref_slice %arg5[%mul3A_41] : memref<320000xi32, #tpu.memory_space<hbm>> -> memref<128xi32, #tpu.memory_space<hbm>>
            %dma_start3A_47 = tpu.memref_slice %arg5[%mul3A_41] : memref<320000xi32, #tpu.memory_space<hbm>> -> memref<128xi32, #tpu.memory_space<hbm>>
            tpu.enqueue_dma source(%dma_start3A_47 : memref<128xi32, #tpu.memory_space<hbm>>) target(%arg9 : memref<128xi32, #tpu.memory_space<vmem>>) target_semaphore(%run_scoped3A : memref<!tpu.dma_semaphore, #tpu.memory_space<semaphore_mem>>)
            %dma_wait3A_48 = tpu.memref_slice %arg5[%mul3A_41] : memref<320000xi32, #tpu.memory_space<hbm>> -> memref<128xi32, #tpu.memory_space<hbm>>
            %dma_wait3A_49 = tpu.memref_slice %arg5[%mul3A_41] : memref<320000xi32, #tpu.memory_space<hbm>> -> memref<128xi32, #tpu.memory_space<hbm>>
            tpu.wait_dma2 semaphore(%run_scoped3A : memref<!tpu.dma_semaphore, #tpu.memory_space<semaphore_mem>>) src(%dma_wait3A_49 : memref<128xi32, #tpu.memory_space<hbm>>) dst(%arg9 : memref<128xi32, #tpu.memory_space<vmem>>)
            tpu.yield
          }) : () -> ()
          %dma_start3A = arith.constant 0 : i32
          %dma_start3A_42 = arith.constant 0 : i32
          %dma_start3A_43 = tpu.memref_slice %arg3[%dma_start3A, %dma_start3A_42] : memref<10000x128xf32, #tpu.memory_space<hbm>> -> memref<10000x128xf32, #tpu.memory_space<hbm>>
          tpu.enqueue_indirect_dma source(%dma_start3A_43 : memref<10000x128xf32, #tpu.memory_space<hbm>>) target(%arg10 : memref<128x128xf32, #tpu.memory_space<vmem>>) offsets(%arg8 : memref<128xi32, #tpu.memory_space<vmem>>) semaphore(%arg11 : memref<!tpu.dma_semaphore, #tpu.memory_space<semaphore_mem>>)
          %dma_wait3A = arith.constant 0 : i32
          %dma_wait3A_44 = arith.constant 0 : i32
          %dma_wait3A_45 = tpu.memref_slice %arg3[%dma_wait3A, %dma_wait3A_44] : memref<10000x128xf32, #tpu.memory_space<hbm>> -> memref<10000x128xf32, #tpu.memory_space<hbm>>
          tpu.wait_indirect_dma semaphore(%arg11 : memref<!tpu.dma_semaphore, #tpu.memory_space<semaphore_mem>>) src(%dma_wait3A_45 : memref<10000x128xf32, #tpu.memory_space<hbm>>) dst(%arg10 : memref<128x128xf32, #tpu.memory_space<vmem>>)
          "tpu.region"() ({
            %run_scoped3A = tpu.sem_alloc : memref<!tpu.dma_semaphore, #tpu.memory_space<semaphore_mem>>
            %dma_start3A_46 = arith.constant 0 : i32
            %dma_start3A_47 = arith.constant 0 : i32
            %dma_start3A_48 = tpu.memref_slice %arg7[%dma_start3A_46, %dma_start3A_47] : memref<10000x128xf32, #tpu.memory_space<vmem_shared>> -> memref<10000x128xf32, #tpu.memory_space<vmem_shared>>
            tpu.enqueue_indirect_dma source(%arg10 : memref<128x128xf32, #tpu.memory_space<vmem>>) target(%dma_start3A_48 : memref<10000x128xf32, #tpu.memory_space<vmem_shared>>) offsets(%arg9 : memref<128xi32, #tpu.memory_space<vmem>>) semaphore(%run_scoped3A : memref<!tpu.dma_semaphore, #tpu.memory_space<semaphore_mem>>) {add = true}
            %dma_wait3A_49 = arith.constant 0 : i32
            %dma_wait3A_50 = arith.constant 0 : i32
            %dma_wait3A_51 = tpu.memref_slice %arg7[%dma_wait3A_49, %dma_wait3A_50] : memref<10000x128xf32, #tpu.memory_space<vmem_shared>> -> memref<10000x128xf32, #tpu.memory_space<vmem_shared>>
            tpu.wait_indirect_dma semaphore(%run_scoped3A : memref<!tpu.dma_semaphore, #tpu.memory_space<semaphore_mem>>) src(%arg10 : memref<128x128xf32, #tpu.memory_space<vmem>>) dst(%dma_wait3A_51 : memref<10000x128xf32, #tpu.memory_space<vmem_shared>>)
            tpu.yield
          }) : () -> ()
        } else {
        }
      }
      %scan3A_19 = arith.constant 157 : i32
      %barrier3A_20 = arith.constant 0 : index
      tpu.barrier barrier_id(%barrier3A_20)
      %lt3A_21 = arith.constant 15 : i32
      %lt3A_22 = arith.cmpi slt, %arg1, %lt3A_21 : i32
      %convert_element_type3A_23 = arith.extui %lt3A_22 : i1 to i32
      %cond3A_24 = arith.constant 0 : i32
      %cond3A_25 = arith.cmpi ne, %convert_element_type3A_23, %cond3A_24 : i32
      scf.if %cond3A_25 {
        %mul3A = arith.constant 640 : i32
        %mul3A_31 = arith.muli %arg1, %mul3A : i32
        "tpu.region"() ({
          %run_scoped3A = tpu.sem_alloc : memref<!tpu.dma_semaphore, #tpu.memory_space<semaphore_mem>>
          %dma_start3A = arith.constant 0 : i32
          %dma_start3A_32 = tpu.memref_slice %arg6[%arg0, %mul3A_31, %dma_start3A] : memref<2x10000x128xf32, #tpu.memory_space<hbm>> -> memref<1x640x128xf32, #tpu.memory_space<hbm>>
          %dma_start3A_33 = tpu.memref_squeeze %dma_start3A_32 : memref<1x640x128xf32, #tpu.memory_space<hbm>> -> memref<640x128xf32, #tpu.memory_space<hbm>>
          %dma_start3A_34 = arith.constant 0 : i32
          %dma_start3A_35 = tpu.memref_slice %arg7[%mul3A_31, %dma_start3A_34] : memref<10000x128xf32, #tpu.memory_space<vmem_shared>> -> memref<640x128xf32, #tpu.memory_space<vmem_shared>>
          tpu.enqueue_dma source(%dma_start3A_35 : memref<640x128xf32, #tpu.memory_space<vmem_shared>>) target(%dma_start3A_33 : memref<640x128xf32, #tpu.memory_space<hbm>>) target_semaphore(%run_scoped3A : memref<!tpu.dma_semaphore, #tpu.memory_space<semaphore_mem>>)
          %dma_wait3A = arith.constant 0 : i32
          %dma_wait3A_36 = tpu.memref_slice %arg6[%arg0, %mul3A_31, %dma_wait3A] : memref<2x10000x128xf32, #tpu.memory_space<hbm>> -> memref<1x640x128xf32, #tpu.memory_space<hbm>>
          %dma_wait3A_37 = tpu.memref_squeeze %dma_wait3A_36 : memref<1x640x128xf32, #tpu.memory_space<hbm>> -> memref<640x128xf32, #tpu.memory_space<hbm>>
          %dma_wait3A_38 = arith.constant 0 : i32
          %dma_wait3A_39 = tpu.memref_slice %arg7[%mul3A_31, %dma_wait3A_38] : memref<10000x128xf32, #tpu.memory_space<vmem_shared>> -> memref<640x128xf32, #tpu.memory_space<vmem_shared>>
          tpu.wait_dma2 semaphore(%run_scoped3A : memref<!tpu.dma_semaphore, #tpu.memory_space<semaphore_mem>>) src(%dma_wait3A_39 : memref<640x128xf32, #tpu.memory_space<vmem_shared>>) dst(%dma_wait3A_37 : memref<640x128xf32, #tpu.memory_space<hbm>>)
          tpu.yield
        }) : () -> ()
      } else {
      }
      %eq3A_26 = arith.constant 15 : i32
      %eq3A_27 = arith.cmpi eq, %arg1, %eq3A_26 : i32
      %convert_element_type3A_28 = arith.extui %eq3A_27 : i1 to i32
      %cond3A_29 = arith.constant 0 : i32
      %cond3A_30 = arith.cmpi ne, %convert_element_type3A_28, %cond3A_29 : i32
      scf.if %cond3A_30 {
        "tpu.region"() ({
          %run_scoped3A = tpu.sem_alloc : memref<!tpu.dma_semaphore, #tpu.memory_space<semaphore_mem>>
          %dma_start3A = arith.constant 9600 : i32
          %dma_start3A_31 = arith.constant 0 : i32
          %dma_start3A_32 = tpu.memref_slice %arg6[%arg0, %dma_start3A, %dma_start3A_31] : memref<2x10000x128xf32, #tpu.memory_space<hbm>> -> memref<1x400x128xf32, #tpu.memory_space<hbm>>
          %dma_start3A_33 = tpu.memref_squeeze %dma_start3A_32 : memref<1x400x128xf32, #tpu.memory_space<hbm>> -> memref<400x128xf32, #tpu.memory_space<hbm>>
          %dma_start3A_34 = arith.constant 9600 : i32
          %dma_start3A_35 = arith.constant 0 : i32
          %dma_start3A_36 = tpu.memref_slice %arg7[%dma_start3A_34, %dma_start3A_35] : memref<10000x128xf32, #tpu.memory_space<vmem_shared>> -> memref<400x128xf32, #tpu.memory_space<vmem_shared>>
          tpu.enqueue_dma source(%dma_start3A_36 : memref<400x128xf32, #tpu.memory_space<vmem_shared>>) target(%dma_start3A_33 : memref<400x128xf32, #tpu.memory_space<hbm>>) target_semaphore(%run_scoped3A : memref<!tpu.dma_semaphore, #tpu.memory_space<semaphore_mem>>)
          %dma_wait3A = arith.constant 9600 : i32
          %dma_wait3A_37 = arith.constant 0 : i32
          %dma_wait3A_38 = tpu.memref_slice %arg6[%arg0, %dma_wait3A, %dma_wait3A_37] : memref<2x10000x128xf32, #tpu.memory_space<hbm>> -> memref<1x400x128xf32, #tpu.memory_space<hbm>>
          %dma_wait3A_39 = tpu.memref_squeeze %dma_wait3A_38 : memref<1x400x128xf32, #tpu.memory_space<hbm>> -> memref<400x128xf32, #tpu.memory_space<hbm>>
          %dma_wait3A_40 = arith.constant 9600 : i32
          %dma_wait3A_41 = arith.constant 0 : i32
          %dma_wait3A_42 = tpu.memref_slice %arg7[%dma_wait3A_40, %dma_wait3A_41] : memref<10000x128xf32, #tpu.memory_space<vmem_shared>> -> memref<400x128xf32, #tpu.memory_space<vmem_shared>>
          tpu.wait_dma2 semaphore(%run_scoped3A : memref<!tpu.dma_semaphore, #tpu.memory_space<semaphore_mem>>) src(%dma_wait3A_42 : memref<400x128xf32, #tpu.memory_space<vmem_shared>>) dst(%dma_wait3A_39 : memref<400x128xf32, #tpu.memory_space<hbm>>)
          tpu.yield
        }) : () -> ()
      } else {
      }
    } else {
    }
    return
  }
}

#map = affine_map<(d0, d1) -> (0, 0)>
#map1 = affine_map<(d0, d1) -> (0)>
#map2 = affine_map<(d0, d1) -> (0, 0, 0)>
module attributes {stable_mosaic.version = 14 : i64} {
  func.func @_agg_kernel(%arg0: i32, %arg1: i32, %arg2: memref<10000x128xf32, #tpu.memory_space<hbm>>, %arg3: memref<10000x128xf32, #tpu.memory_space<hbm>>, %arg4: memref<320000xi32, #tpu.memory_space<hbm>>, %arg5: memref<320000xi32, #tpu.memory_space<hbm>>, %arg6: memref<2x10000x128xf32, #tpu.memory_space<hbm>>, %arg7: memref<10000x128xf32, #tpu.memory_space<vmem_shared>>, %arg8: memref<128xi32, #tpu.memory_space<vmem>>, %arg9: memref<128xi32, #tpu.memory_space<vmem>>, %arg10: memref<128x128xf32, #tpu.memory_space<vmem>>, %arg11: memref<!tpu.dma_semaphore, #tpu.memory_space<semaphore_mem>>) attributes {dimension_semantics = [#tpu.dimension_semantics<core_parallel>, #tpu.dimension_semantics<subcore_parallel>], iteration_bounds = array<i64: 2, 16>, scalar_prefetch = 0 : i64, scratch_operands = 5 : i64, tpu.core_type = #tpu.core_type<sc_vector_subcore>, window_params = [{transform_indices = #map}, {transform_indices = #map}, {transform_indices = #map1}, {transform_indices = #map1}, {transform_indices = #map2}]} {
    %eq3A = arith.constant 0 : i32
    %eq3A_0 = arith.cmpi eq, %arg0, %eq3A : i32
    %convert_element_type3A = arith.extui %eq3A_0 : i1 to i32
    %cond3A = arith.constant 0 : i32
    %cond3A_1 = arith.cmpi ne, %convert_element_type3A, %cond3A : i32
    scf.if %cond3A_1 {
      %lt3A = arith.constant 15 : i32
      %lt3A_7 = arith.cmpi slt, %arg1, %lt3A : i32
      %convert_element_type3A_8 = arith.extui %lt3A_7 : i1 to i32
      %cond3A_9 = arith.constant 0 : i32
      %cond3A_10 = arith.cmpi ne, %convert_element_type3A_8, %cond3A_9 : i32
      scf.if %cond3A_10 {
        %mul3A = arith.constant 640 : i32
        %mul3A_31 = arith.muli %arg1, %mul3A : i32
        "tpu.region"() ({
          %run_scoped3A = tpu.sem_alloc : memref<!tpu.dma_semaphore, #tpu.memory_space<semaphore_mem>>
          %dma_start3A = arith.constant 0 : i32
          %dma_start3A_32 = tpu.memref_slice %arg7[%mul3A_31, %dma_start3A] : memref<10000x128xf32, #tpu.memory_space<vmem_shared>> -> memref<640x128xf32, #tpu.memory_space<vmem_shared>>
          %dma_start3A_33 = arith.constant 0 : i32
          %dma_start3A_34 = tpu.memref_slice %arg2[%mul3A_31, %dma_start3A_33] : memref<10000x128xf32, #tpu.memory_space<hbm>> -> memref<640x128xf32, #tpu.memory_space<hbm>>
          tpu.enqueue_dma source(%dma_start3A_34 : memref<640x128xf32, #tpu.memory_space<hbm>>) target(%dma_start3A_32 : memref<640x128xf32, #tpu.memory_space<vmem_shared>>) target_semaphore(%run_scoped3A : memref<!tpu.dma_semaphore, #tpu.memory_space<semaphore_mem>>)
          %dma_wait3A = arith.constant 0 : i32
          %dma_wait3A_35 = tpu.memref_slice %arg7[%mul3A_31, %dma_wait3A] : memref<10000x128xf32, #tpu.memory_space<vmem_shared>> -> memref<640x128xf32, #tpu.memory_space<vmem_shared>>
          %dma_wait3A_36 = arith.constant 0 : i32
          %dma_wait3A_37 = tpu.memref_slice %arg2[%mul3A_31, %dma_wait3A_36] : memref<10000x128xf32, #tpu.memory_space<hbm>> -> memref<640x128xf32, #tpu.memory_space<hbm>>
          tpu.wait_dma2 semaphore(%run_scoped3A : memref<!tpu.dma_semaphore, #tpu.memory_space<semaphore_mem>>) src(%dma_wait3A_37 : memref<640x128xf32, #tpu.memory_space<hbm>>) dst(%dma_wait3A_35 : memref<640x128xf32, #tpu.memory_space<vmem_shared>>)
          tpu.yield
        }) : () -> ()
      } else {
      }
      %eq3A_11 = arith.constant 15 : i32
      %eq3A_12 = arith.cmpi eq, %arg1, %eq3A_11 : i32
      %convert_element_type3A_13 = arith.extui %eq3A_12 : i1 to i32
      %cond3A_14 = arith.constant 0 : i32
      %cond3A_15 = arith.cmpi ne, %convert_element_type3A_13, %cond3A_14 : i32
      scf.if %cond3A_15 {
        "tpu.region"() ({
          %run_scoped3A = tpu.sem_alloc : memref<!tpu.dma_semaphore, #tpu.memory_space<semaphore_mem>>
          %dma_start3A = arith.constant 9600 : i32
          %dma_start3A_31 = arith.constant 0 : i32
          %dma_start3A_32 = tpu.memref_slice %arg7[%dma_start3A, %dma_start3A_31] : memref<10000x128xf32, #tpu.memory_space<vmem_shared>> -> memref<400x128xf32, #tpu.memory_space<vmem_shared>>
          %dma_start3A_33 = arith.constant 9600 : i32
          %dma_start3A_34 = arith.constant 0 : i32
          %dma_start3A_35 = tpu.memref_slice %arg2[%dma_start3A_33, %dma_start3A_34] : memref<10000x128xf32, #tpu.memory_space<hbm>> -> memref<400x128xf32, #tpu.memory_space<hbm>>
          tpu.enqueue_dma source(%dma_start3A_35 : memref<400x128xf32, #tpu.memory_space<hbm>>) target(%dma_start3A_32 : memref<400x128xf32, #tpu.memory_space<vmem_shared>>) target_semaphore(%run_scoped3A : memref<!tpu.dma_semaphore, #tpu.memory_space<semaphore_mem>>)
          %dma_wait3A = arith.constant 9600 : i32
          %dma_wait3A_36 = arith.constant 0 : i32
          %dma_wait3A_37 = tpu.memref_slice %arg7[%dma_wait3A, %dma_wait3A_36] : memref<10000x128xf32, #tpu.memory_space<vmem_shared>> -> memref<400x128xf32, #tpu.memory_space<vmem_shared>>
          %dma_wait3A_38 = arith.constant 9600 : i32
          %dma_wait3A_39 = arith.constant 0 : i32
          %dma_wait3A_40 = tpu.memref_slice %arg2[%dma_wait3A_38, %dma_wait3A_39] : memref<10000x128xf32, #tpu.memory_space<hbm>> -> memref<400x128xf32, #tpu.memory_space<hbm>>
          tpu.wait_dma2 semaphore(%run_scoped3A : memref<!tpu.dma_semaphore, #tpu.memory_space<semaphore_mem>>) src(%dma_wait3A_40 : memref<400x128xf32, #tpu.memory_space<hbm>>) dst(%dma_wait3A_37 : memref<400x128xf32, #tpu.memory_space<vmem_shared>>)
          tpu.yield
        }) : () -> ()
      } else {
      }
      %barrier3A = arith.constant 0 : index
      tpu.barrier barrier_id(%barrier3A)
      %scan3A = arith.constant 0 : i32
      %scan3A_16 = arith.constant 157 : i32
      %scan3A_17 = arith.addi %scan3A, %scan3A_16 : i32
      %scan3A_18 = arith.constant 1 : i32
      scf.for %scan3A_31 = %scan3A to %scan3A_17 step %scan3A_18  : i32 {
        %mul3A = arith.constant 16 : i32
        %mul3A_32 = arith.muli %scan3A_31, %mul3A : i32
        %add3A = arith.addi %arg1, %mul3A_32 : i32
        %lt3A_33 = arith.constant 2500 : i32
        %lt3A_34 = arith.cmpi slt, %add3A, %lt3A_33 : i32
        %convert_element_type3A_35 = arith.extui %lt3A_34 : i1 to i32
        %cond3A_36 = arith.constant 0 : i32
        %cond3A_37 = arith.cmpi ne, %convert_element_type3A_35, %cond3A_36 : i32
        scf.if %cond3A_37 {
          %mul3A_38 = arith.constant 128 : i32
          %mul3A_39 = arith.muli %add3A, %mul3A_38 : i32
          "tpu.region"() ({
            %run_scoped3A = tpu.sem_alloc : memref<!tpu.dma_semaphore, #tpu.memory_space<semaphore_mem>>
            %dma_start3A_46 = tpu.memref_slice %arg4[%mul3A_39] : memref<320000xi32, #tpu.memory_space<hbm>> -> memref<128xi32, #tpu.memory_space<hbm>>
            %dma_start3A_47 = tpu.memref_slice %arg4[%mul3A_39] : memref<320000xi32, #tpu.memory_space<hbm>> -> memref<128xi32, #tpu.memory_space<hbm>>
            tpu.enqueue_dma source(%dma_start3A_47 : memref<128xi32, #tpu.memory_space<hbm>>) target(%arg8 : memref<128xi32, #tpu.memory_space<vmem>>) target_semaphore(%run_scoped3A : memref<!tpu.dma_semaphore, #tpu.memory_space<semaphore_mem>>)
            %dma_wait3A_48 = tpu.memref_slice %arg4[%mul3A_39] : memref<320000xi32, #tpu.memory_space<hbm>> -> memref<128xi32, #tpu.memory_space<hbm>>
            %dma_wait3A_49 = tpu.memref_slice %arg4[%mul3A_39] : memref<320000xi32, #tpu.memory_space<hbm>> -> memref<128xi32, #tpu.memory_space<hbm>>
            tpu.wait_dma2 semaphore(%run_scoped3A : memref<!tpu.dma_semaphore, #tpu.memory_space<semaphore_mem>>) src(%dma_wait3A_49 : memref<128xi32, #tpu.memory_space<hbm>>) dst(%arg8 : memref<128xi32, #tpu.memory_space<vmem>>)
            tpu.yield
          }) : () -> ()
          %mul3A_40 = arith.constant 128 : i32
          %mul3A_41 = arith.muli %add3A, %mul3A_40 : i32
          "tpu.region"() ({
            %run_scoped3A = tpu.sem_alloc : memref<!tpu.dma_semaphore, #tpu.memory_space<semaphore_mem>>
            %dma_start3A_46 = tpu.memref_slice %arg5[%mul3A_41] : memref<320000xi32, #tpu.memory_space<hbm>> -> memref<128xi32, #tpu.memory_space<hbm>>
            %dma_start3A_47 = tpu.memref_slice %arg5[%mul3A_41] : memref<320000xi32, #tpu.memory_space<hbm>> -> memref<128xi32, #tpu.memory_space<hbm>>
            tpu.enqueue_dma source(%dma_start3A_47 : memref<128xi32, #tpu.memory_space<hbm>>) target(%arg9 : memref<128xi32, #tpu.memory_space<vmem>>) target_semaphore(%run_scoped3A : memref<!tpu.dma_semaphore, #tpu.memory_space<semaphore_mem>>)
            %dma_wait3A_48 = tpu.memref_slice %arg5[%mul3A_41] : memref<320000xi32, #tpu.memory_space<hbm>> -> memref<128xi32, #tpu.memory_space<hbm>>
            %dma_wait3A_49 = tpu.memref_slice %arg5[%mul3A_41] : memref<320000xi32, #tpu.memory_space<hbm>> -> memref<128xi32, #tpu.memory_space<hbm>>
            tpu.wait_dma2 semaphore(%run_scoped3A : memref<!tpu.dma_semaphore, #tpu.memory_space<semaphore_mem>>) src(%dma_wait3A_49 : memref<128xi32, #tpu.memory_space<hbm>>) dst(%arg9 : memref<128xi32, #tpu.memory_space<vmem>>)
            tpu.yield
          }) : () -> ()
          %dma_start3A = arith.constant 0 : i32
          %dma_start3A_42 = arith.constant 0 : i32
          %dma_start3A_43 = tpu.memref_slice %arg2[%dma_start3A, %dma_start3A_42] : memref<10000x128xf32, #tpu.memory_space<hbm>> -> memref<10000x128xf32, #tpu.memory_space<hbm>>
          tpu.enqueue_indirect_dma source(%dma_start3A_43 : memref<10000x128xf32, #tpu.memory_space<hbm>>) target(%arg10 : memref<128x128xf32, #tpu.memory_space<vmem>>) offsets(%arg8 : memref<128xi32, #tpu.memory_space<vmem>>) semaphore(%arg11 : memref<!tpu.dma_semaphore, #tpu.memory_space<semaphore_mem>>)
          %dma_wait3A = arith.constant 0 : i32
          %dma_wait3A_44 = arith.constant 0 : i32
          %dma_wait3A_45 = tpu.memref_slice %arg2[%dma_wait3A, %dma_wait3A_44] : memref<10000x128xf32, #tpu.memory_space<hbm>> -> memref<10000x128xf32, #tpu.memory_space<hbm>>
          tpu.wait_indirect_dma semaphore(%arg11 : memref<!tpu.dma_semaphore, #tpu.memory_space<semaphore_mem>>) src(%dma_wait3A_45 : memref<10000x128xf32, #tpu.memory_space<hbm>>) dst(%arg10 : memref<128x128xf32, #tpu.memory_space<vmem>>)
          "tpu.region"() ({
            %run_scoped3A = tpu.sem_alloc : memref<!tpu.dma_semaphore, #tpu.memory_space<semaphore_mem>>
            %dma_start3A_46 = arith.constant 0 : i32
            %dma_start3A_47 = arith.constant 0 : i32
            %dma_start3A_48 = tpu.memref_slice %arg7[%dma_start3A_46, %dma_start3A_47] : memref<10000x128xf32, #tpu.memory_space<vmem_shared>> -> memref<10000x128xf32, #tpu.memory_space<vmem_shared>>
            tpu.enqueue_indirect_dma source(%arg10 : memref<128x128xf32, #tpu.memory_space<vmem>>) target(%dma_start3A_48 : memref<10000x128xf32, #tpu.memory_space<vmem_shared>>) offsets(%arg9 : memref<128xi32, #tpu.memory_space<vmem>>) semaphore(%run_scoped3A : memref<!tpu.dma_semaphore, #tpu.memory_space<semaphore_mem>>) {add = true}
            %dma_wait3A_49 = arith.constant 0 : i32
            %dma_wait3A_50 = arith.constant 0 : i32
            %dma_wait3A_51 = tpu.memref_slice %arg7[%dma_wait3A_49, %dma_wait3A_50] : memref<10000x128xf32, #tpu.memory_space<vmem_shared>> -> memref<10000x128xf32, #tpu.memory_space<vmem_shared>>
            tpu.wait_indirect_dma semaphore(%run_scoped3A : memref<!tpu.dma_semaphore, #tpu.memory_space<semaphore_mem>>) src(%arg10 : memref<128x128xf32, #tpu.memory_space<vmem>>) dst(%dma_wait3A_51 : memref<10000x128xf32, #tpu.memory_space<vmem_shared>>)
            tpu.yield
          }) : () -> ()
        } else {
        }
      }
      %scan3A_19 = arith.constant 157 : i32
      %barrier3A_20 = arith.constant 0 : index
      tpu.barrier barrier_id(%barrier3A_20)
      %lt3A_21 = arith.constant 15 : i32
      %lt3A_22 = arith.cmpi slt, %arg1, %lt3A_21 : i32
      %convert_element_type3A_23 = arith.extui %lt3A_22 : i1 to i32
      %cond3A_24 = arith.constant 0 : i32
      %cond3A_25 = arith.cmpi ne, %convert_element_type3A_23, %cond3A_24 : i32
      scf.if %cond3A_25 {
        %mul3A = arith.constant 640 : i32
        %mul3A_31 = arith.muli %arg1, %mul3A : i32
        "tpu.region"() ({
          %run_scoped3A = tpu.sem_alloc : memref<!tpu.dma_semaphore, #tpu.memory_space<semaphore_mem>>
          %dma_start3A = arith.constant 0 : i32
          %dma_start3A_32 = tpu.memref_slice %arg6[%arg0, %mul3A_31, %dma_start3A] : memref<2x10000x128xf32, #tpu.memory_space<hbm>> -> memref<1x640x128xf32, #tpu.memory_space<hbm>>
          %dma_start3A_33 = tpu.memref_squeeze %dma_start3A_32 : memref<1x640x128xf32, #tpu.memory_space<hbm>> -> memref<640x128xf32, #tpu.memory_space<hbm>>
          %dma_start3A_34 = arith.constant 0 : i32
          %dma_start3A_35 = tpu.memref_slice %arg7[%mul3A_31, %dma_start3A_34] : memref<10000x128xf32, #tpu.memory_space<vmem_shared>> -> memref<640x128xf32, #tpu.memory_space<vmem_shared>>
          tpu.enqueue_dma source(%dma_start3A_35 : memref<640x128xf32, #tpu.memory_space<vmem_shared>>) target(%dma_start3A_33 : memref<640x128xf32, #tpu.memory_space<hbm>>) target_semaphore(%run_scoped3A : memref<!tpu.dma_semaphore, #tpu.memory_space<semaphore_mem>>)
          %dma_wait3A = arith.constant 0 : i32
          %dma_wait3A_36 = tpu.memref_slice %arg6[%arg0, %mul3A_31, %dma_wait3A] : memref<2x10000x128xf32, #tpu.memory_space<hbm>> -> memref<1x640x128xf32, #tpu.memory_space<hbm>>
          %dma_wait3A_37 = tpu.memref_squeeze %dma_wait3A_36 : memref<1x640x128xf32, #tpu.memory_space<hbm>> -> memref<640x128xf32, #tpu.memory_space<hbm>>
          %dma_wait3A_38 = arith.constant 0 : i32
          %dma_wait3A_39 = tpu.memref_slice %arg7[%mul3A_31, %dma_wait3A_38] : memref<10000x128xf32, #tpu.memory_space<vmem_shared>> -> memref<640x128xf32, #tpu.memory_space<vmem_shared>>
          tpu.wait_dma2 semaphore(%run_scoped3A : memref<!tpu.dma_semaphore, #tpu.memory_space<semaphore_mem>>) src(%dma_wait3A_39 : memref<640x128xf32, #tpu.memory_space<vmem_shared>>) dst(%dma_wait3A_37 : memref<640x128xf32, #tpu.memory_space<hbm>>)
          tpu.yield
        }) : () -> ()
      } else {
      }
      %eq3A_26 = arith.constant 15 : i32
      %eq3A_27 = arith.cmpi eq, %arg1, %eq3A_26 : i32
      %convert_element_type3A_28 = arith.extui %eq3A_27 : i1 to i32
      %cond3A_29 = arith.constant 0 : i32
      %cond3A_30 = arith.cmpi ne, %convert_element_type3A_28, %cond3A_29 : i32
      scf.if %cond3A_30 {
        "tpu.region"() ({
          %run_scoped3A = tpu.sem_alloc : memref<!tpu.dma_semaphore, #tpu.memory_space<semaphore_mem>>
          %dma_start3A = arith.constant 9600 : i32
          %dma_start3A_31 = arith.constant 0 : i32
          %dma_start3A_32 = tpu.memref_slice %arg6[%arg0, %dma_start3A, %dma_start3A_31] : memref<2x10000x128xf32, #tpu.memory_space<hbm>> -> memref<1x400x128xf32, #tpu.memory_space<hbm>>
          %dma_start3A_33 = tpu.memref_squeeze %dma_start3A_32 : memref<1x400x128xf32, #tpu.memory_space<hbm>> -> memref<400x128xf32, #tpu.memory_space<hbm>>
          %dma_start3A_34 = arith.constant 9600 : i32
          %dma_start3A_35 = arith.constant 0 : i32
          %dma_start3A_36 = tpu.memref_slice %arg7[%dma_start3A_34, %dma_start3A_35] : memref<10000x128xf32, #tpu.memory_space<vmem_shared>> -> memref<400x128xf32, #tpu.memory_space<vmem_shared>>
          tpu.enqueue_dma source(%dma_start3A_36 : memref<400x128xf32, #tpu.memory_space<vmem_shared>>) target(%dma_start3A_33 : memref<400x128xf32, #tpu.memory_space<hbm>>) target_semaphore(%run_scoped3A : memref<!tpu.dma_semaphore, #tpu.memory_space<semaphore_mem>>)
          %dma_wait3A = arith.constant 9600 : i32
          %dma_wait3A_37 = arith.constant 0 : i32
          %dma_wait3A_38 = tpu.memref_slice %arg6[%arg0, %dma_wait3A, %dma_wait3A_37] : memref<2x10000x128xf32, #tpu.memory_space<hbm>> -> memref<1x400x128xf32, #tpu.memory_space<hbm>>
          %dma_wait3A_39 = tpu.memref_squeeze %dma_wait3A_38 : memref<1x400x128xf32, #tpu.memory_space<hbm>> -> memref<400x128xf32, #tpu.memory_space<hbm>>
          %dma_wait3A_40 = arith.constant 9600 : i32
          %dma_wait3A_41 = arith.constant 0 : i32
          %dma_wait3A_42 = tpu.memref_slice %arg7[%dma_wait3A_40, %dma_wait3A_41] : memref<10000x128xf32, #tpu.memory_space<vmem_shared>> -> memref<400x128xf32, #tpu.memory_space<vmem_shared>>
          tpu.wait_dma2 semaphore(%run_scoped3A : memref<!tpu.dma_semaphore, #tpu.memory_space<semaphore_mem>>) src(%dma_wait3A_42 : memref<400x128xf32, #tpu.memory_space<vmem_shared>>) dst(%dma_wait3A_39 : memref<400x128xf32, #tpu.memory_space<hbm>>)
          tpu.yield
        }) : () -> ()
      } else {
      }
    } else {
    }
    %eq3A_2 = arith.constant 1 : i32
    %eq3A_3 = arith.cmpi eq, %arg0, %eq3A_2 : i32
    %convert_element_type3A_4 = arith.extui %eq3A_3 : i1 to i32
    %cond3A_5 = arith.constant 0 : i32
    %cond3A_6 = arith.cmpi ne, %convert_element_type3A_4, %cond3A_5 : i32
    scf.if %cond3A_6 {
      %lt3A = arith.constant 15 : i32
      %lt3A_7 = arith.cmpi slt, %arg1, %lt3A : i32
      %convert_element_type3A_8 = arith.extui %lt3A_7 : i1 to i32
      %cond3A_9 = arith.constant 0 : i32
      %cond3A_10 = arith.cmpi ne, %convert_element_type3A_8, %cond3A_9 : i32
      scf.if %cond3A_10 {
        %mul3A = arith.constant 640 : i32
        %mul3A_31 = arith.muli %arg1, %mul3A : i32
        "tpu.region"() ({
          %run_scoped3A = tpu.sem_alloc : memref<!tpu.dma_semaphore, #tpu.memory_space<semaphore_mem>>
          %dma_start3A = arith.constant 0 : i32
          %dma_start3A_32 = tpu.memref_slice %arg7[%mul3A_31, %dma_start3A] : memref<10000x128xf32, #tpu.memory_space<vmem_shared>> -> memref<640x128xf32, #tpu.memory_space<vmem_shared>>
          %dma_start3A_33 = arith.constant 0 : i32
          %dma_start3A_34 = tpu.memref_slice %arg3[%mul3A_31, %dma_start3A_33] : memref<10000x128xf32, #tpu.memory_space<hbm>> -> memref<640x128xf32, #tpu.memory_space<hbm>>
          tpu.enqueue_dma source(%dma_start3A_34 : memref<640x128xf32, #tpu.memory_space<hbm>>) target(%dma_start3A_32 : memref<640x128xf32, #tpu.memory_space<vmem_shared>>) target_semaphore(%run_scoped3A : memref<!tpu.dma_semaphore, #tpu.memory_space<semaphore_mem>>)
          %dma_wait3A = arith.constant 0 : i32
          %dma_wait3A_35 = tpu.memref_slice %arg7[%mul3A_31, %dma_wait3A] : memref<10000x128xf32, #tpu.memory_space<vmem_shared>> -> memref<640x128xf32, #tpu.memory_space<vmem_shared>>
          %dma_wait3A_36 = arith.constant 0 : i32
          %dma_wait3A_37 = tpu.memref_slice %arg3[%mul3A_31, %dma_wait3A_36] : memref<10000x128xf32, #tpu.memory_space<hbm>> -> memref<640x128xf32, #tpu.memory_space<hbm>>
          tpu.wait_dma2 semaphore(%run_scoped3A : memref<!tpu.dma_semaphore, #tpu.memory_space<semaphore_mem>>) src(%dma_wait3A_37 : memref<640x128xf32, #tpu.memory_space<hbm>>) dst(%dma_wait3A_35 : memref<640x128xf32, #tpu.memory_space<vmem_shared>>)
          tpu.yield
        }) : () -> ()
      } else {
      }
      %eq3A_11 = arith.constant 15 : i32
      %eq3A_12 = arith.cmpi eq, %arg1, %eq3A_11 : i32
      %convert_element_type3A_13 = arith.extui %eq3A_12 : i1 to i32
      %cond3A_14 = arith.constant 0 : i32
      %cond3A_15 = arith.cmpi ne, %convert_element_type3A_13, %cond3A_14 : i32
      scf.if %cond3A_15 {
        "tpu.region"() ({
          %run_scoped3A = tpu.sem_alloc : memref<!tpu.dma_semaphore, #tpu.memory_space<semaphore_mem>>
          %dma_start3A = arith.constant 9600 : i32
          %dma_start3A_31 = arith.constant 0 : i32
          %dma_start3A_32 = tpu.memref_slice %arg7[%dma_start3A, %dma_start3A_31] : memref<10000x128xf32, #tpu.memory_space<vmem_shared>> -> memref<400x128xf32, #tpu.memory_space<vmem_shared>>
          %dma_start3A_33 = arith.constant 9600 : i32
          %dma_start3A_34 = arith.constant 0 : i32
          %dma_start3A_35 = tpu.memref_slice %arg3[%dma_start3A_33, %dma_start3A_34] : memref<10000x128xf32, #tpu.memory_space<hbm>> -> memref<400x128xf32, #tpu.memory_space<hbm>>
          tpu.enqueue_dma source(%dma_start3A_35 : memref<400x128xf32, #tpu.memory_space<hbm>>) target(%dma_start3A_32 : memref<400x128xf32, #tpu.memory_space<vmem_shared>>) target_semaphore(%run_scoped3A : memref<!tpu.dma_semaphore, #tpu.memory_space<semaphore_mem>>)
          %dma_wait3A = arith.constant 9600 : i32
          %dma_wait3A_36 = arith.constant 0 : i32
          %dma_wait3A_37 = tpu.memref_slice %arg7[%dma_wait3A, %dma_wait3A_36] : memref<10000x128xf32, #tpu.memory_space<vmem_shared>> -> memref<400x128xf32, #tpu.memory_space<vmem_shared>>
          %dma_wait3A_38 = arith.constant 9600 : i32
          %dma_wait3A_39 = arith.constant 0 : i32
          %dma_wait3A_40 = tpu.memref_slice %arg3[%dma_wait3A_38, %dma_wait3A_39] : memref<10000x128xf32, #tpu.memory_space<hbm>> -> memref<400x128xf32, #tpu.memory_space<hbm>>
          tpu.wait_dma2 semaphore(%run_scoped3A : memref<!tpu.dma_semaphore, #tpu.memory_space<semaphore_mem>>) src(%dma_wait3A_40 : memref<400x128xf32, #tpu.memory_space<hbm>>) dst(%dma_wait3A_37 : memref<400x128xf32, #tpu.memory_space<vmem_shared>>)
          tpu.yield
        }) : () -> ()
      } else {
      }
      %barrier3A = arith.constant 0 : index
      tpu.barrier barrier_id(%barrier3A)
      %scan3A = arith.constant 0 : i32
      %scan3A_16 = arith.constant 157 : i32
      %scan3A_17 = arith.addi %scan3A, %scan3A_16 : i32
      %scan3A_18 = arith.constant 1 : i32
      scf.for %scan3A_31 = %scan3A to %scan3A_17 step %scan3A_18  : i32 {
        %mul3A = arith.constant 16 : i32
        %mul3A_32 = arith.muli %scan3A_31, %mul3A : i32
        %add3A = arith.addi %arg1, %mul3A_32 : i32
        %lt3A_33 = arith.constant 2500 : i32
        %lt3A_34 = arith.cmpi slt, %add3A, %lt3A_33 : i32
        %convert_element_type3A_35 = arith.extui %lt3A_34 : i1 to i32
        %cond3A_36 = arith.constant 0 : i32
        %cond3A_37 = arith.cmpi ne, %convert_element_type3A_35, %cond3A_36 : i32
        scf.if %cond3A_37 {
          %mul3A_38 = arith.constant 128 : i32
          %mul3A_39 = arith.muli %add3A, %mul3A_38 : i32
          "tpu.region"() ({
            %run_scoped3A = tpu.sem_alloc : memref<!tpu.dma_semaphore, #tpu.memory_space<semaphore_mem>>
            %dma_start3A_46 = tpu.memref_slice %arg4[%mul3A_39] : memref<320000xi32, #tpu.memory_space<hbm>> -> memref<128xi32, #tpu.memory_space<hbm>>
            %dma_start3A_47 = tpu.memref_slice %arg4[%mul3A_39] : memref<320000xi32, #tpu.memory_space<hbm>> -> memref<128xi32, #tpu.memory_space<hbm>>
            tpu.enqueue_dma source(%dma_start3A_47 : memref<128xi32, #tpu.memory_space<hbm>>) target(%arg8 : memref<128xi32, #tpu.memory_space<vmem>>) target_semaphore(%run_scoped3A : memref<!tpu.dma_semaphore, #tpu.memory_space<semaphore_mem>>)
            %dma_wait3A_48 = tpu.memref_slice %arg4[%mul3A_39] : memref<320000xi32, #tpu.memory_space<hbm>> -> memref<128xi32, #tpu.memory_space<hbm>>
            %dma_wait3A_49 = tpu.memref_slice %arg4[%mul3A_39] : memref<320000xi32, #tpu.memory_space<hbm>> -> memref<128xi32, #tpu.memory_space<hbm>>
            tpu.wait_dma2 semaphore(%run_scoped3A : memref<!tpu.dma_semaphore, #tpu.memory_space<semaphore_mem>>) src(%dma_wait3A_49 : memref<128xi32, #tpu.memory_space<hbm>>) dst(%arg8 : memref<128xi32, #tpu.memory_space<vmem>>)
            tpu.yield
          }) : () -> ()
          %mul3A_40 = arith.constant 128 : i32
          %mul3A_41 = arith.muli %add3A, %mul3A_40 : i32
          "tpu.region"() ({
            %run_scoped3A = tpu.sem_alloc : memref<!tpu.dma_semaphore, #tpu.memory_space<semaphore_mem>>
            %dma_start3A_46 = tpu.memref_slice %arg5[%mul3A_41] : memref<320000xi32, #tpu.memory_space<hbm>> -> memref<128xi32, #tpu.memory_space<hbm>>
            %dma_start3A_47 = tpu.memref_slice %arg5[%mul3A_41] : memref<320000xi32, #tpu.memory_space<hbm>> -> memref<128xi32, #tpu.memory_space<hbm>>
            tpu.enqueue_dma source(%dma_start3A_47 : memref<128xi32, #tpu.memory_space<hbm>>) target(%arg9 : memref<128xi32, #tpu.memory_space<vmem>>) target_semaphore(%run_scoped3A : memref<!tpu.dma_semaphore, #tpu.memory_space<semaphore_mem>>)
            %dma_wait3A_48 = tpu.memref_slice %arg5[%mul3A_41] : memref<320000xi32, #tpu.memory_space<hbm>> -> memref<128xi32, #tpu.memory_space<hbm>>
            %dma_wait3A_49 = tpu.memref_slice %arg5[%mul3A_41] : memref<320000xi32, #tpu.memory_space<hbm>> -> memref<128xi32, #tpu.memory_space<hbm>>
            tpu.wait_dma2 semaphore(%run_scoped3A : memref<!tpu.dma_semaphore, #tpu.memory_space<semaphore_mem>>) src(%dma_wait3A_49 : memref<128xi32, #tpu.memory_space<hbm>>) dst(%arg9 : memref<128xi32, #tpu.memory_space<vmem>>)
            tpu.yield
          }) : () -> ()
          %dma_start3A = arith.constant 0 : i32
          %dma_start3A_42 = arith.constant 0 : i32
          %dma_start3A_43 = tpu.memref_slice %arg3[%dma_start3A, %dma_start3A_42] : memref<10000x128xf32, #tpu.memory_space<hbm>> -> memref<10000x128xf32, #tpu.memory_space<hbm>>
          tpu.enqueue_indirect_dma source(%dma_start3A_43 : memref<10000x128xf32, #tpu.memory_space<hbm>>) target(%arg10 : memref<128x128xf32, #tpu.memory_space<vmem>>) offsets(%arg8 : memref<128xi32, #tpu.memory_space<vmem>>) semaphore(%arg11 : memref<!tpu.dma_semaphore, #tpu.memory_space<semaphore_mem>>)
          %dma_wait3A = arith.constant 0 : i32
          %dma_wait3A_44 = arith.constant 0 : i32
          %dma_wait3A_45 = tpu.memref_slice %arg3[%dma_wait3A, %dma_wait3A_44] : memref<10000x128xf32, #tpu.memory_space<hbm>> -> memref<10000x128xf32, #tpu.memory_space<hbm>>
          tpu.wait_indirect_dma semaphore(%arg11 : memref<!tpu.dma_semaphore, #tpu.memory_space<semaphore_mem>>) src(%dma_wait3A_45 : memref<10000x128xf32, #tpu.memory_space<hbm>>) dst(%arg10 : memref<128x128xf32, #tpu.memory_space<vmem>>)
          "tpu.region"() ({
            %run_scoped3A = tpu.sem_alloc : memref<!tpu.dma_semaphore, #tpu.memory_space<semaphore_mem>>
            %dma_start3A_46 = arith.constant 0 : i32
            %dma_start3A_47 = arith.constant 0 : i32
            %dma_start3A_48 = tpu.memref_slice %arg7[%dma_start3A_46, %dma_start3A_47] : memref<10000x128xf32, #tpu.memory_space<vmem_shared>> -> memref<10000x128xf32, #tpu.memory_space<vmem_shared>>
            tpu.enqueue_indirect_dma source(%arg10 : memref<128x128xf32, #tpu.memory_space<vmem>>) target(%dma_start3A_48 : memref<10000x128xf32, #tpu.memory_space<vmem_shared>>) offsets(%arg9 : memref<128xi32, #tpu.memory_space<vmem>>) semaphore(%run_scoped3A : memref<!tpu.dma_semaphore, #tpu.memory_space<semaphore_mem>>) {add = true}
            %dma_wait3A_49 = arith.constant 0 : i32
            %dma_wait3A_50 = arith.constant 0 : i32
            %dma_wait3A_51 = tpu.memref_slice %arg7[%dma_wait3A_49, %dma_wait3A_50] : memref<10000x128xf32, #tpu.memory_space<vmem_shared>> -> memref<10000x128xf32, #tpu.memory_space<vmem_shared>>
            tpu.wait_indirect_dma semaphore(%run_scoped3A : memref<!tpu.dma_semaphore, #tpu.memory_space<semaphore_mem>>) src(%arg10 : memref<128x128xf32, #tpu.memory_space<vmem>>) dst(%dma_wait3A_51 : memref<10000x128xf32, #tpu.memory_space<vmem_shared>>)
            tpu.yield
          }) : () -> ()
        } else {
        }
      }
      %scan3A_19 = arith.constant 157 : i32
      %barrier3A_20 = arith.constant 0 : index
      tpu.barrier barrier_id(%barrier3A_20)
      %lt3A_21 = arith.constant 15 : i32
      %lt3A_22 = arith.cmpi slt, %arg1, %lt3A_21 : i32
      %convert_element_type3A_23 = arith.extui %lt3A_22 : i1 to i32
      %cond3A_24 = arith.constant 0 : i32
      %cond3A_25 = arith.cmpi ne, %convert_element_type3A_23, %cond3A_24 : i32
      scf.if %cond3A_25 {
        %mul3A = arith.constant 640 : i32
        %mul3A_31 = arith.muli %arg1, %mul3A : i32
        "tpu.region"() ({
          %run_scoped3A = tpu.sem_alloc : memref<!tpu.dma_semaphore, #tpu.memory_space<semaphore_mem>>
          %dma_start3A = arith.constant 0 : i32
          %dma_start3A_32 = tpu.memref_slice %arg6[%arg0, %mul3A_31, %dma_start3A] : memref<2x10000x128xf32, #tpu.memory_space<hbm>> -> memref<1x640x128xf32, #tpu.memory_space<hbm>>
          %dma_start3A_33 = tpu.memref_squeeze %dma_start3A_32 : memref<1x640x128xf32, #tpu.memory_space<hbm>> -> memref<640x128xf32, #tpu.memory_space<hbm>>
          %dma_start3A_34 = arith.constant 0 : i32
          %dma_start3A_35 = tpu.memref_slice %arg7[%mul3A_31, %dma_start3A_34] : memref<10000x128xf32, #tpu.memory_space<vmem_shared>> -> memref<640x128xf32, #tpu.memory_space<vmem_shared>>
          tpu.enqueue_dma source(%dma_start3A_35 : memref<640x128xf32, #tpu.memory_space<vmem_shared>>) target(%dma_start3A_33 : memref<640x128xf32, #tpu.memory_space<hbm>>) target_semaphore(%run_scoped3A : memref<!tpu.dma_semaphore, #tpu.memory_space<semaphore_mem>>)
          %dma_wait3A = arith.constant 0 : i32
          %dma_wait3A_36 = tpu.memref_slice %arg6[%arg0, %mul3A_31, %dma_wait3A] : memref<2x10000x128xf32, #tpu.memory_space<hbm>> -> memref<1x640x128xf32, #tpu.memory_space<hbm>>
          %dma_wait3A_37 = tpu.memref_squeeze %dma_wait3A_36 : memref<1x640x128xf32, #tpu.memory_space<hbm>> -> memref<640x128xf32, #tpu.memory_space<hbm>>
          %dma_wait3A_38 = arith.constant 0 : i32
          %dma_wait3A_39 = tpu.memref_slice %arg7[%mul3A_31, %dma_wait3A_38] : memref<10000x128xf32, #tpu.memory_space<vmem_shared>> -> memref<640x128xf32, #tpu.memory_space<vmem_shared>>
          tpu.wait_dma2 semaphore(%run_scoped3A : memref<!tpu.dma_semaphore, #tpu.memory_space<semaphore_mem>>) src(%dma_wait3A_39 : memref<640x128xf32, #tpu.memory_space<vmem_shared>>) dst(%dma_wait3A_37 : memref<640x128xf32, #tpu.memory_space<hbm>>)
          tpu.yield
        }) : () -> ()
      } else {
      }
      %eq3A_26 = arith.constant 15 : i32
      %eq3A_27 = arith.cmpi eq, %arg1, %eq3A_26 : i32
      %convert_element_type3A_28 = arith.extui %eq3A_27 : i1 to i32
      %cond3A_29 = arith.constant 0 : i32
      %cond3A_30 = arith.cmpi ne, %convert_element_type3A_28, %cond3A_29 : i32
      scf.if %cond3A_30 {
        "tpu.region"() ({
          %run_scoped3A = tpu.sem_alloc : memref<!tpu.dma_semaphore, #tpu.memory_space<semaphore_mem>>
          %dma_start3A = arith.constant 9600 : i32
          %dma_start3A_31 = arith.constant 0 : i32
          %dma_start3A_32 = tpu.memref_slice %arg6[%arg0, %dma_start3A, %dma_start3A_31] : memref<2x10000x128xf32, #tpu.memory_space<hbm>> -> memref<1x400x128xf32, #tpu.memory_space<hbm>>
          %dma_start3A_33 = tpu.memref_squeeze %dma_start3A_32 : memref<1x400x128xf32, #tpu.memory_space<hbm>> -> memref<400x128xf32, #tpu.memory_space<hbm>>
          %dma_start3A_34 = arith.constant 9600 : i32
          %dma_start3A_35 = arith.constant 0 : i32
          %dma_start3A_36 = tpu.memref_slice %arg7[%dma_start3A_34, %dma_start3A_35] : memref<10000x128xf32, #tpu.memory_space<vmem_shared>> -> memref<400x128xf32, #tpu.memory_space<vmem_shared>>
          tpu.enqueue_dma source(%dma_start3A_36 : memref<400x128xf32, #tpu.memory_space<vmem_shared>>) target(%dma_start3A_33 : memref<400x128xf32, #tpu.memory_space<hbm>>) target_semaphore(%run_scoped3A : memref<!tpu.dma_semaphore, #tpu.memory_space<semaphore_mem>>)
          %dma_wait3A = arith.constant 9600 : i32
          %dma_wait3A_37 = arith.constant 0 : i32
          %dma_wait3A_38 = tpu.memref_slice %arg6[%arg0, %dma_wait3A, %dma_wait3A_37] : memref<2x10000x128xf32, #tpu.memory_space<hbm>> -> memref<1x400x128xf32, #tpu.memory_space<hbm>>
          %dma_wait3A_39 = tpu.memref_squeeze %dma_wait3A_38 : memref<1x400x128xf32, #tpu.memory_space<hbm>> -> memref<400x128xf32, #tpu.memory_space<hbm>>
          %dma_wait3A_40 = arith.constant 9600 : i32
          %dma_wait3A_41 = arith.constant 0 : i32
          %dma_wait3A_42 = tpu.memref_slice %arg7[%dma_wait3A_40, %dma_wait3A_41] : memref<10000x128xf32, #tpu.memory_space<vmem_shared>> -> memref<400x128xf32, #tpu.memory_space<vmem_shared>>
          tpu.wait_dma2 semaphore(%run_scoped3A : memref<!tpu.dma_semaphore, #tpu.memory_space<semaphore_mem>>) src(%dma_wait3A_42 : memref<400x128xf32, #tpu.memory_space<vmem_shared>>) dst(%dma_wait3A_39 : memref<400x128xf32, #tpu.memory_space<hbm>>)
          tpu.yield
        }) : () -> ()
      } else {
      }
    } else {
    }
    return
  }
}

#map = affine_map<(d0, d1) -> (0, 0)>
#map1 = affine_map<(d0, d1) -> (0)>
#map2 = affine_map<(d0, d1) -> (0, 0, 0)>
module attributes {stable_mosaic.version = 14 : i64} {
  func.func @_agg_kernel(%arg0: i32, %arg1: i32, %arg2: memref<10000x128xf32, #tpu.memory_space<hbm>>, %arg3: memref<10000x128xf32, #tpu.memory_space<hbm>>, %arg4: memref<320000xi32, #tpu.memory_space<hbm>>, %arg5: memref<320000xi32, #tpu.memory_space<hbm>>, %arg6: memref<2x10000x128xf32, #tpu.memory_space<hbm>>, %arg7: memref<10000x128xf32, #tpu.memory_space<vmem_shared>>, %arg8: memref<128xi32, #tpu.memory_space<vmem>>, %arg9: memref<128xi32, #tpu.memory_space<vmem>>, %arg10: memref<128x128xf32, #tpu.memory_space<vmem>>, %arg11: memref<!tpu.dma_semaphore, #tpu.memory_space<semaphore_mem>>) attributes {dimension_semantics = [#tpu.dimension_semantics<core_parallel>, #tpu.dimension_semantics<subcore_parallel>], iteration_bounds = array<i64: 2, 16>, scalar_prefetch = 0 : i64, scratch_operands = 5 : i64, tpu.core_type = #tpu.core_type<sc_vector_subcore>, window_params = [{transform_indices = #map}, {transform_indices = #map}, {transform_indices = #map1}, {transform_indices = #map1}, {transform_indices = #map2}]} {
    %eq3A = arith.constant 0 : i32
    %eq3A_0 = arith.cmpi eq, %arg0, %eq3A : i32
    %convert_element_type3A = arith.extui %eq3A_0 : i1 to i32
    %cond3A = arith.constant 0 : i32
    %cond3A_1 = arith.cmpi ne, %convert_element_type3A, %cond3A : i32
    scf.if %cond3A_1 {
      %lt3A = arith.constant 15 : i32
      %lt3A_7 = arith.cmpi slt, %arg1, %lt3A : i32
      %convert_element_type3A_8 = arith.extui %lt3A_7 : i1 to i32
      %cond3A_9 = arith.constant 0 : i32
      %cond3A_10 = arith.cmpi ne, %convert_element_type3A_8, %cond3A_9 : i32
      scf.if %cond3A_10 {
        %mul3A = arith.constant 640 : i32
        %mul3A_31 = arith.muli %arg1, %mul3A : i32
        "tpu.region"() ({
          %run_scoped3A = tpu.sem_alloc : memref<!tpu.dma_semaphore, #tpu.memory_space<semaphore_mem>>
          %dma_start3A = arith.constant 0 : i32
          %dma_start3A_32 = tpu.memref_slice %arg7[%mul3A_31, %dma_start3A] : memref<10000x128xf32, #tpu.memory_space<vmem_shared>> -> memref<640x128xf32, #tpu.memory_space<vmem_shared>>
          %dma_start3A_33 = arith.constant 0 : i32
          %dma_start3A_34 = tpu.memref_slice %arg2[%mul3A_31, %dma_start3A_33] : memref<10000x128xf32, #tpu.memory_space<hbm>> -> memref<640x128xf32, #tpu.memory_space<hbm>>
          tpu.enqueue_dma source(%dma_start3A_34 : memref<640x128xf32, #tpu.memory_space<hbm>>) target(%dma_start3A_32 : memref<640x128xf32, #tpu.memory_space<vmem_shared>>) target_semaphore(%run_scoped3A : memref<!tpu.dma_semaphore, #tpu.memory_space<semaphore_mem>>)
          %dma_wait3A = arith.constant 0 : i32
          %dma_wait3A_35 = tpu.memref_slice %arg7[%mul3A_31, %dma_wait3A] : memref<10000x128xf32, #tpu.memory_space<vmem_shared>> -> memref<640x128xf32, #tpu.memory_space<vmem_shared>>
          %dma_wait3A_36 = arith.constant 0 : i32
          %dma_wait3A_37 = tpu.memref_slice %arg2[%mul3A_31, %dma_wait3A_36] : memref<10000x128xf32, #tpu.memory_space<hbm>> -> memref<640x128xf32, #tpu.memory_space<hbm>>
          tpu.wait_dma2 semaphore(%run_scoped3A : memref<!tpu.dma_semaphore, #tpu.memory_space<semaphore_mem>>) src(%dma_wait3A_37 : memref<640x128xf32, #tpu.memory_space<hbm>>) dst(%dma_wait3A_35 : memref<640x128xf32, #tpu.memory_space<vmem_shared>>)
          tpu.yield
        }) : () -> ()
      } else {
      }
      %eq3A_11 = arith.constant 15 : i32
      %eq3A_12 = arith.cmpi eq, %arg1, %eq3A_11 : i32
      %convert_element_type3A_13 = arith.extui %eq3A_12 : i1 to i32
      %cond3A_14 = arith.constant 0 : i32
      %cond3A_15 = arith.cmpi ne, %convert_element_type3A_13, %cond3A_14 : i32
      scf.if %cond3A_15 {
        "tpu.region"() ({
          %run_scoped3A = tpu.sem_alloc : memref<!tpu.dma_semaphore, #tpu.memory_space<semaphore_mem>>
          %dma_start3A = arith.constant 9600 : i32
          %dma_start3A_31 = arith.constant 0 : i32
          %dma_start3A_32 = tpu.memref_slice %arg7[%dma_start3A, %dma_start3A_31] : memref<10000x128xf32, #tpu.memory_space<vmem_shared>> -> memref<400x128xf32, #tpu.memory_space<vmem_shared>>
          %dma_start3A_33 = arith.constant 9600 : i32
          %dma_start3A_34 = arith.constant 0 : i32
          %dma_start3A_35 = tpu.memref_slice %arg2[%dma_start3A_33, %dma_start3A_34] : memref<10000x128xf32, #tpu.memory_space<hbm>> -> memref<400x128xf32, #tpu.memory_space<hbm>>
          tpu.enqueue_dma source(%dma_start3A_35 : memref<400x128xf32, #tpu.memory_space<hbm>>) target(%dma_start3A_32 : memref<400x128xf32, #tpu.memory_space<vmem_shared>>) target_semaphore(%run_scoped3A : memref<!tpu.dma_semaphore, #tpu.memory_space<semaphore_mem>>)
          %dma_wait3A = arith.constant 9600 : i32
          %dma_wait3A_36 = arith.constant 0 : i32
          %dma_wait3A_37 = tpu.memref_slice %arg7[%dma_wait3A, %dma_wait3A_36] : memref<10000x128xf32, #tpu.memory_space<vmem_shared>> -> memref<400x128xf32, #tpu.memory_space<vmem_shared>>
          %dma_wait3A_38 = arith.constant 9600 : i32
          %dma_wait3A_39 = arith.constant 0 : i32
          %dma_wait3A_40 = tpu.memref_slice %arg2[%dma_wait3A_38, %dma_wait3A_39] : memref<10000x128xf32, #tpu.memory_space<hbm>> -> memref<400x128xf32, #tpu.memory_space<hbm>>
          tpu.wait_dma2 semaphore(%run_scoped3A : memref<!tpu.dma_semaphore, #tpu.memory_space<semaphore_mem>>) src(%dma_wait3A_40 : memref<400x128xf32, #tpu.memory_space<hbm>>) dst(%dma_wait3A_37 : memref<400x128xf32, #tpu.memory_space<vmem_shared>>)
          tpu.yield
        }) : () -> ()
      } else {
      }
      %barrier3A = arith.constant 0 : index
      tpu.barrier barrier_id(%barrier3A)
      %scan3A = arith.constant 0 : i32
      %scan3A_16 = arith.constant 157 : i32
      %scan3A_17 = arith.addi %scan3A, %scan3A_16 : i32
      %scan3A_18 = arith.constant 1 : i32
      scf.for %scan3A_31 = %scan3A to %scan3A_17 step %scan3A_18  : i32 {
        %mul3A = arith.constant 16 : i32
        %mul3A_32 = arith.muli %scan3A_31, %mul3A : i32
        %add3A = arith.addi %arg1, %mul3A_32 : i32
        %lt3A_33 = arith.constant 2500 : i32
        %lt3A_34 = arith.cmpi slt, %add3A, %lt3A_33 : i32
        %convert_element_type3A_35 = arith.extui %lt3A_34 : i1 to i32
        %cond3A_36 = arith.constant 0 : i32
        %cond3A_37 = arith.cmpi ne, %convert_element_type3A_35, %cond3A_36 : i32
        scf.if %cond3A_37 {
          %mul3A_38 = arith.constant 128 : i32
          %mul3A_39 = arith.muli %add3A, %mul3A_38 : i32
          "tpu.region"() ({
            %run_scoped3A = tpu.sem_alloc : memref<!tpu.dma_semaphore, #tpu.memory_space<semaphore_mem>>
            %dma_start3A_46 = tpu.memref_slice %arg4[%mul3A_39] : memref<320000xi32, #tpu.memory_space<hbm>> -> memref<128xi32, #tpu.memory_space<hbm>>
            %dma_start3A_47 = tpu.memref_slice %arg4[%mul3A_39] : memref<320000xi32, #tpu.memory_space<hbm>> -> memref<128xi32, #tpu.memory_space<hbm>>
            tpu.enqueue_dma source(%dma_start3A_47 : memref<128xi32, #tpu.memory_space<hbm>>) target(%arg8 : memref<128xi32, #tpu.memory_space<vmem>>) target_semaphore(%run_scoped3A : memref<!tpu.dma_semaphore, #tpu.memory_space<semaphore_mem>>)
            %dma_wait3A_48 = tpu.memref_slice %arg4[%mul3A_39] : memref<320000xi32, #tpu.memory_space<hbm>> -> memref<128xi32, #tpu.memory_space<hbm>>
            %dma_wait3A_49 = tpu.memref_slice %arg4[%mul3A_39] : memref<320000xi32, #tpu.memory_space<hbm>> -> memref<128xi32, #tpu.memory_space<hbm>>
            tpu.wait_dma2 semaphore(%run_scoped3A : memref<!tpu.dma_semaphore, #tpu.memory_space<semaphore_mem>>) src(%dma_wait3A_49 : memref<128xi32, #tpu.memory_space<hbm>>) dst(%arg8 : memref<128xi32, #tpu.memory_space<vmem>>)
            tpu.yield
          }) : () -> ()
          %mul3A_40 = arith.constant 128 : i32
          %mul3A_41 = arith.muli %add3A, %mul3A_40 : i32
          "tpu.region"() ({
            %run_scoped3A = tpu.sem_alloc : memref<!tpu.dma_semaphore, #tpu.memory_space<semaphore_mem>>
            %dma_start3A_46 = tpu.memref_slice %arg5[%mul3A_41] : memref<320000xi32, #tpu.memory_space<hbm>> -> memref<128xi32, #tpu.memory_space<hbm>>
            %dma_start3A_47 = tpu.memref_slice %arg5[%mul3A_41] : memref<320000xi32, #tpu.memory_space<hbm>> -> memref<128xi32, #tpu.memory_space<hbm>>
            tpu.enqueue_dma source(%dma_start3A_47 : memref<128xi32, #tpu.memory_space<hbm>>) target(%arg9 : memref<128xi32, #tpu.memory_space<vmem>>) target_semaphore(%run_scoped3A : memref<!tpu.dma_semaphore, #tpu.memory_space<semaphore_mem>>)
            %dma_wait3A_48 = tpu.memref_slice %arg5[%mul3A_41] : memref<320000xi32, #tpu.memory_space<hbm>> -> memref<128xi32, #tpu.memory_space<hbm>>
            %dma_wait3A_49 = tpu.memref_slice %arg5[%mul3A_41] : memref<320000xi32, #tpu.memory_space<hbm>> -> memref<128xi32, #tpu.memory_space<hbm>>
            tpu.wait_dma2 semaphore(%run_scoped3A : memref<!tpu.dma_semaphore, #tpu.memory_space<semaphore_mem>>) src(%dma_wait3A_49 : memref<128xi32, #tpu.memory_space<hbm>>) dst(%arg9 : memref<128xi32, #tpu.memory_space<vmem>>)
            tpu.yield
          }) : () -> ()
          %dma_start3A = arith.constant 0 : i32
          %dma_start3A_42 = arith.constant 0 : i32
          %dma_start3A_43 = tpu.memref_slice %arg2[%dma_start3A, %dma_start3A_42] : memref<10000x128xf32, #tpu.memory_space<hbm>> -> memref<10000x128xf32, #tpu.memory_space<hbm>>
          tpu.enqueue_indirect_dma source(%dma_start3A_43 : memref<10000x128xf32, #tpu.memory_space<hbm>>) target(%arg10 : memref<128x128xf32, #tpu.memory_space<vmem>>) offsets(%arg8 : memref<128xi32, #tpu.memory_space<vmem>>) semaphore(%arg11 : memref<!tpu.dma_semaphore, #tpu.memory_space<semaphore_mem>>)
          %dma_wait3A = arith.constant 0 : i32
          %dma_wait3A_44 = arith.constant 0 : i32
          %dma_wait3A_45 = tpu.memref_slice %arg2[%dma_wait3A, %dma_wait3A_44] : memref<10000x128xf32, #tpu.memory_space<hbm>> -> memref<10000x128xf32, #tpu.memory_space<hbm>>
          tpu.wait_indirect_dma semaphore(%arg11 : memref<!tpu.dma_semaphore, #tpu.memory_space<semaphore_mem>>) src(%dma_wait3A_45 : memref<10000x128xf32, #tpu.memory_space<hbm>>) dst(%arg10 : memref<128x128xf32, #tpu.memory_space<vmem>>)
          "tpu.region"() ({
            %run_scoped3A = tpu.sem_alloc : memref<!tpu.dma_semaphore, #tpu.memory_space<semaphore_mem>>
            %dma_start3A_46 = arith.constant 0 : i32
            %dma_start3A_47 = arith.constant 0 : i32
            %dma_start3A_48 = tpu.memref_slice %arg7[%dma_start3A_46, %dma_start3A_47] : memref<10000x128xf32, #tpu.memory_space<vmem_shared>> -> memref<10000x128xf32, #tpu.memory_space<vmem_shared>>
            tpu.enqueue_indirect_dma source(%arg10 : memref<128x128xf32, #tpu.memory_space<vmem>>) target(%dma_start3A_48 : memref<10000x128xf32, #tpu.memory_space<vmem_shared>>) offsets(%arg9 : memref<128xi32, #tpu.memory_space<vmem>>) semaphore(%run_scoped3A : memref<!tpu.dma_semaphore, #tpu.memory_space<semaphore_mem>>) {add = true}
            %dma_wait3A_49 = arith.constant 0 : i32
            %dma_wait3A_50 = arith.constant 0 : i32
            %dma_wait3A_51 = tpu.memref_slice %arg7[%dma_wait3A_49, %dma_wait3A_50] : memref<10000x128xf32, #tpu.memory_space<vmem_shared>> -> memref<10000x128xf32, #tpu.memory_space<vmem_shared>>
            tpu.wait_indirect_dma semaphore(%run_scoped3A : memref<!tpu.dma_semaphore, #tpu.memory_space<semaphore_mem>>) src(%arg10 : memref<128x128xf32, #tpu.memory_space<vmem>>) dst(%dma_wait3A_51 : memref<10000x128xf32, #tpu.memory_space<vmem_shared>>)
            tpu.yield
          }) : () -> ()
        } else {
        }
      }
      %scan3A_19 = arith.constant 157 : i32
      %barrier3A_20 = arith.constant 0 : index
      tpu.barrier barrier_id(%barrier3A_20)
      %lt3A_21 = arith.constant 15 : i32
      %lt3A_22 = arith.cmpi slt, %arg1, %lt3A_21 : i32
      %convert_element_type3A_23 = arith.extui %lt3A_22 : i1 to i32
      %cond3A_24 = arith.constant 0 : i32
      %cond3A_25 = arith.cmpi ne, %convert_element_type3A_23, %cond3A_24 : i32
      scf.if %cond3A_25 {
        %mul3A = arith.constant 640 : i32
        %mul3A_31 = arith.muli %arg1, %mul3A : i32
        "tpu.region"() ({
          %run_scoped3A = tpu.sem_alloc : memref<!tpu.dma_semaphore, #tpu.memory_space<semaphore_mem>>
          %dma_start3A = arith.constant 0 : i32
          %dma_start3A_32 = tpu.memref_slice %arg6[%arg0, %mul3A_31, %dma_start3A] : memref<2x10000x128xf32, #tpu.memory_space<hbm>> -> memref<1x640x128xf32, #tpu.memory_space<hbm>>
          %dma_start3A_33 = tpu.memref_squeeze %dma_start3A_32 : memref<1x640x128xf32, #tpu.memory_space<hbm>> -> memref<640x128xf32, #tpu.memory_space<hbm>>
          %dma_start3A_34 = arith.constant 0 : i32
          %dma_start3A_35 = tpu.memref_slice %arg7[%mul3A_31, %dma_start3A_34] : memref<10000x128xf32, #tpu.memory_space<vmem_shared>> -> memref<640x128xf32, #tpu.memory_space<vmem_shared>>
          tpu.enqueue_dma source(%dma_start3A_35 : memref<640x128xf32, #tpu.memory_space<vmem_shared>>) target(%dma_start3A_33 : memref<640x128xf32, #tpu.memory_space<hbm>>) target_semaphore(%run_scoped3A : memref<!tpu.dma_semaphore, #tpu.memory_space<semaphore_mem>>)
          %dma_wait3A = arith.constant 0 : i32
          %dma_wait3A_36 = tpu.memref_slice %arg6[%arg0, %mul3A_31, %dma_wait3A] : memref<2x10000x128xf32, #tpu.memory_space<hbm>> -> memref<1x640x128xf32, #tpu.memory_space<hbm>>
          %dma_wait3A_37 = tpu.memref_squeeze %dma_wait3A_36 : memref<1x640x128xf32, #tpu.memory_space<hbm>> -> memref<640x128xf32, #tpu.memory_space<hbm>>
          %dma_wait3A_38 = arith.constant 0 : i32
          %dma_wait3A_39 = tpu.memref_slice %arg7[%mul3A_31, %dma_wait3A_38] : memref<10000x128xf32, #tpu.memory_space<vmem_shared>> -> memref<640x128xf32, #tpu.memory_space<vmem_shared>>
          tpu.wait_dma2 semaphore(%run_scoped3A : memref<!tpu.dma_semaphore, #tpu.memory_space<semaphore_mem>>) src(%dma_wait3A_39 : memref<640x128xf32, #tpu.memory_space<vmem_shared>>) dst(%dma_wait3A_37 : memref<640x128xf32, #tpu.memory_space<hbm>>)
          tpu.yield
        }) : () -> ()
      } else {
      }
      %eq3A_26 = arith.constant 15 : i32
      %eq3A_27 = arith.cmpi eq, %arg1, %eq3A_26 : i32
      %convert_element_type3A_28 = arith.extui %eq3A_27 : i1 to i32
      %cond3A_29 = arith.constant 0 : i32
      %cond3A_30 = arith.cmpi ne, %convert_element_type3A_28, %cond3A_29 : i32
      scf.if %cond3A_30 {
        "tpu.region"() ({
          %run_scoped3A = tpu.sem_alloc : memref<!tpu.dma_semaphore, #tpu.memory_space<semaphore_mem>>
          %dma_start3A = arith.constant 9600 : i32
          %dma_start3A_31 = arith.constant 0 : i32
          %dma_start3A_32 = tpu.memref_slice %arg6[%arg0, %dma_start3A, %dma_start3A_31] : memref<2x10000x128xf32, #tpu.memory_space<hbm>> -> memref<1x400x128xf32, #tpu.memory_space<hbm>>
          %dma_start3A_33 = tpu.memref_squeeze %dma_start3A_32 : memref<1x400x128xf32, #tpu.memory_space<hbm>> -> memref<400x128xf32, #tpu.memory_space<hbm>>
          %dma_start3A_34 = arith.constant 9600 : i32
          %dma_start3A_35 = arith.constant 0 : i32
          %dma_start3A_36 = tpu.memref_slice %arg7[%dma_start3A_34, %dma_start3A_35] : memref<10000x128xf32, #tpu.memory_space<vmem_shared>> -> memref<400x128xf32, #tpu.memory_space<vmem_shared>>
          tpu.enqueue_dma source(%dma_start3A_36 : memref<400x128xf32, #tpu.memory_space<vmem_shared>>) target(%dma_start3A_33 : memref<400x128xf32, #tpu.memory_space<hbm>>) target_semaphore(%run_scoped3A : memref<!tpu.dma_semaphore, #tpu.memory_space<semaphore_mem>>)
          %dma_wait3A = arith.constant 9600 : i32
          %dma_wait3A_37 = arith.constant 0 : i32
          %dma_wait3A_38 = tpu.memref_slice %arg6[%arg0, %dma_wait3A, %dma_wait3A_37] : memref<2x10000x128xf32, #tpu.memory_space<hbm>> -> memref<1x400x128xf32, #tpu.memory_space<hbm>>
          %dma_wait3A_39 = tpu.memref_squeeze %dma_wait3A_38 : memref<1x400x128xf32, #tpu.memory_space<hbm>> -> memref<400x128xf32, #tpu.memory_space<hbm>>
          %dma_wait3A_40 = arith.constant 9600 : i32
          %dma_wait3A_41 = arith.constant 0 : i32
          %dma_wait3A_42 = tpu.memref_slice %arg7[%dma_wait3A_40, %dma_wait3A_41] : memref<10000x128xf32, #tpu.memory_space<vmem_shared>> -> memref<400x128xf32, #tpu.memory_space<vmem_shared>>
          tpu.wait_dma2 semaphore(%run_scoped3A : memref<!tpu.dma_semaphore, #tpu.memory_space<semaphore_mem>>) src(%dma_wait3A_42 : memref<400x128xf32, #tpu.memory_space<vmem_shared>>) dst(%dma_wait3A_39 : memref<400x128xf32, #tpu.memory_space<hbm>>)
          tpu.yield
        }) : () -> ()
      } else {
      }
    } else {
    }
    %eq3A_2 = arith.constant 1 : i32
    %eq3A_3 = arith.cmpi eq, %arg0, %eq3A_2 : i32
    %convert_element_type3A_4 = arith.extui %eq3A_3 : i1 to i32
    %cond3A_5 = arith.constant 0 : i32
    %cond3A_6 = arith.cmpi ne, %convert_element_type3A_4, %cond3A_5 : i32
    scf.if %cond3A_6 {
      %lt3A = arith.constant 15 : i32
      %lt3A_7 = arith.cmpi slt, %arg1, %lt3A : i32
      %convert_element_type3A_8 = arith.extui %lt3A_7 : i1 to i32
      %cond3A_9 = arith.constant 0 : i32
      %cond3A_10 = arith.cmpi ne, %convert_element_type3A_8, %cond3A_9 : i32
      scf.if %cond3A_10 {
        %mul3A = arith.constant 640 : i32
        %mul3A_31 = arith.muli %arg1, %mul3A : i32
        "tpu.region"() ({
          %run_scoped3A = tpu.sem_alloc : memref<!tpu.dma_semaphore, #tpu.memory_space<semaphore_mem>>
          %dma_start3A = arith.constant 0 : i32
          %dma_start3A_32 = tpu.memref_slice %arg7[%mul3A_31, %dma_start3A] : memref<10000x128xf32, #tpu.memory_space<vmem_shared>> -> memref<640x128xf32, #tpu.memory_space<vmem_shared>>
          %dma_start3A_33 = arith.constant 0 : i32
          %dma_start3A_34 = tpu.memref_slice %arg3[%mul3A_31, %dma_start3A_33] : memref<10000x128xf32, #tpu.memory_space<hbm>> -> memref<640x128xf32, #tpu.memory_space<hbm>>
          tpu.enqueue_dma source(%dma_start3A_34 : memref<640x128xf32, #tpu.memory_space<hbm>>) target(%dma_start3A_32 : memref<640x128xf32, #tpu.memory_space<vmem_shared>>) target_semaphore(%run_scoped3A : memref<!tpu.dma_semaphore, #tpu.memory_space<semaphore_mem>>)
          %dma_wait3A = arith.constant 0 : i32
          %dma_wait3A_35 = tpu.memref_slice %arg7[%mul3A_31, %dma_wait3A] : memref<10000x128xf32, #tpu.memory_space<vmem_shared>> -> memref<640x128xf32, #tpu.memory_space<vmem_shared>>
          %dma_wait3A_36 = arith.constant 0 : i32
          %dma_wait3A_37 = tpu.memref_slice %arg3[%mul3A_31, %dma_wait3A_36] : memref<10000x128xf32, #tpu.memory_space<hbm>> -> memref<640x128xf32, #tpu.memory_space<hbm>>
          tpu.wait_dma2 semaphore(%run_scoped3A : memref<!tpu.dma_semaphore, #tpu.memory_space<semaphore_mem>>) src(%dma_wait3A_37 : memref<640x128xf32, #tpu.memory_space<hbm>>) dst(%dma_wait3A_35 : memref<640x128xf32, #tpu.memory_space<vmem_shared>>)
          tpu.yield
        }) : () -> ()
      } else {
      }
      %eq3A_11 = arith.constant 15 : i32
      %eq3A_12 = arith.cmpi eq, %arg1, %eq3A_11 : i32
      %convert_element_type3A_13 = arith.extui %eq3A_12 : i1 to i32
      %cond3A_14 = arith.constant 0 : i32
      %cond3A_15 = arith.cmpi ne, %convert_element_type3A_13, %cond3A_14 : i32
      scf.if %cond3A_15 {
        "tpu.region"() ({
          %run_scoped3A = tpu.sem_alloc : memref<!tpu.dma_semaphore, #tpu.memory_space<semaphore_mem>>
          %dma_start3A = arith.constant 9600 : i32
          %dma_start3A_31 = arith.constant 0 : i32
          %dma_start3A_32 = tpu.memref_slice %arg7[%dma_start3A, %dma_start3A_31] : memref<10000x128xf32, #tpu.memory_space<vmem_shared>> -> memref<400x128xf32, #tpu.memory_space<vmem_shared>>
          %dma_start3A_33 = arith.constant 9600 : i32
          %dma_start3A_34 = arith.constant 0 : i32
          %dma_start3A_35 = tpu.memref_slice %arg3[%dma_start3A_33, %dma_start3A_34] : memref<10000x128xf32, #tpu.memory_space<hbm>> -> memref<400x128xf32, #tpu.memory_space<hbm>>
          tpu.enqueue_dma source(%dma_start3A_35 : memref<400x128xf32, #tpu.memory_space<hbm>>) target(%dma_start3A_32 : memref<400x128xf32, #tpu.memory_space<vmem_shared>>) target_semaphore(%run_scoped3A : memref<!tpu.dma_semaphore, #tpu.memory_space<semaphore_mem>>)
          %dma_wait3A = arith.constant 9600 : i32
          %dma_wait3A_36 = arith.constant 0 : i32
          %dma_wait3A_37 = tpu.memref_slice %arg7[%dma_wait3A, %dma_wait3A_36] : memref<10000x128xf32, #tpu.memory_space<vmem_shared>> -> memref<400x128xf32, #tpu.memory_space<vmem_shared>>
          %dma_wait3A_38 = arith.constant 9600 : i32
          %dma_wait3A_39 = arith.constant 0 : i32
          %dma_wait3A_40 = tpu.memref_slice %arg3[%dma_wait3A_38, %dma_wait3A_39] : memref<10000x128xf32, #tpu.memory_space<hbm>> -> memref<400x128xf32, #tpu.memory_space<hbm>>
          tpu.wait_dma2 semaphore(%run_scoped3A : memref<!tpu.dma_semaphore, #tpu.memory_space<semaphore_mem>>) src(%dma_wait3A_40 : memref<400x128xf32, #tpu.memory_space<hbm>>) dst(%dma_wait3A_37 : memref<400x128xf32, #tpu.memory_space<vmem_shared>>)
          tpu.yield
        }) : () -> ()
      } else {
      }
      %barrier3A = arith.constant 0 : index
      tpu.barrier barrier_id(%barrier3A)
      %scan3A = arith.constant 0 : i32
      %scan3A_16 = arith.constant 157 : i32
      %scan3A_17 = arith.addi %scan3A, %scan3A_16 : i32
      %scan3A_18 = arith.constant 1 : i32
      scf.for %scan3A_31 = %scan3A to %scan3A_17 step %scan3A_18  : i32 {
        %mul3A = arith.constant 16 : i32
        %mul3A_32 = arith.muli %scan3A_31, %mul3A : i32
        %add3A = arith.addi %arg1, %mul3A_32 : i32
        %lt3A_33 = arith.constant 2500 : i32
        %lt3A_34 = arith.cmpi slt, %add3A, %lt3A_33 : i32
        %convert_element_type3A_35 = arith.extui %lt3A_34 : i1 to i32
        %cond3A_36 = arith.constant 0 : i32
        %cond3A_37 = arith.cmpi ne, %convert_element_type3A_35, %cond3A_36 : i32
        scf.if %cond3A_37 {
          %mul3A_38 = arith.constant 128 : i32
          %mul3A_39 = arith.muli %add3A, %mul3A_38 : i32
          "tpu.region"() ({
            %run_scoped3A = tpu.sem_alloc : memref<!tpu.dma_semaphore, #tpu.memory_space<semaphore_mem>>
            %dma_start3A_46 = tpu.memref_slice %arg4[%mul3A_39] : memref<320000xi32, #tpu.memory_space<hbm>> -> memref<128xi32, #tpu.memory_space<hbm>>
            %dma_start3A_47 = tpu.memref_slice %arg4[%mul3A_39] : memref<320000xi32, #tpu.memory_space<hbm>> -> memref<128xi32, #tpu.memory_space<hbm>>
            tpu.enqueue_dma source(%dma_start3A_47 : memref<128xi32, #tpu.memory_space<hbm>>) target(%arg8 : memref<128xi32, #tpu.memory_space<vmem>>) target_semaphore(%run_scoped3A : memref<!tpu.dma_semaphore, #tpu.memory_space<semaphore_mem>>)
            %dma_wait3A_48 = tpu.memref_slice %arg4[%mul3A_39] : memref<320000xi32, #tpu.memory_space<hbm>> -> memref<128xi32, #tpu.memory_space<hbm>>
            %dma_wait3A_49 = tpu.memref_slice %arg4[%mul3A_39] : memref<320000xi32, #tpu.memory_space<hbm>> -> memref<128xi32, #tpu.memory_space<hbm>>
            tpu.wait_dma2 semaphore(%run_scoped3A : memref<!tpu.dma_semaphore, #tpu.memory_space<semaphore_mem>>) src(%dma_wait3A_49 : memref<128xi32, #tpu.memory_space<hbm>>) dst(%arg8 : memref<128xi32, #tpu.memory_space<vmem>>)
            tpu.yield
          }) : () -> ()
          %mul3A_40 = arith.constant 128 : i32
          %mul3A_41 = arith.muli %add3A, %mul3A_40 : i32
          "tpu.region"() ({
            %run_scoped3A = tpu.sem_alloc : memref<!tpu.dma_semaphore, #tpu.memory_space<semaphore_mem>>
            %dma_start3A_46 = tpu.memref_slice %arg5[%mul3A_41] : memref<320000xi32, #tpu.memory_space<hbm>> -> memref<128xi32, #tpu.memory_space<hbm>>
            %dma_start3A_47 = tpu.memref_slice %arg5[%mul3A_41] : memref<320000xi32, #tpu.memory_space<hbm>> -> memref<128xi32, #tpu.memory_space<hbm>>
            tpu.enqueue_dma source(%dma_start3A_47 : memref<128xi32, #tpu.memory_space<hbm>>) target(%arg9 : memref<128xi32, #tpu.memory_space<vmem>>) target_semaphore(%run_scoped3A : memref<!tpu.dma_semaphore, #tpu.memory_space<semaphore_mem>>)
            %dma_wait3A_48 = tpu.memref_slice %arg5[%mul3A_41] : memref<320000xi32, #tpu.memory_space<hbm>> -> memref<128xi32, #tpu.memory_space<hbm>>
            %dma_wait3A_49 = tpu.memref_slice %arg5[%mul3A_41] : memref<320000xi32, #tpu.memory_space<hbm>> -> memref<128xi32, #tpu.memory_space<hbm>>
            tpu.wait_dma2 semaphore(%run_scoped3A : memref<!tpu.dma_semaphore, #tpu.memory_space<semaphore_mem>>) src(%dma_wait3A_49 : memref<128xi32, #tpu.memory_space<hbm>>) dst(%arg9 : memref<128xi32, #tpu.memory_space<vmem>>)
            tpu.yield
          }) : () -> ()
          %dma_start3A = arith.constant 0 : i32
          %dma_start3A_42 = arith.constant 0 : i32
          %dma_start3A_43 = tpu.memref_slice %arg3[%dma_start3A, %dma_start3A_42] : memref<10000x128xf32, #tpu.memory_space<hbm>> -> memref<10000x128xf32, #tpu.memory_space<hbm>>
          tpu.enqueue_indirect_dma source(%dma_start3A_43 : memref<10000x128xf32, #tpu.memory_space<hbm>>) target(%arg10 : memref<128x128xf32, #tpu.memory_space<vmem>>) offsets(%arg8 : memref<128xi32, #tpu.memory_space<vmem>>) semaphore(%arg11 : memref<!tpu.dma_semaphore, #tpu.memory_space<semaphore_mem>>)
          %dma_wait3A = arith.constant 0 : i32
          %dma_wait3A_44 = arith.constant 0 : i32
          %dma_wait3A_45 = tpu.memref_slice %arg3[%dma_wait3A, %dma_wait3A_44] : memref<10000x128xf32, #tpu.memory_space<hbm>> -> memref<10000x128xf32, #tpu.memory_space<hbm>>
          tpu.wait_indirect_dma semaphore(%arg11 : memref<!tpu.dma_semaphore, #tpu.memory_space<semaphore_mem>>) src(%dma_wait3A_45 : memref<10000x128xf32, #tpu.memory_space<hbm>>) dst(%arg10 : memref<128x128xf32, #tpu.memory_space<vmem>>)
          "tpu.region"() ({
            %run_scoped3A = tpu.sem_alloc : memref<!tpu.dma_semaphore, #tpu.memory_space<semaphore_mem>>
            %dma_start3A_46 = arith.constant 0 : i32
            %dma_start3A_47 = arith.constant 0 : i32
            %dma_start3A_48 = tpu.memref_slice %arg7[%dma_start3A_46, %dma_start3A_47] : memref<10000x128xf32, #tpu.memory_space<vmem_shared>> -> memref<10000x128xf32, #tpu.memory_space<vmem_shared>>
            tpu.enqueue_indirect_dma source(%arg10 : memref<128x128xf32, #tpu.memory_space<vmem>>) target(%dma_start3A_48 : memref<10000x128xf32, #tpu.memory_space<vmem_shared>>) offsets(%arg9 : memref<128xi32, #tpu.memory_space<vmem>>) semaphore(%run_scoped3A : memref<!tpu.dma_semaphore, #tpu.memory_space<semaphore_mem>>) {add = true}
            %dma_wait3A_49 = arith.constant 0 : i32
            %dma_wait3A_50 = arith.constant 0 : i32
            %dma_wait3A_51 = tpu.memref_slice %arg7[%dma_wait3A_49, %dma_wait3A_50] : memref<10000x128xf32, #tpu.memory_space<vmem_shared>> -> memref<10000x128xf32, #tpu.memory_space<vmem_shared>>
            tpu.wait_indirect_dma semaphore(%run_scoped3A : memref<!tpu.dma_semaphore, #tpu.memory_space<semaphore_mem>>) src(%arg10 : memref<128x128xf32, #tpu.memory_space<vmem>>) dst(%dma_wait3A_51 : memref<10000x128xf32, #tpu.memory_space<vmem_shared>>)
            tpu.yield
          }) : () -> ()
        } else {
        }
      }
      %scan3A_19 = arith.constant 157 : i32
      %barrier3A_20 = arith.constant 0 : index
      tpu.barrier barrier_id(%barrier3A_20)
      %lt3A_21 = arith.constant 15 : i32
      %lt3A_22 = arith.cmpi slt, %arg1, %lt3A_21 : i32
      %convert_element_type3A_23 = arith.extui %lt3A_22 : i1 to i32
      %cond3A_24 = arith.constant 0 : i32
      %cond3A_25 = arith.cmpi ne, %convert_element_type3A_23, %cond3A_24 : i32
      scf.if %cond3A_25 {
        %mul3A = arith.constant 640 : i32
        %mul3A_31 = arith.muli %arg1, %mul3A : i32
        "tpu.region"() ({
          %run_scoped3A = tpu.sem_alloc : memref<!tpu.dma_semaphore, #tpu.memory_space<semaphore_mem>>
          %dma_start3A = arith.constant 0 : i32
          %dma_start3A_32 = tpu.memref_slice %arg6[%arg0, %mul3A_31, %dma_start3A] : memref<2x10000x128xf32, #tpu.memory_space<hbm>> -> memref<1x640x128xf32, #tpu.memory_space<hbm>>
          %dma_start3A_33 = tpu.memref_squeeze %dma_start3A_32 : memref<1x640x128xf32, #tpu.memory_space<hbm>> -> memref<640x128xf32, #tpu.memory_space<hbm>>
          %dma_start3A_34 = arith.constant 0 : i32
          %dma_start3A_35 = tpu.memref_slice %arg7[%mul3A_31, %dma_start3A_34] : memref<10000x128xf32, #tpu.memory_space<vmem_shared>> -> memref<640x128xf32, #tpu.memory_space<vmem_shared>>
          tpu.enqueue_dma source(%dma_start3A_35 : memref<640x128xf32, #tpu.memory_space<vmem_shared>>) target(%dma_start3A_33 : memref<640x128xf32, #tpu.memory_space<hbm>>) target_semaphore(%run_scoped3A : memref<!tpu.dma_semaphore, #tpu.memory_space<semaphore_mem>>)
          %dma_wait3A = arith.constant 0 : i32
          %dma_wait3A_36 = tpu.memref_slice %arg6[%arg0, %mul3A_31, %dma_wait3A] : memref<2x10000x128xf32, #tpu.memory_space<hbm>> -> memref<1x640x128xf32, #tpu.memory_space<hbm>>
          %dma_wait3A_37 = tpu.memref_squeeze %dma_wait3A_36 : memref<1x640x128xf32, #tpu.memory_space<hbm>> -> memref<640x128xf32, #tpu.memory_space<hbm>>
          %dma_wait3A_38 = arith.constant 0 : i32
          %dma_wait3A_39 = tpu.memref_slice %arg7[%mul3A_31, %dma_wait3A_38] : memref<10000x128xf32, #tpu.memory_space<vmem_shared>> -> memref<640x128xf32, #tpu.memory_space<vmem_shared>>
          tpu.wait_dma2 semaphore(%run_scoped3A : memref<!tpu.dma_semaphore, #tpu.memory_space<semaphore_mem>>) src(%dma_wait3A_39 : memref<640x128xf32, #tpu.memory_space<vmem_shared>>) dst(%dma_wait3A_37 : memref<640x128xf32, #tpu.memory_space<hbm>>)
          tpu.yield
        }) : () -> ()
      } else {
      }
      %eq3A_26 = arith.constant 15 : i32
      %eq3A_27 = arith.cmpi eq, %arg1, %eq3A_26 : i32
      %convert_element_type3A_28 = arith.extui %eq3A_27 : i1 to i32
      %cond3A_29 = arith.constant 0 : i32
      %cond3A_30 = arith.cmpi ne, %convert_element_type3A_28, %cond3A_29 : i32
      scf.if %cond3A_30 {
        "tpu.region"() ({
          %run_scoped3A = tpu.sem_alloc : memref<!tpu.dma_semaphore, #tpu.memory_space<semaphore_mem>>
          %dma_start3A = arith.constant 9600 : i32
          %dma_start3A_31 = arith.constant 0 : i32
          %dma_start3A_32 = tpu.memref_slice %arg6[%arg0, %dma_start3A, %dma_start3A_31] : memref<2x10000x128xf32, #tpu.memory_space<hbm>> -> memref<1x400x128xf32, #tpu.memory_space<hbm>>
          %dma_start3A_33 = tpu.memref_squeeze %dma_start3A_32 : memref<1x400x128xf32, #tpu.memory_space<hbm>> -> memref<400x128xf32, #tpu.memory_space<hbm>>
          %dma_start3A_34 = arith.constant 9600 : i32
          %dma_start3A_35 = arith.constant 0 : i32
          %dma_start3A_36 = tpu.memref_slice %arg7[%dma_start3A_34, %dma_start3A_35] : memref<10000x128xf32, #tpu.memory_space<vmem_shared>> -> memref<400x128xf32, #tpu.memory_space<vmem_shared>>
          tpu.enqueue_dma source(%dma_start3A_36 : memref<400x128xf32, #tpu.memory_space<vmem_shared>>) target(%dma_start3A_33 : memref<400x128xf32, #tpu.memory_space<hbm>>) target_semaphore(%run_scoped3A : memref<!tpu.dma_semaphore, #tpu.memory_space<semaphore_mem>>)
          %dma_wait3A = arith.constant 9600 : i32
          %dma_wait3A_37 = arith.constant 0 : i32
          %dma_wait3A_38 = tpu.memref_slice %arg6[%arg0, %dma_wait3A, %dma_wait3A_37] : memref<2x10000x128xf32, #tpu.memory_space<hbm>> -> memref<1x400x128xf32, #tpu.memory_space<hbm>>
          %dma_wait3A_39 = tpu.memref_squeeze %dma_wait3A_38 : memref<1x400x128xf32, #tpu.memory_space<hbm>> -> memref<400x128xf32, #tpu.memory_space<hbm>>
          %dma_wait3A_40 = arith.constant 9600 : i32
          %dma_wait3A_41 = arith.constant 0 : i32
          %dma_wait3A_42 = tpu.memref_slice %arg7[%dma_wait3A_40, %dma_wait3A_41] : memref<10000x128xf32, #tpu.memory_space<vmem_shared>> -> memref<400x128xf32, #tpu.memory_space<vmem_shared>>
          tpu.wait_dma2 semaphore(%run_scoped3A : memref<!tpu.dma_semaphore, #tpu.memory_space<semaphore_mem>>) src(%dma_wait3A_42 : memref<400x128xf32, #tpu.memory_space<vmem_shared>>) dst(%dma_wait3A_39 : memref<400x128xf32, #tpu.memory_space<hbm>>)
          tpu.yield
        }) : () -> ()
      } else {
      }
    } else {
    }
    return
  }
}

#map = affine_map<(d0, d1) -> (0)>
module attributes {stable_mosaic.version = 14 : i64} {
  func.func @_final_kernel(%arg0: i32, %arg1: i32, %arg2: memref<10240xf32, #tpu.memory_space<hbm>>, %arg3: memref<10240xf32, #tpu.memory_space<hbm>>, %arg4: memref<16xf32, #tpu.memory_space<hbm>>, %arg5: memref<320000xi32, #tpu.memory_space<hbm>>, %arg6: memref<320000xi32, #tpu.memory_space<hbm>>, %arg7: memref<10240xf32, #tpu.memory_space<hbm>>, %arg8: memref<10240xf32, #tpu.memory_space<vmem_shared>>, %arg9: memref<128xi32, #tpu.memory_space<vmem>>, %arg10: memref<128xi32, #tpu.memory_space<vmem>>, %arg11: memref<128xf32, #tpu.memory_space<vmem>>, %arg12: memref<640xf32, #tpu.memory_space<vmem>>, %arg13: memref<640xf32, #tpu.memory_space<vmem>>, %arg14: memref<16xf32, #tpu.memory_space<vmem>>, %arg15: memref<!tpu.dma_semaphore, #tpu.memory_space<semaphore_mem>>) attributes {dimension_semantics = [#tpu.dimension_semantics<core_parallel>, #tpu.dimension_semantics<subcore_parallel>], iteration_bounds = array<i64: 2, 16>, scalar_prefetch = 0 : i64, scratch_operands = 8 : i64, tpu.core_type = #tpu.core_type<sc_vector_subcore>, window_params = [{transform_indices = #map}, {transform_indices = #map}, {transform_indices = #map}, {transform_indices = #map}, {transform_indices = #map}, {transform_indices = #map}]} {
    %mul3A = arith.constant 640 : i32
    %mul3A_0 = arith.muli %arg1, %mul3A : i32
    %mul3A_1 = arith.constant 640 : i32
    %mul3A_2 = arith.muli %arg1, %mul3A_1 : i32
    "tpu.region"() ({
      %run_scoped3A = tpu.sem_alloc : memref<!tpu.dma_semaphore, #tpu.memory_space<semaphore_mem>>
      %dma_start3A = tpu.memref_slice %arg8[%mul3A_2] : memref<10240xf32, #tpu.memory_space<vmem_shared>> -> memref<640xf32, #tpu.memory_space<vmem_shared>>
      %dma_start3A_10 = tpu.memref_slice %arg2[%mul3A_0] : memref<10240xf32, #tpu.memory_space<hbm>> -> memref<640xf32, #tpu.memory_space<hbm>>
      tpu.enqueue_dma source(%dma_start3A_10 : memref<640xf32, #tpu.memory_space<hbm>>) target(%dma_start3A : memref<640xf32, #tpu.memory_space<vmem_shared>>) target_semaphore(%run_scoped3A : memref<!tpu.dma_semaphore, #tpu.memory_space<semaphore_mem>>)
      %dma_wait3A = tpu.memref_slice %arg8[%mul3A_2] : memref<10240xf32, #tpu.memory_space<vmem_shared>> -> memref<640xf32, #tpu.memory_space<vmem_shared>>
      %dma_wait3A_11 = tpu.memref_slice %arg2[%mul3A_0] : memref<10240xf32, #tpu.memory_space<hbm>> -> memref<640xf32, #tpu.memory_space<hbm>>
      tpu.wait_dma2 semaphore(%run_scoped3A : memref<!tpu.dma_semaphore, #tpu.memory_space<semaphore_mem>>) src(%dma_wait3A_11 : memref<640xf32, #tpu.memory_space<hbm>>) dst(%dma_wait3A : memref<640xf32, #tpu.memory_space<vmem_shared>>)
      tpu.yield
    }) : () -> ()
    "tpu.region"() ({
      %run_scoped3A = tpu.sem_alloc : memref<!tpu.dma_semaphore, #tpu.memory_space<semaphore_mem>>
      tpu.enqueue_dma source(%arg4 : memref<16xf32, #tpu.memory_space<hbm>>) target(%arg14 : memref<16xf32, #tpu.memory_space<vmem>>) target_semaphore(%run_scoped3A : memref<!tpu.dma_semaphore, #tpu.memory_space<semaphore_mem>>)
      tpu.wait_dma2 semaphore(%run_scoped3A : memref<!tpu.dma_semaphore, #tpu.memory_space<semaphore_mem>>) src(%arg4 : memref<16xf32, #tpu.memory_space<hbm>>) dst(%arg14 : memref<16xf32, #tpu.memory_space<vmem>>)
      tpu.yield
    }) : () -> ()
    %barrier3A = arith.constant 0 : index
    tpu.barrier barrier_id(%barrier3A)
    %scan3A = arith.constant 0 : i32
    %scan3A_3 = arith.constant 157 : i32
    %scan3A_4 = arith.addi %scan3A, %scan3A_3 : i32
    %scan3A_5 = arith.constant 1 : i32
    scf.for %scan3A_10 = %scan3A to %scan3A_4 step %scan3A_5  : i32 {
      %mul3A_11 = arith.constant 16 : i32
      %mul3A_12 = arith.muli %scan3A_10, %mul3A_11 : i32
      %add3A = arith.addi %arg1, %mul3A_12 : i32
      %lt3A = arith.constant 2500 : i32
      %lt3A_13 = arith.cmpi slt, %add3A, %lt3A : i32
      %convert_element_type3A_14 = arith.extui %lt3A_13 : i1 to i32
      %cond3A_15 = arith.constant 0 : i32
      %cond3A_16 = arith.cmpi ne, %convert_element_type3A_14, %cond3A_15 : i32
      scf.if %cond3A_16 {
        %mul3A_17 = arith.constant 128 : i32
        %mul3A_18 = arith.muli %add3A, %mul3A_17 : i32
        "tpu.region"() ({
          %run_scoped3A = tpu.sem_alloc : memref<!tpu.dma_semaphore, #tpu.memory_space<semaphore_mem>>
          %dma_start3A_23 = tpu.memref_slice %arg5[%mul3A_18] : memref<320000xi32, #tpu.memory_space<hbm>> -> memref<128xi32, #tpu.memory_space<hbm>>
          %dma_start3A_24 = tpu.memref_slice %arg5[%mul3A_18] : memref<320000xi32, #tpu.memory_space<hbm>> -> memref<128xi32, #tpu.memory_space<hbm>>
          tpu.enqueue_dma source(%dma_start3A_24 : memref<128xi32, #tpu.memory_space<hbm>>) target(%arg9 : memref<128xi32, #tpu.memory_space<vmem>>) target_semaphore(%run_scoped3A : memref<!tpu.dma_semaphore, #tpu.memory_space<semaphore_mem>>)
          %dma_wait3A_25 = tpu.memref_slice %arg5[%mul3A_18] : memref<320000xi32, #tpu.memory_space<hbm>> -> memref<128xi32, #tpu.memory_space<hbm>>
          %dma_wait3A_26 = tpu.memref_slice %arg5[%mul3A_18] : memref<320000xi32, #tpu.memory_space<hbm>> -> memref<128xi32, #tpu.memory_space<hbm>>
          tpu.wait_dma2 semaphore(%run_scoped3A : memref<!tpu.dma_semaphore, #tpu.memory_space<semaphore_mem>>) src(%dma_wait3A_26 : memref<128xi32, #tpu.memory_space<hbm>>) dst(%arg9 : memref<128xi32, #tpu.memory_space<vmem>>)
          tpu.yield
        }) : () -> ()
        %mul3A_19 = arith.constant 128 : i32
        %mul3A_20 = arith.muli %add3A, %mul3A_19 : i32
        "tpu.region"() ({
          %run_scoped3A = tpu.sem_alloc : memref<!tpu.dma_semaphore, #tpu.memory_space<semaphore_mem>>
          %dma_start3A_23 = tpu.memref_slice %arg6[%mul3A_20] : memref<320000xi32, #tpu.memory_space<hbm>> -> memref<128xi32, #tpu.memory_space<hbm>>
          %dma_start3A_24 = tpu.memref_slice %arg6[%mul3A_20] : memref<320000xi32, #tpu.memory_space<hbm>> -> memref<128xi32, #tpu.memory_space<hbm>>
          tpu.enqueue_dma source(%dma_start3A_24 : memref<128xi32, #tpu.memory_space<hbm>>) target(%arg10 : memref<128xi32, #tpu.memory_space<vmem>>) target_semaphore(%run_scoped3A : memref<!tpu.dma_semaphore, #tpu.memory_space<semaphore_mem>>)
          %dma_wait3A_25 = tpu.memref_slice %arg6[%mul3A_20] : memref<320000xi32, #tpu.memory_space<hbm>> -> memref<128xi32, #tpu.memory_space<hbm>>
          %dma_wait3A_26 = tpu.memref_slice %arg6[%mul3A_20] : memref<320000xi32, #tpu.memory_space<hbm>> -> memref<128xi32, #tpu.memory_space<hbm>>
          tpu.wait_dma2 semaphore(%run_scoped3A : memref<!tpu.dma_semaphore, #tpu.memory_space<semaphore_mem>>) src(%dma_wait3A_26 : memref<128xi32, #tpu.memory_space<hbm>>) dst(%arg10 : memref<128xi32, #tpu.memory_space<vmem>>)
          tpu.yield
        }) : () -> ()
        %dma_start3A = arith.constant 0 : i32
        %dma_start3A_21 = tpu.memref_slice %arg2[%dma_start3A] : memref<10240xf32, #tpu.memory_space<hbm>> -> memref<10240xf32, #tpu.memory_space<hbm>>
        tpu.enqueue_indirect_dma source(%dma_start3A_21 : memref<10240xf32, #tpu.memory_space<hbm>>) target(%arg11 : memref<128xf32, #tpu.memory_space<vmem>>) offsets(%arg9 : memref<128xi32, #tpu.memory_space<vmem>>) semaphore(%arg15 : memref<!tpu.dma_semaphore, #tpu.memory_space<semaphore_mem>>)
        %dma_wait3A = arith.constant 0 : i32
        %dma_wait3A_22 = tpu.memref_slice %arg2[%dma_wait3A] : memref<10240xf32, #tpu.memory_space<hbm>> -> memref<10240xf32, #tpu.memory_space<hbm>>
        tpu.wait_indirect_dma semaphore(%arg15 : memref<!tpu.dma_semaphore, #tpu.memory_space<semaphore_mem>>) src(%dma_wait3A_22 : memref<10240xf32, #tpu.memory_space<hbm>>) dst(%arg11 : memref<128xf32, #tpu.memory_space<vmem>>)
        "tpu.region"() ({
          %run_scoped3A = tpu.sem_alloc : memref<!tpu.dma_semaphore, #tpu.memory_space<semaphore_mem>>
          %dma_start3A_23 = arith.constant 0 : i32
          %dma_start3A_24 = tpu.memref_slice %arg8[%dma_start3A_23] : memref<10240xf32, #tpu.memory_space<vmem_shared>> -> memref<10240xf32, #tpu.memory_space<vmem_shared>>
          tpu.enqueue_indirect_dma source(%arg11 : memref<128xf32, #tpu.memory_space<vmem>>) target(%dma_start3A_24 : memref<10240xf32, #tpu.memory_space<vmem_shared>>) offsets(%arg10 : memref<128xi32, #tpu.memory_space<vmem>>) semaphore(%run_scoped3A : memref<!tpu.dma_semaphore, #tpu.memory_space<semaphore_mem>>) {add = true}
          %dma_wait3A_25 = arith.constant 0 : i32
          %dma_wait3A_26 = tpu.memref_slice %arg8[%dma_wait3A_25] : memref<10240xf32, #tpu.memory_space<vmem_shared>> -> memref<10240xf32, #tpu.memory_space<vmem_shared>>
          tpu.wait_indirect_dma semaphore(%run_scoped3A : memref<!tpu.dma_semaphore, #tpu.memory_space<semaphore_mem>>) src(%arg11 : memref<128xf32, #tpu.memory_space<vmem>>) dst(%dma_wait3A_26 : memref<10240xf32, #tpu.memory_space<vmem_shared>>)
          tpu.yield
        }) : () -> ()
      } else {
      }
    }
    %scan3A_6 = arith.constant 157 : i32
    %barrier3A_7 = arith.constant 0 : index
    tpu.barrier barrier_id(%barrier3A_7)
    %eq3A = arith.constant 0 : i32
    %eq3A_8 = arith.cmpi eq, %arg0, %eq3A : i32
    %convert_element_type3A = arith.extui %eq3A_8 : i1 to i32
    %cond3A = arith.constant 0 : i32
    %cond3A_9 = arith.cmpi ne, %convert_element_type3A, %cond3A : i32
    scf.if %cond3A_9 {
      %mul3A_10 = arith.constant 640 : i32
      %mul3A_11 = arith.muli %arg1, %mul3A_10 : i32
      "tpu.region"() ({
        %run_scoped3A = tpu.sem_alloc : memref<!tpu.dma_semaphore, #tpu.memory_space<semaphore_mem>>
        %dma_start3A = tpu.memref_slice %arg8[%mul3A_11] : memref<10240xf32, #tpu.memory_space<vmem_shared>> -> memref<640xf32, #tpu.memory_space<vmem_shared>>
        %dma_start3A_889 = tpu.memref_slice %arg8[%mul3A_11] : memref<10240xf32, #tpu.memory_space<vmem_shared>> -> memref<640xf32, #tpu.memory_space<vmem_shared>>
        tpu.enqueue_dma source(%dma_start3A_889 : memref<640xf32, #tpu.memory_space<vmem_shared>>) target(%arg12 : memref<640xf32, #tpu.memory_space<vmem>>) target_semaphore(%run_scoped3A : memref<!tpu.dma_semaphore, #tpu.memory_space<semaphore_mem>>)
        %dma_wait3A = tpu.memref_slice %arg8[%mul3A_11] : memref<10240xf32, #tpu.memory_space<vmem_shared>> -> memref<640xf32, #tpu.memory_space<vmem_shared>>
        %dma_wait3A_890 = tpu.memref_slice %arg8[%mul3A_11] : memref<10240xf32, #tpu.memory_space<vmem_shared>> -> memref<640xf32, #tpu.memory_space<vmem_shared>>
        tpu.wait_dma2 semaphore(%run_scoped3A : memref<!tpu.dma_semaphore, #tpu.memory_space<semaphore_mem>>) src(%dma_wait3A_890 : memref<640xf32, #tpu.memory_space<vmem_shared>>) dst(%arg12 : memref<640xf32, #tpu.memory_space<vmem>>)
        tpu.yield
      }) : () -> ()
      "tpu.region"() ({
        %run_scoped3A = tpu.sem_alloc : memref<!tpu.dma_semaphore, #tpu.memory_space<semaphore_mem>>
        %dma_start3A = tpu.memref_slice %arg3[%mul3A_11] : memref<10240xf32, #tpu.memory_space<hbm>> -> memref<640xf32, #tpu.memory_space<hbm>>
        %dma_start3A_889 = tpu.memref_slice %arg3[%mul3A_11] : memref<10240xf32, #tpu.memory_space<hbm>> -> memref<640xf32, #tpu.memory_space<hbm>>
        tpu.enqueue_dma source(%dma_start3A_889 : memref<640xf32, #tpu.memory_space<hbm>>) target(%arg13 : memref<640xf32, #tpu.memory_space<vmem>>) target_semaphore(%run_scoped3A : memref<!tpu.dma_semaphore, #tpu.memory_space<semaphore_mem>>)
        %dma_wait3A = tpu.memref_slice %arg3[%mul3A_11] : memref<10240xf32, #tpu.memory_space<hbm>> -> memref<640xf32, #tpu.memory_space<hbm>>
        %dma_wait3A_890 = tpu.memref_slice %arg3[%mul3A_11] : memref<10240xf32, #tpu.memory_space<hbm>> -> memref<640xf32, #tpu.memory_space<hbm>>
        tpu.wait_dma2 semaphore(%run_scoped3A : memref<!tpu.dma_semaphore, #tpu.memory_space<semaphore_mem>>) src(%dma_wait3A_890 : memref<640xf32, #tpu.memory_space<hbm>>) dst(%arg13 : memref<640xf32, #tpu.memory_space<vmem>>)
        tpu.yield
      }) : () -> ()
      %get3A = arith.constant 0 : index
      %get3A_12 = tpu.vector_load %arg14[%get3A] {strides = array<i32>} : memref<16xf32, #tpu.memory_space<vmem>>, vector<16xf32>,
      %get3A_13 = vector.shape_cast %get3A_12 : vector<16xf32> to vector<16xf32>
      %get3A_14 = arith.constant 0 : index
      %get3A_15 = tpu.vector_load %arg12[%get3A_14] {strides = array<i32>} : memref<640xf32, #tpu.memory_space<vmem>>, vector<16xf32>,
      %get3A_16 = vector.shape_cast %get3A_15 : vector<16xf32> to vector<16xf32>
      %get3A_17 = arith.constant 0 : index
      %get3A_18 = tpu.vector_load %arg13[%get3A_17] {strides = array<i32>} : memref<640xf32, #tpu.memory_space<vmem>>, vector<16xf32>,
      %get3A_19 = vector.shape_cast %get3A_18 : vector<16xf32> to vector<16xf32>
      %mul3A_20 = arith.mulf %get3A_19, %get3A_16 : vector<16xf32>
      %add3A = arith.addf %mul3A_20, %get3A_13 : vector<16xf32>
      %neg3A = arith.constant 0.000000e+00 : f32
      %neg3A_21 = vector.broadcast %neg3A : f32 to vector<16xf32>
      %neg3A_22 = arith.subf %neg3A_21, %add3A : vector<16xf32>
      %exp3A = math.exp %neg3A_22 : vector<16xf32>
      %add3A_23 = arith.constant 1.000000e+00 : f32
      %add3A_24 = vector.broadcast %add3A_23 : f32 to vector<16xf32>
      %add3A_25 = arith.addf %add3A_24, %exp3A : vector<16xf32>
      %div3A = arith.constant 1.000000e+00 : f32
      %div3A_26 = vector.broadcast %div3A : f32 to vector<16xf32>
      %div3A_27 = arith.divf %div3A_26, %add3A_25 : vector<16xf32>
      %swap3A = arith.constant 0 : index
      %swap3A_28 = tpu.vector_load %arg12[%swap3A] {strides = array<i32>} : memref<640xf32, #tpu.memory_space<vmem>>, vector<16xf32>,
      %swap3A_29 = vector.shape_cast %swap3A_28 : vector<16xf32> to vector<16xf32>
      %swap3A_30 = vector.shape_cast %div3A_27 : vector<16xf32> to vector<16xf32>
      tpu.vector_store %arg12[%swap3A], %swap3A_30 {strides = array<i32>} : memref<640xf32, #tpu.memory_space<vmem>>, vector<16xf32>,
      %get3A_31 = arith.constant 16 : index
      %get3A_32 = tpu.vector_load %arg12[%get3A_31] {strides = array<i32>} : memref<640xf32, #tpu.memory_space<vmem>>, vector<16xf32>,
      %get3A_33 = vector.shape_cast %get3A_32 : vector<16xf32> to vector<16xf32>
      %get3A_34 = arith.constant 16 : index
      %get3A_35 = tpu.vector_load %arg13[%get3A_34] {strides = array<i32>} : memref<640xf32, #tpu.memory_space<vmem>>, vector<16xf32>,
      %get3A_36 = vector.shape_cast %get3A_35 : vector<16xf32> to vector<16xf32>
      %mul3A_37 = arith.mulf %get3A_36, %get3A_33 : vector<16xf32>
      %add3A_38 = arith.addf %mul3A_37, %get3A_13 : vector<16xf32>
      %neg3A_39 = arith.constant 0.000000e+00 : f32
      %neg3A_40 = vector.broadcast %neg3A_39 : f32 to vector<16xf32>
      %neg3A_41 = arith.subf %neg3A_40, %add3A_38 : vector<16xf32>
      %exp3A_42 = math.exp %neg3A_41 : vector<16xf32>
      %add3A_43 = arith.constant 1.000000e+00 : f32
      %add3A_44 = vector.broadcast %add3A_43 : f32 to vector<16xf32>
      %add3A_45 = arith.addf %add3A_44, %exp3A_42 : vector<16xf32>
      %div3A_46 = arith.constant 1.000000e+00 : f32
      %div3A_47 = vector.broadcast %div3A_46 : f32 to vector<16xf32>
      %div3A_48 = arith.divf %div3A_47, %add3A_45 : vector<16xf32>
      %swap3A_49 = arith.constant 16 : index
      %swap3A_50 = tpu.vector_load %arg12[%swap3A_49] {strides = array<i32>} : memref<640xf32, #tpu.memory_space<vmem>>, vector<16xf32>,
      %swap3A_51 = vector.shape_cast %swap3A_50 : vector<16xf32> to vector<16xf32>
      %swap3A_52 = vector.shape_cast %div3A_48 : vector<16xf32> to vector<16xf32>
      tpu.vector_store %arg12[%swap3A_49], %swap3A_52 {strides = array<i32>} : memref<640xf32, #tpu.memory_space<vmem>>, vector<16xf32>,
      %get3A_53 = arith.constant 32 : index
      %get3A_54 = tpu.vector_load %arg12[%get3A_53] {strides = array<i32>} : memref<640xf32, #tpu.memory_space<vmem>>, vector<16xf32>,
      %get3A_55 = vector.shape_cast %get3A_54 : vector<16xf32> to vector<16xf32>
      %get3A_56 = arith.constant 32 : index
      %get3A_57 = tpu.vector_load %arg13[%get3A_56] {strides = array<i32>} : memref<640xf32, #tpu.memory_space<vmem>>, vector<16xf32>,
      %get3A_58 = vector.shape_cast %get3A_57 : vector<16xf32> to vector<16xf32>
      %mul3A_59 = arith.mulf %get3A_58, %get3A_55 : vector<16xf32>
      %add3A_60 = arith.addf %mul3A_59, %get3A_13 : vector<16xf32>
      %neg3A_61 = arith.constant 0.000000e+00 : f32
      %neg3A_62 = vector.broadcast %neg3A_61 : f32 to vector<16xf32>
      %neg3A_63 = arith.subf %neg3A_62, %add3A_60 : vector<16xf32>
      %exp3A_64 = math.exp %neg3A_63 : vector<16xf32>
      %add3A_65 = arith.constant 1.000000e+00 : f32
      %add3A_66 = vector.broadcast %add3A_65 : f32 to vector<16xf32>
      %add3A_67 = arith.addf %add3A_66, %exp3A_64 : vector<16xf32>
      %div3A_68 = arith.constant 1.000000e+00 : f32
      %div3A_69 = vector.broadcast %div3A_68 : f32 to vector<16xf32>
      %div3A_70 = arith.divf %div3A_69, %add3A_67 : vector<16xf32>
      %swap3A_71 = arith.constant 32 : index
      %swap3A_72 = tpu.vector_load %arg12[%swap3A_71] {strides = array<i32>} : memref<640xf32, #tpu.memory_space<vmem>>, vector<16xf32>,
      %swap3A_73 = vector.shape_cast %swap3A_72 : vector<16xf32> to vector<16xf32>
      %swap3A_74 = vector.shape_cast %div3A_70 : vector<16xf32> to vector<16xf32>
      tpu.vector_store %arg12[%swap3A_71], %swap3A_74 {strides = array<i32>} : memref<640xf32, #tpu.memory_space<vmem>>, vector<16xf32>,
      %get3A_75 = arith.constant 48 : index
      %get3A_76 = tpu.vector_load %arg12[%get3A_75] {strides = array<i32>} : memref<640xf32, #tpu.memory_space<vmem>>, vector<16xf32>,
      %get3A_77 = vector.shape_cast %get3A_76 : vector<16xf32> to vector<16xf32>
      %get3A_78 = arith.constant 48 : index
      %get3A_79 = tpu.vector_load %arg13[%get3A_78] {strides = array<i32>} : memref<640xf32, #tpu.memory_space<vmem>>, vector<16xf32>,
      %get3A_80 = vector.shape_cast %get3A_79 : vector<16xf32> to vector<16xf32>
      %mul3A_81 = arith.mulf %get3A_80, %get3A_77 : vector<16xf32>
      %add3A_82 = arith.addf %mul3A_81, %get3A_13 : vector<16xf32>
      %neg3A_83 = arith.constant 0.000000e+00 : f32
      %neg3A_84 = vector.broadcast %neg3A_83 : f32 to vector<16xf32>
      %neg3A_85 = arith.subf %neg3A_84, %add3A_82 : vector<16xf32>
      %exp3A_86 = math.exp %neg3A_85 : vector<16xf32>
      %add3A_87 = arith.constant 1.000000e+00 : f32
      %add3A_88 = vector.broadcast %add3A_87 : f32 to vector<16xf32>
      %add3A_89 = arith.addf %add3A_88, %exp3A_86 : vector<16xf32>
      %div3A_90 = arith.constant 1.000000e+00 : f32
      %div3A_91 = vector.broadcast %div3A_90 : f32 to vector<16xf32>
      %div3A_92 = arith.divf %div3A_91, %add3A_89 : vector<16xf32>
      %swap3A_93 = arith.constant 48 : index
      %swap3A_94 = tpu.vector_load %arg12[%swap3A_93] {strides = array<i32>} : memref<640xf32, #tpu.memory_space<vmem>>, vector<16xf32>,
      %swap3A_95 = vector.shape_cast %swap3A_94 : vector<16xf32> to vector<16xf32>
      %swap3A_96 = vector.shape_cast %div3A_92 : vector<16xf32> to vector<16xf32>
      tpu.vector_store %arg12[%swap3A_93], %swap3A_96 {strides = array<i32>} : memref<640xf32, #tpu.memory_space<vmem>>, vector<16xf32>,
      %get3A_97 = arith.constant 64 : index
      %get3A_98 = tpu.vector_load %arg12[%get3A_97] {strides = array<i32>} : memref<640xf32, #tpu.memory_space<vmem>>, vector<16xf32>,
      %get3A_99 = vector.shape_cast %get3A_98 : vector<16xf32> to vector<16xf32>
      %get3A_100 = arith.constant 64 : index
      %get3A_101 = tpu.vector_load %arg13[%get3A_100] {strides = array<i32>} : memref<640xf32, #tpu.memory_space<vmem>>, vector<16xf32>,
      %get3A_102 = vector.shape_cast %get3A_101 : vector<16xf32> to vector<16xf32>
      %mul3A_103 = arith.mulf %get3A_102, %get3A_99 : vector<16xf32>
      %add3A_104 = arith.addf %mul3A_103, %get3A_13 : vector<16xf32>
      %neg3A_105 = arith.constant 0.000000e+00 : f32
      %neg3A_106 = vector.broadcast %neg3A_105 : f32 to vector<16xf32>
      %neg3A_107 = arith.subf %neg3A_106, %add3A_104 : vector<16xf32>
      %exp3A_108 = math.exp %neg3A_107 : vector<16xf32>
      %add3A_109 = arith.constant 1.000000e+00 : f32
      %add3A_110 = vector.broadcast %add3A_109 : f32 to vector<16xf32>
      %add3A_111 = arith.addf %add3A_110, %exp3A_108 : vector<16xf32>
      %div3A_112 = arith.constant 1.000000e+00 : f32
      %div3A_113 = vector.broadcast %div3A_112 : f32 to vector<16xf32>
      %div3A_114 = arith.divf %div3A_113, %add3A_111 : vector<16xf32>
      %swap3A_115 = arith.constant 64 : index
      %swap3A_116 = tpu.vector_load %arg12[%swap3A_115] {strides = array<i32>} : memref<640xf32, #tpu.memory_space<vmem>>, vector<16xf32>,
      %swap3A_117 = vector.shape_cast %swap3A_116 : vector<16xf32> to vector<16xf32>
      %swap3A_118 = vector.shape_cast %div3A_114 : vector<16xf32> to vector<16xf32>
      tpu.vector_store %arg12[%swap3A_115], %swap3A_118 {strides = array<i32>} : memref<640xf32, #tpu.memory_space<vmem>>, vector<16xf32>,
      %get3A_119 = arith.constant 80 : index
      %get3A_120 = tpu.vector_load %arg12[%get3A_119] {strides = array<i32>} : memref<640xf32, #tpu.memory_space<vmem>>, vector<16xf32>,
      %get3A_121 = vector.shape_cast %get3A_120 : vector<16xf32> to vector<16xf32>
      %get3A_122 = arith.constant 80 : index
      %get3A_123 = tpu.vector_load %arg13[%get3A_122] {strides = array<i32>} : memref<640xf32, #tpu.memory_space<vmem>>, vector<16xf32>,
      %get3A_124 = vector.shape_cast %get3A_123 : vector<16xf32> to vector<16xf32>
      %mul3A_125 = arith.mulf %get3A_124, %get3A_121 : vector<16xf32>
      %add3A_126 = arith.addf %mul3A_125, %get3A_13 : vector<16xf32>
      %neg3A_127 = arith.constant 0.000000e+00 : f32
      %neg3A_128 = vector.broadcast %neg3A_127 : f32 to vector<16xf32>
      %neg3A_129 = arith.subf %neg3A_128, %add3A_126 : vector<16xf32>
      %exp3A_130 = math.exp %neg3A_129 : vector<16xf32>
      %add3A_131 = arith.constant 1.000000e+00 : f32
      %add3A_132 = vector.broadcast %add3A_131 : f32 to vector<16xf32>
      %add3A_133 = arith.addf %add3A_132, %exp3A_130 : vector<16xf32>
      %div3A_134 = arith.constant 1.000000e+00 : f32
      %div3A_135 = vector.broadcast %div3A_134 : f32 to vector<16xf32>
      %div3A_136 = arith.divf %div3A_135, %add3A_133 : vector<16xf32>
      %swap3A_137 = arith.constant 80 : index
      %swap3A_138 = tpu.vector_load %arg12[%swap3A_137] {strides = array<i32>} : memref<640xf32, #tpu.memory_space<vmem>>, vector<16xf32>,
      %swap3A_139 = vector.shape_cast %swap3A_138 : vector<16xf32> to vector<16xf32>
      %swap3A_140 = vector.shape_cast %div3A_136 : vector<16xf32> to vector<16xf32>
      tpu.vector_store %arg12[%swap3A_137], %swap3A_140 {strides = array<i32>} : memref<640xf32, #tpu.memory_space<vmem>>, vector<16xf32>,
      %get3A_141 = arith.constant 96 : index
      %get3A_142 = tpu.vector_load %arg12[%get3A_141] {strides = array<i32>} : memref<640xf32, #tpu.memory_space<vmem>>, vector<16xf32>,
      %get3A_143 = vector.shape_cast %get3A_142 : vector<16xf32> to vector<16xf32>
      %get3A_144 = arith.constant 96 : index
      %get3A_145 = tpu.vector_load %arg13[%get3A_144] {strides = array<i32>} : memref<640xf32, #tpu.memory_space<vmem>>, vector<16xf32>,
      %get3A_146 = vector.shape_cast %get3A_145 : vector<16xf32> to vector<16xf32>
      %mul3A_147 = arith.mulf %get3A_146, %get3A_143 : vector<16xf32>
      %add3A_148 = arith.addf %mul3A_147, %get3A_13 : vector<16xf32>
      %neg3A_149 = arith.constant 0.000000e+00 : f32
      %neg3A_150 = vector.broadcast %neg3A_149 : f32 to vector<16xf32>
      %neg3A_151 = arith.subf %neg3A_150, %add3A_148 : vector<16xf32>
      %exp3A_152 = math.exp %neg3A_151 : vector<16xf32>
      %add3A_153 = arith.constant 1.000000e+00 : f32
      %add3A_154 = vector.broadcast %add3A_153 : f32 to vector<16xf32>
      %add3A_155 = arith.addf %add3A_154, %exp3A_152 : vector<16xf32>
      %div3A_156 = arith.constant 1.000000e+00 : f32
      %div3A_157 = vector.broadcast %div3A_156 : f32 to vector<16xf32>
      %div3A_158 = arith.divf %div3A_157, %add3A_155 : vector<16xf32>
      %swap3A_159 = arith.constant 96 : index
      %swap3A_160 = tpu.vector_load %arg12[%swap3A_159] {strides = array<i32>} : memref<640xf32, #tpu.memory_space<vmem>>, vector<16xf32>,
      %swap3A_161 = vector.shape_cast %swap3A_160 : vector<16xf32> to vector<16xf32>
      %swap3A_162 = vector.shape_cast %div3A_158 : vector<16xf32> to vector<16xf32>
      tpu.vector_store %arg12[%swap3A_159], %swap3A_162 {strides = array<i32>} : memref<640xf32, #tpu.memory_space<vmem>>, vector<16xf32>,
      %get3A_163 = arith.constant 112 : index
      %get3A_164 = tpu.vector_load %arg12[%get3A_163] {strides = array<i32>} : memref<640xf32, #tpu.memory_space<vmem>>, vector<16xf32>,
      %get3A_165 = vector.shape_cast %get3A_164 : vector<16xf32> to vector<16xf32>
      %get3A_166 = arith.constant 112 : index
      %get3A_167 = tpu.vector_load %arg13[%get3A_166] {strides = array<i32>} : memref<640xf32, #tpu.memory_space<vmem>>, vector<16xf32>,
      %get3A_168 = vector.shape_cast %get3A_167 : vector<16xf32> to vector<16xf32>
      %mul3A_169 = arith.mulf %get3A_168, %get3A_165 : vector<16xf32>
      %add3A_170 = arith.addf %mul3A_169, %get3A_13 : vector<16xf32>
      %neg3A_171 = arith.constant 0.000000e+00 : f32
      %neg3A_172 = vector.broadcast %neg3A_171 : f32 to vector<16xf32>
      %neg3A_173 = arith.subf %neg3A_172, %add3A_170 : vector<16xf32>
      %exp3A_174 = math.exp %neg3A_173 : vector<16xf32>
      %add3A_175 = arith.constant 1.000000e+00 : f32
      %add3A_176 = vector.broadcast %add3A_175 : f32 to vector<16xf32>
      %add3A_177 = arith.addf %add3A_176, %exp3A_174 : vector<16xf32>
      %div3A_178 = arith.constant 1.000000e+00 : f32
      %div3A_179 = vector.broadcast %div3A_178 : f32 to vector<16xf32>
      %div3A_180 = arith.divf %div3A_179, %add3A_177 : vector<16xf32>
      %swap3A_181 = arith.constant 112 : index
      %swap3A_182 = tpu.vector_load %arg12[%swap3A_181] {strides = array<i32>} : memref<640xf32, #tpu.memory_space<vmem>>, vector<16xf32>,
      %swap3A_183 = vector.shape_cast %swap3A_182 : vector<16xf32> to vector<16xf32>
      %swap3A_184 = vector.shape_cast %div3A_180 : vector<16xf32> to vector<16xf32>
      tpu.vector_store %arg12[%swap3A_181], %swap3A_184 {strides = array<i32>} : memref<640xf32, #tpu.memory_space<vmem>>, vector<16xf32>,
      %get3A_185 = arith.constant 128 : index
      %get3A_186 = tpu.vector_load %arg12[%get3A_185] {strides = array<i32>} : memref<640xf32, #tpu.memory_space<vmem>>, vector<16xf32>,
      %get3A_187 = vector.shape_cast %get3A_186 : vector<16xf32> to vector<16xf32>
      %get3A_188 = arith.constant 128 : index
      %get3A_189 = tpu.vector_load %arg13[%get3A_188] {strides = array<i32>} : memref<640xf32, #tpu.memory_space<vmem>>, vector<16xf32>,
      %get3A_190 = vector.shape_cast %get3A_189 : vector<16xf32> to vector<16xf32>
      %mul3A_191 = arith.mulf %get3A_190, %get3A_187 : vector<16xf32>
      %add3A_192 = arith.addf %mul3A_191, %get3A_13 : vector<16xf32>
      %neg3A_193 = arith.constant 0.000000e+00 : f32
      %neg3A_194 = vector.broadcast %neg3A_193 : f32 to vector<16xf32>
      %neg3A_195 = arith.subf %neg3A_194, %add3A_192 : vector<16xf32>
      %exp3A_196 = math.exp %neg3A_195 : vector<16xf32>
      %add3A_197 = arith.constant 1.000000e+00 : f32
      %add3A_198 = vector.broadcast %add3A_197 : f32 to vector<16xf32>
      %add3A_199 = arith.addf %add3A_198, %exp3A_196 : vector<16xf32>
      %div3A_200 = arith.constant 1.000000e+00 : f32
      %div3A_201 = vector.broadcast %div3A_200 : f32 to vector<16xf32>
      %div3A_202 = arith.divf %div3A_201, %add3A_199 : vector<16xf32>
      %swap3A_203 = arith.constant 128 : index
      %swap3A_204 = tpu.vector_load %arg12[%swap3A_203] {strides = array<i32>} : memref<640xf32, #tpu.memory_space<vmem>>, vector<16xf32>,
      %swap3A_205 = vector.shape_cast %swap3A_204 : vector<16xf32> to vector<16xf32>
      %swap3A_206 = vector.shape_cast %div3A_202 : vector<16xf32> to vector<16xf32>
      tpu.vector_store %arg12[%swap3A_203], %swap3A_206 {strides = array<i32>} : memref<640xf32, #tpu.memory_space<vmem>>, vector<16xf32>,
      %get3A_207 = arith.constant 144 : index
      %get3A_208 = tpu.vector_load %arg12[%get3A_207] {strides = array<i32>} : memref<640xf32, #tpu.memory_space<vmem>>, vector<16xf32>,
      %get3A_209 = vector.shape_cast %get3A_208 : vector<16xf32> to vector<16xf32>
      %get3A_210 = arith.constant 144 : index
      %get3A_211 = tpu.vector_load %arg13[%get3A_210] {strides = array<i32>} : memref<640xf32, #tpu.memory_space<vmem>>, vector<16xf32>,
      %get3A_212 = vector.shape_cast %get3A_211 : vector<16xf32> to vector<16xf32>
      %mul3A_213 = arith.mulf %get3A_212, %get3A_209 : vector<16xf32>
      %add3A_214 = arith.addf %mul3A_213, %get3A_13 : vector<16xf32>
      %neg3A_215 = arith.constant 0.000000e+00 : f32
      %neg3A_216 = vector.broadcast %neg3A_215 : f32 to vector<16xf32>
      %neg3A_217 = arith.subf %neg3A_216, %add3A_214 : vector<16xf32>
      %exp3A_218 = math.exp %neg3A_217 : vector<16xf32>
      %add3A_219 = arith.constant 1.000000e+00 : f32
      %add3A_220 = vector.broadcast %add3A_219 : f32 to vector<16xf32>
      %add3A_221 = arith.addf %add3A_220, %exp3A_218 : vector<16xf32>
      %div3A_222 = arith.constant 1.000000e+00 : f32
      %div3A_223 = vector.broadcast %div3A_222 : f32 to vector<16xf32>
      %div3A_224 = arith.divf %div3A_223, %add3A_221 : vector<16xf32>
      %swap3A_225 = arith.constant 144 : index
      %swap3A_226 = tpu.vector_load %arg12[%swap3A_225] {strides = array<i32>} : memref<640xf32, #tpu.memory_space<vmem>>, vector<16xf32>,
      %swap3A_227 = vector.shape_cast %swap3A_226 : vector<16xf32> to vector<16xf32>
      %swap3A_228 = vector.shape_cast %div3A_224 : vector<16xf32> to vector<16xf32>
      tpu.vector_store %arg12[%swap3A_225], %swap3A_228 {strides = array<i32>} : memref<640xf32, #tpu.memory_space<vmem>>, vector<16xf32>,
      %get3A_229 = arith.constant 160 : index
      %get3A_230 = tpu.vector_load %arg12[%get3A_229] {strides = array<i32>} : memref<640xf32, #tpu.memory_space<vmem>>, vector<16xf32>,
      %get3A_231 = vector.shape_cast %get3A_230 : vector<16xf32> to vector<16xf32>
      %get3A_232 = arith.constant 160 : index
      %get3A_233 = tpu.vector_load %arg13[%get3A_232] {strides = array<i32>} : memref<640xf32, #tpu.memory_space<vmem>>, vector<16xf32>,
      %get3A_234 = vector.shape_cast %get3A_233 : vector<16xf32> to vector<16xf32>
      %mul3A_235 = arith.mulf %get3A_234, %get3A_231 : vector<16xf32>
      %add3A_236 = arith.addf %mul3A_235, %get3A_13 : vector<16xf32>
      %neg3A_237 = arith.constant 0.000000e+00 : f32
      %neg3A_238 = vector.broadcast %neg3A_237 : f32 to vector<16xf32>
      %neg3A_239 = arith.subf %neg3A_238, %add3A_236 : vector<16xf32>
      %exp3A_240 = math.exp %neg3A_239 : vector<16xf32>
      %add3A_241 = arith.constant 1.000000e+00 : f32
      %add3A_242 = vector.broadcast %add3A_241 : f32 to vector<16xf32>
      %add3A_243 = arith.addf %add3A_242, %exp3A_240 : vector<16xf32>
      %div3A_244 = arith.constant 1.000000e+00 : f32
      %div3A_245 = vector.broadcast %div3A_244 : f32 to vector<16xf32>
      %div3A_246 = arith.divf %div3A_245, %add3A_243 : vector<16xf32>
      %swap3A_247 = arith.constant 160 : index
      %swap3A_248 = tpu.vector_load %arg12[%swap3A_247] {strides = array<i32>} : memref<640xf32, #tpu.memory_space<vmem>>, vector<16xf32>,
      %swap3A_249 = vector.shape_cast %swap3A_248 : vector<16xf32> to vector<16xf32>
      %swap3A_250 = vector.shape_cast %div3A_246 : vector<16xf32> to vector<16xf32>
      tpu.vector_store %arg12[%swap3A_247], %swap3A_250 {strides = array<i32>} : memref<640xf32, #tpu.memory_space<vmem>>, vector<16xf32>,
      %get3A_251 = arith.constant 176 : index
      %get3A_252 = tpu.vector_load %arg12[%get3A_251] {strides = array<i32>} : memref<640xf32, #tpu.memory_space<vmem>>, vector<16xf32>,
      %get3A_253 = vector.shape_cast %get3A_252 : vector<16xf32> to vector<16xf32>
      %get3A_254 = arith.constant 176 : index
      %get3A_255 = tpu.vector_load %arg13[%get3A_254] {strides = array<i32>} : memref<640xf32, #tpu.memory_space<vmem>>, vector<16xf32>,
      %get3A_256 = vector.shape_cast %get3A_255 : vector<16xf32> to vector<16xf32>
      %mul3A_257 = arith.mulf %get3A_256, %get3A_253 : vector<16xf32>
      %add3A_258 = arith.addf %mul3A_257, %get3A_13 : vector<16xf32>
      %neg3A_259 = arith.constant 0.000000e+00 : f32
      %neg3A_260 = vector.broadcast %neg3A_259 : f32 to vector<16xf32>
      %neg3A_261 = arith.subf %neg3A_260, %add3A_258 : vector<16xf32>
      %exp3A_262 = math.exp %neg3A_261 : vector<16xf32>
      %add3A_263 = arith.constant 1.000000e+00 : f32
      %add3A_264 = vector.broadcast %add3A_263 : f32 to vector<16xf32>
      %add3A_265 = arith.addf %add3A_264, %exp3A_262 : vector<16xf32>
      %div3A_266 = arith.constant 1.000000e+00 : f32
      %div3A_267 = vector.broadcast %div3A_266 : f32 to vector<16xf32>
      %div3A_268 = arith.divf %div3A_267, %add3A_265 : vector<16xf32>
      %swap3A_269 = arith.constant 176 : index
      %swap3A_270 = tpu.vector_load %arg12[%swap3A_269] {strides = array<i32>} : memref<640xf32, #tpu.memory_space<vmem>>, vector<16xf32>,
      %swap3A_271 = vector.shape_cast %swap3A_270 : vector<16xf32> to vector<16xf32>
      %swap3A_272 = vector.shape_cast %div3A_268 : vector<16xf32> to vector<16xf32>
      tpu.vector_store %arg12[%swap3A_269], %swap3A_272 {strides = array<i32>} : memref<640xf32, #tpu.memory_space<vmem>>, vector<16xf32>,
      %get3A_273 = arith.constant 192 : index
      %get3A_274 = tpu.vector_load %arg12[%get3A_273] {strides = array<i32>} : memref<640xf32, #tpu.memory_space<vmem>>, vector<16xf32>,
      %get3A_275 = vector.shape_cast %get3A_274 : vector<16xf32> to vector<16xf32>
      %get3A_276 = arith.constant 192 : index
      %get3A_277 = tpu.vector_load %arg13[%get3A_276] {strides = array<i32>} : memref<640xf32, #tpu.memory_space<vmem>>, vector<16xf32>,
      %get3A_278 = vector.shape_cast %get3A_277 : vector<16xf32> to vector<16xf32>
      %mul3A_279 = arith.mulf %get3A_278, %get3A_275 : vector<16xf32>
      %add3A_280 = arith.addf %mul3A_279, %get3A_13 : vector<16xf32>
      %neg3A_281 = arith.constant 0.000000e+00 : f32
      %neg3A_282 = vector.broadcast %neg3A_281 : f32 to vector<16xf32>
      %neg3A_283 = arith.subf %neg3A_282, %add3A_280 : vector<16xf32>
      %exp3A_284 = math.exp %neg3A_283 : vector<16xf32>
      %add3A_285 = arith.constant 1.000000e+00 : f32
      %add3A_286 = vector.broadcast %add3A_285 : f32 to vector<16xf32>
      %add3A_287 = arith.addf %add3A_286, %exp3A_284 : vector<16xf32>
      %div3A_288 = arith.constant 1.000000e+00 : f32
      %div3A_289 = vector.broadcast %div3A_288 : f32 to vector<16xf32>
      %div3A_290 = arith.divf %div3A_289, %add3A_287 : vector<16xf32>
      %swap3A_291 = arith.constant 192 : index
      %swap3A_292 = tpu.vector_load %arg12[%swap3A_291] {strides = array<i32>} : memref<640xf32, #tpu.memory_space<vmem>>, vector<16xf32>,
      %swap3A_293 = vector.shape_cast %swap3A_292 : vector<16xf32> to vector<16xf32>
      %swap3A_294 = vector.shape_cast %div3A_290 : vector<16xf32> to vector<16xf32>
      tpu.vector_store %arg12[%swap3A_291], %swap3A_294 {strides = array<i32>} : memref<640xf32, #tpu.memory_space<vmem>>, vector<16xf32>,
      %get3A_295 = arith.constant 208 : index
      %get3A_296 = tpu.vector_load %arg12[%get3A_295] {strides = array<i32>} : memref<640xf32, #tpu.memory_space<vmem>>, vector<16xf32>,
      %get3A_297 = vector.shape_cast %get3A_296 : vector<16xf32> to vector<16xf32>
      %get3A_298 = arith.constant 208 : index
      %get3A_299 = tpu.vector_load %arg13[%get3A_298] {strides = array<i32>} : memref<640xf32, #tpu.memory_space<vmem>>, vector<16xf32>,
      %get3A_300 = vector.shape_cast %get3A_299 : vector<16xf32> to vector<16xf32>
      %mul3A_301 = arith.mulf %get3A_300, %get3A_297 : vector<16xf32>
      %add3A_302 = arith.addf %mul3A_301, %get3A_13 : vector<16xf32>
      %neg3A_303 = arith.constant 0.000000e+00 : f32
      %neg3A_304 = vector.broadcast %neg3A_303 : f32 to vector<16xf32>
      %neg3A_305 = arith.subf %neg3A_304, %add3A_302 : vector<16xf32>
      %exp3A_306 = math.exp %neg3A_305 : vector<16xf32>
      %add3A_307 = arith.constant 1.000000e+00 : f32
      %add3A_308 = vector.broadcast %add3A_307 : f32 to vector<16xf32>
      %add3A_309 = arith.addf %add3A_308, %exp3A_306 : vector<16xf32>
      %div3A_310 = arith.constant 1.000000e+00 : f32
      %div3A_311 = vector.broadcast %div3A_310 : f32 to vector<16xf32>
      %div3A_312 = arith.divf %div3A_311, %add3A_309 : vector<16xf32>
      %swap3A_313 = arith.constant 208 : index
      %swap3A_314 = tpu.vector_load %arg12[%swap3A_313] {strides = array<i32>} : memref<640xf32, #tpu.memory_space<vmem>>, vector<16xf32>,
      %swap3A_315 = vector.shape_cast %swap3A_314 : vector<16xf32> to vector<16xf32>
      %swap3A_316 = vector.shape_cast %div3A_312 : vector<16xf32> to vector<16xf32>
      tpu.vector_store %arg12[%swap3A_313], %swap3A_316 {strides = array<i32>} : memref<640xf32, #tpu.memory_space<vmem>>, vector<16xf32>,
      %get3A_317 = arith.constant 224 : index
      %get3A_318 = tpu.vector_load %arg12[%get3A_317] {strides = array<i32>} : memref<640xf32, #tpu.memory_space<vmem>>, vector<16xf32>,
      %get3A_319 = vector.shape_cast %get3A_318 : vector<16xf32> to vector<16xf32>
      %get3A_320 = arith.constant 224 : index
      %get3A_321 = tpu.vector_load %arg13[%get3A_320] {strides = array<i32>} : memref<640xf32, #tpu.memory_space<vmem>>, vector<16xf32>,
      %get3A_322 = vector.shape_cast %get3A_321 : vector<16xf32> to vector<16xf32>
      %mul3A_323 = arith.mulf %get3A_322, %get3A_319 : vector<16xf32>
      %add3A_324 = arith.addf %mul3A_323, %get3A_13 : vector<16xf32>
      %neg3A_325 = arith.constant 0.000000e+00 : f32
      %neg3A_326 = vector.broadcast %neg3A_325 : f32 to vector<16xf32>
      %neg3A_327 = arith.subf %neg3A_326, %add3A_324 : vector<16xf32>
      %exp3A_328 = math.exp %neg3A_327 : vector<16xf32>
      %add3A_329 = arith.constant 1.000000e+00 : f32
      %add3A_330 = vector.broadcast %add3A_329 : f32 to vector<16xf32>
      %add3A_331 = arith.addf %add3A_330, %exp3A_328 : vector<16xf32>
      %div3A_332 = arith.constant 1.000000e+00 : f32
      %div3A_333 = vector.broadcast %div3A_332 : f32 to vector<16xf32>
      %div3A_334 = arith.divf %div3A_333, %add3A_331 : vector<16xf32>
      %swap3A_335 = arith.constant 224 : index
      %swap3A_336 = tpu.vector_load %arg12[%swap3A_335] {strides = array<i32>} : memref<640xf32, #tpu.memory_space<vmem>>, vector<16xf32>,
      %swap3A_337 = vector.shape_cast %swap3A_336 : vector<16xf32> to vector<16xf32>
      %swap3A_338 = vector.shape_cast %div3A_334 : vector<16xf32> to vector<16xf32>
      tpu.vector_store %arg12[%swap3A_335], %swap3A_338 {strides = array<i32>} : memref<640xf32, #tpu.memory_space<vmem>>, vector<16xf32>,
      %get3A_339 = arith.constant 240 : index
      %get3A_340 = tpu.vector_load %arg12[%get3A_339] {strides = array<i32>} : memref<640xf32, #tpu.memory_space<vmem>>, vector<16xf32>,
      %get3A_341 = vector.shape_cast %get3A_340 : vector<16xf32> to vector<16xf32>
      %get3A_342 = arith.constant 240 : index
      %get3A_343 = tpu.vector_load %arg13[%get3A_342] {strides = array<i32>} : memref<640xf32, #tpu.memory_space<vmem>>, vector<16xf32>,
      %get3A_344 = vector.shape_cast %get3A_343 : vector<16xf32> to vector<16xf32>
      %mul3A_345 = arith.mulf %get3A_344, %get3A_341 : vector<16xf32>
      %add3A_346 = arith.addf %mul3A_345, %get3A_13 : vector<16xf32>
      %neg3A_347 = arith.constant 0.000000e+00 : f32
      %neg3A_348 = vector.broadcast %neg3A_347 : f32 to vector<16xf32>
      %neg3A_349 = arith.subf %neg3A_348, %add3A_346 : vector<16xf32>
      %exp3A_350 = math.exp %neg3A_349 : vector<16xf32>
      %add3A_351 = arith.constant 1.000000e+00 : f32
      %add3A_352 = vector.broadcast %add3A_351 : f32 to vector<16xf32>
      %add3A_353 = arith.addf %add3A_352, %exp3A_350 : vector<16xf32>
      %div3A_354 = arith.constant 1.000000e+00 : f32
      %div3A_355 = vector.broadcast %div3A_354 : f32 to vector<16xf32>
      %div3A_356 = arith.divf %div3A_355, %add3A_353 : vector<16xf32>
      %swap3A_357 = arith.constant 240 : index
      %swap3A_358 = tpu.vector_load %arg12[%swap3A_357] {strides = array<i32>} : memref<640xf32, #tpu.memory_space<vmem>>, vector<16xf32>,
      %swap3A_359 = vector.shape_cast %swap3A_358 : vector<16xf32> to vector<16xf32>
      %swap3A_360 = vector.shape_cast %div3A_356 : vector<16xf32> to vector<16xf32>
      tpu.vector_store %arg12[%swap3A_357], %swap3A_360 {strides = array<i32>} : memref<640xf32, #tpu.memory_space<vmem>>, vector<16xf32>,
      %get3A_361 = arith.constant 256 : index
      %get3A_362 = tpu.vector_load %arg12[%get3A_361] {strides = array<i32>} : memref<640xf32, #tpu.memory_space<vmem>>, vector<16xf32>,
      %get3A_363 = vector.shape_cast %get3A_362 : vector<16xf32> to vector<16xf32>
      %get3A_364 = arith.constant 256 : index
      %get3A_365 = tpu.vector_load %arg13[%get3A_364] {strides = array<i32>} : memref<640xf32, #tpu.memory_space<vmem>>, vector<16xf32>,
      %get3A_366 = vector.shape_cast %get3A_365 : vector<16xf32> to vector<16xf32>
      %mul3A_367 = arith.mulf %get3A_366, %get3A_363 : vector<16xf32>
      %add3A_368 = arith.addf %mul3A_367, %get3A_13 : vector<16xf32>
      %neg3A_369 = arith.constant 0.000000e+00 : f32
      %neg3A_370 = vector.broadcast %neg3A_369 : f32 to vector<16xf32>
      %neg3A_371 = arith.subf %neg3A_370, %add3A_368 : vector<16xf32>
      %exp3A_372 = math.exp %neg3A_371 : vector<16xf32>
      %add3A_373 = arith.constant 1.000000e+00 : f32
      %add3A_374 = vector.broadcast %add3A_373 : f32 to vector<16xf32>
      %add3A_375 = arith.addf %add3A_374, %exp3A_372 : vector<16xf32>
      %div3A_376 = arith.constant 1.000000e+00 : f32
      %div3A_377 = vector.broadcast %div3A_376 : f32 to vector<16xf32>
      %div3A_378 = arith.divf %div3A_377, %add3A_375 : vector<16xf32>
      %swap3A_379 = arith.constant 256 : index
      %swap3A_380 = tpu.vector_load %arg12[%swap3A_379] {strides = array<i32>} : memref<640xf32, #tpu.memory_space<vmem>>, vector<16xf32>,
      %swap3A_381 = vector.shape_cast %swap3A_380 : vector<16xf32> to vector<16xf32>
      %swap3A_382 = vector.shape_cast %div3A_378 : vector<16xf32> to vector<16xf32>
      tpu.vector_store %arg12[%swap3A_379], %swap3A_382 {strides = array<i32>} : memref<640xf32, #tpu.memory_space<vmem>>, vector<16xf32>,
      %get3A_383 = arith.constant 272 : index
      %get3A_384 = tpu.vector_load %arg12[%get3A_383] {strides = array<i32>} : memref<640xf32, #tpu.memory_space<vmem>>, vector<16xf32>,
      %get3A_385 = vector.shape_cast %get3A_384 : vector<16xf32> to vector<16xf32>
      %get3A_386 = arith.constant 272 : index
      %get3A_387 = tpu.vector_load %arg13[%get3A_386] {strides = array<i32>} : memref<640xf32, #tpu.memory_space<vmem>>, vector<16xf32>,
      %get3A_388 = vector.shape_cast %get3A_387 : vector<16xf32> to vector<16xf32>
      %mul3A_389 = arith.mulf %get3A_388, %get3A_385 : vector<16xf32>
      %add3A_390 = arith.addf %mul3A_389, %get3A_13 : vector<16xf32>
      %neg3A_391 = arith.constant 0.000000e+00 : f32
      %neg3A_392 = vector.broadcast %neg3A_391 : f32 to vector<16xf32>
      %neg3A_393 = arith.subf %neg3A_392, %add3A_390 : vector<16xf32>
      %exp3A_394 = math.exp %neg3A_393 : vector<16xf32>
      %add3A_395 = arith.constant 1.000000e+00 : f32
      %add3A_396 = vector.broadcast %add3A_395 : f32 to vector<16xf32>
      %add3A_397 = arith.addf %add3A_396, %exp3A_394 : vector<16xf32>
      %div3A_398 = arith.constant 1.000000e+00 : f32
      %div3A_399 = vector.broadcast %div3A_398 : f32 to vector<16xf32>
      %div3A_400 = arith.divf %div3A_399, %add3A_397 : vector<16xf32>
      %swap3A_401 = arith.constant 272 : index
      %swap3A_402 = tpu.vector_load %arg12[%swap3A_401] {strides = array<i32>} : memref<640xf32, #tpu.memory_space<vmem>>, vector<16xf32>,
      %swap3A_403 = vector.shape_cast %swap3A_402 : vector<16xf32> to vector<16xf32>
      %swap3A_404 = vector.shape_cast %div3A_400 : vector<16xf32> to vector<16xf32>
      tpu.vector_store %arg12[%swap3A_401], %swap3A_404 {strides = array<i32>} : memref<640xf32, #tpu.memory_space<vmem>>, vector<16xf32>,
      %get3A_405 = arith.constant 288 : index
      %get3A_406 = tpu.vector_load %arg12[%get3A_405] {strides = array<i32>} : memref<640xf32, #tpu.memory_space<vmem>>, vector<16xf32>,
      %get3A_407 = vector.shape_cast %get3A_406 : vector<16xf32> to vector<16xf32>
      %get3A_408 = arith.constant 288 : index
      %get3A_409 = tpu.vector_load %arg13[%get3A_408] {strides = array<i32>} : memref<640xf32, #tpu.memory_space<vmem>>, vector<16xf32>,
      %get3A_410 = vector.shape_cast %get3A_409 : vector<16xf32> to vector<16xf32>
      %mul3A_411 = arith.mulf %get3A_410, %get3A_407 : vector<16xf32>
      %add3A_412 = arith.addf %mul3A_411, %get3A_13 : vector<16xf32>
      %neg3A_413 = arith.constant 0.000000e+00 : f32
      %neg3A_414 = vector.broadcast %neg3A_413 : f32 to vector<16xf32>
      %neg3A_415 = arith.subf %neg3A_414, %add3A_412 : vector<16xf32>
      %exp3A_416 = math.exp %neg3A_415 : vector<16xf32>
      %add3A_417 = arith.constant 1.000000e+00 : f32
      %add3A_418 = vector.broadcast %add3A_417 : f32 to vector<16xf32>
      %add3A_419 = arith.addf %add3A_418, %exp3A_416 : vector<16xf32>
      %div3A_420 = arith.constant 1.000000e+00 : f32
      %div3A_421 = vector.broadcast %div3A_420 : f32 to vector<16xf32>
      %div3A_422 = arith.divf %div3A_421, %add3A_419 : vector<16xf32>
      %swap3A_423 = arith.constant 288 : index
      %swap3A_424 = tpu.vector_load %arg12[%swap3A_423] {strides = array<i32>} : memref<640xf32, #tpu.memory_space<vmem>>, vector<16xf32>,
      %swap3A_425 = vector.shape_cast %swap3A_424 : vector<16xf32> to vector<16xf32>
      %swap3A_426 = vector.shape_cast %div3A_422 : vector<16xf32> to vector<16xf32>
      tpu.vector_store %arg12[%swap3A_423], %swap3A_426 {strides = array<i32>} : memref<640xf32, #tpu.memory_space<vmem>>, vector<16xf32>,
      %get3A_427 = arith.constant 304 : index
      %get3A_428 = tpu.vector_load %arg12[%get3A_427] {strides = array<i32>} : memref<640xf32, #tpu.memory_space<vmem>>, vector<16xf32>,
      %get3A_429 = vector.shape_cast %get3A_428 : vector<16xf32> to vector<16xf32>
      %get3A_430 = arith.constant 304 : index
      %get3A_431 = tpu.vector_load %arg13[%get3A_430] {strides = array<i32>} : memref<640xf32, #tpu.memory_space<vmem>>, vector<16xf32>,
      %get3A_432 = vector.shape_cast %get3A_431 : vector<16xf32> to vector<16xf32>
      %mul3A_433 = arith.mulf %get3A_432, %get3A_429 : vector<16xf32>
      %add3A_434 = arith.addf %mul3A_433, %get3A_13 : vector<16xf32>
      %neg3A_435 = arith.constant 0.000000e+00 : f32
      %neg3A_436 = vector.broadcast %neg3A_435 : f32 to vector<16xf32>
      %neg3A_437 = arith.subf %neg3A_436, %add3A_434 : vector<16xf32>
      %exp3A_438 = math.exp %neg3A_437 : vector<16xf32>
      %add3A_439 = arith.constant 1.000000e+00 : f32
      %add3A_440 = vector.broadcast %add3A_439 : f32 to vector<16xf32>
      %add3A_441 = arith.addf %add3A_440, %exp3A_438 : vector<16xf32>
      %div3A_442 = arith.constant 1.000000e+00 : f32
      %div3A_443 = vector.broadcast %div3A_442 : f32 to vector<16xf32>
      %div3A_444 = arith.divf %div3A_443, %add3A_441 : vector<16xf32>
      %swap3A_445 = arith.constant 304 : index
      %swap3A_446 = tpu.vector_load %arg12[%swap3A_445] {strides = array<i32>} : memref<640xf32, #tpu.memory_space<vmem>>, vector<16xf32>,
      %swap3A_447 = vector.shape_cast %swap3A_446 : vector<16xf32> to vector<16xf32>
      %swap3A_448 = vector.shape_cast %div3A_444 : vector<16xf32> to vector<16xf32>
      tpu.vector_store %arg12[%swap3A_445], %swap3A_448 {strides = array<i32>} : memref<640xf32, #tpu.memory_space<vmem>>, vector<16xf32>,
      %get3A_449 = arith.constant 320 : index
      %get3A_450 = tpu.vector_load %arg12[%get3A_449] {strides = array<i32>} : memref<640xf32, #tpu.memory_space<vmem>>, vector<16xf32>,
      %get3A_451 = vector.shape_cast %get3A_450 : vector<16xf32> to vector<16xf32>
      %get3A_452 = arith.constant 320 : index
      %get3A_453 = tpu.vector_load %arg13[%get3A_452] {strides = array<i32>} : memref<640xf32, #tpu.memory_space<vmem>>, vector<16xf32>,
      %get3A_454 = vector.shape_cast %get3A_453 : vector<16xf32> to vector<16xf32>
      %mul3A_455 = arith.mulf %get3A_454, %get3A_451 : vector<16xf32>
      %add3A_456 = arith.addf %mul3A_455, %get3A_13 : vector<16xf32>
      %neg3A_457 = arith.constant 0.000000e+00 : f32
      %neg3A_458 = vector.broadcast %neg3A_457 : f32 to vector<16xf32>
      %neg3A_459 = arith.subf %neg3A_458, %add3A_456 : vector<16xf32>
      %exp3A_460 = math.exp %neg3A_459 : vector<16xf32>
      %add3A_461 = arith.constant 1.000000e+00 : f32
      %add3A_462 = vector.broadcast %add3A_461 : f32 to vector<16xf32>
      %add3A_463 = arith.addf %add3A_462, %exp3A_460 : vector<16xf32>
      %div3A_464 = arith.constant 1.000000e+00 : f32
      %div3A_465 = vector.broadcast %div3A_464 : f32 to vector<16xf32>
      %div3A_466 = arith.divf %div3A_465, %add3A_463 : vector<16xf32>
      %swap3A_467 = arith.constant 320 : index
      %swap3A_468 = tpu.vector_load %arg12[%swap3A_467] {strides = array<i32>} : memref<640xf32, #tpu.memory_space<vmem>>, vector<16xf32>,
      %swap3A_469 = vector.shape_cast %swap3A_468 : vector<16xf32> to vector<16xf32>
      %swap3A_470 = vector.shape_cast %div3A_466 : vector<16xf32> to vector<16xf32>
      tpu.vector_store %arg12[%swap3A_467], %swap3A_470 {strides = array<i32>} : memref<640xf32, #tpu.memory_space<vmem>>, vector<16xf32>,
      %get3A_471 = arith.constant 336 : index
      %get3A_472 = tpu.vector_load %arg12[%get3A_471] {strides = array<i32>} : memref<640xf32, #tpu.memory_space<vmem>>, vector<16xf32>,
      %get3A_473 = vector.shape_cast %get3A_472 : vector<16xf32> to vector<16xf32>
      %get3A_474 = arith.constant 336 : index
      %get3A_475 = tpu.vector_load %arg13[%get3A_474] {strides = array<i32>} : memref<640xf32, #tpu.memory_space<vmem>>, vector<16xf32>,
      %get3A_476 = vector.shape_cast %get3A_475 : vector<16xf32> to vector<16xf32>
      %mul3A_477 = arith.mulf %get3A_476, %get3A_473 : vector<16xf32>
      %add3A_478 = arith.addf %mul3A_477, %get3A_13 : vector<16xf32>
      %neg3A_479 = arith.constant 0.000000e+00 : f32
      %neg3A_480 = vector.broadcast %neg3A_479 : f32 to vector<16xf32>
      %neg3A_481 = arith.subf %neg3A_480, %add3A_478 : vector<16xf32>
      %exp3A_482 = math.exp %neg3A_481 : vector<16xf32>
      %add3A_483 = arith.constant 1.000000e+00 : f32
      %add3A_484 = vector.broadcast %add3A_483 : f32 to vector<16xf32>
      %add3A_485 = arith.addf %add3A_484, %exp3A_482 : vector<16xf32>
      %div3A_486 = arith.constant 1.000000e+00 : f32
      %div3A_487 = vector.broadcast %div3A_486 : f32 to vector<16xf32>
      %div3A_488 = arith.divf %div3A_487, %add3A_485 : vector<16xf32>
      %swap3A_489 = arith.constant 336 : index
      %swap3A_490 = tpu.vector_load %arg12[%swap3A_489] {strides = array<i32>} : memref<640xf32, #tpu.memory_space<vmem>>, vector<16xf32>,
      %swap3A_491 = vector.shape_cast %swap3A_490 : vector<16xf32> to vector<16xf32>
      %swap3A_492 = vector.shape_cast %div3A_488 : vector<16xf32> to vector<16xf32>
      tpu.vector_store %arg12[%swap3A_489], %swap3A_492 {strides = array<i32>} : memref<640xf32, #tpu.memory_space<vmem>>, vector<16xf32>,
      %get3A_493 = arith.constant 352 : index
      %get3A_494 = tpu.vector_load %arg12[%get3A_493] {strides = array<i32>} : memref<640xf32, #tpu.memory_space<vmem>>, vector<16xf32>,
      %get3A_495 = vector.shape_cast %get3A_494 : vector<16xf32> to vector<16xf32>
      %get3A_496 = arith.constant 352 : index
      %get3A_497 = tpu.vector_load %arg13[%get3A_496] {strides = array<i32>} : memref<640xf32, #tpu.memory_space<vmem>>, vector<16xf32>,
      %get3A_498 = vector.shape_cast %get3A_497 : vector<16xf32> to vector<16xf32>
      %mul3A_499 = arith.mulf %get3A_498, %get3A_495 : vector<16xf32>
      %add3A_500 = arith.addf %mul3A_499, %get3A_13 : vector<16xf32>
      %neg3A_501 = arith.constant 0.000000e+00 : f32
      %neg3A_502 = vector.broadcast %neg3A_501 : f32 to vector<16xf32>
      %neg3A_503 = arith.subf %neg3A_502, %add3A_500 : vector<16xf32>
      %exp3A_504 = math.exp %neg3A_503 : vector<16xf32>
      %add3A_505 = arith.constant 1.000000e+00 : f32
      %add3A_506 = vector.broadcast %add3A_505 : f32 to vector<16xf32>
      %add3A_507 = arith.addf %add3A_506, %exp3A_504 : vector<16xf32>
      %div3A_508 = arith.constant 1.000000e+00 : f32
      %div3A_509 = vector.broadcast %div3A_508 : f32 to vector<16xf32>
      %div3A_510 = arith.divf %div3A_509, %add3A_507 : vector<16xf32>
      %swap3A_511 = arith.constant 352 : index
      %swap3A_512 = tpu.vector_load %arg12[%swap3A_511] {strides = array<i32>} : memref<640xf32, #tpu.memory_space<vmem>>, vector<16xf32>,
      %swap3A_513 = vector.shape_cast %swap3A_512 : vector<16xf32> to vector<16xf32>
      %swap3A_514 = vector.shape_cast %div3A_510 : vector<16xf32> to vector<16xf32>
      tpu.vector_store %arg12[%swap3A_511], %swap3A_514 {strides = array<i32>} : memref<640xf32, #tpu.memory_space<vmem>>, vector<16xf32>,
      %get3A_515 = arith.constant 368 : index
      %get3A_516 = tpu.vector_load %arg12[%get3A_515] {strides = array<i32>} : memref<640xf32, #tpu.memory_space<vmem>>, vector<16xf32>,
      %get3A_517 = vector.shape_cast %get3A_516 : vector<16xf32> to vector<16xf32>
      %get3A_518 = arith.constant 368 : index
      %get3A_519 = tpu.vector_load %arg13[%get3A_518] {strides = array<i32>} : memref<640xf32, #tpu.memory_space<vmem>>, vector<16xf32>,
      %get3A_520 = vector.shape_cast %get3A_519 : vector<16xf32> to vector<16xf32>
      %mul3A_521 = arith.mulf %get3A_520, %get3A_517 : vector<16xf32>
      %add3A_522 = arith.addf %mul3A_521, %get3A_13 : vector<16xf32>
      %neg3A_523 = arith.constant 0.000000e+00 : f32
      %neg3A_524 = vector.broadcast %neg3A_523 : f32 to vector<16xf32>
      %neg3A_525 = arith.subf %neg3A_524, %add3A_522 : vector<16xf32>
      %exp3A_526 = math.exp %neg3A_525 : vector<16xf32>
      %add3A_527 = arith.constant 1.000000e+00 : f32
      %add3A_528 = vector.broadcast %add3A_527 : f32 to vector<16xf32>
      %add3A_529 = arith.addf %add3A_528, %exp3A_526 : vector<16xf32>
      %div3A_530 = arith.constant 1.000000e+00 : f32
      %div3A_531 = vector.broadcast %div3A_530 : f32 to vector<16xf32>
      %div3A_532 = arith.divf %div3A_531, %add3A_529 : vector<16xf32>
      %swap3A_533 = arith.constant 368 : index
      %swap3A_534 = tpu.vector_load %arg12[%swap3A_533] {strides = array<i32>} : memref<640xf32, #tpu.memory_space<vmem>>, vector<16xf32>,
      %swap3A_535 = vector.shape_cast %swap3A_534 : vector<16xf32> to vector<16xf32>
      %swap3A_536 = vector.shape_cast %div3A_532 : vector<16xf32> to vector<16xf32>
      tpu.vector_store %arg12[%swap3A_533], %swap3A_536 {strides = array<i32>} : memref<640xf32, #tpu.memory_space<vmem>>, vector<16xf32>,
      %get3A_537 = arith.constant 384 : index
      %get3A_538 = tpu.vector_load %arg12[%get3A_537] {strides = array<i32>} : memref<640xf32, #tpu.memory_space<vmem>>, vector<16xf32>,
      %get3A_539 = vector.shape_cast %get3A_538 : vector<16xf32> to vector<16xf32>
      %get3A_540 = arith.constant 384 : index
      %get3A_541 = tpu.vector_load %arg13[%get3A_540] {strides = array<i32>} : memref<640xf32, #tpu.memory_space<vmem>>, vector<16xf32>,
      %get3A_542 = vector.shape_cast %get3A_541 : vector<16xf32> to vector<16xf32>
      %mul3A_543 = arith.mulf %get3A_542, %get3A_539 : vector<16xf32>
      %add3A_544 = arith.addf %mul3A_543, %get3A_13 : vector<16xf32>
      %neg3A_545 = arith.constant 0.000000e+00 : f32
      %neg3A_546 = vector.broadcast %neg3A_545 : f32 to vector<16xf32>
      %neg3A_547 = arith.subf %neg3A_546, %add3A_544 : vector<16xf32>
      %exp3A_548 = math.exp %neg3A_547 : vector<16xf32>
      %add3A_549 = arith.constant 1.000000e+00 : f32
      %add3A_550 = vector.broadcast %add3A_549 : f32 to vector<16xf32>
      %add3A_551 = arith.addf %add3A_550, %exp3A_548 : vector<16xf32>
      %div3A_552 = arith.constant 1.000000e+00 : f32
      %div3A_553 = vector.broadcast %div3A_552 : f32 to vector<16xf32>
      %div3A_554 = arith.divf %div3A_553, %add3A_551 : vector<16xf32>
      %swap3A_555 = arith.constant 384 : index
      %swap3A_556 = tpu.vector_load %arg12[%swap3A_555] {strides = array<i32>} : memref<640xf32, #tpu.memory_space<vmem>>, vector<16xf32>,
      %swap3A_557 = vector.shape_cast %swap3A_556 : vector<16xf32> to vector<16xf32>
      %swap3A_558 = vector.shape_cast %div3A_554 : vector<16xf32> to vector<16xf32>
      tpu.vector_store %arg12[%swap3A_555], %swap3A_558 {strides = array<i32>} : memref<640xf32, #tpu.memory_space<vmem>>, vector<16xf32>,
      %get3A_559 = arith.constant 400 : index
      %get3A_560 = tpu.vector_load %arg12[%get3A_559] {strides = array<i32>} : memref<640xf32, #tpu.memory_space<vmem>>, vector<16xf32>,
      %get3A_561 = vector.shape_cast %get3A_560 : vector<16xf32> to vector<16xf32>
      %get3A_562 = arith.constant 400 : index
      %get3A_563 = tpu.vector_load %arg13[%get3A_562] {strides = array<i32>} : memref<640xf32, #tpu.memory_space<vmem>>, vector<16xf32>,
      %get3A_564 = vector.shape_cast %get3A_563 : vector<16xf32> to vector<16xf32>
      %mul3A_565 = arith.mulf %get3A_564, %get3A_561 : vector<16xf32>
      %add3A_566 = arith.addf %mul3A_565, %get3A_13 : vector<16xf32>
      %neg3A_567 = arith.constant 0.000000e+00 : f32
      %neg3A_568 = vector.broadcast %neg3A_567 : f32 to vector<16xf32>
      %neg3A_569 = arith.subf %neg3A_568, %add3A_566 : vector<16xf32>
      %exp3A_570 = math.exp %neg3A_569 : vector<16xf32>
      %add3A_571 = arith.constant 1.000000e+00 : f32
      %add3A_572 = vector.broadcast %add3A_571 : f32 to vector<16xf32>
      %add3A_573 = arith.addf %add3A_572, %exp3A_570 : vector<16xf32>
      %div3A_574 = arith.constant 1.000000e+00 : f32
      %div3A_575 = vector.broadcast %div3A_574 : f32 to vector<16xf32>
      %div3A_576 = arith.divf %div3A_575, %add3A_573 : vector<16xf32>
      %swap3A_577 = arith.constant 400 : index
      %swap3A_578 = tpu.vector_load %arg12[%swap3A_577] {strides = array<i32>} : memref<640xf32, #tpu.memory_space<vmem>>, vector<16xf32>,
      %swap3A_579 = vector.shape_cast %swap3A_578 : vector<16xf32> to vector<16xf32>
      %swap3A_580 = vector.shape_cast %div3A_576 : vector<16xf32> to vector<16xf32>
      tpu.vector_store %arg12[%swap3A_577], %swap3A_580 {strides = array<i32>} : memref<640xf32, #tpu.memory_space<vmem>>, vector<16xf32>,
      %get3A_581 = arith.constant 416 : index
      %get3A_582 = tpu.vector_load %arg12[%get3A_581] {strides = array<i32>} : memref<640xf32, #tpu.memory_space<vmem>>, vector<16xf32>,
      %get3A_583 = vector.shape_cast %get3A_582 : vector<16xf32> to vector<16xf32>
      %get3A_584 = arith.constant 416 : index
      %get3A_585 = tpu.vector_load %arg13[%get3A_584] {strides = array<i32>} : memref<640xf32, #tpu.memory_space<vmem>>, vector<16xf32>,
      %get3A_586 = vector.shape_cast %get3A_585 : vector<16xf32> to vector<16xf32>
      %mul3A_587 = arith.mulf %get3A_586, %get3A_583 : vector<16xf32>
      %add3A_588 = arith.addf %mul3A_587, %get3A_13 : vector<16xf32>
      %neg3A_589 = arith.constant 0.000000e+00 : f32
      %neg3A_590 = vector.broadcast %neg3A_589 : f32 to vector<16xf32>
      %neg3A_591 = arith.subf %neg3A_590, %add3A_588 : vector<16xf32>
      %exp3A_592 = math.exp %neg3A_591 : vector<16xf32>
      %add3A_593 = arith.constant 1.000000e+00 : f32
      %add3A_594 = vector.broadcast %add3A_593 : f32 to vector<16xf32>
      %add3A_595 = arith.addf %add3A_594, %exp3A_592 : vector<16xf32>
      %div3A_596 = arith.constant 1.000000e+00 : f32
      %div3A_597 = vector.broadcast %div3A_596 : f32 to vector<16xf32>
      %div3A_598 = arith.divf %div3A_597, %add3A_595 : vector<16xf32>
      %swap3A_599 = arith.constant 416 : index
      %swap3A_600 = tpu.vector_load %arg12[%swap3A_599] {strides = array<i32>} : memref<640xf32, #tpu.memory_space<vmem>>, vector<16xf32>,
      %swap3A_601 = vector.shape_cast %swap3A_600 : vector<16xf32> to vector<16xf32>
      %swap3A_602 = vector.shape_cast %div3A_598 : vector<16xf32> to vector<16xf32>
      tpu.vector_store %arg12[%swap3A_599], %swap3A_602 {strides = array<i32>} : memref<640xf32, #tpu.memory_space<vmem>>, vector<16xf32>,
      %get3A_603 = arith.constant 432 : index
      %get3A_604 = tpu.vector_load %arg12[%get3A_603] {strides = array<i32>} : memref<640xf32, #tpu.memory_space<vmem>>, vector<16xf32>,
      %get3A_605 = vector.shape_cast %get3A_604 : vector<16xf32> to vector<16xf32>
      %get3A_606 = arith.constant 432 : index
      %get3A_607 = tpu.vector_load %arg13[%get3A_606] {strides = array<i32>} : memref<640xf32, #tpu.memory_space<vmem>>, vector<16xf32>,
      %get3A_608 = vector.shape_cast %get3A_607 : vector<16xf32> to vector<16xf32>
      %mul3A_609 = arith.mulf %get3A_608, %get3A_605 : vector<16xf32>
      %add3A_610 = arith.addf %mul3A_609, %get3A_13 : vector<16xf32>
      %neg3A_611 = arith.constant 0.000000e+00 : f32
      %neg3A_612 = vector.broadcast %neg3A_611 : f32 to vector<16xf32>
      %neg3A_613 = arith.subf %neg3A_612, %add3A_610 : vector<16xf32>
      %exp3A_614 = math.exp %neg3A_613 : vector<16xf32>
      %add3A_615 = arith.constant 1.000000e+00 : f32
      %add3A_616 = vector.broadcast %add3A_615 : f32 to vector<16xf32>
      %add3A_617 = arith.addf %add3A_616, %exp3A_614 : vector<16xf32>
      %div3A_618 = arith.constant 1.000000e+00 : f32
      %div3A_619 = vector.broadcast %div3A_618 : f32 to vector<16xf32>
      %div3A_620 = arith.divf %div3A_619, %add3A_617 : vector<16xf32>
      %swap3A_621 = arith.constant 432 : index
      %swap3A_622 = tpu.vector_load %arg12[%swap3A_621] {strides = array<i32>} : memref<640xf32, #tpu.memory_space<vmem>>, vector<16xf32>,
      %swap3A_623 = vector.shape_cast %swap3A_622 : vector<16xf32> to vector<16xf32>
      %swap3A_624 = vector.shape_cast %div3A_620 : vector<16xf32> to vector<16xf32>
      tpu.vector_store %arg12[%swap3A_621], %swap3A_624 {strides = array<i32>} : memref<640xf32, #tpu.memory_space<vmem>>, vector<16xf32>,
      %get3A_625 = arith.constant 448 : index
      %get3A_626 = tpu.vector_load %arg12[%get3A_625] {strides = array<i32>} : memref<640xf32, #tpu.memory_space<vmem>>, vector<16xf32>,
      %get3A_627 = vector.shape_cast %get3A_626 : vector<16xf32> to vector<16xf32>
      %get3A_628 = arith.constant 448 : index
      %get3A_629 = tpu.vector_load %arg13[%get3A_628] {strides = array<i32>} : memref<640xf32, #tpu.memory_space<vmem>>, vector<16xf32>,
      %get3A_630 = vector.shape_cast %get3A_629 : vector<16xf32> to vector<16xf32>
      %mul3A_631 = arith.mulf %get3A_630, %get3A_627 : vector<16xf32>
      %add3A_632 = arith.addf %mul3A_631, %get3A_13 : vector<16xf32>
      %neg3A_633 = arith.constant 0.000000e+00 : f32
      %neg3A_634 = vector.broadcast %neg3A_633 : f32 to vector<16xf32>
      %neg3A_635 = arith.subf %neg3A_634, %add3A_632 : vector<16xf32>
      %exp3A_636 = math.exp %neg3A_635 : vector<16xf32>
      %add3A_637 = arith.constant 1.000000e+00 : f32
      %add3A_638 = vector.broadcast %add3A_637 : f32 to vector<16xf32>
      %add3A_639 = arith.addf %add3A_638, %exp3A_636 : vector<16xf32>
      %div3A_640 = arith.constant 1.000000e+00 : f32
      %div3A_641 = vector.broadcast %div3A_640 : f32 to vector<16xf32>
      %div3A_642 = arith.divf %div3A_641, %add3A_639 : vector<16xf32>
      %swap3A_643 = arith.constant 448 : index
      %swap3A_644 = tpu.vector_load %arg12[%swap3A_643] {strides = array<i32>} : memref<640xf32, #tpu.memory_space<vmem>>, vector<16xf32>,
      %swap3A_645 = vector.shape_cast %swap3A_644 : vector<16xf32> to vector<16xf32>
      %swap3A_646 = vector.shape_cast %div3A_642 : vector<16xf32> to vector<16xf32>
      tpu.vector_store %arg12[%swap3A_643], %swap3A_646 {strides = array<i32>} : memref<640xf32, #tpu.memory_space<vmem>>, vector<16xf32>,
      %get3A_647 = arith.constant 464 : index
      %get3A_648 = tpu.vector_load %arg12[%get3A_647] {strides = array<i32>} : memref<640xf32, #tpu.memory_space<vmem>>, vector<16xf32>,
      %get3A_649 = vector.shape_cast %get3A_648 : vector<16xf32> to vector<16xf32>
      %get3A_650 = arith.constant 464 : index
      %get3A_651 = tpu.vector_load %arg13[%get3A_650] {strides = array<i32>} : memref<640xf32, #tpu.memory_space<vmem>>, vector<16xf32>,
      %get3A_652 = vector.shape_cast %get3A_651 : vector<16xf32> to vector<16xf32>
      %mul3A_653 = arith.mulf %get3A_652, %get3A_649 : vector<16xf32>
      %add3A_654 = arith.addf %mul3A_653, %get3A_13 : vector<16xf32>
      %neg3A_655 = arith.constant 0.000000e+00 : f32
      %neg3A_656 = vector.broadcast %neg3A_655 : f32 to vector<16xf32>
      %neg3A_657 = arith.subf %neg3A_656, %add3A_654 : vector<16xf32>
      %exp3A_658 = math.exp %neg3A_657 : vector<16xf32>
      %add3A_659 = arith.constant 1.000000e+00 : f32
      %add3A_660 = vector.broadcast %add3A_659 : f32 to vector<16xf32>
      %add3A_661 = arith.addf %add3A_660, %exp3A_658 : vector<16xf32>
      %div3A_662 = arith.constant 1.000000e+00 : f32
      %div3A_663 = vector.broadcast %div3A_662 : f32 to vector<16xf32>
      %div3A_664 = arith.divf %div3A_663, %add3A_661 : vector<16xf32>
      %swap3A_665 = arith.constant 464 : index
      %swap3A_666 = tpu.vector_load %arg12[%swap3A_665] {strides = array<i32>} : memref<640xf32, #tpu.memory_space<vmem>>, vector<16xf32>,
      %swap3A_667 = vector.shape_cast %swap3A_666 : vector<16xf32> to vector<16xf32>
      %swap3A_668 = vector.shape_cast %div3A_664 : vector<16xf32> to vector<16xf32>
      tpu.vector_store %arg12[%swap3A_665], %swap3A_668 {strides = array<i32>} : memref<640xf32, #tpu.memory_space<vmem>>, vector<16xf32>,
      %get3A_669 = arith.constant 480 : index
      %get3A_670 = tpu.vector_load %arg12[%get3A_669] {strides = array<i32>} : memref<640xf32, #tpu.memory_space<vmem>>, vector<16xf32>,
      %get3A_671 = vector.shape_cast %get3A_670 : vector<16xf32> to vector<16xf32>
      %get3A_672 = arith.constant 480 : index
      %get3A_673 = tpu.vector_load %arg13[%get3A_672] {strides = array<i32>} : memref<640xf32, #tpu.memory_space<vmem>>, vector<16xf32>,
      %get3A_674 = vector.shape_cast %get3A_673 : vector<16xf32> to vector<16xf32>
      %mul3A_675 = arith.mulf %get3A_674, %get3A_671 : vector<16xf32>
      %add3A_676 = arith.addf %mul3A_675, %get3A_13 : vector<16xf32>
      %neg3A_677 = arith.constant 0.000000e+00 : f32
      %neg3A_678 = vector.broadcast %neg3A_677 : f32 to vector<16xf32>
      %neg3A_679 = arith.subf %neg3A_678, %add3A_676 : vector<16xf32>
      %exp3A_680 = math.exp %neg3A_679 : vector<16xf32>
      %add3A_681 = arith.constant 1.000000e+00 : f32
      %add3A_682 = vector.broadcast %add3A_681 : f32 to vector<16xf32>
      %add3A_683 = arith.addf %add3A_682, %exp3A_680 : vector<16xf32>
      %div3A_684 = arith.constant 1.000000e+00 : f32
      %div3A_685 = vector.broadcast %div3A_684 : f32 to vector<16xf32>
      %div3A_686 = arith.divf %div3A_685, %add3A_683 : vector<16xf32>
      %swap3A_687 = arith.constant 480 : index
      %swap3A_688 = tpu.vector_load %arg12[%swap3A_687] {strides = array<i32>} : memref<640xf32, #tpu.memory_space<vmem>>, vector<16xf32>,
      %swap3A_689 = vector.shape_cast %swap3A_688 : vector<16xf32> to vector<16xf32>
      %swap3A_690 = vector.shape_cast %div3A_686 : vector<16xf32> to vector<16xf32>
      tpu.vector_store %arg12[%swap3A_687], %swap3A_690 {strides = array<i32>} : memref<640xf32, #tpu.memory_space<vmem>>, vector<16xf32>,
      %get3A_691 = arith.constant 496 : index
      %get3A_692 = tpu.vector_load %arg12[%get3A_691] {strides = array<i32>} : memref<640xf32, #tpu.memory_space<vmem>>, vector<16xf32>,
      %get3A_693 = vector.shape_cast %get3A_692 : vector<16xf32> to vector<16xf32>
      %get3A_694 = arith.constant 496 : index
      %get3A_695 = tpu.vector_load %arg13[%get3A_694] {strides = array<i32>} : memref<640xf32, #tpu.memory_space<vmem>>, vector<16xf32>,
      %get3A_696 = vector.shape_cast %get3A_695 : vector<16xf32> to vector<16xf32>
      %mul3A_697 = arith.mulf %get3A_696, %get3A_693 : vector<16xf32>
      %add3A_698 = arith.addf %mul3A_697, %get3A_13 : vector<16xf32>
      %neg3A_699 = arith.constant 0.000000e+00 : f32
      %neg3A_700 = vector.broadcast %neg3A_699 : f32 to vector<16xf32>
      %neg3A_701 = arith.subf %neg3A_700, %add3A_698 : vector<16xf32>
      %exp3A_702 = math.exp %neg3A_701 : vector<16xf32>
      %add3A_703 = arith.constant 1.000000e+00 : f32
      %add3A_704 = vector.broadcast %add3A_703 : f32 to vector<16xf32>
      %add3A_705 = arith.addf %add3A_704, %exp3A_702 : vector<16xf32>
      %div3A_706 = arith.constant 1.000000e+00 : f32
      %div3A_707 = vector.broadcast %div3A_706 : f32 to vector<16xf32>
      %div3A_708 = arith.divf %div3A_707, %add3A_705 : vector<16xf32>
      %swap3A_709 = arith.constant 496 : index
      %swap3A_710 = tpu.vector_load %arg12[%swap3A_709] {strides = array<i32>} : memref<640xf32, #tpu.memory_space<vmem>>, vector<16xf32>,
      %swap3A_711 = vector.shape_cast %swap3A_710 : vector<16xf32> to vector<16xf32>
      %swap3A_712 = vector.shape_cast %div3A_708 : vector<16xf32> to vector<16xf32>
      tpu.vector_store %arg12[%swap3A_709], %swap3A_712 {strides = array<i32>} : memref<640xf32, #tpu.memory_space<vmem>>, vector<16xf32>,
      %get3A_713 = arith.constant 512 : index
      %get3A_714 = tpu.vector_load %arg12[%get3A_713] {strides = array<i32>} : memref<640xf32, #tpu.memory_space<vmem>>, vector<16xf32>,
      %get3A_715 = vector.shape_cast %get3A_714 : vector<16xf32> to vector<16xf32>
      %get3A_716 = arith.constant 512 : index
      %get3A_717 = tpu.vector_load %arg13[%get3A_716] {strides = array<i32>} : memref<640xf32, #tpu.memory_space<vmem>>, vector<16xf32>,
      %get3A_718 = vector.shape_cast %get3A_717 : vector<16xf32> to vector<16xf32>
      %mul3A_719 = arith.mulf %get3A_718, %get3A_715 : vector<16xf32>
      %add3A_720 = arith.addf %mul3A_719, %get3A_13 : vector<16xf32>
      %neg3A_721 = arith.constant 0.000000e+00 : f32
      %neg3A_722 = vector.broadcast %neg3A_721 : f32 to vector<16xf32>
      %neg3A_723 = arith.subf %neg3A_722, %add3A_720 : vector<16xf32>
      %exp3A_724 = math.exp %neg3A_723 : vector<16xf32>
      %add3A_725 = arith.constant 1.000000e+00 : f32
      %add3A_726 = vector.broadcast %add3A_725 : f32 to vector<16xf32>
      %add3A_727 = arith.addf %add3A_726, %exp3A_724 : vector<16xf32>
      %div3A_728 = arith.constant 1.000000e+00 : f32
      %div3A_729 = vector.broadcast %div3A_728 : f32 to vector<16xf32>
      %div3A_730 = arith.divf %div3A_729, %add3A_727 : vector<16xf32>
      %swap3A_731 = arith.constant 512 : index
      %swap3A_732 = tpu.vector_load %arg12[%swap3A_731] {strides = array<i32>} : memref<640xf32, #tpu.memory_space<vmem>>, vector<16xf32>,
      %swap3A_733 = vector.shape_cast %swap3A_732 : vector<16xf32> to vector<16xf32>
      %swap3A_734 = vector.shape_cast %div3A_730 : vector<16xf32> to vector<16xf32>
      tpu.vector_store %arg12[%swap3A_731], %swap3A_734 {strides = array<i32>} : memref<640xf32, #tpu.memory_space<vmem>>, vector<16xf32>,
      %get3A_735 = arith.constant 528 : index
      %get3A_736 = tpu.vector_load %arg12[%get3A_735] {strides = array<i32>} : memref<640xf32, #tpu.memory_space<vmem>>, vector<16xf32>,
      %get3A_737 = vector.shape_cast %get3A_736 : vector<16xf32> to vector<16xf32>
      %get3A_738 = arith.constant 528 : index
      %get3A_739 = tpu.vector_load %arg13[%get3A_738] {strides = array<i32>} : memref<640xf32, #tpu.memory_space<vmem>>, vector<16xf32>,
      %get3A_740 = vector.shape_cast %get3A_739 : vector<16xf32> to vector<16xf32>
      %mul3A_741 = arith.mulf %get3A_740, %get3A_737 : vector<16xf32>
      %add3A_742 = arith.addf %mul3A_741, %get3A_13 : vector<16xf32>
      %neg3A_743 = arith.constant 0.000000e+00 : f32
      %neg3A_744 = vector.broadcast %neg3A_743 : f32 to vector<16xf32>
      %neg3A_745 = arith.subf %neg3A_744, %add3A_742 : vector<16xf32>
      %exp3A_746 = math.exp %neg3A_745 : vector<16xf32>
      %add3A_747 = arith.constant 1.000000e+00 : f32
      %add3A_748 = vector.broadcast %add3A_747 : f32 to vector<16xf32>
      %add3A_749 = arith.addf %add3A_748, %exp3A_746 : vector<16xf32>
      %div3A_750 = arith.constant 1.000000e+00 : f32
      %div3A_751 = vector.broadcast %div3A_750 : f32 to vector<16xf32>
      %div3A_752 = arith.divf %div3A_751, %add3A_749 : vector<16xf32>
      %swap3A_753 = arith.constant 528 : index
      %swap3A_754 = tpu.vector_load %arg12[%swap3A_753] {strides = array<i32>} : memref<640xf32, #tpu.memory_space<vmem>>, vector<16xf32>,
      %swap3A_755 = vector.shape_cast %swap3A_754 : vector<16xf32> to vector<16xf32>
      %swap3A_756 = vector.shape_cast %div3A_752 : vector<16xf32> to vector<16xf32>
      tpu.vector_store %arg12[%swap3A_753], %swap3A_756 {strides = array<i32>} : memref<640xf32, #tpu.memory_space<vmem>>, vector<16xf32>,
      %get3A_757 = arith.constant 544 : index
      %get3A_758 = tpu.vector_load %arg12[%get3A_757] {strides = array<i32>} : memref<640xf32, #tpu.memory_space<vmem>>, vector<16xf32>,
      %get3A_759 = vector.shape_cast %get3A_758 : vector<16xf32> to vector<16xf32>
      %get3A_760 = arith.constant 544 : index
      %get3A_761 = tpu.vector_load %arg13[%get3A_760] {strides = array<i32>} : memref<640xf32, #tpu.memory_space<vmem>>, vector<16xf32>,
      %get3A_762 = vector.shape_cast %get3A_761 : vector<16xf32> to vector<16xf32>
      %mul3A_763 = arith.mulf %get3A_762, %get3A_759 : vector<16xf32>
      %add3A_764 = arith.addf %mul3A_763, %get3A_13 : vector<16xf32>
      %neg3A_765 = arith.constant 0.000000e+00 : f32
      %neg3A_766 = vector.broadcast %neg3A_765 : f32 to vector<16xf32>
      %neg3A_767 = arith.subf %neg3A_766, %add3A_764 : vector<16xf32>
      %exp3A_768 = math.exp %neg3A_767 : vector<16xf32>
      %add3A_769 = arith.constant 1.000000e+00 : f32
      %add3A_770 = vector.broadcast %add3A_769 : f32 to vector<16xf32>
      %add3A_771 = arith.addf %add3A_770, %exp3A_768 : vector<16xf32>
      %div3A_772 = arith.constant 1.000000e+00 : f32
      %div3A_773 = vector.broadcast %div3A_772 : f32 to vector<16xf32>
      %div3A_774 = arith.divf %div3A_773, %add3A_771 : vector<16xf32>
      %swap3A_775 = arith.constant 544 : index
      %swap3A_776 = tpu.vector_load %arg12[%swap3A_775] {strides = array<i32>} : memref<640xf32, #tpu.memory_space<vmem>>, vector<16xf32>,
      %swap3A_777 = vector.shape_cast %swap3A_776 : vector<16xf32> to vector<16xf32>
      %swap3A_778 = vector.shape_cast %div3A_774 : vector<16xf32> to vector<16xf32>
      tpu.vector_store %arg12[%swap3A_775], %swap3A_778 {strides = array<i32>} : memref<640xf32, #tpu.memory_space<vmem>>, vector<16xf32>,
      %get3A_779 = arith.constant 560 : index
      %get3A_780 = tpu.vector_load %arg12[%get3A_779] {strides = array<i32>} : memref<640xf32, #tpu.memory_space<vmem>>, vector<16xf32>,
      %get3A_781 = vector.shape_cast %get3A_780 : vector<16xf32> to vector<16xf32>
      %get3A_782 = arith.constant 560 : index
      %get3A_783 = tpu.vector_load %arg13[%get3A_782] {strides = array<i32>} : memref<640xf32, #tpu.memory_space<vmem>>, vector<16xf32>,
      %get3A_784 = vector.shape_cast %get3A_783 : vector<16xf32> to vector<16xf32>
      %mul3A_785 = arith.mulf %get3A_784, %get3A_781 : vector<16xf32>
      %add3A_786 = arith.addf %mul3A_785, %get3A_13 : vector<16xf32>
      %neg3A_787 = arith.constant 0.000000e+00 : f32
      %neg3A_788 = vector.broadcast %neg3A_787 : f32 to vector<16xf32>
      %neg3A_789 = arith.subf %neg3A_788, %add3A_786 : vector<16xf32>
      %exp3A_790 = math.exp %neg3A_789 : vector<16xf32>
      %add3A_791 = arith.constant 1.000000e+00 : f32
      %add3A_792 = vector.broadcast %add3A_791 : f32 to vector<16xf32>
      %add3A_793 = arith.addf %add3A_792, %exp3A_790 : vector<16xf32>
      %div3A_794 = arith.constant 1.000000e+00 : f32
      %div3A_795 = vector.broadcast %div3A_794 : f32 to vector<16xf32>
      %div3A_796 = arith.divf %div3A_795, %add3A_793 : vector<16xf32>
      %swap3A_797 = arith.constant 560 : index
      %swap3A_798 = tpu.vector_load %arg12[%swap3A_797] {strides = array<i32>} : memref<640xf32, #tpu.memory_space<vmem>>, vector<16xf32>,
      %swap3A_799 = vector.shape_cast %swap3A_798 : vector<16xf32> to vector<16xf32>
      %swap3A_800 = vector.shape_cast %div3A_796 : vector<16xf32> to vector<16xf32>
      tpu.vector_store %arg12[%swap3A_797], %swap3A_800 {strides = array<i32>} : memref<640xf32, #tpu.memory_space<vmem>>, vector<16xf32>,
      %get3A_801 = arith.constant 576 : index
      %get3A_802 = tpu.vector_load %arg12[%get3A_801] {strides = array<i32>} : memref<640xf32, #tpu.memory_space<vmem>>, vector<16xf32>,
      %get3A_803 = vector.shape_cast %get3A_802 : vector<16xf32> to vector<16xf32>
      %get3A_804 = arith.constant 576 : index
      %get3A_805 = tpu.vector_load %arg13[%get3A_804] {strides = array<i32>} : memref<640xf32, #tpu.memory_space<vmem>>, vector<16xf32>,
      %get3A_806 = vector.shape_cast %get3A_805 : vector<16xf32> to vector<16xf32>
      %mul3A_807 = arith.mulf %get3A_806, %get3A_803 : vector<16xf32>
      %add3A_808 = arith.addf %mul3A_807, %get3A_13 : vector<16xf32>
      %neg3A_809 = arith.constant 0.000000e+00 : f32
      %neg3A_810 = vector.broadcast %neg3A_809 : f32 to vector<16xf32>
      %neg3A_811 = arith.subf %neg3A_810, %add3A_808 : vector<16xf32>
      %exp3A_812 = math.exp %neg3A_811 : vector<16xf32>
      %add3A_813 = arith.constant 1.000000e+00 : f32
      %add3A_814 = vector.broadcast %add3A_813 : f32 to vector<16xf32>
      %add3A_815 = arith.addf %add3A_814, %exp3A_812 : vector<16xf32>
      %div3A_816 = arith.constant 1.000000e+00 : f32
      %div3A_817 = vector.broadcast %div3A_816 : f32 to vector<16xf32>
      %div3A_818 = arith.divf %div3A_817, %add3A_815 : vector<16xf32>
      %swap3A_819 = arith.constant 576 : index
      %swap3A_820 = tpu.vector_load %arg12[%swap3A_819] {strides = array<i32>} : memref<640xf32, #tpu.memory_space<vmem>>, vector<16xf32>,
      %swap3A_821 = vector.shape_cast %swap3A_820 : vector<16xf32> to vector<16xf32>
      %swap3A_822 = vector.shape_cast %div3A_818 : vector<16xf32> to vector<16xf32>
      tpu.vector_store %arg12[%swap3A_819], %swap3A_822 {strides = array<i32>} : memref<640xf32, #tpu.memory_space<vmem>>, vector<16xf32>,
      %get3A_823 = arith.constant 592 : index
      %get3A_824 = tpu.vector_load %arg12[%get3A_823] {strides = array<i32>} : memref<640xf32, #tpu.memory_space<vmem>>, vector<16xf32>,
      %get3A_825 = vector.shape_cast %get3A_824 : vector<16xf32> to vector<16xf32>
      %get3A_826 = arith.constant 592 : index
      %get3A_827 = tpu.vector_load %arg13[%get3A_826] {strides = array<i32>} : memref<640xf32, #tpu.memory_space<vmem>>, vector<16xf32>,
      %get3A_828 = vector.shape_cast %get3A_827 : vector<16xf32> to vector<16xf32>
      %mul3A_829 = arith.mulf %get3A_828, %get3A_825 : vector<16xf32>
      %add3A_830 = arith.addf %mul3A_829, %get3A_13 : vector<16xf32>
      %neg3A_831 = arith.constant 0.000000e+00 : f32
      %neg3A_832 = vector.broadcast %neg3A_831 : f32 to vector<16xf32>
      %neg3A_833 = arith.subf %neg3A_832, %add3A_830 : vector<16xf32>
      %exp3A_834 = math.exp %neg3A_833 : vector<16xf32>
      %add3A_835 = arith.constant 1.000000e+00 : f32
      %add3A_836 = vector.broadcast %add3A_835 : f32 to vector<16xf32>
      %add3A_837 = arith.addf %add3A_836, %exp3A_834 : vector<16xf32>
      %div3A_838 = arith.constant 1.000000e+00 : f32
      %div3A_839 = vector.broadcast %div3A_838 : f32 to vector<16xf32>
      %div3A_840 = arith.divf %div3A_839, %add3A_837 : vector<16xf32>
      %swap3A_841 = arith.constant 592 : index
      %swap3A_842 = tpu.vector_load %arg12[%swap3A_841] {strides = array<i32>} : memref<640xf32, #tpu.memory_space<vmem>>, vector<16xf32>,
      %swap3A_843 = vector.shape_cast %swap3A_842 : vector<16xf32> to vector<16xf32>
      %swap3A_844 = vector.shape_cast %div3A_840 : vector<16xf32> to vector<16xf32>
      tpu.vector_store %arg12[%swap3A_841], %swap3A_844 {strides = array<i32>} : memref<640xf32, #tpu.memory_space<vmem>>, vector<16xf32>,
      %get3A_845 = arith.constant 608 : index
      %get3A_846 = tpu.vector_load %arg12[%get3A_845] {strides = array<i32>} : memref<640xf32, #tpu.memory_space<vmem>>, vector<16xf32>,
      %get3A_847 = vector.shape_cast %get3A_846 : vector<16xf32> to vector<16xf32>
      %get3A_848 = arith.constant 608 : index
      %get3A_849 = tpu.vector_load %arg13[%get3A_848] {strides = array<i32>} : memref<640xf32, #tpu.memory_space<vmem>>, vector<16xf32>,
      %get3A_850 = vector.shape_cast %get3A_849 : vector<16xf32> to vector<16xf32>
      %mul3A_851 = arith.mulf %get3A_850, %get3A_847 : vector<16xf32>
      %add3A_852 = arith.addf %mul3A_851, %get3A_13 : vector<16xf32>
      %neg3A_853 = arith.constant 0.000000e+00 : f32
      %neg3A_854 = vector.broadcast %neg3A_853 : f32 to vector<16xf32>
      %neg3A_855 = arith.subf %neg3A_854, %add3A_852 : vector<16xf32>
      %exp3A_856 = math.exp %neg3A_855 : vector<16xf32>
      %add3A_857 = arith.constant 1.000000e+00 : f32
      %add3A_858 = vector.broadcast %add3A_857 : f32 to vector<16xf32>
      %add3A_859 = arith.addf %add3A_858, %exp3A_856 : vector<16xf32>
      %div3A_860 = arith.constant 1.000000e+00 : f32
      %div3A_861 = vector.broadcast %div3A_860 : f32 to vector<16xf32>
      %div3A_862 = arith.divf %div3A_861, %add3A_859 : vector<16xf32>
      %swap3A_863 = arith.constant 608 : index
      %swap3A_864 = tpu.vector_load %arg12[%swap3A_863] {strides = array<i32>} : memref<640xf32, #tpu.memory_space<vmem>>, vector<16xf32>,
      %swap3A_865 = vector.shape_cast %swap3A_864 : vector<16xf32> to vector<16xf32>
      %swap3A_866 = vector.shape_cast %div3A_862 : vector<16xf32> to vector<16xf32>
      tpu.vector_store %arg12[%swap3A_863], %swap3A_866 {strides = array<i32>} : memref<640xf32, #tpu.memory_space<vmem>>, vector<16xf32>,
      %get3A_867 = arith.constant 624 : index
      %get3A_868 = tpu.vector_load %arg12[%get3A_867] {strides = array<i32>} : memref<640xf32, #tpu.memory_space<vmem>>, vector<16xf32>,
      %get3A_869 = vector.shape_cast %get3A_868 : vector<16xf32> to vector<16xf32>
      %get3A_870 = arith.constant 624 : index
      %get3A_871 = tpu.vector_load %arg13[%get3A_870] {strides = array<i32>} : memref<640xf32, #tpu.memory_space<vmem>>, vector<16xf32>,
      %get3A_872 = vector.shape_cast %get3A_871 : vector<16xf32> to vector<16xf32>
      %mul3A_873 = arith.mulf %get3A_872, %get3A_869 : vector<16xf32>
      %add3A_874 = arith.addf %mul3A_873, %get3A_13 : vector<16xf32>
      %neg3A_875 = arith.constant 0.000000e+00 : f32
      %neg3A_876 = vector.broadcast %neg3A_875 : f32 to vector<16xf32>
      %neg3A_877 = arith.subf %neg3A_876, %add3A_874 : vector<16xf32>
      %exp3A_878 = math.exp %neg3A_877 : vector<16xf32>
      %add3A_879 = arith.constant 1.000000e+00 : f32
      %add3A_880 = vector.broadcast %add3A_879 : f32 to vector<16xf32>
      %add3A_881 = arith.addf %add3A_880, %exp3A_878 : vector<16xf32>
      %div3A_882 = arith.constant 1.000000e+00 : f32
      %div3A_883 = vector.broadcast %div3A_882 : f32 to vector<16xf32>
      %div3A_884 = arith.divf %div3A_883, %add3A_881 : vector<16xf32>
      %swap3A_885 = arith.constant 624 : index
      %swap3A_886 = tpu.vector_load %arg12[%swap3A_885] {strides = array<i32>} : memref<640xf32, #tpu.memory_space<vmem>>, vector<16xf32>,
      %swap3A_887 = vector.shape_cast %swap3A_886 : vector<16xf32> to vector<16xf32>
      %swap3A_888 = vector.shape_cast %div3A_884 : vector<16xf32> to vector<16xf32>
      tpu.vector_store %arg12[%swap3A_885], %swap3A_888 {strides = array<i32>} : memref<640xf32, #tpu.memory_space<vmem>>, vector<16xf32>,
      "tpu.region"() ({
        %run_scoped3A = tpu.sem_alloc : memref<!tpu.dma_semaphore, #tpu.memory_space<semaphore_mem>>
        %dma_start3A = tpu.memref_slice %arg7[%mul3A_11] : memref<10240xf32, #tpu.memory_space<hbm>> -> memref<640xf32, #tpu.memory_space<hbm>>
        %dma_start3A_889 = tpu.memref_slice %arg7[%mul3A_11] : memref<10240xf32, #tpu.memory_space<hbm>> -> memref<640xf32, #tpu.memory_space<hbm>>
        tpu.enqueue_dma source(%arg12 : memref<640xf32, #tpu.memory_space<vmem>>) target(%dma_start3A_889 : memref<640xf32, #tpu.memory_space<hbm>>) target_semaphore(%run_scoped3A : memref<!tpu.dma_semaphore, #tpu.memory_space<semaphore_mem>>)
        %dma_wait3A = tpu.memref_slice %arg7[%mul3A_11] : memref<10240xf32, #tpu.memory_space<hbm>> -> memref<640xf32, #tpu.memory_space<hbm>>
        %dma_wait3A_890 = tpu.memref_slice %arg7[%mul3A_11] : memref<10240xf32, #tpu.memory_space<hbm>> -> memref<640xf32, #tpu.memory_space<hbm>>
        tpu.wait_dma2 semaphore(%run_scoped3A : memref<!tpu.dma_semaphore, #tpu.memory_space<semaphore_mem>>) src(%arg12 : memref<640xf32, #tpu.memory_space<vmem>>) dst(%dma_wait3A_890 : memref<640xf32, #tpu.memory_space<hbm>>)
        tpu.yield
      }) : () -> ()
    } else {
    }
    return
  }
}

module attributes {stable_mosaic.version = 14 : i64} {
  func.func @_s0_body(%arg0: i32, %arg1: i32, %arg2: memref<1000x128xf32, #tpu.memory_space<vmem>>, %arg3: memref<128x256xf32, #tpu.memory_space<vmem>>, %arg4: memref<1x256xf32, #tpu.memory_space<vmem>>, %arg5: memref<256x128xf32, #tpu.memory_space<vmem>>, %arg6: memref<1000x1xf32, #tpu.memory_space<vmem>>, %arg7: memref<1000x256xf32, #tpu.memory_space<vmem>>, %arg8: memref<1x1000x128xf32, #tpu.memory_space<vmem>>) attributes {dimension_semantics = [#tpu.dimension_semantics<arbitrary>, #tpu.dimension_semantics<arbitrary>], iteration_bounds = array<i64: 10, 2>, scalar_prefetch = 0 : i64, scratch_operands = 0 : i64, tpu.core_type = #tpu.core_type<tc>, window_params = [{transform_indices = @transform_0, window_bounds = array<i64: 1000, 128>}, {pipeline_mode = #tpu.pipeline_mode<synchronous>, transform_indices = @transform_1, window_bounds = array<i64: 128, 256>}, {pipeline_mode = #tpu.pipeline_mode<synchronous>, transform_indices = @transform_2, window_bounds = array<i64: 1, 256>}, {transform_indices = @transform_3, window_bounds = array<i64: 256, 128>}, {transform_indices = @transform_4, window_bounds = array<i64: 1000, 1>}, {transform_indices = @transform_5, window_bounds = array<i64: 1000, 256>}, {transform_indices = @transform_6, window_bounds = array<i64: 1, 1000, 128>}]} {
    %get3A = arith.constant 0 : index
    %get3A_0 = arith.constant 0 : index
    %get3A_1 = vector.load %arg2[%get3A, %get3A_0] : memref<1000x128xf32, #tpu.memory_space<vmem>>, vector<1000x128xf32>
    %get3A_2 = arith.constant 0 : index
    %get3A_3 = arith.constant 0 : index
    %get3A_4 = vector.load %arg3[%get3A_2, %get3A_3] : memref<128x256xf32, #tpu.memory_space<vmem>>, vector<128x256xf32>
    %dot_general3A = arith.constant dense<0.000000e+00> : vector<1000x256xf32>
    %dot_general3A_5 = tpu.matmul %get3A_1, %get3A_4, %dot_general3A {dimension_numbers = #tpu.dot_dimension_numbers<[1], [0], [0], [1], [0, 0, 1, 1], [], []>, transpose_lhs_hint = false} : vector<1000x128xf32>, vector<128x256xf32>, vector<1000x256xf32> -> vector<1000x256xf32>
    %get3A_6 = arith.constant 0 : index
    %get3A_7 = arith.constant 0 : index
    %get3A_8 = vector.load %arg4[%get3A_6, %get3A_7] : memref<1x256xf32, #tpu.memory_space<vmem>>, vector<1x256xf32>
    %add3A = vector.broadcast %get3A_8 : vector<1x256xf32> to vector<1000x256xf32>
    %add3A_9 = arith.addf %dot_general3A_5, %add3A : vector<1000x256xf32>
    %swap3A = arith.constant 0 : index
    %swap3A_10 = arith.constant 0 : index
    %swap3A_11 = vector.load %arg7[%swap3A, %swap3A_10] : memref<1000x256xf32, #tpu.memory_space<vmem>>, vector<1000x256xf32>
    tpu.vector_store %arg7[%swap3A, %swap3A_10], %add3A_9 {strides = array<i32>} : memref<1000x256xf32, #tpu.memory_space<vmem>>, vector<1000x256xf32>,
    %get3A_12 = arith.constant 0 : index
    %get3A_13 = arith.constant 0 : index
    %get3A_14 = vector.load %arg6[%get3A_12, %get3A_13] : memref<1000x1xf32, #tpu.memory_space<vmem>>, vector<1000x1xf32>
    %get3A_15 = arith.constant 0 : index
    %get3A_16 = arith.constant 0 : index
    %get3A_17 = vector.load %arg5[%get3A_15, %get3A_16] : memref<256x128xf32, #tpu.memory_space<vmem>>, vector<256x128xf32>
    %dot_general3A_18 = arith.constant dense<0.000000e+00> : vector<1000x128xf32>
    %dot_general3A_19 = tpu.matmul %add3A_9, %get3A_17, %dot_general3A_18 {dimension_numbers = #tpu.dot_dimension_numbers<[1], [0], [0], [1], [0, 0, 1, 1], [], []>, transpose_lhs_hint = false} : vector<1000x256xf32>, vector<256x128xf32>, vector<1000x128xf32> -> vector<1000x128xf32>
    %mul3A = vector.broadcast %get3A_14 : vector<1000x1xf32> to vector<1000x128xf32>
    %mul3A_20 = arith.mulf %mul3A, %dot_general3A_19 : vector<1000x128xf32>
    %swap3A_21 = arith.constant 0 : index
    %swap3A_22 = arith.constant 0 : index
    %swap3A_23 = arith.constant 0 : index
    %swap3A_24 = vector.load %arg8[%swap3A_21, %swap3A_22, %swap3A_23] : memref<1x1000x128xf32, #tpu.memory_space<vmem>>, vector<1x1000x128xf32>
    %swap3A_25 = vector.shape_cast %swap3A_24 : vector<1x1000x128xf32> to vector<1000x128xf32>
    %swap3A_26 = vector.shape_cast %mul3A_20 : vector<1000x128xf32> to vector<1x1000x128xf32>
    tpu.vector_store %arg8[%swap3A_21, %swap3A_22, %swap3A_23], %swap3A_26 {strides = array<i32>} : memref<1x1000x128xf32, #tpu.memory_space<vmem>>, vector<1x1000x128xf32>,
    return
  }
  func.func @transform_0(%arg0: i32, %arg1: i32) -> (i32, i32) {
    %c0_i32 = arith.constant 0 : i32
    %c0_i32_0 = arith.constant 0 : i32
    return %arg0, %c0_i32 : i32, i32
  }
  func.func @transform_1(%arg0: i32, %arg1: i32) -> (i32, i32) {
    %c0_i32 = arith.constant 0 : i32
    %c0_i32_0 = arith.constant 0 : i32
    %c0_i32_1 = arith.constant 0 : i32
    return %c0_i32, %c0_i32_0 : i32, i32
  }
  func.func @transform_2(%arg0: i32, %arg1: i32) -> (i32, i32) {
    %c0_i32 = arith.constant 0 : i32
    %c0_i32_0 = arith.constant 0 : i32
    %c0_i32_1 = arith.constant 0 : i32
    return %c0_i32, %c0_i32_0 : i32, i32
  }
  func.func @transform_3(%arg0: i32, %arg1: i32) -> (i32, i32) {
    %c0_i32 = arith.constant 0 : i32
    %c0_i32_0 = arith.constant 0 : i32
    return %c0_i32, %arg1 : i32, i32
  }
  func.func @transform_4(%arg0: i32, %arg1: i32) -> (i32, i32) {
    %c0_i32 = arith.constant 0 : i32
    %c0_i32_0 = arith.constant 0 : i32
    return %arg0, %c0_i32 : i32, i32
  }
  func.func @transform_5(%arg0: i32, %arg1: i32) -> (i32, i32) {
    %c0_i32 = arith.constant 0 : i32
    %c0_i32_0 = arith.constant 0 : i32
    return %arg0, %c0_i32 : i32, i32
  }
  func.func @transform_6(%arg0: i32, %arg1: i32) -> (i32, i32, i32) {
    %c0_i32 = arith.constant 0 : i32
    %c0_i32_0 = arith.constant 0 : i32
    return %arg1, %arg0, %c0_i32 : i32, i32, i32
  }
}

module attributes {stable_mosaic.version = 14 : i64} {
  func.func @_sk_body(%arg0: i32, %arg1: i32, %arg2: memref<1x1000x128xf32, #tpu.memory_space<vmem>>, %arg3: memref<1x1000x128xf32, #tpu.memory_space<vmem>>, %arg4: memref<1000x256xf32, #tpu.memory_space<vmem>>, %arg5: memref<1000x1xf32, #tpu.memory_space<vmem>>, %arg6: memref<1x256xf32, #tpu.memory_space<vmem>>, %arg7: memref<256x128xf32, #tpu.memory_space<vmem>>, %arg8: memref<1000x256xf32, #tpu.memory_space<vmem>>, %arg9: memref<1x1000x128xf32, #tpu.memory_space<vmem>>) attributes {dimension_semantics = [#tpu.dimension_semantics<arbitrary>, #tpu.dimension_semantics<arbitrary>], iteration_bounds = array<i64: 10, 2>, scalar_prefetch = 0 : i64, scratch_operands = 0 : i64, tpu.core_type = #tpu.core_type<tc>, window_params = [{transform_indices = @transform_0, window_bounds = array<i64: 1, 1000, 128>}, {transform_indices = @transform_1, window_bounds = array<i64: 1, 1000, 128>}, {transform_indices = @transform_2, window_bounds = array<i64: 1000, 256>}, {transform_indices = @transform_3, window_bounds = array<i64: 1000, 1>}, {pipeline_mode = #tpu.pipeline_mode<synchronous>, transform_indices = @transform_4, window_bounds = array<i64: 1, 256>}, {transform_indices = @transform_5, window_bounds = array<i64: 256, 128>}, {transform_indices = @transform_6, window_bounds = array<i64: 1000, 256>}, {transform_indices = @transform_7, window_bounds = array<i64: 1, 1000, 128>}]} {
    %get3A = arith.constant 0 : index
    %get3A_0 = arith.constant 0 : index
    %get3A_1 = arith.constant 0 : index
    %get3A_2 = vector.load %arg2[%get3A, %get3A_0, %get3A_1] : memref<1x1000x128xf32, #tpu.memory_space<vmem>>, vector<1x1000x128xf32>
    %get3A_3 = vector.shape_cast %get3A_2 : vector<1x1000x128xf32> to vector<1000x128xf32>
    %get3A_4 = arith.constant 0 : index
    %get3A_5 = arith.constant 0 : index
    %get3A_6 = arith.constant 0 : index
    %get3A_7 = vector.load %arg3[%get3A_4, %get3A_5, %get3A_6] : memref<1x1000x128xf32, #tpu.memory_space<vmem>>, vector<1x1000x128xf32>
    %get3A_8 = vector.shape_cast %get3A_7 : vector<1x1000x128xf32> to vector<1000x128xf32>
    %concatenate3A = tpu.concatenate %get3A_3, %get3A_8 in 1 : vector<1000x128xf32>, vector<1000x128xf32> -> vector<1000x256xf32>
    %get3A_9 = arith.constant 0 : index
    %get3A_10 = arith.constant 0 : index
    %get3A_11 = vector.load %arg5[%get3A_9, %get3A_10] : memref<1000x1xf32, #tpu.memory_space<vmem>>, vector<1000x1xf32>
    %mul3A = vector.broadcast %get3A_11 : vector<1000x1xf32> to vector<1000x256xf32>
    %mul3A_12 = arith.mulf %mul3A, %concatenate3A : vector<1000x256xf32>
    %get3A_13 = arith.constant 0 : index
    %get3A_14 = arith.constant 0 : index
    %get3A_15 = vector.load %arg6[%get3A_13, %get3A_14] : memref<1x256xf32, #tpu.memory_space<vmem>>, vector<1x256xf32>
    %add3A = vector.broadcast %get3A_15 : vector<1x256xf32> to vector<1000x256xf32>
    %add3A_16 = arith.addf %mul3A_12, %add3A : vector<1000x256xf32>
    %max3A = arith.constant 0.000000e+00 : f32
    %max3A_17 = vector.broadcast %max3A : f32 to vector<1000x256xf32>
    %max3A_18 = arith.maximumf %add3A_16, %max3A_17 : vector<1000x256xf32>
    %get3A_19 = arith.constant 0 : index
    %get3A_20 = arith.constant 0 : index
    %get3A_21 = vector.load %arg4[%get3A_19, %get3A_20] : memref<1000x256xf32, #tpu.memory_space<vmem>>, vector<1000x256xf32>
    %add3A_22 = arith.addf %max3A_18, %get3A_21 : vector<1000x256xf32>
    %swap3A = arith.constant 0 : index
    %swap3A_23 = arith.constant 0 : index
    %swap3A_24 = vector.load %arg8[%swap3A, %swap3A_23] : memref<1000x256xf32, #tpu.memory_space<vmem>>, vector<1000x256xf32>
    tpu.vector_store %arg8[%swap3A, %swap3A_23], %add3A_22 {strides = array<i32>} : memref<1000x256xf32, #tpu.memory_space<vmem>>, vector<1000x256xf32>,
    %get3A_25 = arith.constant 0 : index
    %get3A_26 = arith.constant 0 : index
    %get3A_27 = vector.load %arg5[%get3A_25, %get3A_26] : memref<1000x1xf32, #tpu.memory_space<vmem>>, vector<1000x1xf32>
    %get3A_28 = arith.constant 0 : index
    %get3A_29 = arith.constant 0 : index
    %get3A_30 = vector.load %arg7[%get3A_28, %get3A_29] : memref<256x128xf32, #tpu.memory_space<vmem>>, vector<256x128xf32>
    %dot_general3A = arith.constant dense<0.000000e+00> : vector<1000x128xf32>
    %dot_general3A_31 = tpu.matmul %add3A_22, %get3A_30, %dot_general3A {dimension_numbers = #tpu.dot_dimension_numbers<[1], [0], [0], [1], [0, 0, 1, 1], [], []>, transpose_lhs_hint = false} : vector<1000x256xf32>, vector<256x128xf32>, vector<1000x128xf32> -> vector<1000x128xf32>
    %mul3A_32 = vector.broadcast %get3A_27 : vector<1000x1xf32> to vector<1000x128xf32>
    %mul3A_33 = arith.mulf %mul3A_32, %dot_general3A_31 : vector<1000x128xf32>
    %swap3A_34 = arith.constant 0 : index
    %swap3A_35 = arith.constant 0 : index
    %swap3A_36 = arith.constant 0 : index
    %swap3A_37 = vector.load %arg9[%swap3A_34, %swap3A_35, %swap3A_36] : memref<1x1000x128xf32, #tpu.memory_space<vmem>>, vector<1x1000x128xf32>
    %swap3A_38 = vector.shape_cast %swap3A_37 : vector<1x1000x128xf32> to vector<1000x128xf32>
    %swap3A_39 = vector.shape_cast %mul3A_33 : vector<1000x128xf32> to vector<1x1000x128xf32>
    tpu.vector_store %arg9[%swap3A_34, %swap3A_35, %swap3A_36], %swap3A_39 {strides = array<i32>} : memref<1x1000x128xf32, #tpu.memory_space<vmem>>, vector<1x1000x128xf32>,
    return
  }
  func.func @transform_0(%arg0: i32, %arg1: i32) -> (i32, i32, i32) {
    %c0_i32 = arith.constant 0 : i32
    %c0_i32_0 = arith.constant 0 : i32
    %c0_i32_1 = arith.constant 0 : i32
    return %c0_i32, %arg0, %c0_i32_0 : i32, i32, i32
  }
  func.func @transform_1(%arg0: i32, %arg1: i32) -> (i32, i32, i32) {
    %c1_i32 = arith.constant 1 : i32
    %c0_i32 = arith.constant 0 : i32
    %c0_i32_0 = arith.constant 0 : i32
    return %c1_i32, %arg0, %c0_i32 : i32, i32, i32
  }
  func.func @transform_2(%arg0: i32, %arg1: i32) -> (i32, i32) {
    %c0_i32 = arith.constant 0 : i32
    %c0_i32_0 = arith.constant 0 : i32
    return %arg0, %c0_i32 : i32, i32
  }
  func.func @transform_3(%arg0: i32, %arg1: i32) -> (i32, i32) {
    %c0_i32 = arith.constant 0 : i32
    %c0_i32_0 = arith.constant 0 : i32
    return %arg0, %c0_i32 : i32, i32
  }
  func.func @transform_4(%arg0: i32, %arg1: i32) -> (i32, i32) {
    %c0_i32 = arith.constant 0 : i32
    %c0_i32_0 = arith.constant 0 : i32
    %c0_i32_1 = arith.constant 0 : i32
    return %c0_i32, %c0_i32_0 : i32, i32
  }
  func.func @transform_5(%arg0: i32, %arg1: i32) -> (i32, i32) {
    %c0_i32 = arith.constant 0 : i32
    %c0_i32_0 = arith.constant 0 : i32
    return %c0_i32, %arg1 : i32, i32
  }
  func.func @transform_6(%arg0: i32, %arg1: i32) -> (i32, i32) {
    %c0_i32 = arith.constant 0 : i32
    %c0_i32_0 = arith.constant 0 : i32
    return %arg0, %c0_i32 : i32, i32
  }
  func.func @transform_7(%arg0: i32, %arg1: i32) -> (i32, i32, i32) {
    %c0_i32 = arith.constant 0 : i32
    %c0_i32_0 = arith.constant 0 : i32
    return %arg1, %arg0, %c0_i32 : i32, i32, i32
  }
}

module attributes {stable_mosaic.version = 14 : i64} {
  func.func @_s3_body(%arg0: i32, %arg1: memref<1x1000x128xf32, #tpu.memory_space<vmem>>, %arg2: memref<1x1000x128xf32, #tpu.memory_space<vmem>>, %arg3: memref<1000x256xf32, #tpu.memory_space<vmem>>, %arg4: memref<1000x1xf32, #tpu.memory_space<vmem>>, %arg5: memref<1x256xf32, #tpu.memory_space<vmem>>, %arg6: memref<256x1xf32, #tpu.memory_space<vmem>>, %arg7: memref<1000x1xf32, #tpu.memory_space<vmem>>) attributes {dimension_semantics = [#tpu.dimension_semantics<arbitrary>], iteration_bounds = array<i64: 10>, scalar_prefetch = 0 : i64, scratch_operands = 0 : i64, tpu.core_type = #tpu.core_type<tc>, window_params = [{transform_indices = @transform_0, window_bounds = array<i64: 1, 1000, 128>}, {transform_indices = @transform_1, window_bounds = array<i64: 1, 1000, 128>}, {transform_indices = @transform_2, window_bounds = array<i64: 1000, 256>}, {transform_indices = @transform_3, window_bounds = array<i64: 1000, 1>}, {pipeline_mode = #tpu.pipeline_mode<synchronous>, transform_indices = @transform_4, window_bounds = array<i64: 1, 256>}, {pipeline_mode = #tpu.pipeline_mode<synchronous>, transform_indices = @transform_5, window_bounds = array<i64: 256, 1>}, {transform_indices = @transform_6, window_bounds = array<i64: 1000, 1>}]} {
    %get3A = arith.constant 0 : index
    %get3A_0 = arith.constant 0 : index
    %get3A_1 = arith.constant 0 : index
    %get3A_2 = vector.load %arg1[%get3A, %get3A_0, %get3A_1] : memref<1x1000x128xf32, #tpu.memory_space<vmem>>, vector<1x1000x128xf32>
    %get3A_3 = vector.shape_cast %get3A_2 : vector<1x1000x128xf32> to vector<1000x128xf32>
    %get3A_4 = arith.constant 0 : index
    %get3A_5 = arith.constant 0 : index
    %get3A_6 = arith.constant 0 : index
    %get3A_7 = vector.load %arg2[%get3A_4, %get3A_5, %get3A_6] : memref<1x1000x128xf32, #tpu.memory_space<vmem>>, vector<1x1000x128xf32>
    %get3A_8 = vector.shape_cast %get3A_7 : vector<1x1000x128xf32> to vector<1000x128xf32>
    %concatenate3A = tpu.concatenate %get3A_3, %get3A_8 in 1 : vector<1000x128xf32>, vector<1000x128xf32> -> vector<1000x256xf32>
    %get3A_9 = arith.constant 0 : index
    %get3A_10 = arith.constant 0 : index
    %get3A_11 = vector.load %arg4[%get3A_9, %get3A_10] : memref<1000x1xf32, #tpu.memory_space<vmem>>, vector<1000x1xf32>
    %mul3A = vector.broadcast %get3A_11 : vector<1000x1xf32> to vector<1000x256xf32>
    %mul3A_12 = arith.mulf %mul3A, %concatenate3A : vector<1000x256xf32>
    %get3A_13 = arith.constant 0 : index
    %get3A_14 = arith.constant 0 : index
    %get3A_15 = vector.load %arg5[%get3A_13, %get3A_14] : memref<1x256xf32, #tpu.memory_space<vmem>>, vector<1x256xf32>
    %add3A = vector.broadcast %get3A_15 : vector<1x256xf32> to vector<1000x256xf32>
    %add3A_16 = arith.addf %mul3A_12, %add3A : vector<1000x256xf32>
    %max3A = arith.constant 0.000000e+00 : f32
    %max3A_17 = vector.broadcast %max3A : f32 to vector<1000x256xf32>
    %max3A_18 = arith.maximumf %add3A_16, %max3A_17 : vector<1000x256xf32>
    %get3A_19 = arith.constant 0 : index
    %get3A_20 = arith.constant 0 : index
    %get3A_21 = vector.load %arg3[%get3A_19, %get3A_20] : memref<1000x256xf32, #tpu.memory_space<vmem>>, vector<1000x256xf32>
    %add3A_22 = arith.addf %max3A_18, %get3A_21 : vector<1000x256xf32>
    %get3A_23 = arith.constant 0 : index
    %get3A_24 = arith.constant 0 : index
    %get3A_25 = vector.load %arg4[%get3A_23, %get3A_24] : memref<1000x1xf32, #tpu.memory_space<vmem>>, vector<1000x1xf32>
    %get3A_26 = arith.constant 0 : index
    %get3A_27 = arith.constant 0 : index
    %get3A_28 = vector.load %arg6[%get3A_26, %get3A_27] : memref<256x1xf32, #tpu.memory_space<vmem>>, vector<256x1xf32>
    %dot_general3A = arith.constant dense<0.000000e+00> : vector<1000x1xf32>
    %dot_general3A_29 = tpu.matmul %add3A_22, %get3A_28, %dot_general3A {dimension_numbers = #tpu.dot_dimension_numbers<[1], [0], [0], [1], [0, 0, 1, 1], [], []>, transpose_lhs_hint = false} : vector<1000x256xf32>, vector<256x1xf32>, vector<1000x1xf32> -> vector<1000x1xf32>
    %mul3A_30 = arith.mulf %get3A_25, %dot_general3A_29 : vector<1000x1xf32>
    %swap3A = arith.constant 0 : index
    %swap3A_31 = arith.constant 0 : index
    %swap3A_32 = vector.load %arg7[%swap3A, %swap3A_31] : memref<1000x1xf32, #tpu.memory_space<vmem>>, vector<1000x1xf32>
    tpu.vector_store %arg7[%swap3A, %swap3A_31], %mul3A_30 {strides = array<i32>} : memref<1000x1xf32, #tpu.memory_space<vmem>>, vector<1000x1xf32>,
    return
  }
  func.func @transform_0(%arg0: i32) -> (i32, i32, i32) {
    %c0_i32 = arith.constant 0 : i32
    %c0_i32_0 = arith.constant 0 : i32
    %c0_i32_1 = arith.constant 0 : i32
    return %c0_i32, %arg0, %c0_i32_0 : i32, i32, i32
  }
  func.func @transform_1(%arg0: i32) -> (i32, i32, i32) {
    %c1_i32 = arith.constant 1 : i32
    %c0_i32 = arith.constant 0 : i32
    %c0_i32_0 = arith.constant 0 : i32
    return %c1_i32, %arg0, %c0_i32 : i32, i32, i32
  }
  func.func @transform_2(%arg0: i32) -> (i32, i32) {
    %c0_i32 = arith.constant 0 : i32
    %c0_i32_0 = arith.constant 0 : i32
    return %arg0, %c0_i32 : i32, i32
  }
  func.func @transform_3(%arg0: i32) -> (i32, i32) {
    %c0_i32 = arith.constant 0 : i32
    %c0_i32_0 = arith.constant 0 : i32
    return %arg0, %c0_i32 : i32, i32
  }
  func.func @transform_4(%arg0: i32) -> (i32, i32) {
    %c0_i32 = arith.constant 0 : i32
    %c0_i32_0 = arith.constant 0 : i32
    %c0_i32_1 = arith.constant 0 : i32
    return %c0_i32, %c0_i32_0 : i32, i32
  }
  func.func @transform_5(%arg0: i32) -> (i32, i32) {
    %c0_i32 = arith.constant 0 : i32
    %c0_i32_0 = arith.constant 0 : i32
    %c0_i32_1 = arith.constant 0 : i32
    return %c0_i32, %c0_i32_0 : i32, i32
  }
  func.func @transform_6(%arg0: i32) -> (i32, i32) {
    %c0_i32 = arith.constant 0 : i32
    %c0_i32_0 = arith.constant 0 : i32
    return %arg0, %c0_i32 : i32, i32
  }
}

</mosaic_0001>

<sc_bundles>
// kernel: kernel.11.cloned.1.call-start
scs
__scs_entry_jumppad:
0x0: {  	(pc) =	sbr.rel $0x88, $3  }
0x1: {  	(tag) =	ssettag $0x0;
	lr =	simm.s32 $0x1  }
0x2: {  	[smem:$0x3F95] =	sst lr;
	_ =	strace $0xD0000000  }
0x3: {  	_ = 	snop  }
0x4: {  	_ = 	snop  }
0x5: {  	_ = 	snop  }
0x6: {  	_ = 	snop  }
0x7: {  	_ = 	snop  }
__scs_overlays_trampoline_lowered:
0x8: {  	[smem:$0x3FA4] =	sst s0  }
0x9: {  	[smem:$0x3FA5] =	sst s1  }
0xa: {  	[smem:$0x3FA6] =	sst s2  }
0xb: {  	[smem:$0x3FA7] =	sst s3  }
0xc: {  	[smem:$0x3FA8] =	sst s4  }
0xd: {  	[smem:$0x3FA9] =	sst s5  }
0xe: {  	[smem:$0x3FAA] =	sst s6  }
0xf: {  	[smem:$0x3FAB] =	sst s7  }
0x10: {  	[smem:$0x3FAC] =	sst s8  }
0x11: {  	[smem:$0x3FAD] =	sst s9;
	s0 =	simm.s32 @!p0 $0x0  }
0x12: {  	s1 =	sld [smem:$0x3F93];
	s0 =	simm.s32 @p0 $0x1  }
0x13: {  	[smem:$0x3FAE] =	sst s0;
	s0 =	simm.s32 @!p1 $0x0  }
0x14: {  	s2 =	sld [smem:$0x3F92];
	s0 =	simm.s32 @p1 $0x1  }
0x15: {  	[smem:$0x3FAF] =	sst s0;
	s0 =	simm.s32 @!p2 $0x0  }
0x16: {  	s3 =	sld [smem:$0x3FDB];
	s0 =	simm.s32 @p2 $0x1  }
0x17: {  	s4 =	simm.s32 $0x1BF5;
	[smem:$0x3FB1] =	sst s0  }
0x18: {  	s0 =	sld [smem:$0x3F94];
	_ =	swait.ge [sflag:s4], $0x0  }
0x19: {  	s7 =	sld [smem:$0x3F95]  }
0x1a: {  	s8 =	sadd.s32 $0xFFFFE003, lr  }
0x1b: {  	s9 =	sadd.s32 $0xFFFFFEF7, lr;
	s5 =	simm.s32 $0xFFFFFFFF;
	p2 =	slt.u32 s8, $0xFFFFF086  }
0x1c: {  	p1 =	slt.u32 s9, $0xF7A;
	s5 =	simm.s32 @!p2 $0x0  }
0x1d: {  	s5 =	simm.s32 @p1 $0x1;
	p0 =	seq.s32 s7, s2  }
0x1e: {  	s7 =	smul.u32 @!p0 $0xF7A, s2;
	p2 =	seq.s32 @!p0 s5, $0x0  }
0x1f: {  	s9 =	smul.u32 $0xF7A, s1;
	s8 =	simm.s32 @!p0 $0x1BF5;
	p2 =	por !p2, p0  }
0x20: {  	[sflag:s8] =	ssyncset.s32 @!p0 $0xFFFFF086;
	s6 =	sadd.s32 @!p0 s3, s7;
	s7 =	simm.s32 @!p0 $0x108  }
0x21: {  	s3 =	sadd.s32 s3, s9;
	s6 =	sadd.s32 @!p0 $0x88, s6;
	s7 =	simm.s32 @p2 $0x1082  }
0x22: {  	[simem:s7], [sflag:s8] =	dma.local @!p0 [hbm:s6], $0xF7A  }
0x23: {  	s9 =	sor.u32 $0xD0000000, s2;
	s6 =	simm.s32 $0x108;
	_ =	swait.ge @!p0 [sflag:s8], $0x0  }
0x24: {  	s3 =	sadd.s32 $0x88, s3;
	s6 =	simm.s32 @!p1 $0x1082;
	[sflag:s4] =	ssyncset.s32 $0xFFFFF086  }
0x25: {  	[simem:s6], [sflag:s4] =	dma.local [hbm:s3], $0xF7A  }
0x26: {  	[smem:$0x3F95] =	sst s1;
	(tag) =	ssettag s2;
	_ =	strace s9  }
0x27: {  	s1 =	sld [smem:$0x3FA5]  }
0x28: {  	s2 =	sld [smem:$0x3FA6]  }
0x29: {  	s4 =	sld [smem:$0x3FA8]  }
0x2a: {  	p0 =	seq.s32 s5, $0x0;
	s5 =	sld [smem:$0x3FA9]  }
0x2b: {  	s6 =	sld [smem:$0x3FAA]  }
0x2c: {  	s7 =	sld [smem:$0x3FAB]  }
0x2d: {  	s3 =	simm.s32 $0x108;
	s8 =	sld [smem:$0x3FAC]  }
0x2e: {  	s3 =	simm.s32 @!p0 $0x1082;
	s9 =	sld [smem:$0x3FAD]  }
0x2f: {  	lr =	sadd.s32 s0, s3;
	s0 =	sld [smem:$0x3FA4]  }
0x30: {  	s3 =	sld [smem:$0x3FA7]  }
0x31: {  	[smem:$0x3FB0] =	sst s10  }
0x32: {  	s10 =	sld [smem:$0x3FAE];
	_ =	sdelay $0x3  }
0x33: {  	p0 =	seq.s32 s10, $0x1;
	s10 =	sld [smem:$0x3FB0];
	_ =	sdelay $0x3  }
0x34: {  	[smem:$0x3FB0] =	sst s10  }
0x35: {  	s10 =	sld [smem:$0x3FAF];
	_ =	sdelay $0x3  }
0x36: {  	p1 =	seq.s32 s10, $0x1;
	s10 =	sld [smem:$0x3FB0];
	_ =	sdelay $0x3  }
0x37: {  	[smem:$0x3FB0] =	sst s10  }
0x38: {  	s10 =	sld [smem:$0x3FB1]  }
0x39: {  	_ = 	snop;
	(pc) =	sbr.ind lr, $3  }
0x3a: {  	_ = 	snop  }
0x3b: {  	_ = 	snop  }
0x3c: {  	p2 =	seq.s32 s10, $0x1;
	s10 =	sld [smem:$0x3FB0]  }
0x3d: {  	_ =	shalt  }
0x3e: {  	_ =	shalt  }
0x3f: {  	_ =	shalt  }
0x40: {  	_ =	shalt  }
0x41: {  	_ =	shalt  }
0x42: {  	_ =	shalt  }
0x43: {  	_ =	shalt  }
0x44: {  	_ =	shalt  }
0x45: {  	_ =	shalt  }
0x46: {  	_ =	shalt  }
0x47: {  	_ =	shalt  }
0x48: {  	_ =	shalt  }
0x49: {  	_ =	shalt  }
0x4a: {  	_ =	shalt  }
0x4b: {  	_ =	shalt  }
0x4c: {  	_ =	shalt  }
0x4d: {  	_ =	shalt  }
0x4e: {  	_ =	shalt  }
0x4f: {  	_ =	shalt  }
0x50: {  	_ =	shalt  }
0x51: {  	_ =	shalt  }
0x52: {  	_ =	shalt  }
0x53: {  	_ =	shalt  }
0x54: {  	_ =	shalt  }
0x55: {  	_ =	shalt  }
0x56: {  	_ =	shalt  }
0x57: {  	_ =	shalt  }
0x58: {  	_ =	shalt  }
0x59: {  	_ =	shalt  }
0x5a: {  	_ =	shalt  }
0x5b: {  	_ =	shalt  }
0x5c: {  	_ =	shalt  }
0x5d: {  	_ =	shalt  }
0x5e: {  	_ =	shalt  }
0x5f: {  	_ =	shalt  }
0x60: {  	_ =	shalt  }
0x61: {  	_ =	shalt  }
0x62: {  	_ =	shalt  }
0x63: {  	_ =	shalt  }
0x64: {  	_ =	shalt  }
0x65: {  	_ =	shalt  }
0x66: {  	_ =	shalt  }
0x67: {  	_ =	shalt  }
0x68: {  	_ =	shalt  }
0x69: {  	_ =	shalt  }
0x6a: {  	_ =	shalt  }
0x6b: {  	_ =	shalt  }
0x6c: {  	_ =	shalt  }
0x6d: {  	_ =	shalt  }
0x6e: {  	_ =	shalt  }
0x6f: {  	_ =	shalt  }
0x70: {  	_ =	shalt  }
0x71: {  	_ =	shalt  }
0x72: {  	_ =	shalt  }
0x73: {  	_ =	shalt  }
0x74: {  	_ =	shalt  }
0x75: {  	_ =	shalt  }
0x76: {  	_ =	shalt  }
0x77: {  	_ =	shalt  }
0x78: {  	_ =	shalt  }
0x79: {  	_ =	shalt  }
0x7a: {  	_ =	shalt  }
0x7b: {  	_ =	shalt  }
0x7c: {  	_ =	shalt  }
0x7d: {  	_ =	shalt  }
0x7e: {  	_ =	shalt  }
0x7f: {  	_ =	shalt  }
0x80: {  	_ =	shalt  }
0x81: {  	_ =	shalt  }
0x82: {  	_ =	shalt  }
0x83: {  	_ =	shalt  }
0x84: {  	_ =	shalt  }
0x85: {  	_ =	shalt  }
0x86: {  	_ =	shalt  }
0x87: {  	_ =	shalt  }
.Lfunc_end0:
.L_simem_size_0:
called_computation_lowered:
.L_overlay_start_0:
0x88: {  	s2 =	sld [smem:$0x3FD9]  }
0x89: {  	s3 =	sld [smem:$0x3FFE];
	_ =	sdelay $0x1  }
0x8a: {  	s1 =	srdreg.scid  }
0x8b: {  	s0 =	sand.u32 $0x1, s1  }
0x8c: {  	s16 =	sshll.u32 s0, $0xA;
	s2 =	sadd.s32 s3, s2  }
0x8d: {  	s2 =	sadd.s32 s2, s16  }
0x8e: {  	[smem:$0x3FBC] =	sst s2  }
0x8f: {  	_ = 	snop  }
0x90: {  	(tm) =	ssettm $0x1  }
0x91: {  	s17 =	sld [smem:$0x3FFB];
	_ =	sdelay $0x3  }
0x92: {  	_ =	strace s17  }
0x93: {  	s2 =	sld [smem:$0x3FFC];
	_ =	sdelay $0x3  }
0x94: {  	_ =	strace s2  }
0x95: {  	s2 =	sld [smem:$0x3FFD];
	_ =	sdelay $0x3  }
0x96: {  	_ =	strace s2  }
0x97: {  	_ =	strace $0x8FFFFFFF  }
0x98: {  	s18 =	sld [smem:$0x3FDB];
	_ =	sdelay $0x1  }
0x99: {  	s19 =	simm.s32 $_scs_section_size  }
0x9a: {  	s4 =	simm.s32 $_size__tile_overlayer_lowered;
	s5 =	simm.s32 $_tile_overlayer_lowered  }
0x9b: {  	s22 =	simm.s32 $0x1BFF;
	s21 =	sshll.u32 s5, $0x1;
	s2 =	sadd.s32 s19, s18  }
0x9c: {  	s6 =	simm.s32 $0x0;
	s20 =	sshll.u32 s4, $0x1;
	s4 =	sadd.s32 s21, s2  }
0x9d: {  	[timem:s6], [sflag:s22] =	dma.local [hbm:s4], s20  }
0x9e: {  	_ =	swait.ge [sflag:s22], s20  }
0x9f: {  	s3 =	ssub.s32 $0x0, s20;
	[sflag:s22] =	ssyncset.done $0x0  }
0xa0: {  	[sflag:s22] =	ssyncadd.s32 s3;
	_ =	sdelay $0x1  }
0xa1: {  	s23 =	simm.s32 $0x1B8B  }
0xa2: {  	_ =	swait.ge [sflag:s23], $0x1  }
0xa3: {  	[sflag:s23] =	ssyncset.done $0x0  }
0xa4: {  	s25 =	simm.s32 $0x1B8E;
	s24 =	sld [smem:$0x3FFE];
	[sflag:s23] =	ssyncadd.s32 $0xFFFFFFFF  }
0xa5: {  	s26 =	simm.s32 $execute0_lowered;
	[smem:$0x3FD2] =	sst s25  }
0xa6: {  	s4 =	sshll.u32 s26, $0x1;
	_ =	strace $0x80000046;
	[dreg:$0x1] =	wrdreg $0xFFFFFFFF  }
0xa7: {  	s28 =	simm.s32 $_size_execute0_lowered;
	s2 =	sadd.s32 s2, s4;
	[dreg:$0x0] =	wrdreg $0x0  }
0xa8: {  	s4 =	sshll.u32 s28, $0x1;
	[dreg:$0x2] =	wrdreg s2  }
0xa9: {  	[dreg:$0x3] =	wrdreg s4  }
0xaa: {  	[dreg:$0x4] =	wrdreg $0xC0  }
0xab: {  	_ =	task [dreg:s6], $0x5FFFF  }
0xac: {  	[dreg:$0x1] =	wrdreg $0xFFFFFFFF  }
0xad: {  	[dreg:$0x0] =	wrdreg $0x60  }
0xae: {  	[dreg:$0x2] =	wrdreg s24  }
0xaf: {  	[dreg:$0x3] =	wrdreg $0x0  }
0xb0: {  	[dreg:$0x4] =	wrdreg $0x9  }
0xb1: {  	_ =	task.clear_ibuf [dreg:s6], $0x5FFFF;
	_ =	strace $0x90000046  }
0xb2: {  	s29 =	simm.s32 $0x9;
	_ =	strace $0x80000048  }
0xb3: {  	_ =	swait.ge [sflag:s29], $0x1  }
0xb4: {  	[sflag:s29] =	ssyncadd.s32 $0xFFFFFFFF  }
0xb5: {  	_ =	strace $0x90000048  }
0xb6: {  	_ =	sfence  }
0xb7: {  	s30 =	sld [smem:$0x0];
	_ =	sdelay $0x2  }
0xb8: {  	s31 =	sshll.u32 s1, $0xD;
	s1 =	sshrl.u32 s1, $0x2  }
0xb9: {  	s3 =	sand.u32 $0x4000, s31;
	s1 =	sadd.s32 s1, s30  }
0xba: {  	s0 =	sor.u32 s3, s0;
	s1 =	sshll.u32 s1, $0x11  }
0xbb: {  	s0 =	sor.u32 s1, s0  }
0xbc: {  	s0 =	sadd.s32 $0x8F2B, s0  }
0xbd: {  	[sflag:s0] =	ssyncadd.remote.s32 $0x1  }
0xbe: {  	_ =	sfence.sel $0xFFFF  }
0xbf: {  	[dreg:$0x0] =	wrdreg $0xFFFFFFFF;
	(pc) =	sbr.abs _section_cstart, $3  }
0xc0: {  	[dreg:$0x1] =	wrdreg $0xFFFFFFFF  }
0xc1: {  	_ =	task.clear_ibuf [dreg:s6], $0x2FFFF;
	_ =	strace $0x9FFFFFFF  }
0xc2: {  	(tm) =	ssettm $0x7FFFFFFF  }
0xc3: {  	_ =	shalt  }
tec
execute0_lowered:
.L_overlay_start_1:
0x0: {  	(tag) =	ssettag $0x1  }
0x1: {  	s4 =	rddreg [dreg:$0x0]  }
0x2: {  	s2 =	rddreg [dreg:$0x1]  }
0x3: {  	s0 =	rddreg [dreg:$0x2];
	s5 =	srdreg.scid  }
0x4: {  	s1 =	stileid.u32;
	s3 =	simm.s32 $0x0;
	s13 =	simm.f32 $1.000000000e+00  }
0x5: {  	s14 =	simm.s32 $0x20;
	s15 =	simm.s32 $0x10;
	s6 =	smul.u32 $0x500, s1  }
0x6: {  	s5 =	sand.u32 $0x1, s5;
	[smem:$0x7FF] =	sst s3;
	s28 =	smul.u32 $0xA00, s1  }
0x7: {  	s12 =	sshll.u32 s1, $0x4;
	s31 =	sshll.u32 s1, $0x6;
	s7 =	smul.u32 $0x4E20, s5  }
0x8: {  	s8 =	sshll.u32 s5, $0x7;
	_ =	strace $0x80000047;
	s25 =	ssub.s32 $0x2, s5  }
0x9: {  	p0 =	seq.s32 s5, $0x0;
	s10 =	smul.u32 $0x4E2, s5;
	s6 =	sor.u32 s8, s6  }
0xa: {  	s26 =	sshrl.u32 s25, $0x1;
	s13 =	simm.s32 @!p0 $0x0;
	s29 =	sshrl.u32 s28, $0x2  }
0xb: {  	s24 =	sadd.s32 s7, s4;
	s6 =	sshrl.u32 s6, $0x3;
	s11 =	ssub.s32 s25, s26  }
0xc: {  	s5 =	sadd.s32 $0x4E2, s10;
	s9 =	sadd.s32 s6, s4;
	s4 =	sadd.s32 s29, s2  }
0xd: {  	s6 =	sadd.s32 s1, s10;
	s30 =	sadd.s32 s12, s24;
	s8 =	smax.u32 s11, $0x1  }
0xe: {  	s10 =	simm.s32 $0x280;
	s11 =	simm.s32 $0x1;
	s12 =	sor.u32 $0x1C01, s31  }
0xf: {  	v1 =	vimm.f32 $1.000000000e+00;
	v0 =	vmov s13;
	s7 =	sadd.s32 $0x17200, s9;
	s9 =	sadd.s32 $0xD400, s30;
	s13 =	sshrl.u32 s4, $0x3  }
.LBB2_1:
0x10: {  	[tilespmem:$0x280] =	vst v0  }
0x11: {  	[tilespmem:$0x290] =	vst v0  }
0x12: {  	[tilespmem:$0x2A0] =	vst v0  }
0x13: {  	[tilespmem:$0x2B0] =	vst v0  }
0x14: {  	[tilespmem:$0x2C0] =	vst v0  }
0x15: {  	[tilespmem:$0x2D0] =	vst v0  }
0x16: {  	[tilespmem:$0x2E0] =	vst v0  }
0x17: {  	[tilespmem:$0x2F0] =	vst v0  }
0x18: {  	[tilespmem:$0x300] =	vst v0  }
0x19: {  	[tilespmem:$0x310] =	vst v0  }
0x1a: {  	[tilespmem:$0x320] =	vst v0  }
0x1b: {  	[tilespmem:$0x330] =	vst v0  }
0x1c: {  	[tilespmem:$0x340] =	vst v0  }
0x1d: {  	[tilespmem:$0x350] =	vst v0  }
0x1e: {  	[tilespmem:$0x360] =	vst v0  }
0x1f: {  	[tilespmem:$0x370] =	vst v0  }
0x20: {  	[tilespmem:$0x380] =	vst v0  }
0x21: {  	[tilespmem:$0x390] =	vst v0  }
0x22: {  	[tilespmem:$0x3A0] =	vst v0  }
0x23: {  	[tilespmem:$0x3B0] =	vst v0  }
0x24: {  	[tilespmem:$0x3C0] =	vst v0  }
0x25: {  	[tilespmem:$0x3D0] =	vst v0  }
0x26: {  	[tilespmem:$0x3E0] =	vst v0  }
0x27: {  	[tilespmem:$0x3F0] =	vst v0  }
0x28: {  	[tilespmem:$0x400] =	vst v0  }
0x29: {  	[tilespmem:$0x410] =	vst v0  }
0x2a: {  	[tilespmem:$0x420] =	vst v0  }
0x2b: {  	[tilespmem:$0x430] =	vst v0  }
0x2c: {  	[tilespmem:$0x440] =	vst v0  }
0x2d: {  	[tilespmem:$0x450] =	vst v0  }
0x2e: {  	[tilespmem:$0x460] =	vst v0  }
0x2f: {  	[tilespmem:$0x470] =	vst v0  }
0x30: {  	[tilespmem:$0x480] =	vst v0  }
0x31: {  	[tilespmem:$0x490] =	vst v0  }
0x32: {  	[tilespmem:$0x4A0] =	vst v0  }
0x33: {  	[tilespmem:$0x4B0] =	vst v0  }
0x34: {  	[tilespmem:$0x4C0] =	vst v0  }
0x35: {  	[tilespmem:$0x4D0] =	vst v0  }
0x36: {  	[tilespmem:$0x4E0] =	vst v0  }
0x37: {  	[tilespmem:$0x4F0] =	vst v0  }
0x38: {  	[tilespmem:$0x580] =	vst v1  }
0x39: {  	[tilespmem:$0x590] =	vst v1  }
0x3a: {  	[tilespmem:$0x5A0] =	vst v1  }
0x3b: {  	[tilespmem:$0x5B0] =	vst v1  }
0x3c: {  	[tilespmem:$0x5C0] =	vst v1  }
0x3d: {  	[tilespmem:$0x5D0] =	vst v1  }
0x3e: {  	[tilespmem:$0x5E0] =	vst v1  }
0x3f: {  	[tilespmem:$0x5F0] =	vst v1  }
0x40: {  	[spmem:s4] =	stream.linear.scatter [tilespmem:s10], [sflag:$0x1], $0x280, $0x38;
	[tilespmem:$0x600] =	vst v63  }
0x41: {  	s16 =	sadd.s32 $0x0, s6;
	_ =	swait.ge [sflag:s11], $0x280  }
0x42: {  	p1 =	sge.u32 s16, s5;
	[sflag:s11] =	ssyncset.done $0x0  }
0x43: {  	p0 =	por p1, p1;
	s16 =	simm.s32 @!p1 $0x0;
	[sflag:s11] =	ssyncadd.s32 $0xFFFFFD80  }
0x44: {  	s17 =	simm.s32 @!p1 $0x500;
	s18 =	simm.s32 @!p0 $0x2;
	[bflag:$0x0] =	sbarrier.arrive $0xFFFF  }
0x45: {  	[tilespmem:s17], [sflag:$0x2] =	stream.linear.gather @!p0 [hbm4b:s9+s16], $0x80, $0x38;
	[tilespmem:$0x600] =	vst v63  }
0x46: {  	_ =	swait.ge @!p0 [sflag:s18], $0x80  }
0x47: {  	s31 =	sadd.s32 $0x10, s6;
	[sflag:s18] =	ssyncset.done @!p0 $0x0  }
0x48: {  	s16 =	simm.s32 @!p0 $0x80;
	[sflag:s18] =	ssyncadd.s32 @!p0 $0xFFFFFF80;
	s18 =	simm.s32 @!p0 $0x580  }
0x49: {  	[spmem:s2] =	stream.indirect.scatter.add.f32 @!p0 [tilespmem:s18], [sflag:$0x1], $0x1, s17, s16, $0xb8;
	[tilespmem:$0x600] =	vst v63  }
0x4a: {  	p1 =	sge.u32 s31, s5;
	s18 =	simm.s32 @!p0 $0x1  }
0x4b: {  	s17 =	simm.s32 $0x20;
	s16 =	sadd.s32 $0x100, s9;
	_ =	swait.ge @!p0 [sflag:s18], $0x80  }
.LBB2_2:
0x4c: {  	s19 =	simm.s32 @!p1 $0x0  }
0x4d: {  	s20 =	simm.s32 @!p1 $0x500;
	[sflag:s18] =	ssyncset.done @!p0 $0x0;
	s21 =	smov.u32 s17  }
0x4e: {  	p2 =	por p0, p0;
	p0 =	por p1, p1;
	s17 =	sadd.s32 $0x10, s17  }
0x4f: {  	s22 =	simm.s32 @!p0 $0x2;
	[sflag:s18] =	ssyncadd.s32 @!p2 $0xFFFFFF80;
	p2 =	sne.s32 s17, $0x4F0  }
0x50: {  	[tilespmem:s20], [sflag:$0x2] =	stream.linear.gather @!p0 [hbm4b:s16+s19], $0x80, $0x38;
	[tilespmem:$0x600] =	vst v63  }
.Ltmp0:
0x51: {  	_ =	swait.ge @!p0 [sflag:s22], $0x80;
	(pc) =	sbr.rel @p2 .LBB2_2-.Ltmp0, $4  }
0x52: {  	s18 =	simm.s32 @!p0 $0x1;
	s19 =	sadd.s32 s21, s6;
	[sflag:s22] =	ssyncset.done @!p0 $0x0  }
0x53: {  	s21 =	simm.s32 @!p0 $0x80;
	[sflag:s22] =	ssyncadd.s32 @!p0 $0xFFFFFF80;
	s22 =	simm.s32 @!p0 $0x580  }
0x54: {  	[spmem:s2] =	stream.indirect.scatter.add.f32 @!p0 [tilespmem:s22], [sflag:$0x1], $0x1, s20, s21, $0xb8;
	[tilespmem:$0x600] =	vst v63  }
0x55: {  	s16 =	sadd.s32 $0x100, s16;
	p1 =	sge.u32 s19, s5;
	_ =	swait.ge @!p0 [sflag:s18], $0x80  }
0x56: {  	s17 =	simm.s32 @!p1 $0x0  }
0x57: {  	[sflag:s18] =	ssyncset.done @!p0 $0x0;
	p0 =	por p0, p0;
	p2 =	por p1, p1  }
0x58: {  	s19 =	simm.s32 @!p1 $0x500;
	s20 =	simm.s32 @!p2 $0x2;
	[sflag:s18] =	ssyncadd.s32 @!p0 $0xFFFFFF80  }
0x59: {  	[tilespmem:s19], [sflag:$0x2] =	stream.linear.gather @!p2 [hbm4b:s16+s17], $0x80, $0x38;
	[tilespmem:$0x600] =	vst v63  }
0x5a: {  	_ =	swait.ge @!p2 [sflag:s20], $0x80  }
0x5b: {  	s18 =	simm.s32 @!p2 $0x580;
	[sflag:s20] =	ssyncset.done @!p2 $0x0  }
0x5c: {  	s16 =	simm.s32 @!p2 $0x1;
	s17 =	simm.s32 @!p2 $0x80;
	[sflag:s20] =	ssyncadd.s32 @!p2 $0xFFFFFF80  }
0x5d: {  	[spmem:s2] =	stream.indirect.scatter.add.f32 @!p2 [tilespmem:s18], [sflag:$0x1], $0x1, s19, s17, $0xb8;
	[tilespmem:$0x600] =	vst v63  }
0x5e: {  	_ =	swait.ge @!p2 [sflag:s16], $0x80  }
0x5f: {  	s3 =	sadd.s32 $0x1, s3;
	p0 =	por p2, p2;
	[sflag:s16] =	ssyncset.done @!p2 $0x0  }
0x60: {  	[sflag:s16] =	ssyncadd.s32 @!p0 $0xFFFFFF80;
	p0 =	sne.s32 s3, s8  }
.Ltmp1:
0x61: {  	[bflag:$0x0] =	sbarrier.arrive $0xFFFF;
	(pc) =	sbr.rel @p0 .LBB2_1-.Ltmp1, $4  }
0x62: {  	[hbm:s7@s14], [sflag:s12] =	dma.strided [spmem:s13@s15], $0x50, s11, $0x10   }
0x63: {  	_ =	swait.ge [sflag:s11], $0x50  }
0x64: {  	[sflag:s11] =	ssyncset.done $0x0  }
0x65: {  	[sflag:s11] =	ssyncadd.s32 $0xFFFFFFB0  }
0x66: {  	_ =	sfence.sel $0x180000  }
0x67: {  	[bflag:$0x0] =	sbarrier.arrive $0xFFFF  }
0x68: {  	p0 =	sne.s32 s1, $0x0;
	_ =	strace $0x90000047  }
0x69: {  	s0 =	sadd.s32 @!p0 $0x100000, s0;
	[bflag:$0x2] =	sbarrier.arrive $0xFFFF  }
0x6a: {  	[sflag:s0] =	ssyncadd.tile.s32 @!p0 $0x1;
	_ =	shalt  }
.Lfunc_end2:
_tile_overlayer_lowered:
.L_overlay_start_2:
0x6b: {  	(tag) =	ssettag $0x2  }
0x6c: {  	s0 =	rddreg [dreg:$0x0];
	s2 =	stileid.u32  }
0x6d: {  	s1 =	rddreg [dreg:$0x1];
	p0 =	sne.s32 s2, $0x0  }
0x6e: {  	s3 =	rddreg [dreg:$0x2];
	[bflag:$0x3] =	sbarrier.arrive $0xFFFF;
	s2 =	simm.s32 @!p0 $0x1C01  }
0x6f: {  	[timem:s3], [sflag:s2] =	dma.local @!p0 [hbm:s0], s1  }
0x70: {  	s0 =	simm.s32 @!p0 $0x1  }
0x71: {  	_ =	swait.ge @!p0 [sflag:s0], s1  }
0x72: {  	s1 =	ssub.s32 @!p0 $0x0, s1;
	[sflag:s0] =	ssyncset.done @!p0 $0x0  }
0x73: {  	[sflag:s0] =	ssyncadd.s32 @!p0 s1  }
0x74: {  	[bflag:$0x3] =	sbarrier.arrive $0xFFFF  }
0x75: {  	_ =	shalt  }

// kernel: kernel.14.cloned.1.call-start
scs
__scs_entry_jumppad:
0x0: {  	(pc) =	sbr.rel $0x88, $3  }
0x1: {  	(tag) =	ssettag $0x0;
	lr =	simm.s32 $0x1  }
0x2: {  	[smem:$0x3F95] =	sst lr;
	_ =	strace $0xD0000000  }
0x3: {  	_ = 	snop  }
0x4: {  	_ = 	snop  }
0x5: {  	_ = 	snop  }
0x6: {  	_ = 	snop  }
0x7: {  	_ = 	snop  }
__scs_overlays_trampoline_lowered:
0x8: {  	[smem:$0x3FA4] =	sst s0  }
0x9: {  	[smem:$0x3FA5] =	sst s1  }
0xa: {  	[smem:$0x3FA6] =	sst s2  }
0xb: {  	[smem:$0x3FA7] =	sst s3  }
0xc: {  	[smem:$0x3FA8] =	sst s4  }
0xd: {  	[smem:$0x3FA9] =	sst s5  }
0xe: {  	[smem:$0x3FAA] =	sst s6  }
0xf: {  	[smem:$0x3FAB] =	sst s7  }
0x10: {  	[smem:$0x3FAC] =	sst s8  }
0x11: {  	[smem:$0x3FAD] =	sst s9;
	s0 =	simm.s32 @!p0 $0x0  }
0x12: {  	s1 =	sld [smem:$0x3F93];
	s0 =	simm.s32 @p0 $0x1  }
0x13: {  	[smem:$0x3FAE] =	sst s0;
	s0 =	simm.s32 @!p1 $0x0  }
0x14: {  	s2 =	sld [smem:$0x3F92];
	s0 =	simm.s32 @p1 $0x1  }
0x15: {  	[smem:$0x3FAF] =	sst s0;
	s0 =	simm.s32 @!p2 $0x0  }
0x16: {  	s3 =	sld [smem:$0x3FDB];
	s0 =	simm.s32 @p2 $0x1  }
0x17: {  	s4 =	simm.s32 $0x1BF5;
	[smem:$0x3FB1] =	sst s0  }
0x18: {  	s0 =	sld [smem:$0x3F94];
	_ =	swait.ge [sflag:s4], $0x0  }
0x19: {  	s7 =	sld [smem:$0x3F95]  }
0x1a: {  	s8 =	sadd.s32 $0xFFFFE003, lr  }
0x1b: {  	s9 =	sadd.s32 $0xFFFFFEF7, lr;
	s5 =	simm.s32 $0xFFFFFFFF;
	p2 =	slt.u32 s8, $0xFFFFF086  }
0x1c: {  	p1 =	slt.u32 s9, $0xF7A;
	s5 =	simm.s32 @!p2 $0x0  }
0x1d: {  	s5 =	simm.s32 @p1 $0x1;
	p0 =	seq.s32 s7, s2  }
0x1e: {  	s7 =	smul.u32 @!p0 $0xF7A, s2;
	p2 =	seq.s32 @!p0 s5, $0x0  }
0x1f: {  	s9 =	smul.u32 $0xF7A, s1;
	s8 =	simm.s32 @!p0 $0x1BF5;
	p2 =	por !p2, p0  }
0x20: {  	[sflag:s8] =	ssyncset.s32 @!p0 $0xFFFFF086;
	s6 =	sadd.s32 @!p0 s3, s7;
	s7 =	simm.s32 @!p0 $0x108  }
0x21: {  	s3 =	sadd.s32 s3, s9;
	s6 =	sadd.s32 @!p0 $0x88, s6;
	s7 =	simm.s32 @p2 $0x1082  }
0x22: {  	[simem:s7], [sflag:s8] =	dma.local @!p0 [hbm:s6], $0xF7A  }
0x23: {  	s9 =	sor.u32 $0xD0000000, s2;
	s6 =	simm.s32 $0x108;
	_ =	swait.ge @!p0 [sflag:s8], $0x0  }
0x24: {  	s3 =	sadd.s32 $0x88, s3;
	s6 =	simm.s32 @!p1 $0x1082;
	[sflag:s4] =	ssyncset.s32 $0xFFFFF086  }
0x25: {  	[simem:s6], [sflag:s4] =	dma.local [hbm:s3], $0xF7A  }
0x26: {  	[smem:$0x3F95] =	sst s1;
	(tag) =	ssettag s2;
	_ =	strace s9  }
0x27: {  	s1 =	sld [smem:$0x3FA5]  }
0x28: {  	s2 =	sld [smem:$0x3FA6]  }
0x29: {  	s4 =	sld [smem:$0x3FA8]  }
0x2a: {  	p0 =	seq.s32 s5, $0x0;
	s5 =	sld [smem:$0x3FA9]  }
0x2b: {  	s6 =	sld [smem:$0x3FAA]  }
0x2c: {  	s7 =	sld [smem:$0x3FAB]  }
0x2d: {  	s3 =	simm.s32 $0x108;
	s8 =	sld [smem:$0x3FAC]  }
0x2e: {  	s3 =	simm.s32 @!p0 $0x1082;
	s9 =	sld [smem:$0x3FAD]  }
0x2f: {  	lr =	sadd.s32 s0, s3;
	s0 =	sld [smem:$0x3FA4]  }
0x30: {  	s3 =	sld [smem:$0x3FA7]  }
0x31: {  	[smem:$0x3FB0] =	sst s10  }
0x32: {  	s10 =	sld [smem:$0x3FAE];
	_ =	sdelay $0x3  }
0x33: {  	p0 =	seq.s32 s10, $0x1;
	s10 =	sld [smem:$0x3FB0];
	_ =	sdelay $0x3  }
0x34: {  	[smem:$0x3FB0] =	sst s10  }
0x35: {  	s10 =	sld [smem:$0x3FAF];
	_ =	sdelay $0x3  }
0x36: {  	p1 =	seq.s32 s10, $0x1;
	s10 =	sld [smem:$0x3FB0];
	_ =	sdelay $0x3  }
0x37: {  	[smem:$0x3FB0] =	sst s10  }
0x38: {  	s10 =	sld [smem:$0x3FB1]  }
0x39: {  	_ = 	snop;
	(pc) =	sbr.ind lr, $3  }
0x3a: {  	_ = 	snop  }
0x3b: {  	_ = 	snop  }
0x3c: {  	p2 =	seq.s32 s10, $0x1;
	s10 =	sld [smem:$0x3FB0]  }
0x3d: {  	_ =	shalt  }
0x3e: {  	_ =	shalt  }
0x3f: {  	_ =	shalt  }
0x40: {  	_ =	shalt  }
0x41: {  	_ =	shalt  }
0x42: {  	_ =	shalt  }
0x43: {  	_ =	shalt  }
0x44: {  	_ =	shalt  }
0x45: {  	_ =	shalt  }
0x46: {  	_ =	shalt  }
0x47: {  	_ =	shalt  }
0x48: {  	_ =	shalt  }
0x49: {  	_ =	shalt  }
0x4a: {  	_ =	shalt  }
0x4b: {  	_ =	shalt  }
0x4c: {  	_ =	shalt  }
0x4d: {  	_ =	shalt  }
0x4e: {  	_ =	shalt  }
0x4f: {  	_ =	shalt  }
0x50: {  	_ =	shalt  }
0x51: {  	_ =	shalt  }
0x52: {  	_ =	shalt  }
0x53: {  	_ =	shalt  }
0x54: {  	_ =	shalt  }
0x55: {  	_ =	shalt  }
0x56: {  	_ =	shalt  }
0x57: {  	_ =	shalt  }
0x58: {  	_ =	shalt  }
0x59: {  	_ =	shalt  }
0x5a: {  	_ =	shalt  }
0x5b: {  	_ =	shalt  }
0x5c: {  	_ =	shalt  }
0x5d: {  	_ =	shalt  }
0x5e: {  	_ =	shalt  }
0x5f: {  	_ =	shalt  }
0x60: {  	_ =	shalt  }
0x61: {  	_ =	shalt  }
0x62: {  	_ =	shalt  }
0x63: {  	_ =	shalt  }
0x64: {  	_ =	shalt  }
0x65: {  	_ =	shalt  }
0x66: {  	_ =	shalt  }
0x67: {  	_ =	shalt  }
0x68: {  	_ =	shalt  }
0x69: {  	_ =	shalt  }
0x6a: {  	_ =	shalt  }
0x6b: {  	_ =	shalt  }
0x6c: {  	_ =	shalt  }
0x6d: {  	_ =	shalt  }
0x6e: {  	_ =	shalt  }
0x6f: {  	_ =	shalt  }
0x70: {  	_ =	shalt  }
0x71: {  	_ =	shalt  }
0x72: {  	_ =	shalt  }
0x73: {  	_ =	shalt  }
0x74: {  	_ =	shalt  }
0x75: {  	_ =	shalt  }
0x76: {  	_ =	shalt  }
0x77: {  	_ =	shalt  }
0x78: {  	_ =	shalt  }
0x79: {  	_ =	shalt  }
0x7a: {  	_ =	shalt  }
0x7b: {  	_ =	shalt  }
0x7c: {  	_ =	shalt  }
0x7d: {  	_ =	shalt  }
0x7e: {  	_ =	shalt  }
0x7f: {  	_ =	shalt  }
0x80: {  	_ =	shalt  }
0x81: {  	_ =	shalt  }
0x82: {  	_ =	shalt  }
0x83: {  	_ =	shalt  }
0x84: {  	_ =	shalt  }
0x85: {  	_ =	shalt  }
0x86: {  	_ =	shalt  }
0x87: {  	_ =	shalt  }
.Lfunc_end0:
.L_simem_size_0:
called_computation.1_lowered:
.L_overlay_start_0:
0x88: {  	s2 =	sld [smem:$0x3FD9]  }
0x89: {  	s3 =	sld [smem:$0x3FFE];
	_ =	sdelay $0x1  }
0x8a: {  	s1 =	srdreg.scid  }
0x8b: {  	s0 =	sand.u32 $0x1, s1  }
0x8c: {  	s16 =	sshll.u32 s0, $0xA;
	s2 =	sadd.s32 s3, s2  }
0x8d: {  	s2 =	sadd.s32 s2, s16  }
0x8e: {  	[smem:$0x3FBC] =	sst s2  }
0x8f: {  	_ = 	snop  }
0x90: {  	(tm) =	ssettm $0x1  }
0x91: {  	s17 =	sld [smem:$0x3FFB];
	_ =	sdelay $0x3  }
0x92: {  	_ =	strace s17  }
0x93: {  	s2 =	sld [smem:$0x3FFC];
	_ =	sdelay $0x3  }
0x94: {  	_ =	strace s2  }
0x95: {  	s2 =	sld [smem:$0x3FFD];
	_ =	sdelay $0x3  }
0x96: {  	_ =	strace s2  }
0x97: {  	_ =	strace $0x8FFFFFFF  }
0x98: {  	s18 =	sld [smem:$0x3FDB];
	_ =	sdelay $0x1  }
0x99: {  	s19 =	simm.s32 $_scs_section_size  }
0x9a: {  	s4 =	simm.s32 $_size__tile_overlayer_lowered;
	s5 =	simm.s32 $_tile_overlayer_lowered  }
0x9b: {  	s22 =	simm.s32 $0x1BFF;
	s21 =	sshll.u32 s5, $0x1;
	s2 =	sadd.s32 s19, s18  }
0x9c: {  	s6 =	simm.s32 $0x0;
	s20 =	sshll.u32 s4, $0x1;
	s4 =	sadd.s32 s21, s2  }
0x9d: {  	[timem:s6], [sflag:s22] =	dma.local [hbm:s4], s20  }
0x9e: {  	_ =	swait.ge [sflag:s22], s20  }
0x9f: {  	s3 =	ssub.s32 $0x0, s20;
	[sflag:s22] =	ssyncset.done $0x0  }
0xa0: {  	[sflag:s22] =	ssyncadd.s32 s3;
	_ =	sdelay $0x1  }
0xa1: {  	s23 =	simm.s32 $0x1B8B  }
0xa2: {  	_ =	swait.ge [sflag:s23], $0x1  }
0xa3: {  	[sflag:s23] =	ssyncset.done $0x0  }
0xa4: {  	s25 =	simm.s32 $0x1B8E;
	s24 =	sld [smem:$0x3FFE];
	[sflag:s23] =	ssyncadd.s32 $0xFFFFFFFF  }
0xa5: {  	s26 =	simm.s32 $execute0_lowered;
	[smem:$0x3FD2] =	sst s25  }
0xa6: {  	s4 =	sshll.u32 s26, $0x1;
	_ =	strace $0x80000049;
	[dreg:$0x1] =	wrdreg $0xFFFFFFFF  }
0xa7: {  	s28 =	simm.s32 $_size_execute0_lowered;
	s2 =	sadd.s32 s2, s4;
	[dreg:$0x0] =	wrdreg $0x0  }
0xa8: {  	s4 =	sshll.u32 s28, $0x1;
	[dreg:$0x2] =	wrdreg s2  }
0xa9: {  	[dreg:$0x3] =	wrdreg s4  }
0xaa: {  	[dreg:$0x4] =	wrdreg $0xC0  }
0xab: {  	_ =	task [dreg:s6], $0x5FFFF  }
0xac: {  	[dreg:$0x1] =	wrdreg $0xFFFFFFFF  }
0xad: {  	[dreg:$0x0] =	wrdreg $0x60  }
0xae: {  	[dreg:$0x2] =	wrdreg s24  }
0xaf: {  	[dreg:$0x3] =	wrdreg $0x0  }
0xb0: {  	[dreg:$0x4] =	wrdreg $0x9  }
0xb1: {  	_ =	task.clear_ibuf [dreg:s6], $0x5FFFF;
	_ =	strace $0x90000049  }
0xb2: {  	s29 =	simm.s32 $0x9;
	_ =	strace $0x8000004B  }
0xb3: {  	_ =	swait.ge [sflag:s29], $0x1  }
0xb4: {  	[sflag:s29] =	ssyncadd.s32 $0xFFFFFFFF  }
0xb5: {  	_ =	strace $0x9000004B  }
0xb6: {  	_ =	sfence  }
0xb7: {  	s30 =	sld [smem:$0x0];
	_ =	sdelay $0x2  }
0xb8: {  	s31 =	sshll.u32 s1, $0xD;
	s1 =	sshrl.u32 s1, $0x2  }
0xb9: {  	s3 =	sand.u32 $0x4000, s31;
	s1 =	sadd.s32 s1, s30  }
0xba: {  	s0 =	sor.u32 s3, s0;
	s1 =	sshll.u32 s1, $0x11  }
0xbb: {  	s0 =	sor.u32 s1, s0  }
0xbc: {  	s0 =	sadd.s32 $0x8F2B, s0  }
0xbd: {  	[sflag:s0] =	ssyncadd.remote.s32 $0x1  }
0xbe: {  	_ =	sfence.sel $0xFFFF  }
0xbf: {  	[dreg:$0x0] =	wrdreg $0xFFFFFFFF;
	(pc) =	sbr.abs _section_cstart, $3  }
0xc0: {  	[dreg:$0x1] =	wrdreg $0xFFFFFFFF  }
0xc1: {  	_ =	task.clear_ibuf [dreg:s6], $0x2FFFF;
	_ =	strace $0x9FFFFFFF  }
0xc2: {  	(tm) =	ssettm $0x7FFFFFFF  }
0xc3: {  	_ =	shalt  }
tec
execute0_lowered:
.L_overlay_start_1:
0x0: {  	(tag) =	ssettag $0x1  }
0x1: {  	s13 =	rddreg [dreg:$0x0]  }
0x2: {  	s1 =	rddreg [dreg:$0x1]  }
0x3: {  	s0 =	rddreg [dreg:$0x2];
	s3 =	simm.s32 $0x0;
	s2 =	stileid.u32  }
0x4: {  	s6 =	srdreg.scid;
	[smem:$0x7FF] =	sst s3  }
0x5: {  	s4 =	sadd.s32 $0xDAE00, s13;
	s5 =	sadd.s32 $0xB3C00, s13;
	s8 =	smul.u32 $0x50000, s2  }
0x6: {  	s7 =	sshll.u32 s2, $0x4;
	s6 =	sand.u32 $0x1, s6;
	s11 =	smul.u32 $0x2800, s2  }
0x7: {  	s10 =	sadd.s32 $0x17800, s13;
	s31 =	smul.u32 $0x14000, s2;
	s17 =	sadd.s32 $0x12C000, s1  }
0x8: {  	p1 =	seq.s32 s2, $0xF;
	_ =	strace $0x8000004A;
	s16 =	sadd.s32 s7, s13  }
0x9: {  	s29 =	ssub.s32 $0x2, s6;
	p0 =	seq.s32 s6, $0x1;
	s7 =	sadd.s32 $0x100600, s13  }
0xa: {  	s18 =	sshll.u32 @!p1 s2, $0x6;
	s17 =	sshrl.u32 @p1 s17, $0x3;
	s9 =	sshrl.u32 s29, $0x1  }
0xb: {  	s30 =	sshrl.u32 s8, $0x2;
	s6 =	sadd.s32 s4, s11;
	s12 =	sshrl.u32 s31, $0x3  }
.Ltmp0:
0xc: {  	s8 =	sadd.s32 s10, s11;
	s15 =	sadd.s32 $0xD400, s16;
	(pc) =	sbr.rel .LBB2_1-.Ltmp0, $4  }
0xd: {  	s16 =	sadd.s32 $0x3600, s16;
	s18 =	sor.u32 @!p1 $0x1C02, s18;
	s14 =	ssub.s32 s29, s9  }
0xe: {  	s19 =	sadd.s32 s30, s1;
	s9 =	sadd.s32 $0x3D000, s13;
	s12 =	sadd.s32 s10, s12  }
0xf: {  	s10 =	sadd.s32 s5, s11;
	s11 =	sadd.s32 $0xD9400, s13;
	s13 =	sadd.s32 $0x64100, s13  }
0x10: {  	s12 =	sadd.s32 $0x27100, s12;
	s14 =	smax.u32 s14, $0x1;
	s19 =	sshrl.u32 @!p1 s19, $0x3  }
.LBB2_7:
0x11: {  	s21 =	sadd.s32 @!p3 s20, s16;
	s22 =	simm.s32 @!p3 $0x0;
	[sflag:s23] =	ssyncset.done @!p2 $0x0  }
0x12: {  	s24 =	simm.s32 @!p3 $0x13880;
	s25 =	simm.s32 @!p3 $0x3;
	[sflag:s23] =	ssyncadd.s32 @!p2 $0xFFFFC000  }
0x13: {  	[tilespmem:s24], [sflag:$0x3] =	stream.linear.gather @!p3 [hbm4b:s21+s22], $0x80, $0x38;
	[tilespmem:$0x17980] =	vst v63  }
0x14: {  	_ =	swait.ge @!p3 [sflag:s25], $0x80  }
0x15: {  	[sflag:s25] =	ssyncset.done @!p3 $0x0  }
0x16: {  	s20 =	sadd.s32 @!p3 s20, s15;
	s21 =	simm.s32 @!p3 $0x13900;
	[sflag:s25] =	ssyncadd.s32 @!p3 $0xFFFFFF80  }
0x17: {  	[tilespmem:s21], [sflag:$0x3] =	stream.linear.gather @!p3 [hbm4b:s20+s22], $0x80, $0x38;
	[tilespmem:$0x17980] =	vst v63  }
0x18: {  	p2 =	por p3, p3;
	_ =	swait.ge @!p3 [sflag:s25], $0x80  }
0x19: {  	s23 =	simm.s32 @!p2 $0x1;
	[sflag:s25] =	ssyncset.done @!p2 $0x0  }
0x1a: {  	s20 =	simm.s32 @!p2 $0x80;
	s22 =	simm.s32 @!p2 $0x13980;
	[sflag:s25] =	ssyncadd.s32 @!p2 $0xFFFFFF80  }
0x1b: {  	[tilespmem:s22], [sflag:$0x1] =	stream.indirect.gather @!p2 [hbm4b:s5+s20], $0x80, s24, s20, $0xb8;
	[tilespmem:$0x17980] =	vst v63  }
0x1c: {  	_ =	swait.ge @!p2 [sflag:s23], $0x4000  }
0x1d: {  	[sflag:s23] =	ssyncset.done @!p2 $0x0  }
0x1e: {  	[sflag:s23] =	ssyncadd.s32 @!p2 $0xFFFFC000;
	s23 =	simm.s32 @!p2 $0x2  }
0x1f: {  	[spmem:s1] =	stream.indirect.scatter.add.f32 @!p2 [tilespmem:s22], [sflag:$0x2], $0x80, s21, s20, $0xb8;
	[tilespmem:$0x17980] =	vst v63  }
0x20: {  	_ =	swait.ge @!p2 [sflag:s23], $0x4000  }
0x21: {  	[sflag:s23] =	ssyncset.done @!p2 $0x0  }
0x22: {  	[sflag:s23] =	ssyncadd.s32 @!p2 $0xFFFFC000  }
0x23: {  	s20 =	simm.s32 @p1 $0x1FC2;
	[bflag:$0x0] =	sbarrier.arrive $0xFFFF  }
0x24: {  	[hbm:s13], [sflag:s20] =	dma.local @p1 [spmem:s17], $0x1900  }
0x25: {  	s20 =	simm.s32 @p1 $0x2  }
0x26: {  	_ =	swait.ge @p1 [sflag:s20], $0x1900  }
0x27: {  	[sflag:s20] =	ssyncset.done @p1 $0x0  }
0x28: {  	[sflag:s20] =	ssyncadd.s32 @p1 $0xFFFFE700;
	s20 =	simm.s32 @!p1 $0x2  }
0x29: {  	[hbm:s12], [sflag:s18] =	dma.local @!p1 [spmem:s19], $0x2800  }
0x2a: {  	_ =	swait.ge @!p1 [sflag:s20], $0x2800  }
0x2b: {  	[sflag:s20] =	ssyncset.done @!p1 $0x0  }
0x2c: {  	[sflag:s20] =	ssyncadd.s32 @!p1 $0xFFFFD800  }
.LBB2_8:
0x2d: {  	s3 =	sadd.s32 $0x1, s3  }
0x2e: {  	p2 =	sne.s32 s3, s14  }
.Ltmp1:
0x2f: {  	_ = 	snop;
	(pc) =	sbr.rel @!p2 .LBB2_9-.Ltmp1, $1  }
0x30: {  	_ =	sdelay $0x3  }
.LBB2_1:
.Ltmp2:
0x31: {  	(pc) =	sbr.rel @!p0 .LBB2_2-.Ltmp2, $1  }
0x32: {  	_ =	sdelay $0x3  }
0x33: {  	s20 =	simm.s32 @p1 $0x1FC2  }
0x34: {  	[spmem:s17], [sflag:s20] =	dma.local @p1 [hbm:s11], $0x1900  }
0x35: {  	s20 =	simm.s32 @p1 $0x2  }
0x36: {  	_ =	swait.ge @p1 [sflag:s20], $0x1900  }
0x37: {  	[sflag:s20] =	ssyncset.done @p1 $0x0  }
0x38: {  	[sflag:s20] =	ssyncadd.s32 @p1 $0xFFFFE700;
	s20 =	simm.s32 @!p1 $0x2  }
0x39: {  	[spmem:s19], [sflag:s18] =	dma.local @!p1 [hbm:s10], $0x2800  }
0x3a: {  	_ =	swait.ge @!p1 [sflag:s20], $0x2800  }
0x3b: {  	p2 =	sgt.u32 s2, $0x9C3;
	[sflag:s20] =	ssyncset.done @!p1 $0x0  }
0x3c: {  	s21 =	simm.s32 @!p2 $0x0;
	s22 =	simm.s32 @!p2 $0x13880;
	[sflag:s20] =	ssyncadd.s32 @!p1 $0xFFFFD800  }
0x3d: {  	s23 =	simm.s32 @!p2 $0x3;
	s20 =	sadd.s32 @!p2 $0x0, s16;
	[bflag:$0x0] =	sbarrier.arrive $0xFFFF  }
0x3e: {  	[tilespmem:s22], [sflag:$0x3] =	stream.linear.gather @!p2 [hbm4b:s20+s21], $0x80, $0x38;
	[tilespmem:$0x17980] =	vst v63  }
0x3f: {  	_ =	swait.ge @!p2 [sflag:s23], $0x80  }
0x40: {  	[sflag:s23] =	ssyncset.done @!p2 $0x0  }
0x41: {  	s24 =	simm.s32 @!p2 $0x13900;
	s20 =	sadd.s32 @!p2 $0x0, s15;
	[sflag:s23] =	ssyncadd.s32 @!p2 $0xFFFFFF80  }
0x42: {  	[tilespmem:s24], [sflag:$0x3] =	stream.linear.gather @!p2 [hbm4b:s20+s21], $0x80, $0x38;
	[tilespmem:$0x17980] =	vst v63  }
0x43: {  	_ =	swait.ge @!p2 [sflag:s23], $0x80;
	p2 =	por p2, p2  }
0x44: {  	[sflag:s23] =	ssyncset.done @!p2 $0x0;
	s20 =	simm.s32 @!p2 $0x80  }
0x45: {  	s21 =	simm.s32 @!p2 $0x13980;
	[sflag:s23] =	ssyncadd.s32 @!p2 $0xFFFFFF80;
	s23 =	simm.s32 @!p2 $0x1  }
0x46: {  	[tilespmem:s21], [sflag:$0x1] =	stream.indirect.gather @!p2 [hbm4b:s5+s20], $0x80, s22, s20, $0xb8;
	[tilespmem:$0x17980] =	vst v63  }
0x47: {  	_ =	swait.ge @!p2 [sflag:s23], $0x4000  }
0x48: {  	[sflag:s23] =	ssyncset.done @!p2 $0x0  }
0x49: {  	[sflag:s23] =	ssyncadd.s32 @!p2 $0xFFFFC000  }
0x4a: {  	[spmem:s1] =	stream.indirect.scatter.add.f32 @!p2 [tilespmem:s21], [sflag:$0x2], $0x80, s24, s20, $0xb8;
	[tilespmem:$0x17980] =	vst v63  }
0x4b: {  	s22 =	simm.s32 $0x200;
	s23 =	simm.s32 @!p2 $0x2;
	s21 =	sadd.s32 $0x10, s2  }
0x4c: {  	s20 =	simm.s32 $0x100;
	p3 =	sgt.u32 s21, $0x9C3;
	_ =	swait.ge @!p2 [sflag:s23], $0x4000  }
.LBB2_6:
0x4d: {  	s24 =	sadd.s32 @!p3 s20, s16;
	s25 =	simm.s32 @!p3 $0x0;
	[sflag:s23] =	ssyncset.done @!p2 $0x0  }
0x4e: {  	s26 =	simm.s32 @!p3 $0x13880;
	s28 =	simm.s32 @!p3 $0x3;
	[sflag:s23] =	ssyncadd.s32 @!p2 $0xFFFFC000  }
0x4f: {  	[tilespmem:s26], [sflag:$0x3] =	stream.linear.gather @!p3 [hbm4b:s24+s25], $0x80, $0x38;
	[tilespmem:$0x17980] =	vst v63  }
0x50: {  	s23 =	smov.u32 s22;
	s22 =	sadd.s32 $0x100, s22;
	_ =	swait.ge @!p3 [sflag:s28], $0x80  }
0x51: {  	s29 =	simm.s32 @!p3 $0x13900;
	s24 =	sadd.s32 @!p3 s20, s15;
	[sflag:s28] =	ssyncset.done @!p3 $0x0  }
0x52: {  	p4 =	sne.s32 s22, $0x9D00;
	s20 =	smov.u32 s23;
	[sflag:s28] =	ssyncadd.s32 @!p3 $0xFFFFFF80  }
0x53: {  	[tilespmem:s29], [sflag:$0x3] =	stream.linear.gather @!p3 [hbm4b:s24+s25], $0x80, $0x38;
	[tilespmem:$0x17980] =	vst v63  }
0x54: {  	p2 =	por p3, p3;
	_ =	swait.ge @!p3 [sflag:s28], $0x80  }
0x55: {  	s24 =	simm.s32 @!p2 $0x80;
	s25 =	simm.s32 @!p2 $0x13980;
	[sflag:s28] =	ssyncset.done @!p2 $0x0  }
0x56: {  	s23 =	simm.s32 @!p2 $0x1;
	[sflag:s28] =	ssyncadd.s32 @!p2 $0xFFFFFF80  }
0x57: {  	[tilespmem:s25], [sflag:$0x1] =	stream.indirect.gather @!p2 [hbm4b:s5+s24], $0x80, s26, s24, $0xb8;
	[tilespmem:$0x17980] =	vst v63  }
.Ltmp3:
0x58: {  	_ =	swait.ge @!p2 [sflag:s23], $0x4000;
	(pc) =	sbr.rel @p4 .LBB2_6-.Ltmp3, $4  }
0x59: {  	[sflag:s23] =	ssyncset.done @!p2 $0x0  }
0x5a: {  	s21 =	sadd.s32 $0x10, s21;
	[sflag:s23] =	ssyncadd.s32 @!p2 $0xFFFFC000;
	s23 =	simm.s32 @!p2 $0x2  }
0x5b: {  	[spmem:s1] =	stream.indirect.scatter.add.f32 @!p2 [tilespmem:s25], [sflag:$0x2], $0x80, s29, s24, $0xb8;
	[tilespmem:$0x17980] =	vst v63  }
0x5c: {  	p3 =	sgt.u32 s21, $0x9C3;
	_ =	swait.ge @!p2 [sflag:s23], $0x4000  }
.Ltmp4:
0x5d: {  	_ = 	snop;
	(pc) =	sbr.rel .LBB2_7-.Ltmp4, $1  }
0x5e: {  	_ =	sdelay $0x3  }
.LBB2_2:
0x5f: {  	s20 =	simm.s32 @p1 $0x1FC2  }
0x60: {  	[spmem:s17], [sflag:s20] =	dma.local @p1 [hbm:s7], $0x1900  }
0x61: {  	s20 =	simm.s32 @p1 $0x2  }
0x62: {  	_ =	swait.ge @p1 [sflag:s20], $0x1900  }
0x63: {  	[sflag:s20] =	ssyncset.done @p1 $0x0  }
0x64: {  	[sflag:s20] =	ssyncadd.s32 @p1 $0xFFFFE700;
	s20 =	simm.s32 @!p1 $0x2  }
0x65: {  	[spmem:s19], [sflag:s18] =	dma.local @!p1 [hbm:s6], $0x2800  }
0x66: {  	_ =	swait.ge @!p1 [sflag:s20], $0x2800  }
0x67: {  	p2 =	sgt.u32 s2, $0x9C3;
	[sflag:s20] =	ssyncset.done @!p1 $0x0  }
0x68: {  	s21 =	simm.s32 @!p2 $0x0;
	s22 =	simm.s32 @!p2 $0x13880;
	[sflag:s20] =	ssyncadd.s32 @!p1 $0xFFFFD800  }
0x69: {  	s23 =	simm.s32 @!p2 $0x3;
	s20 =	sadd.s32 @!p2 $0x0, s16;
	[bflag:$0x0] =	sbarrier.arrive $0xFFFF  }
0x6a: {  	[tilespmem:s22], [sflag:$0x3] =	stream.linear.gather @!p2 [hbm4b:s20+s21], $0x80, $0x38;
	[tilespmem:$0x17980] =	vst v63  }
0x6b: {  	_ =	swait.ge @!p2 [sflag:s23], $0x80  }
0x6c: {  	[sflag:s23] =	ssyncset.done @!p2 $0x0  }
0x6d: {  	s24 =	simm.s32 @!p2 $0x13900;
	s20 =	sadd.s32 @!p2 $0x0, s15;
	[sflag:s23] =	ssyncadd.s32 @!p2 $0xFFFFFF80  }
0x6e: {  	[tilespmem:s24], [sflag:$0x3] =	stream.linear.gather @!p2 [hbm4b:s20+s21], $0x80, $0x38;
	[tilespmem:$0x17980] =	vst v63  }
0x6f: {  	_ =	swait.ge @!p2 [sflag:s23], $0x80;
	p2 =	por p2, p2  }
0x70: {  	[sflag:s23] =	ssyncset.done @!p2 $0x0;
	s20 =	simm.s32 @!p2 $0x80  }
0x71: {  	s21 =	simm.s32 @!p2 $0x13980;
	[sflag:s23] =	ssyncadd.s32 @!p2 $0xFFFFFF80;
	s23 =	simm.s32 @!p2 $0x1  }
0x72: {  	[tilespmem:s21], [sflag:$0x1] =	stream.indirect.gather @!p2 [hbm4b:s4+s20], $0x80, s22, s20, $0xb8;
	[tilespmem:$0x17980] =	vst v63  }
0x73: {  	_ =	swait.ge @!p2 [sflag:s23], $0x4000  }
0x74: {  	[sflag:s23] =	ssyncset.done @!p2 $0x0  }
0x75: {  	[sflag:s23] =	ssyncadd.s32 @!p2 $0xFFFFC000  }
0x76: {  	[spmem:s1] =	stream.indirect.scatter.add.f32 @!p2 [tilespmem:s21], [sflag:$0x2], $0x80, s24, s20, $0xb8;
	[tilespmem:$0x17980] =	vst v63  }
0x77: {  	s22 =	simm.s32 $0x200;
	s23 =	simm.s32 @!p2 $0x2;
	s21 =	sadd.s32 $0x10, s2  }
0x78: {  	s20 =	simm.s32 $0x100;
	p3 =	sgt.u32 s21, $0x9C3;
	_ =	swait.ge @!p2 [sflag:s23], $0x4000  }
.LBB2_3:
0x79: {  	s24 =	sadd.s32 @!p3 s20, s16;
	s25 =	simm.s32 @!p3 $0x0;
	[sflag:s23] =	ssyncset.done @!p2 $0x0  }
0x7a: {  	s26 =	simm.s32 @!p3 $0x13880;
	s28 =	simm.s32 @!p3 $0x3;
	[sflag:s23] =	ssyncadd.s32 @!p2 $0xFFFFC000  }
0x7b: {  	[tilespmem:s26], [sflag:$0x3] =	stream.linear.gather @!p3 [hbm4b:s24+s25], $0x80, $0x38;
	[tilespmem:$0x17980] =	vst v63  }
0x7c: {  	s23 =	smov.u32 s22;
	s22 =	sadd.s32 $0x100, s22;
	_ =	swait.ge @!p3 [sflag:s28], $0x80  }
0x7d: {  	s29 =	simm.s32 @!p3 $0x13900;
	s24 =	sadd.s32 @!p3 s20, s15;
	[sflag:s28] =	ssyncset.done @!p3 $0x0  }
0x7e: {  	p4 =	sne.s32 s22, $0x9D00;
	s20 =	smov.u32 s23;
	[sflag:s28] =	ssyncadd.s32 @!p3 $0xFFFFFF80  }
0x7f: {  	[tilespmem:s29], [sflag:$0x3] =	stream.linear.gather @!p3 [hbm4b:s24+s25], $0x80, $0x38;
	[tilespmem:$0x17980] =	vst v63  }
0x80: {  	p2 =	por p3, p3;
	_ =	swait.ge @!p3 [sflag:s28], $0x80  }
0x81: {  	s24 =	simm.s32 @!p2 $0x80;
	s25 =	simm.s32 @!p2 $0x13980;
	[sflag:s28] =	ssyncset.done @!p2 $0x0  }
0x82: {  	s23 =	simm.s32 @!p2 $0x1;
	[sflag:s28] =	ssyncadd.s32 @!p2 $0xFFFFFF80  }
0x83: {  	[tilespmem:s25], [sflag:$0x1] =	stream.indirect.gather @!p2 [hbm4b:s4+s24], $0x80, s26, s24, $0xb8;
	[tilespmem:$0x17980] =	vst v63  }
.Ltmp5:
0x84: {  	_ =	swait.ge @!p2 [sflag:s23], $0x4000;
	(pc) =	sbr.rel @p4 .LBB2_3-.Ltmp5, $4  }
0x85: {  	[sflag:s23] =	ssyncset.done @!p2 $0x0  }
0x86: {  	s21 =	sadd.s32 $0x10, s21;
	[sflag:s23] =	ssyncadd.s32 @!p2 $0xFFFFC000;
	s23 =	simm.s32 @!p2 $0x2  }
0x87: {  	[spmem:s1] =	stream.indirect.scatter.add.f32 @!p2 [tilespmem:s25], [sflag:$0x2], $0x80, s29, s24, $0xb8;
	[tilespmem:$0x17980] =	vst v63  }
0x88: {  	p3 =	sgt.u32 s21, $0x9C3;
	_ =	swait.ge @!p2 [sflag:s23], $0x4000  }
0x89: {  	s21 =	sadd.s32 @!p3 s20, s16;
	s22 =	simm.s32 @!p3 $0x0;
	[sflag:s23] =	ssyncset.done @!p2 $0x0  }
0x8a: {  	s24 =	simm.s32 @!p3 $0x13880;
	s25 =	simm.s32 @!p3 $0x3;
	[sflag:s23] =	ssyncadd.s32 @!p2 $0xFFFFC000  }
0x8b: {  	[tilespmem:s24], [sflag:$0x3] =	stream.linear.gather @!p3 [hbm4b:s21+s22], $0x80, $0x38;
	[tilespmem:$0x17980] =	vst v63  }
0x8c: {  	_ =	swait.ge @!p3 [sflag:s25], $0x80  }
0x8d: {  	[sflag:s25] =	ssyncset.done @!p3 $0x0  }
0x8e: {  	s20 =	sadd.s32 @!p3 s20, s15;
	s21 =	simm.s32 @!p3 $0x13900;
	[sflag:s25] =	ssyncadd.s32 @!p3 $0xFFFFFF80  }
0x8f: {  	[tilespmem:s21], [sflag:$0x3] =	stream.linear.gather @!p3 [hbm4b:s20+s22], $0x80, $0x38;
	[tilespmem:$0x17980] =	vst v63  }
0x90: {  	p2 =	por p3, p3;
	_ =	swait.ge @!p3 [sflag:s25], $0x80  }
0x91: {  	s23 =	simm.s32 @!p2 $0x1;
	[sflag:s25] =	ssyncset.done @!p2 $0x0  }
0x92: {  	s20 =	simm.s32 @!p2 $0x80;
	s22 =	simm.s32 @!p2 $0x13980;
	[sflag:s25] =	ssyncadd.s32 @!p2 $0xFFFFFF80  }
0x93: {  	[tilespmem:s22], [sflag:$0x1] =	stream.indirect.gather @!p2 [hbm4b:s4+s20], $0x80, s24, s20, $0xb8;
	[tilespmem:$0x17980] =	vst v63  }
0x94: {  	_ =	swait.ge @!p2 [sflag:s23], $0x4000  }
0x95: {  	[sflag:s23] =	ssyncset.done @!p2 $0x0  }
0x96: {  	[sflag:s23] =	ssyncadd.s32 @!p2 $0xFFFFC000;
	s23 =	simm.s32 @!p2 $0x2  }
0x97: {  	[spmem:s1] =	stream.indirect.scatter.add.f32 @!p2 [tilespmem:s22], [sflag:$0x2], $0x80, s21, s20, $0xb8;
	[tilespmem:$0x17980] =	vst v63  }
0x98: {  	_ =	swait.ge @!p2 [sflag:s23], $0x4000  }
0x99: {  	[sflag:s23] =	ssyncset.done @!p2 $0x0  }
0x9a: {  	[sflag:s23] =	ssyncadd.s32 @!p2 $0xFFFFC000  }
0x9b: {  	s20 =	simm.s32 @p1 $0x1FC2;
	[bflag:$0x0] =	sbarrier.arrive $0xFFFF  }
0x9c: {  	[hbm:s9], [sflag:s20] =	dma.local @p1 [spmem:s17], $0x1900  }
0x9d: {  	s20 =	simm.s32 @p1 $0x2  }
0x9e: {  	_ =	swait.ge @p1 [sflag:s20], $0x1900  }
0x9f: {  	[sflag:s20] =	ssyncset.done @p1 $0x0  }
.Ltmp6:
0xa0: {  	[sflag:s20] =	ssyncadd.s32 @p1 $0xFFFFE700;
	s20 =	simm.s32 @!p1 $0x2;
	(pc) =	sbr.rel .LBB2_8-.Ltmp6, $4  }
0xa1: {  	[hbm:s8], [sflag:s18] =	dma.local @!p1 [spmem:s19], $0x2800  }
0xa2: {  	_ =	swait.ge @!p1 [sflag:s20], $0x2800  }
0xa3: {  	[sflag:s20] =	ssyncset.done @!p1 $0x0  }
0xa4: {  	[sflag:s20] =	ssyncadd.s32 @!p1 $0xFFFFD800  }
.LBB2_9:
0xa5: {  	_ =	sfence.sel $0x180000  }
0xa6: {  	[bflag:$0x0] =	sbarrier.arrive $0xFFFF  }
0xa7: {  	p0 =	sne.s32 s2, $0x0;
	_ =	strace $0x9000004A  }
0xa8: {  	s0 =	sadd.s32 @!p0 $0x100000, s0;
	[bflag:$0x2] =	sbarrier.arrive $0xFFFF  }
0xa9: {  	[sflag:s0] =	ssyncadd.tile.s32 @!p0 $0x1;
	_ =	shalt  }
.Lfunc_end2:
_tile_overlayer_lowered:
.L_overlay_start_2:
0xaa: {  	(tag) =	ssettag $0x2  }
0xab: {  	s0 =	rddreg [dreg:$0x0];
	s2 =	stileid.u32  }
0xac: {  	s1 =	rddreg [dreg:$0x1];
	p0 =	sne.s32 s2, $0x0  }
0xad: {  	s3 =	rddreg [dreg:$0x2];
	[bflag:$0x3] =	sbarrier.arrive $0xFFFF;
	s2 =	simm.s32 @!p0 $0x1C02  }
0xae: {  	[timem:s3], [sflag:s2] =	dma.local @!p0 [hbm:s0], s1  }
0xaf: {  	s0 =	simm.s32 @!p0 $0x2  }
0xb0: {  	_ =	swait.ge @!p0 [sflag:s0], s1  }
0xb1: {  	s1 =	ssub.s32 @!p0 $0x0, s1;
	[sflag:s0] =	ssyncset.done @!p0 $0x0  }
0xb2: {  	[sflag:s0] =	ssyncadd.s32 @!p0 s1  }
0xb3: {  	[bflag:$0x3] =	sbarrier.arrive $0xFFFF  }
0xb4: {  	_ =	shalt  }

// kernel: kernel.17.cloned.1.call-start
scs
__scs_entry_jumppad:
0x0: {  	(pc) =	sbr.rel $0x88, $3  }
0x1: {  	(tag) =	ssettag $0x0;
	lr =	simm.s32 $0x1  }
0x2: {  	[smem:$0x3F95] =	sst lr;
	_ =	strace $0xD0000000  }
0x3: {  	_ = 	snop  }
0x4: {  	_ = 	snop  }
0x5: {  	_ = 	snop  }
0x6: {  	_ = 	snop  }
0x7: {  	_ = 	snop  }
__scs_overlays_trampoline_lowered:
0x8: {  	[smem:$0x3FA4] =	sst s0  }
0x9: {  	[smem:$0x3FA5] =	sst s1  }
0xa: {  	[smem:$0x3FA6] =	sst s2  }
0xb: {  	[smem:$0x3FA7] =	sst s3  }
0xc: {  	[smem:$0x3FA8] =	sst s4  }
0xd: {  	[smem:$0x3FA9] =	sst s5  }
0xe: {  	[smem:$0x3FAA] =	sst s6  }
0xf: {  	[smem:$0x3FAB] =	sst s7  }
0x10: {  	[smem:$0x3FAC] =	sst s8  }
0x11: {  	[smem:$0x3FAD] =	sst s9;
	s0 =	simm.s32 @!p0 $0x0  }
0x12: {  	s1 =	sld [smem:$0x3F93];
	s0 =	simm.s32 @p0 $0x1  }
0x13: {  	[smem:$0x3FAE] =	sst s0;
	s0 =	simm.s32 @!p1 $0x0  }
0x14: {  	s2 =	sld [smem:$0x3F92];
	s0 =	simm.s32 @p1 $0x1  }
0x15: {  	[smem:$0x3FAF] =	sst s0;
	s0 =	simm.s32 @!p2 $0x0  }
0x16: {  	s3 =	sld [smem:$0x3FDB];
	s0 =	simm.s32 @p2 $0x1  }
0x17: {  	s4 =	simm.s32 $0x1BF5;
	[smem:$0x3FB1] =	sst s0  }
0x18: {  	s0 =	sld [smem:$0x3F94];
	_ =	swait.ge [sflag:s4], $0x0  }
0x19: {  	s7 =	sld [smem:$0x3F95]  }
0x1a: {  	s8 =	sadd.s32 $0xFFFFE003, lr  }
0x1b: {  	s9 =	sadd.s32 $0xFFFFFEF7, lr;
	s5 =	simm.s32 $0xFFFFFFFF;
	p2 =	slt.u32 s8, $0xFFFFF086  }
0x1c: {  	p1 =	slt.u32 s9, $0xF7A;
	s5 =	simm.s32 @!p2 $0x0  }
0x1d: {  	s5 =	simm.s32 @p1 $0x1;
	p0 =	seq.s32 s7, s2  }
0x1e: {  	s7 =	smul.u32 @!p0 $0xF7A, s2;
	p2 =	seq.s32 @!p0 s5, $0x0  }
0x1f: {  	s9 =	smul.u32 $0xF7A, s1;
	s8 =	simm.s32 @!p0 $0x1BF5;
	p2 =	por !p2, p0  }
0x20: {  	[sflag:s8] =	ssyncset.s32 @!p0 $0xFFFFF086;
	s6 =	sadd.s32 @!p0 s3, s7;
	s7 =	simm.s32 @!p0 $0x108  }
0x21: {  	s3 =	sadd.s32 s3, s9;
	s6 =	sadd.s32 @!p0 $0x88, s6;
	s7 =	simm.s32 @p2 $0x1082  }
0x22: {  	[simem:s7], [sflag:s8] =	dma.local @!p0 [hbm:s6], $0xF7A  }
0x23: {  	s9 =	sor.u32 $0xD0000000, s2;
	s6 =	simm.s32 $0x108;
	_ =	swait.ge @!p0 [sflag:s8], $0x0  }
0x24: {  	s3 =	sadd.s32 $0x88, s3;
	s6 =	simm.s32 @!p1 $0x1082;
	[sflag:s4] =	ssyncset.s32 $0xFFFFF086  }
0x25: {  	[simem:s6], [sflag:s4] =	dma.local [hbm:s3], $0xF7A  }
0x26: {  	[smem:$0x3F95] =	sst s1;
	(tag) =	ssettag s2;
	_ =	strace s9  }
0x27: {  	s1 =	sld [smem:$0x3FA5]  }
0x28: {  	s2 =	sld [smem:$0x3FA6]  }
0x29: {  	s4 =	sld [smem:$0x3FA8]  }
0x2a: {  	p0 =	seq.s32 s5, $0x0;
	s5 =	sld [smem:$0x3FA9]  }
0x2b: {  	s6 =	sld [smem:$0x3FAA]  }
0x2c: {  	s7 =	sld [smem:$0x3FAB]  }
0x2d: {  	s3 =	simm.s32 $0x108;
	s8 =	sld [smem:$0x3FAC]  }
0x2e: {  	s3 =	simm.s32 @!p0 $0x1082;
	s9 =	sld [smem:$0x3FAD]  }
0x2f: {  	lr =	sadd.s32 s0, s3;
	s0 =	sld [smem:$0x3FA4]  }
0x30: {  	s3 =	sld [smem:$0x3FA7]  }
0x31: {  	[smem:$0x3FB0] =	sst s10  }
0x32: {  	s10 =	sld [smem:$0x3FAE];
	_ =	sdelay $0x3  }
0x33: {  	p0 =	seq.s32 s10, $0x1;
	s10 =	sld [smem:$0x3FB0];
	_ =	sdelay $0x3  }
0x34: {  	[smem:$0x3FB0] =	sst s10  }
0x35: {  	s10 =	sld [smem:$0x3FAF];
	_ =	sdelay $0x3  }
0x36: {  	p1 =	seq.s32 s10, $0x1;
	s10 =	sld [smem:$0x3FB0];
	_ =	sdelay $0x3  }
0x37: {  	[smem:$0x3FB0] =	sst s10  }
0x38: {  	s10 =	sld [smem:$0x3FB1]  }
0x39: {  	_ = 	snop;
	(pc) =	sbr.ind lr, $3  }
0x3a: {  	_ = 	snop  }
0x3b: {  	_ = 	snop  }
0x3c: {  	p2 =	seq.s32 s10, $0x1;
	s10 =	sld [smem:$0x3FB0]  }
0x3d: {  	_ =	shalt  }
0x3e: {  	_ =	shalt  }
0x3f: {  	_ =	shalt  }
0x40: {  	_ =	shalt  }
0x41: {  	_ =	shalt  }
0x42: {  	_ =	shalt  }
0x43: {  	_ =	shalt  }
0x44: {  	_ =	shalt  }
0x45: {  	_ =	shalt  }
0x46: {  	_ =	shalt  }
0x47: {  	_ =	shalt  }
0x48: {  	_ =	shalt  }
0x49: {  	_ =	shalt  }
0x4a: {  	_ =	shalt  }
0x4b: {  	_ =	shalt  }
0x4c: {  	_ =	shalt  }
0x4d: {  	_ =	shalt  }
0x4e: {  	_ =	shalt  }
0x4f: {  	_ =	shalt  }
0x50: {  	_ =	shalt  }
0x51: {  	_ =	shalt  }
0x52: {  	_ =	shalt  }
0x53: {  	_ =	shalt  }
0x54: {  	_ =	shalt  }
0x55: {  	_ =	shalt  }
0x56: {  	_ =	shalt  }
0x57: {  	_ =	shalt  }
0x58: {  	_ =	shalt  }
0x59: {  	_ =	shalt  }
0x5a: {  	_ =	shalt  }
0x5b: {  	_ =	shalt  }
0x5c: {  	_ =	shalt  }
0x5d: {  	_ =	shalt  }
0x5e: {  	_ =	shalt  }
0x5f: {  	_ =	shalt  }
0x60: {  	_ =	shalt  }
0x61: {  	_ =	shalt  }
0x62: {  	_ =	shalt  }
0x63: {  	_ =	shalt  }
0x64: {  	_ =	shalt  }
0x65: {  	_ =	shalt  }
0x66: {  	_ =	shalt  }
0x67: {  	_ =	shalt  }
0x68: {  	_ =	shalt  }
0x69: {  	_ =	shalt  }
0x6a: {  	_ =	shalt  }
0x6b: {  	_ =	shalt  }
0x6c: {  	_ =	shalt  }
0x6d: {  	_ =	shalt  }
0x6e: {  	_ =	shalt  }
0x6f: {  	_ =	shalt  }
0x70: {  	_ =	shalt  }
0x71: {  	_ =	shalt  }
0x72: {  	_ =	shalt  }
0x73: {  	_ =	shalt  }
0x74: {  	_ =	shalt  }
0x75: {  	_ =	shalt  }
0x76: {  	_ =	shalt  }
0x77: {  	_ =	shalt  }
0x78: {  	_ =	shalt  }
0x79: {  	_ =	shalt  }
0x7a: {  	_ =	shalt  }
0x7b: {  	_ =	shalt  }
0x7c: {  	_ =	shalt  }
0x7d: {  	_ =	shalt  }
0x7e: {  	_ =	shalt  }
0x7f: {  	_ =	shalt  }
0x80: {  	_ =	shalt  }
0x81: {  	_ =	shalt  }
0x82: {  	_ =	shalt  }
0x83: {  	_ =	shalt  }
0x84: {  	_ =	shalt  }
0x85: {  	_ =	shalt  }
0x86: {  	_ =	shalt  }
0x87: {  	_ =	shalt  }
.Lfunc_end0:
.L_simem_size_0:
called_computation.2_lowered:
.L_overlay_start_0:
0x88: {  	s2 =	sld [smem:$0x3FD9]  }
0x89: {  	s3 =	sld [smem:$0x3FFE];
	_ =	sdelay $0x1  }
0x8a: {  	s1 =	srdreg.scid  }
0x8b: {  	s0 =	sand.u32 $0x1, s1  }
0x8c: {  	s16 =	sshll.u32 s0, $0xA;
	s2 =	sadd.s32 s3, s2  }
0x8d: {  	s2 =	sadd.s32 s2, s16  }
0x8e: {  	[smem:$0x3FBC] =	sst s2  }
0x8f: {  	_ = 	snop  }
0x90: {  	(tm) =	ssettm $0x1  }
0x91: {  	s17 =	sld [smem:$0x3FFB];
	_ =	sdelay $0x3  }
0x92: {  	_ =	strace s17  }
0x93: {  	s2 =	sld [smem:$0x3FFC];
	_ =	sdelay $0x3  }
0x94: {  	_ =	strace s2  }
0x95: {  	s2 =	sld [smem:$0x3FFD];
	_ =	sdelay $0x3  }
0x96: {  	_ =	strace s2  }
0x97: {  	_ =	strace $0x8FFFFFFF  }
0x98: {  	s18 =	sld [smem:$0x3FDB];
	_ =	sdelay $0x1  }
0x99: {  	s19 =	simm.s32 $_scs_section_size  }
0x9a: {  	s4 =	simm.s32 $_size__tile_overlayer_lowered;
	s5 =	simm.s32 $_tile_overlayer_lowered  }
0x9b: {  	s22 =	simm.s32 $0x1BFF;
	s21 =	sshll.u32 s5, $0x1;
	s2 =	sadd.s32 s19, s18  }
0x9c: {  	s6 =	simm.s32 $0x0;
	s20 =	sshll.u32 s4, $0x1;
	s4 =	sadd.s32 s21, s2  }
0x9d: {  	[timem:s6], [sflag:s22] =	dma.local [hbm:s4], s20  }
0x9e: {  	_ =	swait.ge [sflag:s22], s20  }
0x9f: {  	s3 =	ssub.s32 $0x0, s20;
	[sflag:s22] =	ssyncset.done $0x0  }
0xa0: {  	[sflag:s22] =	ssyncadd.s32 s3;
	_ =	sdelay $0x1  }
0xa1: {  	s23 =	simm.s32 $0x1B8B  }
0xa2: {  	_ =	swait.ge [sflag:s23], $0x1  }
0xa3: {  	[sflag:s23] =	ssyncset.done $0x0  }
0xa4: {  	s25 =	simm.s32 $0x1B8E;
	s24 =	sld [smem:$0x3FFE];
	[sflag:s23] =	ssyncadd.s32 $0xFFFFFFFF  }
0xa5: {  	s26 =	simm.s32 $execute0_lowered;
	[smem:$0x3FD2] =	sst s25  }
0xa6: {  	s4 =	sshll.u32 s26, $0x1;
	_ =	strace $0x8000004C;
	[dreg:$0x1] =	wrdreg $0xFFFFFFFF  }
0xa7: {  	s28 =	simm.s32 $_size_execute0_lowered;
	s2 =	sadd.s32 s2, s4;
	[dreg:$0x0] =	wrdreg $0x0  }
0xa8: {  	s4 =	sshll.u32 s28, $0x1;
	[dreg:$0x2] =	wrdreg s2  }
0xa9: {  	[dreg:$0x3] =	wrdreg s4  }
0xaa: {  	[dreg:$0x4] =	wrdreg $0xC0  }
0xab: {  	_ =	task [dreg:s6], $0x5FFFF  }
0xac: {  	[dreg:$0x1] =	wrdreg $0xFFFFFFFF  }
0xad: {  	[dreg:$0x0] =	wrdreg $0x60  }
0xae: {  	[dreg:$0x2] =	wrdreg s24  }
0xaf: {  	[dreg:$0x3] =	wrdreg $0x0  }
0xb0: {  	[dreg:$0x4] =	wrdreg $0x9  }
0xb1: {  	_ =	task.clear_ibuf [dreg:s6], $0x5FFFF;
	_ =	strace $0x9000004C  }
0xb2: {  	s29 =	simm.s32 $0x9;
	_ =	strace $0x8000004E  }
0xb3: {  	_ =	swait.ge [sflag:s29], $0x1  }
0xb4: {  	[sflag:s29] =	ssyncadd.s32 $0xFFFFFFFF  }
0xb5: {  	_ =	strace $0x9000004E  }
0xb6: {  	_ =	sfence  }
0xb7: {  	s30 =	sld [smem:$0x0];
	_ =	sdelay $0x2  }
0xb8: {  	s31 =	sshll.u32 s1, $0xD;
	s1 =	sshrl.u32 s1, $0x2  }
0xb9: {  	s3 =	sand.u32 $0x4000, s31;
	s1 =	sadd.s32 s1, s30  }
0xba: {  	s0 =	sor.u32 s3, s0;
	s1 =	sshll.u32 s1, $0x11  }
0xbb: {  	s0 =	sor.u32 s1, s0  }
0xbc: {  	s0 =	sadd.s32 $0x8F2B, s0  }
0xbd: {  	[sflag:s0] =	ssyncadd.remote.s32 $0x1  }
0xbe: {  	_ =	sfence.sel $0xFFFF  }
0xbf: {  	[dreg:$0x0] =	wrdreg $0xFFFFFFFF;
	(pc) =	sbr.abs _section_cstart, $3  }
0xc0: {  	[dreg:$0x1] =	wrdreg $0xFFFFFFFF  }
0xc1: {  	_ =	task.clear_ibuf [dreg:s6], $0x2FFFF;
	_ =	strace $0x9FFFFFFF  }
0xc2: {  	(tm) =	ssettm $0x7FFFFFFF  }
0xc3: {  	_ =	shalt  }
tec
execute0_lowered:
.L_overlay_start_1:
0x0: {  	(tag) =	ssettag $0x1  }
0x1: {  	s13 =	rddreg [dreg:$0x0]  }
0x2: {  	s1 =	rddreg [dreg:$0x1]  }
0x3: {  	s0 =	rddreg [dreg:$0x2];
	s3 =	simm.s32 $0x0;
	s2 =	stileid.u32  }
0x4: {  	s6 =	srdreg.scid;
	[smem:$0x7FF] =	sst s3  }
0x5: {  	s4 =	sadd.s32 $0x101E00, s13;
	s5 =	sadd.s32 $0x65A00, s13;
	s8 =	smul.u32 $0x50000, s2  }
0x6: {  	s7 =	sshll.u32 s2, $0x4;
	s6 =	sand.u32 $0x1, s6;
	s11 =	smul.u32 $0x2800, s2  }
0x7: {  	s10 =	sadd.s32 $0x8CC00, s13;
	s31 =	smul.u32 $0x14000, s2;
	s17 =	sadd.s32 $0x12C000, s1  }
0x8: {  	p1 =	seq.s32 s2, $0xF;
	_ =	strace $0x8000004D;
	s16 =	sadd.s32 s7, s13  }
0x9: {  	s29 =	ssub.s32 $0x2, s6;
	p0 =	seq.s32 s6, $0x1;
	s7 =	sadd.s32 $0x127600, s13  }
0xa: {  	s18 =	sshll.u32 @!p1 s2, $0x6;
	s17 =	sshrl.u32 @p1 s17, $0x3;
	s9 =	sshrl.u32 s29, $0x1  }
0xb: {  	s30 =	sshrl.u32 s8, $0x2;
	s6 =	sadd.s32 s4, s11;
	s12 =	sshrl.u32 s31, $0x3  }
.Ltmp0:
0xc: {  	s8 =	sadd.s32 s10, s11;
	s15 =	sadd.s32 $0xD400, s16;
	(pc) =	sbr.rel .LBB2_1-.Ltmp0, $4  }
0xd: {  	s16 =	sadd.s32 $0x3600, s16;
	s18 =	sor.u32 @!p1 $0x1C02, s18;
	s14 =	ssub.s32 s29, s9  }
0xe: {  	s19 =	sadd.s32 s30, s1;
	s9 =	sadd.s32 $0xB2400, s13;
	s12 =	sadd.s32 s10, s12  }
0xf: {  	s10 =	sadd.s32 s5, s11;
	s11 =	sadd.s32 $0x8B200, s13;
	s13 =	sadd.s32 $0xD9500, s13  }
0x10: {  	s12 =	sadd.s32 $0x27100, s12;
	s14 =	smax.u32 s14, $0x1;
	s19 =	sshrl.u32 @!p1 s19, $0x3  }
.LBB2_7:
0x11: {  	s21 =	sadd.s32 @!p3 s20, s16;
	s22 =	simm.s32 @!p3 $0x0;
	[sflag:s23] =	ssyncset.done @!p2 $0x0  }
0x12: {  	s24 =	simm.s32 @!p3 $0x13880;
	s25 =	simm.s32 @!p3 $0x3;
	[sflag:s23] =	ssyncadd.s32 @!p2 $0xFFFFC000  }
0x13: {  	[tilespmem:s24], [sflag:$0x3] =	stream.linear.gather @!p3 [hbm4b:s21+s22], $0x80, $0x38;
	[tilespmem:$0x17980] =	vst v63  }
0x14: {  	_ =	swait.ge @!p3 [sflag:s25], $0x80  }
0x15: {  	[sflag:s25] =	ssyncset.done @!p3 $0x0  }
0x16: {  	s20 =	sadd.s32 @!p3 s20, s15;
	s21 =	simm.s32 @!p3 $0x13900;
	[sflag:s25] =	ssyncadd.s32 @!p3 $0xFFFFFF80  }
0x17: {  	[tilespmem:s21], [sflag:$0x3] =	stream.linear.gather @!p3 [hbm4b:s20+s22], $0x80, $0x38;
	[tilespmem:$0x17980] =	vst v63  }
0x18: {  	p2 =	por p3, p3;
	_ =	swait.ge @!p3 [sflag:s25], $0x80  }
0x19: {  	s23 =	simm.s32 @!p2 $0x1;
	[sflag:s25] =	ssyncset.done @!p2 $0x0  }
0x1a: {  	s20 =	simm.s32 @!p2 $0x80;
	s22 =	simm.s32 @!p2 $0x13980;
	[sflag:s25] =	ssyncadd.s32 @!p2 $0xFFFFFF80  }
0x1b: {  	[tilespmem:s22], [sflag:$0x1] =	stream.indirect.gather @!p2 [hbm4b:s5+s20], $0x80, s24, s20, $0xb8;
	[tilespmem:$0x17980] =	vst v63  }
0x1c: {  	_ =	swait.ge @!p2 [sflag:s23], $0x4000  }
0x1d: {  	[sflag:s23] =	ssyncset.done @!p2 $0x0  }
0x1e: {  	[sflag:s23] =	ssyncadd.s32 @!p2 $0xFFFFC000;
	s23 =	simm.s32 @!p2 $0x2  }
0x1f: {  	[spmem:s1] =	stream.indirect.scatter.add.f32 @!p2 [tilespmem:s22], [sflag:$0x2], $0x80, s21, s20, $0xb8;
	[tilespmem:$0x17980] =	vst v63  }
0x20: {  	_ =	swait.ge @!p2 [sflag:s23], $0x4000  }
0x21: {  	[sflag:s23] =	ssyncset.done @!p2 $0x0  }
0x22: {  	[sflag:s23] =	ssyncadd.s32 @!p2 $0xFFFFC000  }
0x23: {  	s20 =	simm.s32 @p1 $0x1FC2;
	[bflag:$0x0] =	sbarrier.arrive $0xFFFF  }
0x24: {  	[hbm:s13], [sflag:s20] =	dma.local @p1 [spmem:s17], $0x1900  }
0x25: {  	s20 =	simm.s32 @p1 $0x2  }
0x26: {  	_ =	swait.ge @p1 [sflag:s20], $0x1900  }
0x27: {  	[sflag:s20] =	ssyncset.done @p1 $0x0  }
0x28: {  	[sflag:s20] =	ssyncadd.s32 @p1 $0xFFFFE700;
	s20 =	simm.s32 @!p1 $0x2  }
0x29: {  	[hbm:s12], [sflag:s18] =	dma.local @!p1 [spmem:s19], $0x2800  }
0x2a: {  	_ =	swait.ge @!p1 [sflag:s20], $0x2800  }
0x2b: {  	[sflag:s20] =	ssyncset.done @!p1 $0x0  }
0x2c: {  	[sflag:s20] =	ssyncadd.s32 @!p1 $0xFFFFD800  }
.LBB2_8:
0x2d: {  	s3 =	sadd.s32 $0x1, s3  }
0x2e: {  	p2 =	sne.s32 s3, s14  }
.Ltmp1:
0x2f: {  	_ = 	snop;
	(pc) =	sbr.rel @!p2 .LBB2_9-.Ltmp1, $1  }
0x30: {  	_ =	sdelay $0x3  }
.LBB2_1:
.Ltmp2:
0x31: {  	(pc) =	sbr.rel @!p0 .LBB2_2-.Ltmp2, $1  }
0x32: {  	_ =	sdelay $0x3  }
0x33: {  	s20 =	simm.s32 @p1 $0x1FC2  }
0x34: {  	[spmem:s17], [sflag:s20] =	dma.local @p1 [hbm:s11], $0x1900  }
0x35: {  	s20 =	simm.s32 @p1 $0x2  }
0x36: {  	_ =	swait.ge @p1 [sflag:s20], $0x1900  }
0x37: {  	[sflag:s20] =	ssyncset.done @p1 $0x0  }
0x38: {  	[sflag:s20] =	ssyncadd.s32 @p1 $0xFFFFE700;
	s20 =	simm.s32 @!p1 $0x2  }
0x39: {  	[spmem:s19], [sflag:s18] =	dma.local @!p1 [hbm:s10], $0x2800  }
0x3a: {  	_ =	swait.ge @!p1 [sflag:s20], $0x2800  }
0x3b: {  	p2 =	sgt.u32 s2, $0x9C3;
	[sflag:s20] =	ssyncset.done @!p1 $0x0  }
0x3c: {  	s21 =	simm.s32 @!p2 $0x0;
	s22 =	simm.s32 @!p2 $0x13880;
	[sflag:s20] =	ssyncadd.s32 @!p1 $0xFFFFD800  }
0x3d: {  	s23 =	simm.s32 @!p2 $0x3;
	s20 =	sadd.s32 @!p2 $0x0, s16;
	[bflag:$0x0] =	sbarrier.arrive $0xFFFF  }
0x3e: {  	[tilespmem:s22], [sflag:$0x3] =	stream.linear.gather @!p2 [hbm4b:s20+s21], $0x80, $0x38;
	[tilespmem:$0x17980] =	vst v63  }
0x3f: {  	_ =	swait.ge @!p2 [sflag:s23], $0x80  }
0x40: {  	[sflag:s23] =	ssyncset.done @!p2 $0x0  }
0x41: {  	s24 =	simm.s32 @!p2 $0x13900;
	s20 =	sadd.s32 @!p2 $0x0, s15;
	[sflag:s23] =	ssyncadd.s32 @!p2 $0xFFFFFF80  }
0x42: {  	[tilespmem:s24], [sflag:$0x3] =	stream.linear.gather @!p2 [hbm4b:s20+s21], $0x80, $0x38;
	[tilespmem:$0x17980] =	vst v63  }
0x43: {  	_ =	swait.ge @!p2 [sflag:s23], $0x80;
	p2 =	por p2, p2  }
0x44: {  	[sflag:s23] =	ssyncset.done @!p2 $0x0;
	s20 =	simm.s32 @!p2 $0x80  }
0x45: {  	s21 =	simm.s32 @!p2 $0x13980;
	[sflag:s23] =	ssyncadd.s32 @!p2 $0xFFFFFF80;
	s23 =	simm.s32 @!p2 $0x1  }
0x46: {  	[tilespmem:s21], [sflag:$0x1] =	stream.indirect.gather @!p2 [hbm4b:s5+s20], $0x80, s22, s20, $0xb8;
	[tilespmem:$0x17980] =	vst v63  }
0x47: {  	_ =	swait.ge @!p2 [sflag:s23], $0x4000  }
0x48: {  	[sflag:s23] =	ssyncset.done @!p2 $0x0  }
0x49: {  	[sflag:s23] =	ssyncadd.s32 @!p2 $0xFFFFC000  }
0x4a: {  	[spmem:s1] =	stream.indirect.scatter.add.f32 @!p2 [tilespmem:s21], [sflag:$0x2], $0x80, s24, s20, $0xb8;
	[tilespmem:$0x17980] =	vst v63  }
0x4b: {  	s22 =	simm.s32 $0x200;
	s23 =	simm.s32 @!p2 $0x2;
	s21 =	sadd.s32 $0x10, s2  }
0x4c: {  	s20 =	simm.s32 $0x100;
	p3 =	sgt.u32 s21, $0x9C3;
	_ =	swait.ge @!p2 [sflag:s23], $0x4000  }
.LBB2_6:
0x4d: {  	s24 =	sadd.s32 @!p3 s20, s16;
	s25 =	simm.s32 @!p3 $0x0;
	[sflag:s23] =	ssyncset.done @!p2 $0x0  }
0x4e: {  	s26 =	simm.s32 @!p3 $0x13880;
	s28 =	simm.s32 @!p3 $0x3;
	[sflag:s23] =	ssyncadd.s32 @!p2 $0xFFFFC000  }
0x4f: {  	[tilespmem:s26], [sflag:$0x3] =	stream.linear.gather @!p3 [hbm4b:s24+s25], $0x80, $0x38;
	[tilespmem:$0x17980] =	vst v63  }
0x50: {  	s23 =	smov.u32 s22;
	s22 =	sadd.s32 $0x100, s22;
	_ =	swait.ge @!p3 [sflag:s28], $0x80  }
0x51: {  	s29 =	simm.s32 @!p3 $0x13900;
	s24 =	sadd.s32 @!p3 s20, s15;
	[sflag:s28] =	ssyncset.done @!p3 $0x0  }
0x52: {  	p4 =	sne.s32 s22, $0x9D00;
	s20 =	smov.u32 s23;
	[sflag:s28] =	ssyncadd.s32 @!p3 $0xFFFFFF80  }
0x53: {  	[tilespmem:s29], [sflag:$0x3] =	stream.linear.gather @!p3 [hbm4b:s24+s25], $0x80, $0x38;
	[tilespmem:$0x17980] =	vst v63  }
0x54: {  	p2 =	por p3, p3;
	_ =	swait.ge @!p3 [sflag:s28], $0x80  }
0x55: {  	s24 =	simm.s32 @!p2 $0x80;
	s25 =	simm.s32 @!p2 $0x13980;
	[sflag:s28] =	ssyncset.done @!p2 $0x0  }
0x56: {  	s23 =	simm.s32 @!p2 $0x1;
	[sflag:s28] =	ssyncadd.s32 @!p2 $0xFFFFFF80  }
0x57: {  	[tilespmem:s25], [sflag:$0x1] =	stream.indirect.gather @!p2 [hbm4b:s5+s24], $0x80, s26, s24, $0xb8;
	[tilespmem:$0x17980] =	vst v63  }
.Ltmp3:
0x58: {  	_ =	swait.ge @!p2 [sflag:s23], $0x4000;
	(pc) =	sbr.rel @p4 .LBB2_6-.Ltmp3, $4  }
0x59: {  	[sflag:s23] =	ssyncset.done @!p2 $0x0  }
0x5a: {  	s21 =	sadd.s32 $0x10, s21;
	[sflag:s23] =	ssyncadd.s32 @!p2 $0xFFFFC000;
	s23 =	simm.s32 @!p2 $0x2  }
0x5b: {  	[spmem:s1] =	stream.indirect.scatter.add.f32 @!p2 [tilespmem:s25], [sflag:$0x2], $0x80, s29, s24, $0xb8;
	[tilespmem:$0x17980] =	vst v63  }
0x5c: {  	p3 =	sgt.u32 s21, $0x9C3;
	_ =	swait.ge @!p2 [sflag:s23], $0x4000  }
.Ltmp4:
0x5d: {  	_ = 	snop;
	(pc) =	sbr.rel .LBB2_7-.Ltmp4, $1  }
0x5e: {  	_ =	sdelay $0x3  }
.LBB2_2:
0x5f: {  	s20 =	simm.s32 @p1 $0x1FC2  }
0x60: {  	[spmem:s17], [sflag:s20] =	dma.local @p1 [hbm:s7], $0x1900  }
0x61: {  	s20 =	simm.s32 @p1 $0x2  }
0x62: {  	_ =	swait.ge @p1 [sflag:s20], $0x1900  }
0x63: {  	[sflag:s20] =	ssyncset.done @p1 $0x0  }
0x64: {  	[sflag:s20] =	ssyncadd.s32 @p1 $0xFFFFE700;
	s20 =	simm.s32 @!p1 $0x2  }
0x65: {  	[spmem:s19], [sflag:s18] =	dma.local @!p1 [hbm:s6], $0x2800  }
0x66: {  	_ =	swait.ge @!p1 [sflag:s20], $0x2800  }
0x67: {  	p2 =	sgt.u32 s2, $0x9C3;
	[sflag:s20] =	ssyncset.done @!p1 $0x0  }
0x68: {  	s21 =	simm.s32 @!p2 $0x0;
	s22 =	simm.s32 @!p2 $0x13880;
	[sflag:s20] =	ssyncadd.s32 @!p1 $0xFFFFD800  }
0x69: {  	s23 =	simm.s32 @!p2 $0x3;
	s20 =	sadd.s32 @!p2 $0x0, s16;
	[bflag:$0x0] =	sbarrier.arrive $0xFFFF  }
0x6a: {  	[tilespmem:s22], [sflag:$0x3] =	stream.linear.gather @!p2 [hbm4b:s20+s21], $0x80, $0x38;
	[tilespmem:$0x17980] =	vst v63  }
0x6b: {  	_ =	swait.ge @!p2 [sflag:s23], $0x80  }
0x6c: {  	[sflag:s23] =	ssyncset.done @!p2 $0x0  }
0x6d: {  	s24 =	simm.s32 @!p2 $0x13900;
	s20 =	sadd.s32 @!p2 $0x0, s15;
	[sflag:s23] =	ssyncadd.s32 @!p2 $0xFFFFFF80  }
0x6e: {  	[tilespmem:s24], [sflag:$0x3] =	stream.linear.gather @!p2 [hbm4b:s20+s21], $0x80, $0x38;
	[tilespmem:$0x17980] =	vst v63  }
0x6f: {  	_ =	swait.ge @!p2 [sflag:s23], $0x80;
	p2 =	por p2, p2  }
0x70: {  	[sflag:s23] =	ssyncset.done @!p2 $0x0;
	s20 =	simm.s32 @!p2 $0x80  }
0x71: {  	s21 =	simm.s32 @!p2 $0x13980;
	[sflag:s23] =	ssyncadd.s32 @!p2 $0xFFFFFF80;
	s23 =	simm.s32 @!p2 $0x1  }
0x72: {  	[tilespmem:s21], [sflag:$0x1] =	stream.indirect.gather @!p2 [hbm4b:s4+s20], $0x80, s22, s20, $0xb8;
	[tilespmem:$0x17980] =	vst v63  }
0x73: {  	_ =	swait.ge @!p2 [sflag:s23], $0x4000  }
0x74: {  	[sflag:s23] =	ssyncset.done @!p2 $0x0  }
0x75: {  	[sflag:s23] =	ssyncadd.s32 @!p2 $0xFFFFC000  }
0x76: {  	[spmem:s1] =	stream.indirect.scatter.add.f32 @!p2 [tilespmem:s21], [sflag:$0x2], $0x80, s24, s20, $0xb8;
	[tilespmem:$0x17980] =	vst v63  }
0x77: {  	s22 =	simm.s32 $0x200;
	s23 =	simm.s32 @!p2 $0x2;
	s21 =	sadd.s32 $0x10, s2  }
0x78: {  	s20 =	simm.s32 $0x100;
	p3 =	sgt.u32 s21, $0x9C3;
	_ =	swait.ge @!p2 [sflag:s23], $0x4000  }
.LBB2_3:
0x79: {  	s24 =	sadd.s32 @!p3 s20, s16;
	s25 =	simm.s32 @!p3 $0x0;
	[sflag:s23] =	ssyncset.done @!p2 $0x0  }
0x7a: {  	s26 =	simm.s32 @!p3 $0x13880;
	s28 =	simm.s32 @!p3 $0x3;
	[sflag:s23] =	ssyncadd.s32 @!p2 $0xFFFFC000  }
0x7b: {  	[tilespmem:s26], [sflag:$0x3] =	stream.linear.gather @!p3 [hbm4b:s24+s25], $0x80, $0x38;
	[tilespmem:$0x17980] =	vst v63  }
0x7c: {  	s23 =	smov.u32 s22;
	s22 =	sadd.s32 $0x100, s22;
	_ =	swait.ge @!p3 [sflag:s28], $0x80  }
0x7d: {  	s29 =	simm.s32 @!p3 $0x13900;
	s24 =	sadd.s32 @!p3 s20, s15;
	[sflag:s28] =	ssyncset.done @!p3 $0x0  }
0x7e: {  	p4 =	sne.s32 s22, $0x9D00;
	s20 =	smov.u32 s23;
	[sflag:s28] =	ssyncadd.s32 @!p3 $0xFFFFFF80  }
0x7f: {  	[tilespmem:s29], [sflag:$0x3] =	stream.linear.gather @!p3 [hbm4b:s24+s25], $0x80, $0x38;
	[tilespmem:$0x17980] =	vst v63  }
0x80: {  	p2 =	por p3, p3;
	_ =	swait.ge @!p3 [sflag:s28], $0x80  }
0x81: {  	s24 =	simm.s32 @!p2 $0x80;
	s25 =	simm.s32 @!p2 $0x13980;
	[sflag:s28] =	ssyncset.done @!p2 $0x0  }
0x82: {  	s23 =	simm.s32 @!p2 $0x1;
	[sflag:s28] =	ssyncadd.s32 @!p2 $0xFFFFFF80  }
0x83: {  	[tilespmem:s25], [sflag:$0x1] =	stream.indirect.gather @!p2 [hbm4b:s4+s24], $0x80, s26, s24, $0xb8;
	[tilespmem:$0x17980] =	vst v63  }
.Ltmp5:
0x84: {  	_ =	swait.ge @!p2 [sflag:s23], $0x4000;
	(pc) =	sbr.rel @p4 .LBB2_3-.Ltmp5, $4  }
0x85: {  	[sflag:s23] =	ssyncset.done @!p2 $0x0  }
0x86: {  	s21 =	sadd.s32 $0x10, s21;
	[sflag:s23] =	ssyncadd.s32 @!p2 $0xFFFFC000;
	s23 =	simm.s32 @!p2 $0x2  }
0x87: {  	[spmem:s1] =	stream.indirect.scatter.add.f32 @!p2 [tilespmem:s25], [sflag:$0x2], $0x80, s29, s24, $0xb8;
	[tilespmem:$0x17980] =	vst v63  }
0x88: {  	p3 =	sgt.u32 s21, $0x9C3;
	_ =	swait.ge @!p2 [sflag:s23], $0x4000  }
0x89: {  	s21 =	sadd.s32 @!p3 s20, s16;
	s22 =	simm.s32 @!p3 $0x0;
	[sflag:s23] =	ssyncset.done @!p2 $0x0  }
0x8a: {  	s24 =	simm.s32 @!p3 $0x13880;
	s25 =	simm.s32 @!p3 $0x3;
	[sflag:s23] =	ssyncadd.s32 @!p2 $0xFFFFC000  }
0x8b: {  	[tilespmem:s24], [sflag:$0x3] =	stream.linear.gather @!p3 [hbm4b:s21+s22], $0x80, $0x38;
	[tilespmem:$0x17980] =	vst v63  }
0x8c: {  	_ =	swait.ge @!p3 [sflag:s25], $0x80  }
0x8d: {  	[sflag:s25] =	ssyncset.done @!p3 $0x0  }
0x8e: {  	s20 =	sadd.s32 @!p3 s20, s15;
	s21 =	simm.s32 @!p3 $0x13900;
	[sflag:s25] =	ssyncadd.s32 @!p3 $0xFFFFFF80  }
0x8f: {  	[tilespmem:s21], [sflag:$0x3] =	stream.linear.gather @!p3 [hbm4b:s20+s22], $0x80, $0x38;
	[tilespmem:$0x17980] =	vst v63  }
0x90: {  	p2 =	por p3, p3;
	_ =	swait.ge @!p3 [sflag:s25], $0x80  }
0x91: {  	s23 =	simm.s32 @!p2 $0x1;
	[sflag:s25] =	ssyncset.done @!p2 $0x0  }
0x92: {  	s20 =	simm.s32 @!p2 $0x80;
	s22 =	simm.s32 @!p2 $0x13980;
	[sflag:s25] =	ssyncadd.s32 @!p2 $0xFFFFFF80  }
0x93: {  	[tilespmem:s22], [sflag:$0x1] =	stream.indirect.gather @!p2 [hbm4b:s4+s20], $0x80, s24, s20, $0xb8;
	[tilespmem:$0x17980] =	vst v63  }
0x94: {  	_ =	swait.ge @!p2 [sflag:s23], $0x4000  }
0x95: {  	[sflag:s23] =	ssyncset.done @!p2 $0x0  }
0x96: {  	[sflag:s23] =	ssyncadd.s32 @!p2 $0xFFFFC000;
	s23 =	simm.s32 @!p2 $0x2  }
0x97: {  	[spmem:s1] =	stream.indirect.scatter.add.f32 @!p2 [tilespmem:s22], [sflag:$0x2], $0x80, s21, s20, $0xb8;
	[tilespmem:$0x17980] =	vst v63  }
0x98: {  	_ =	swait.ge @!p2 [sflag:s23], $0x4000  }
0x99: {  	[sflag:s23] =	ssyncset.done @!p2 $0x0  }
0x9a: {  	[sflag:s23] =	ssyncadd.s32 @!p2 $0xFFFFC000  }
0x9b: {  	s20 =	simm.s32 @p1 $0x1FC2;
	[bflag:$0x0] =	sbarrier.arrive $0xFFFF  }
0x9c: {  	[hbm:s9], [sflag:s20] =	dma.local @p1 [spmem:s17], $0x1900  }
0x9d: {  	s20 =	simm.s32 @p1 $0x2  }
0x9e: {  	_ =	swait.ge @p1 [sflag:s20], $0x1900  }
0x9f: {  	[sflag:s20] =	ssyncset.done @p1 $0x0  }
.Ltmp6:
0xa0: {  	[sflag:s20] =	ssyncadd.s32 @p1 $0xFFFFE700;
	s20 =	simm.s32 @!p1 $0x2;
	(pc) =	sbr.rel .LBB2_8-.Ltmp6, $4  }
0xa1: {  	[hbm:s8], [sflag:s18] =	dma.local @!p1 [spmem:s19], $0x2800  }
0xa2: {  	_ =	swait.ge @!p1 [sflag:s20], $0x2800  }
0xa3: {  	[sflag:s20] =	ssyncset.done @!p1 $0x0  }
0xa4: {  	[sflag:s20] =	ssyncadd.s32 @!p1 $0xFFFFD800  }
.LBB2_9:
0xa5: {  	_ =	sfence.sel $0x180000  }
0xa6: {  	[bflag:$0x0] =	sbarrier.arrive $0xFFFF  }
0xa7: {  	p0 =	sne.s32 s2, $0x0;
	_ =	strace $0x9000004D  }
0xa8: {  	s0 =	sadd.s32 @!p0 $0x100000, s0;
	[bflag:$0x2] =	sbarrier.arrive $0xFFFF  }
0xa9: {  	[sflag:s0] =	ssyncadd.tile.s32 @!p0 $0x1;
	_ =	shalt  }
.Lfunc_end2:
_tile_overlayer_lowered:
.L_overlay_start_2:
0xaa: {  	(tag) =	ssettag $0x2  }
0xab: {  	s0 =	rddreg [dreg:$0x0];
	s2 =	stileid.u32  }
0xac: {  	s1 =	rddreg [dreg:$0x1];
	p0 =	sne.s32 s2, $0x0  }
0xad: {  	s3 =	rddreg [dreg:$0x2];
	[bflag:$0x3] =	sbarrier.arrive $0xFFFF;
	s2 =	simm.s32 @!p0 $0x1C02  }
0xae: {  	[timem:s3], [sflag:s2] =	dma.local @!p0 [hbm:s0], s1  }
0xaf: {  	s0 =	simm.s32 @!p0 $0x2  }
0xb0: {  	_ =	swait.ge @!p0 [sflag:s0], s1  }
0xb1: {  	s1 =	ssub.s32 @!p0 $0x0, s1;
	[sflag:s0] =	ssyncset.done @!p0 $0x0  }
0xb2: {  	[sflag:s0] =	ssyncadd.s32 @!p0 s1  }
0xb3: {  	[bflag:$0x3] =	sbarrier.arrive $0xFFFF  }
0xb4: {  	_ =	shalt  }

// kernel: kernel.20.cloned.1.call-start
scs
__scs_entry_jumppad:
0x0: {  	(pc) =	sbr.rel $0x88, $3  }
0x1: {  	(tag) =	ssettag $0x0;
	lr =	simm.s32 $0x1  }
0x2: {  	[smem:$0x3F95] =	sst lr;
	_ =	strace $0xD0000000  }
0x3: {  	_ = 	snop  }
0x4: {  	_ = 	snop  }
0x5: {  	_ = 	snop  }
0x6: {  	_ = 	snop  }
0x7: {  	_ = 	snop  }
__scs_overlays_trampoline_lowered:
0x8: {  	[smem:$0x3FA4] =	sst s0  }
0x9: {  	[smem:$0x3FA5] =	sst s1  }
0xa: {  	[smem:$0x3FA6] =	sst s2  }
0xb: {  	[smem:$0x3FA7] =	sst s3  }
0xc: {  	[smem:$0x3FA8] =	sst s4  }
0xd: {  	[smem:$0x3FA9] =	sst s5  }
0xe: {  	[smem:$0x3FAA] =	sst s6  }
0xf: {  	[smem:$0x3FAB] =	sst s7  }
0x10: {  	[smem:$0x3FAC] =	sst s8  }
0x11: {  	[smem:$0x3FAD] =	sst s9;
	s0 =	simm.s32 @!p0 $0x0  }
0x12: {  	s1 =	sld [smem:$0x3F93];
	s0 =	simm.s32 @p0 $0x1  }
0x13: {  	[smem:$0x3FAE] =	sst s0;
	s0 =	simm.s32 @!p1 $0x0  }
0x14: {  	s2 =	sld [smem:$0x3F92];
	s0 =	simm.s32 @p1 $0x1  }
0x15: {  	[smem:$0x3FAF] =	sst s0;
	s0 =	simm.s32 @!p2 $0x0  }
0x16: {  	s3 =	sld [smem:$0x3FDB];
	s0 =	simm.s32 @p2 $0x1  }
0x17: {  	s4 =	simm.s32 $0x1BF5;
	[smem:$0x3FB1] =	sst s0  }
0x18: {  	s0 =	sld [smem:$0x3F94];
	_ =	swait.ge [sflag:s4], $0x0  }
0x19: {  	s7 =	sld [smem:$0x3F95]  }
0x1a: {  	s8 =	sadd.s32 $0xFFFFE003, lr  }
0x1b: {  	s9 =	sadd.s32 $0xFFFFFEF7, lr;
	s5 =	simm.s32 $0xFFFFFFFF;
	p2 =	slt.u32 s8, $0xFFFFF086  }
0x1c: {  	p1 =	slt.u32 s9, $0xF7A;
	s5 =	simm.s32 @!p2 $0x0  }
0x1d: {  	s5 =	simm.s32 @p1 $0x1;
	p0 =	seq.s32 s7, s2  }
0x1e: {  	s7 =	smul.u32 @!p0 $0xF7A, s2;
	p2 =	seq.s32 @!p0 s5, $0x0  }
0x1f: {  	s9 =	smul.u32 $0xF7A, s1;
	s8 =	simm.s32 @!p0 $0x1BF5;
	p2 =	por !p2, p0  }
0x20: {  	[sflag:s8] =	ssyncset.s32 @!p0 $0xFFFFF086;
	s6 =	sadd.s32 @!p0 s3, s7;
	s7 =	simm.s32 @!p0 $0x108  }
0x21: {  	s3 =	sadd.s32 s3, s9;
	s6 =	sadd.s32 @!p0 $0x88, s6;
	s7 =	simm.s32 @p2 $0x1082  }
0x22: {  	[simem:s7], [sflag:s8] =	dma.local @!p0 [hbm:s6], $0xF7A  }
0x23: {  	s9 =	sor.u32 $0xD0000000, s2;
	s6 =	simm.s32 $0x108;
	_ =	swait.ge @!p0 [sflag:s8], $0x0  }
0x24: {  	s3 =	sadd.s32 $0x88, s3;
	s6 =	simm.s32 @!p1 $0x1082;
	[sflag:s4] =	ssyncset.s32 $0xFFFFF086  }
0x25: {  	[simem:s6], [sflag:s4] =	dma.local [hbm:s3], $0xF7A  }
0x26: {  	[smem:$0x3F95] =	sst s1;
	(tag) =	ssettag s2;
	_ =	strace s9  }
0x27: {  	s1 =	sld [smem:$0x3FA5]  }
0x28: {  	s2 =	sld [smem:$0x3FA6]  }
0x29: {  	s4 =	sld [smem:$0x3FA8]  }
0x2a: {  	p0 =	seq.s32 s5, $0x0;
	s5 =	sld [smem:$0x3FA9]  }
0x2b: {  	s6 =	sld [smem:$0x3FAA]  }
0x2c: {  	s7 =	sld [smem:$0x3FAB]  }
0x2d: {  	s3 =	simm.s32 $0x108;
	s8 =	sld [smem:$0x3FAC]  }
0x2e: {  	s3 =	simm.s32 @!p0 $0x1082;
	s9 =	sld [smem:$0x3FAD]  }
0x2f: {  	lr =	sadd.s32 s0, s3;
	s0 =	sld [smem:$0x3FA4]  }
0x30: {  	s3 =	sld [smem:$0x3FA7]  }
0x31: {  	[smem:$0x3FB0] =	sst s10  }
0x32: {  	s10 =	sld [smem:$0x3FAE];
	_ =	sdelay $0x3  }
0x33: {  	p0 =	seq.s32 s10, $0x1;
	s10 =	sld [smem:$0x3FB0];
	_ =	sdelay $0x3  }
0x34: {  	[smem:$0x3FB0] =	sst s10  }
0x35: {  	s10 =	sld [smem:$0x3FAF];
	_ =	sdelay $0x3  }
0x36: {  	p1 =	seq.s32 s10, $0x1;
	s10 =	sld [smem:$0x3FB0];
	_ =	sdelay $0x3  }
0x37: {  	[smem:$0x3FB0] =	sst s10  }
0x38: {  	s10 =	sld [smem:$0x3FB1]  }
0x39: {  	_ = 	snop;
	(pc) =	sbr.ind lr, $3  }
0x3a: {  	_ = 	snop  }
0x3b: {  	_ = 	snop  }
0x3c: {  	p2 =	seq.s32 s10, $0x1;
	s10 =	sld [smem:$0x3FB0]  }
0x3d: {  	_ =	shalt  }
0x3e: {  	_ =	shalt  }
0x3f: {  	_ =	shalt  }
0x40: {  	_ =	shalt  }
0x41: {  	_ =	shalt  }
0x42: {  	_ =	shalt  }
0x43: {  	_ =	shalt  }
0x44: {  	_ =	shalt  }
0x45: {  	_ =	shalt  }
0x46: {  	_ =	shalt  }
0x47: {  	_ =	shalt  }
0x48: {  	_ =	shalt  }
0x49: {  	_ =	shalt  }
0x4a: {  	_ =	shalt  }
0x4b: {  	_ =	shalt  }
0x4c: {  	_ =	shalt  }
0x4d: {  	_ =	shalt  }
0x4e: {  	_ =	shalt  }
0x4f: {  	_ =	shalt  }
0x50: {  	_ =	shalt  }
0x51: {  	_ =	shalt  }
0x52: {  	_ =	shalt  }
0x53: {  	_ =	shalt  }
0x54: {  	_ =	shalt  }
0x55: {  	_ =	shalt  }
0x56: {  	_ =	shalt  }
0x57: {  	_ =	shalt  }
0x58: {  	_ =	shalt  }
0x59: {  	_ =	shalt  }
0x5a: {  	_ =	shalt  }
0x5b: {  	_ =	shalt  }
0x5c: {  	_ =	shalt  }
0x5d: {  	_ =	shalt  }
0x5e: {  	_ =	shalt  }
0x5f: {  	_ =	shalt  }
0x60: {  	_ =	shalt  }
0x61: {  	_ =	shalt  }
0x62: {  	_ =	shalt  }
0x63: {  	_ =	shalt  }
0x64: {  	_ =	shalt  }
0x65: {  	_ =	shalt  }
0x66: {  	_ =	shalt  }
0x67: {  	_ =	shalt  }
0x68: {  	_ =	shalt  }
0x69: {  	_ =	shalt  }
0x6a: {  	_ =	shalt  }
0x6b: {  	_ =	shalt  }
0x6c: {  	_ =	shalt  }
0x6d: {  	_ =	shalt  }
0x6e: {  	_ =	shalt  }
0x6f: {  	_ =	shalt  }
0x70: {  	_ =	shalt  }
0x71: {  	_ =	shalt  }
0x72: {  	_ =	shalt  }
0x73: {  	_ =	shalt  }
0x74: {  	_ =	shalt  }
0x75: {  	_ =	shalt  }
0x76: {  	_ =	shalt  }
0x77: {  	_ =	shalt  }
0x78: {  	_ =	shalt  }
0x79: {  	_ =	shalt  }
0x7a: {  	_ =	shalt  }
0x7b: {  	_ =	shalt  }
0x7c: {  	_ =	shalt  }
0x7d: {  	_ =	shalt  }
0x7e: {  	_ =	shalt  }
0x7f: {  	_ =	shalt  }
0x80: {  	_ =	shalt  }
0x81: {  	_ =	shalt  }
0x82: {  	_ =	shalt  }
0x83: {  	_ =	shalt  }
0x84: {  	_ =	shalt  }
0x85: {  	_ =	shalt  }
0x86: {  	_ =	shalt  }
0x87: {  	_ =	shalt  }
.Lfunc_end0:
.L_simem_size_0:
called_computation.3_lowered:
.L_overlay_start_0:
0x88: {  	s2 =	sld [smem:$0x3FD9]  }
0x89: {  	s3 =	sld [smem:$0x3FFE];
	_ =	sdelay $0x1  }
0x8a: {  	s1 =	srdreg.scid  }
0x8b: {  	s0 =	sand.u32 $0x1, s1  }
0x8c: {  	s16 =	sshll.u32 s0, $0xA;
	s2 =	sadd.s32 s3, s2  }
0x8d: {  	s2 =	sadd.s32 s2, s16  }
0x8e: {  	[smem:$0x3FBC] =	sst s2  }
0x8f: {  	_ = 	snop  }
0x90: {  	(tm) =	ssettm $0x1  }
0x91: {  	s17 =	sld [smem:$0x3FFB];
	_ =	sdelay $0x3  }
0x92: {  	_ =	strace s17  }
0x93: {  	s2 =	sld [smem:$0x3FFC];
	_ =	sdelay $0x3  }
0x94: {  	_ =	strace s2  }
0x95: {  	s2 =	sld [smem:$0x3FFD];
	_ =	sdelay $0x3  }
0x96: {  	_ =	strace s2  }
0x97: {  	_ =	strace $0x8FFFFFFF  }
0x98: {  	s18 =	sld [smem:$0x3FDB];
	_ =	sdelay $0x1  }
0x99: {  	s19 =	simm.s32 $_scs_section_size  }
0x9a: {  	s4 =	simm.s32 $_size__tile_overlayer_lowered;
	s5 =	simm.s32 $_tile_overlayer_lowered  }
0x9b: {  	s22 =	simm.s32 $0x1BFF;
	s21 =	sshll.u32 s5, $0x1;
	s2 =	sadd.s32 s19, s18  }
0x9c: {  	s6 =	simm.s32 $0x0;
	s20 =	sshll.u32 s4, $0x1;
	s4 =	sadd.s32 s21, s2  }
0x9d: {  	[timem:s6], [sflag:s22] =	dma.local [hbm:s4], s20  }
0x9e: {  	_ =	swait.ge [sflag:s22], s20  }
0x9f: {  	s3 =	ssub.s32 $0x0, s20;
	[sflag:s22] =	ssyncset.done $0x0  }
0xa0: {  	[sflag:s22] =	ssyncadd.s32 s3;
	_ =	sdelay $0x1  }
0xa1: {  	s23 =	simm.s32 $0x1B8B  }
0xa2: {  	_ =	swait.ge [sflag:s23], $0x1  }
0xa3: {  	[sflag:s23] =	ssyncset.done $0x0  }
0xa4: {  	s25 =	simm.s32 $0x1B8E;
	s24 =	sld [smem:$0x3FFE];
	[sflag:s23] =	ssyncadd.s32 $0xFFFFFFFF  }
0xa5: {  	s26 =	simm.s32 $execute0_lowered;
	[smem:$0x3FD2] =	sst s25  }
0xa6: {  	s4 =	sshll.u32 s26, $0x1;
	_ =	strace $0x8000004F;
	[dreg:$0x1] =	wrdreg $0xFFFFFFFF  }
0xa7: {  	s28 =	simm.s32 $_size_execute0_lowered;
	s2 =	sadd.s32 s2, s4;
	[dreg:$0x0] =	wrdreg $0x0  }
0xa8: {  	s4 =	sshll.u32 s28, $0x1;
	[dreg:$0x2] =	wrdreg s2  }
0xa9: {  	[dreg:$0x3] =	wrdreg s4  }
0xaa: {  	[dreg:$0x4] =	wrdreg $0xC0  }
0xab: {  	_ =	task [dreg:s6], $0x5FFFF  }
0xac: {  	[dreg:$0x1] =	wrdreg $0xFFFFFFFF  }
0xad: {  	[dreg:$0x0] =	wrdreg $0x60  }
0xae: {  	[dreg:$0x2] =	wrdreg s24  }
0xaf: {  	[dreg:$0x3] =	wrdreg $0x0  }
0xb0: {  	[dreg:$0x4] =	wrdreg $0x9  }
0xb1: {  	_ =	task.clear_ibuf [dreg:s6], $0x5FFFF;
	_ =	strace $0x9000004F  }
0xb2: {  	s29 =	simm.s32 $0x9;
	_ =	strace $0x80000051  }
0xb3: {  	_ =	swait.ge [sflag:s29], $0x1  }
0xb4: {  	[sflag:s29] =	ssyncadd.s32 $0xFFFFFFFF  }
0xb5: {  	_ =	strace $0x90000051  }
0xb6: {  	_ =	sfence  }
0xb7: {  	s30 =	sld [smem:$0x0];
	_ =	sdelay $0x2  }
0xb8: {  	s31 =	sshll.u32 s1, $0xD;
	s1 =	sshrl.u32 s1, $0x2  }
0xb9: {  	s3 =	sand.u32 $0x4000, s31;
	s1 =	sadd.s32 s1, s30  }
0xba: {  	s0 =	sor.u32 s3, s0;
	s1 =	sshll.u32 s1, $0x11  }
0xbb: {  	s0 =	sor.u32 s1, s0  }
0xbc: {  	s0 =	sadd.s32 $0x8F2B, s0  }
0xbd: {  	[sflag:s0] =	ssyncadd.remote.s32 $0x1  }
0xbe: {  	_ =	sfence.sel $0xFFFF  }
0xbf: {  	[dreg:$0x0] =	wrdreg $0xFFFFFFFF;
	(pc) =	sbr.abs _section_cstart, $3  }
0xc0: {  	[dreg:$0x1] =	wrdreg $0xFFFFFFFF  }
0xc1: {  	_ =	task.clear_ibuf [dreg:s6], $0x2FFFF;
	_ =	strace $0x9FFFFFFF  }
0xc2: {  	(tm) =	ssettm $0x7FFFFFFF  }
0xc3: {  	_ =	shalt  }
tec
execute0_lowered:
.L_overlay_start_1:
0x0: {  	(tag) =	ssettag $0x1  }
0x1: {  	s13 =	rddreg [dreg:$0x0]  }
0x2: {  	s1 =	rddreg [dreg:$0x1]  }
0x3: {  	s0 =	rddreg [dreg:$0x2];
	s3 =	simm.s32 $0x0;
	s2 =	stileid.u32  }
0x4: {  	s6 =	srdreg.scid;
	[smem:$0x7FF] =	sst s3  }
0x5: {  	s4 =	sadd.s32 $0x8CC00, s13;
	s5 =	sadd.s32 $0x65A00, s13;
	s8 =	smul.u32 $0x50000, s2  }
0x6: {  	s7 =	sshll.u32 s2, $0x4;
	s6 =	sand.u32 $0x1, s6;
	s11 =	smul.u32 $0x2800, s2  }
0x7: {  	s10 =	sadd.s32 $0xB3E00, s13;
	s31 =	smul.u32 $0x14000, s2;
	s17 =	sadd.s32 $0x12C000, s1  }
0x8: {  	p1 =	seq.s32 s2, $0xF;
	_ =	strace $0x80000050;
	s16 =	sadd.s32 s7, s13  }
0x9: {  	s29 =	ssub.s32 $0x2, s6;
	p0 =	seq.s32 s6, $0x1;
	s7 =	sadd.s32 $0xB2400, s13  }
0xa: {  	s18 =	sshll.u32 @!p1 s2, $0x6;
	s17 =	sshrl.u32 @p1 s17, $0x3;
	s9 =	sshrl.u32 s29, $0x1  }
0xb: {  	s30 =	sshrl.u32 s8, $0x2;
	s6 =	sadd.s32 s4, s11;
	s12 =	sshrl.u32 s31, $0x3  }
.Ltmp0:
0xc: {  	s8 =	sadd.s32 s10, s11;
	s15 =	sadd.s32 $0xD400, s16;
	(pc) =	sbr.rel .LBB2_1-.Ltmp0, $4  }
0xd: {  	s16 =	sadd.s32 $0x3600, s16;
	s18 =	sor.u32 @!p1 $0x1C02, s18;
	s14 =	ssub.s32 s29, s9  }
0xe: {  	s19 =	sadd.s32 s30, s1;
	s9 =	sadd.s32 $0xD9600, s13;
	s12 =	sadd.s32 s10, s12  }
0xf: {  	s10 =	sadd.s32 s5, s11;
	s11 =	sadd.s32 $0x8B200, s13;
	s13 =	sadd.s32 $0x100700, s13  }
0x10: {  	s12 =	sadd.s32 $0x27100, s12;
	s14 =	smax.u32 s14, $0x1;
	s19 =	sshrl.u32 @!p1 s19, $0x3  }
.LBB2_7:
0x11: {  	s21 =	sadd.s32 @!p3 s20, s16;
	s22 =	simm.s32 @!p3 $0x0;
	[sflag:s23] =	ssyncset.done @!p2 $0x0  }
0x12: {  	s24 =	simm.s32 @!p3 $0x13880;
	s25 =	simm.s32 @!p3 $0x3;
	[sflag:s23] =	ssyncadd.s32 @!p2 $0xFFFFC000  }
0x13: {  	[tilespmem:s24], [sflag:$0x3] =	stream.linear.gather @!p3 [hbm4b:s21+s22], $0x80, $0x38;
	[tilespmem:$0x17980] =	vst v63  }
0x14: {  	_ =	swait.ge @!p3 [sflag:s25], $0x80  }
0x15: {  	[sflag:s25] =	ssyncset.done @!p3 $0x0  }
0x16: {  	s20 =	sadd.s32 @!p3 s20, s15;
	s21 =	simm.s32 @!p3 $0x13900;
	[sflag:s25] =	ssyncadd.s32 @!p3 $0xFFFFFF80  }
0x17: {  	[tilespmem:s21], [sflag:$0x3] =	stream.linear.gather @!p3 [hbm4b:s20+s22], $0x80, $0x38;
	[tilespmem:$0x17980] =	vst v63  }
0x18: {  	p2 =	por p3, p3;
	_ =	swait.ge @!p3 [sflag:s25], $0x80  }
0x19: {  	s23 =	simm.s32 @!p2 $0x1;
	[sflag:s25] =	ssyncset.done @!p2 $0x0  }
0x1a: {  	s20 =	simm.s32 @!p2 $0x80;
	s22 =	simm.s32 @!p2 $0x13980;
	[sflag:s25] =	ssyncadd.s32 @!p2 $0xFFFFFF80  }
0x1b: {  	[tilespmem:s22], [sflag:$0x1] =	stream.indirect.gather @!p2 [hbm4b:s5+s20], $0x80, s24, s20, $0xb8;
	[tilespmem:$0x17980] =	vst v63  }
0x1c: {  	_ =	swait.ge @!p2 [sflag:s23], $0x4000  }
0x1d: {  	[sflag:s23] =	ssyncset.done @!p2 $0x0  }
0x1e: {  	[sflag:s23] =	ssyncadd.s32 @!p2 $0xFFFFC000;
	s23 =	simm.s32 @!p2 $0x2  }
0x1f: {  	[spmem:s1] =	stream.indirect.scatter.add.f32 @!p2 [tilespmem:s22], [sflag:$0x2], $0x80, s21, s20, $0xb8;
	[tilespmem:$0x17980] =	vst v63  }
0x20: {  	_ =	swait.ge @!p2 [sflag:s23], $0x4000  }
0x21: {  	[sflag:s23] =	ssyncset.done @!p2 $0x0  }
0x22: {  	[sflag:s23] =	ssyncadd.s32 @!p2 $0xFFFFC000  }
0x23: {  	s20 =	simm.s32 @p1 $0x1FC2;
	[bflag:$0x0] =	sbarrier.arrive $0xFFFF  }
0x24: {  	[hbm:s13], [sflag:s20] =	dma.local @p1 [spmem:s17], $0x1900  }
0x25: {  	s20 =	simm.s32 @p1 $0x2  }
0x26: {  	_ =	swait.ge @p1 [sflag:s20], $0x1900  }
0x27: {  	[sflag:s20] =	ssyncset.done @p1 $0x0  }
0x28: {  	[sflag:s20] =	ssyncadd.s32 @p1 $0xFFFFE700;
	s20 =	simm.s32 @!p1 $0x2  }
0x29: {  	[hbm:s12], [sflag:s18] =	dma.local @!p1 [spmem:s19], $0x2800  }
0x2a: {  	_ =	swait.ge @!p1 [sflag:s20], $0x2800  }
0x2b: {  	[sflag:s20] =	ssyncset.done @!p1 $0x0  }
0x2c: {  	[sflag:s20] =	ssyncadd.s32 @!p1 $0xFFFFD800  }
.LBB2_8:
0x2d: {  	s3 =	sadd.s32 $0x1, s3  }
0x2e: {  	p2 =	sne.s32 s3, s14  }
.Ltmp1:
0x2f: {  	_ = 	snop;
	(pc) =	sbr.rel @!p2 .LBB2_9-.Ltmp1, $1  }
0x30: {  	_ =	sdelay $0x3  }
.LBB2_1:
.Ltmp2:
0x31: {  	(pc) =	sbr.rel @!p0 .LBB2_2-.Ltmp2, $1  }
0x32: {  	_ =	sdelay $0x3  }
0x33: {  	s20 =	simm.s32 @p1 $0x1FC2  }
0x34: {  	[spmem:s17], [sflag:s20] =	dma.local @p1 [hbm:s11], $0x1900  }
0x35: {  	s20 =	simm.s32 @p1 $0x2  }
0x36: {  	_ =	swait.ge @p1 [sflag:s20], $0x1900  }
0x37: {  	[sflag:s20] =	ssyncset.done @p1 $0x0  }
0x38: {  	[sflag:s20] =	ssyncadd.s32 @p1 $0xFFFFE700;
	s20 =	simm.s32 @!p1 $0x2  }
0x39: {  	[spmem:s19], [sflag:s18] =	dma.local @!p1 [hbm:s10], $0x2800  }
0x3a: {  	_ =	swait.ge @!p1 [sflag:s20], $0x2800  }
0x3b: {  	p2 =	sgt.u32 s2, $0x9C3;
	[sflag:s20] =	ssyncset.done @!p1 $0x0  }
0x3c: {  	s21 =	simm.s32 @!p2 $0x0;
	s22 =	simm.s32 @!p2 $0x13880;
	[sflag:s20] =	ssyncadd.s32 @!p1 $0xFFFFD800  }
0x3d: {  	s23 =	simm.s32 @!p2 $0x3;
	s20 =	sadd.s32 @!p2 $0x0, s16;
	[bflag:$0x0] =	sbarrier.arrive $0xFFFF  }
0x3e: {  	[tilespmem:s22], [sflag:$0x3] =	stream.linear.gather @!p2 [hbm4b:s20+s21], $0x80, $0x38;
	[tilespmem:$0x17980] =	vst v63  }
0x3f: {  	_ =	swait.ge @!p2 [sflag:s23], $0x80  }
0x40: {  	[sflag:s23] =	ssyncset.done @!p2 $0x0  }
0x41: {  	s24 =	simm.s32 @!p2 $0x13900;
	s20 =	sadd.s32 @!p2 $0x0, s15;
	[sflag:s23] =	ssyncadd.s32 @!p2 $0xFFFFFF80  }
0x42: {  	[tilespmem:s24], [sflag:$0x3] =	stream.linear.gather @!p2 [hbm4b:s20+s21], $0x80, $0x38;
	[tilespmem:$0x17980] =	vst v63  }
0x43: {  	_ =	swait.ge @!p2 [sflag:s23], $0x80;
	p2 =	por p2, p2  }
0x44: {  	[sflag:s23] =	ssyncset.done @!p2 $0x0;
	s20 =	simm.s32 @!p2 $0x80  }
0x45: {  	s21 =	simm.s32 @!p2 $0x13980;
	[sflag:s23] =	ssyncadd.s32 @!p2 $0xFFFFFF80;
	s23 =	simm.s32 @!p2 $0x1  }
0x46: {  	[tilespmem:s21], [sflag:$0x1] =	stream.indirect.gather @!p2 [hbm4b:s5+s20], $0x80, s22, s20, $0xb8;
	[tilespmem:$0x17980] =	vst v63  }
0x47: {  	_ =	swait.ge @!p2 [sflag:s23], $0x4000  }
0x48: {  	[sflag:s23] =	ssyncset.done @!p2 $0x0  }
0x49: {  	[sflag:s23] =	ssyncadd.s32 @!p2 $0xFFFFC000  }
0x4a: {  	[spmem:s1] =	stream.indirect.scatter.add.f32 @!p2 [tilespmem:s21], [sflag:$0x2], $0x80, s24, s20, $0xb8;
	[tilespmem:$0x17980] =	vst v63  }
0x4b: {  	s22 =	simm.s32 $0x200;
	s23 =	simm.s32 @!p2 $0x2;
	s21 =	sadd.s32 $0x10, s2  }
0x4c: {  	s20 =	simm.s32 $0x100;
	p3 =	sgt.u32 s21, $0x9C3;
	_ =	swait.ge @!p2 [sflag:s23], $0x4000  }
.LBB2_6:
0x4d: {  	s24 =	sadd.s32 @!p3 s20, s16;
	s25 =	simm.s32 @!p3 $0x0;
	[sflag:s23] =	ssyncset.done @!p2 $0x0  }
0x4e: {  	s26 =	simm.s32 @!p3 $0x13880;
	s28 =	simm.s32 @!p3 $0x3;
	[sflag:s23] =	ssyncadd.s32 @!p2 $0xFFFFC000  }
0x4f: {  	[tilespmem:s26], [sflag:$0x3] =	stream.linear.gather @!p3 [hbm4b:s24+s25], $0x80, $0x38;
	[tilespmem:$0x17980] =	vst v63  }
0x50: {  	s23 =	smov.u32 s22;
	s22 =	sadd.s32 $0x100, s22;
	_ =	swait.ge @!p3 [sflag:s28], $0x80  }
0x51: {  	s29 =	simm.s32 @!p3 $0x13900;
	s24 =	sadd.s32 @!p3 s20, s15;
	[sflag:s28] =	ssyncset.done @!p3 $0x0  }
0x52: {  	p4 =	sne.s32 s22, $0x9D00;
	s20 =	smov.u32 s23;
	[sflag:s28] =	ssyncadd.s32 @!p3 $0xFFFFFF80  }
0x53: {  	[tilespmem:s29], [sflag:$0x3] =	stream.linear.gather @!p3 [hbm4b:s24+s25], $0x80, $0x38;
	[tilespmem:$0x17980] =	vst v63  }
0x54: {  	p2 =	por p3, p3;
	_ =	swait.ge @!p3 [sflag:s28], $0x80  }
0x55: {  	s24 =	simm.s32 @!p2 $0x80;
	s25 =	simm.s32 @!p2 $0x13980;
	[sflag:s28] =	ssyncset.done @!p2 $0x0  }
0x56: {  	s23 =	simm.s32 @!p2 $0x1;
	[sflag:s28] =	ssyncadd.s32 @!p2 $0xFFFFFF80  }
0x57: {  	[tilespmem:s25], [sflag:$0x1] =	stream.indirect.gather @!p2 [hbm4b:s5+s24], $0x80, s26, s24, $0xb8;
	[tilespmem:$0x17980] =	vst v63  }
.Ltmp3:
0x58: {  	_ =	swait.ge @!p2 [sflag:s23], $0x4000;
	(pc) =	sbr.rel @p4 .LBB2_6-.Ltmp3, $4  }
0x59: {  	[sflag:s23] =	ssyncset.done @!p2 $0x0  }
0x5a: {  	s21 =	sadd.s32 $0x10, s21;
	[sflag:s23] =	ssyncadd.s32 @!p2 $0xFFFFC000;
	s23 =	simm.s32 @!p2 $0x2  }
0x5b: {  	[spmem:s1] =	stream.indirect.scatter.add.f32 @!p2 [tilespmem:s25], [sflag:$0x2], $0x80, s29, s24, $0xb8;
	[tilespmem:$0x17980] =	vst v63  }
0x5c: {  	p3 =	sgt.u32 s21, $0x9C3;
	_ =	swait.ge @!p2 [sflag:s23], $0x4000  }
.Ltmp4:
0x5d: {  	_ = 	snop;
	(pc) =	sbr.rel .LBB2_7-.Ltmp4, $1  }
0x5e: {  	_ =	sdelay $0x3  }
.LBB2_2:
0x5f: {  	s20 =	simm.s32 @p1 $0x1FC2  }
0x60: {  	[spmem:s17], [sflag:s20] =	dma.local @p1 [hbm:s7], $0x1900  }
0x61: {  	s20 =	simm.s32 @p1 $0x2  }
0x62: {  	_ =	swait.ge @p1 [sflag:s20], $0x1900  }
0x63: {  	[sflag:s20] =	ssyncset.done @p1 $0x0  }
0x64: {  	[sflag:s20] =	ssyncadd.s32 @p1 $0xFFFFE700;
	s20 =	simm.s32 @!p1 $0x2  }
0x65: {  	[spmem:s19], [sflag:s18] =	dma.local @!p1 [hbm:s6], $0x2800  }
0x66: {  	_ =	swait.ge @!p1 [sflag:s20], $0x2800  }
0x67: {  	p2 =	sgt.u32 s2, $0x9C3;
	[sflag:s20] =	ssyncset.done @!p1 $0x0  }
0x68: {  	s21 =	simm.s32 @!p2 $0x0;
	s22 =	simm.s32 @!p2 $0x13880;
	[sflag:s20] =	ssyncadd.s32 @!p1 $0xFFFFD800  }
0x69: {  	s23 =	simm.s32 @!p2 $0x3;
	s20 =	sadd.s32 @!p2 $0x0, s16;
	[bflag:$0x0] =	sbarrier.arrive $0xFFFF  }
0x6a: {  	[tilespmem:s22], [sflag:$0x3] =	stream.linear.gather @!p2 [hbm4b:s20+s21], $0x80, $0x38;
	[tilespmem:$0x17980] =	vst v63  }
0x6b: {  	_ =	swait.ge @!p2 [sflag:s23], $0x80  }
0x6c: {  	[sflag:s23] =	ssyncset.done @!p2 $0x0  }
0x6d: {  	s24 =	simm.s32 @!p2 $0x13900;
	s20 =	sadd.s32 @!p2 $0x0, s15;
	[sflag:s23] =	ssyncadd.s32 @!p2 $0xFFFFFF80  }
0x6e: {  	[tilespmem:s24], [sflag:$0x3] =	stream.linear.gather @!p2 [hbm4b:s20+s21], $0x80, $0x38;
	[tilespmem:$0x17980] =	vst v63  }
0x6f: {  	_ =	swait.ge @!p2 [sflag:s23], $0x80;
	p2 =	por p2, p2  }
0x70: {  	[sflag:s23] =	ssyncset.done @!p2 $0x0;
	s20 =	simm.s32 @!p2 $0x80  }
0x71: {  	s21 =	simm.s32 @!p2 $0x13980;
	[sflag:s23] =	ssyncadd.s32 @!p2 $0xFFFFFF80;
	s23 =	simm.s32 @!p2 $0x1  }
0x72: {  	[tilespmem:s21], [sflag:$0x1] =	stream.indirect.gather @!p2 [hbm4b:s4+s20], $0x80, s22, s20, $0xb8;
	[tilespmem:$0x17980] =	vst v63  }
0x73: {  	_ =	swait.ge @!p2 [sflag:s23], $0x4000  }
0x74: {  	[sflag:s23] =	ssyncset.done @!p2 $0x0  }
0x75: {  	[sflag:s23] =	ssyncadd.s32 @!p2 $0xFFFFC000  }
0x76: {  	[spmem:s1] =	stream.indirect.scatter.add.f32 @!p2 [tilespmem:s21], [sflag:$0x2], $0x80, s24, s20, $0xb8;
	[tilespmem:$0x17980] =	vst v63  }
0x77: {  	s22 =	simm.s32 $0x200;
	s23 =	simm.s32 @!p2 $0x2;
	s21 =	sadd.s32 $0x10, s2  }
0x78: {  	s20 =	simm.s32 $0x100;
	p3 =	sgt.u32 s21, $0x9C3;
	_ =	swait.ge @!p2 [sflag:s23], $0x4000  }
.LBB2_3:
0x79: {  	s24 =	sadd.s32 @!p3 s20, s16;
	s25 =	simm.s32 @!p3 $0x0;
	[sflag:s23] =	ssyncset.done @!p2 $0x0  }
0x7a: {  	s26 =	simm.s32 @!p3 $0x13880;
	s28 =	simm.s32 @!p3 $0x3;
	[sflag:s23] =	ssyncadd.s32 @!p2 $0xFFFFC000  }
0x7b: {  	[tilespmem:s26], [sflag:$0x3] =	stream.linear.gather @!p3 [hbm4b:s24+s25], $0x80, $0x38;
	[tilespmem:$0x17980] =	vst v63  }
0x7c: {  	s23 =	smov.u32 s22;
	s22 =	sadd.s32 $0x100, s22;
	_ =	swait.ge @!p3 [sflag:s28], $0x80  }
0x7d: {  	s29 =	simm.s32 @!p3 $0x13900;
	s24 =	sadd.s32 @!p3 s20, s15;
	[sflag:s28] =	ssyncset.done @!p3 $0x0  }
0x7e: {  	p4 =	sne.s32 s22, $0x9D00;
	s20 =	smov.u32 s23;
	[sflag:s28] =	ssyncadd.s32 @!p3 $0xFFFFFF80  }
0x7f: {  	[tilespmem:s29], [sflag:$0x3] =	stream.linear.gather @!p3 [hbm4b:s24+s25], $0x80, $0x38;
	[tilespmem:$0x17980] =	vst v63  }
0x80: {  	p2 =	por p3, p3;
	_ =	swait.ge @!p3 [sflag:s28], $0x80  }
0x81: {  	s24 =	simm.s32 @!p2 $0x80;
	s25 =	simm.s32 @!p2 $0x13980;
	[sflag:s28] =	ssyncset.done @!p2 $0x0  }
0x82: {  	s23 =	simm.s32 @!p2 $0x1;
	[sflag:s28] =	ssyncadd.s32 @!p2 $0xFFFFFF80  }
0x83: {  	[tilespmem:s25], [sflag:$0x1] =	stream.indirect.gather @!p2 [hbm4b:s4+s24], $0x80, s26, s24, $0xb8;
	[tilespmem:$0x17980] =	vst v63  }
.Ltmp5:
0x84: {  	_ =	swait.ge @!p2 [sflag:s23], $0x4000;
	(pc) =	sbr.rel @p4 .LBB2_3-.Ltmp5, $4  }
0x85: {  	[sflag:s23] =	ssyncset.done @!p2 $0x0  }
0x86: {  	s21 =	sadd.s32 $0x10, s21;
	[sflag:s23] =	ssyncadd.s32 @!p2 $0xFFFFC000;
	s23 =	simm.s32 @!p2 $0x2  }
0x87: {  	[spmem:s1] =	stream.indirect.scatter.add.f32 @!p2 [tilespmem:s25], [sflag:$0x2], $0x80, s29, s24, $0xb8;
	[tilespmem:$0x17980] =	vst v63  }
0x88: {  	p3 =	sgt.u32 s21, $0x9C3;
	_ =	swait.ge @!p2 [sflag:s23], $0x4000  }
0x89: {  	s21 =	sadd.s32 @!p3 s20, s16;
	s22 =	simm.s32 @!p3 $0x0;
	[sflag:s23] =	ssyncset.done @!p2 $0x0  }
0x8a: {  	s24 =	simm.s32 @!p3 $0x13880;
	s25 =	simm.s32 @!p3 $0x3;
	[sflag:s23] =	ssyncadd.s32 @!p2 $0xFFFFC000  }
0x8b: {  	[tilespmem:s24], [sflag:$0x3] =	stream.linear.gather @!p3 [hbm4b:s21+s22], $0x80, $0x38;
	[tilespmem:$0x17980] =	vst v63  }
0x8c: {  	_ =	swait.ge @!p3 [sflag:s25], $0x80  }
0x8d: {  	[sflag:s25] =	ssyncset.done @!p3 $0x0  }
0x8e: {  	s20 =	sadd.s32 @!p3 s20, s15;
	s21 =	simm.s32 @!p3 $0x13900;
	[sflag:s25] =	ssyncadd.s32 @!p3 $0xFFFFFF80  }
0x8f: {  	[tilespmem:s21], [sflag:$0x3] =	stream.linear.gather @!p3 [hbm4b:s20+s22], $0x80, $0x38;
	[tilespmem:$0x17980] =	vst v63  }
0x90: {  	p2 =	por p3, p3;
	_ =	swait.ge @!p3 [sflag:s25], $0x80  }
0x91: {  	s23 =	simm.s32 @!p2 $0x1;
	[sflag:s25] =	ssyncset.done @!p2 $0x0  }
0x92: {  	s20 =	simm.s32 @!p2 $0x80;
	s22 =	simm.s32 @!p2 $0x13980;
	[sflag:s25] =	ssyncadd.s32 @!p2 $0xFFFFFF80  }
0x93: {  	[tilespmem:s22], [sflag:$0x1] =	stream.indirect.gather @!p2 [hbm4b:s4+s20], $0x80, s24, s20, $0xb8;
	[tilespmem:$0x17980] =	vst v63  }
0x94: {  	_ =	swait.ge @!p2 [sflag:s23], $0x4000  }
0x95: {  	[sflag:s23] =	ssyncset.done @!p2 $0x0  }
0x96: {  	[sflag:s23] =	ssyncadd.s32 @!p2 $0xFFFFC000;
	s23 =	simm.s32 @!p2 $0x2  }
0x97: {  	[spmem:s1] =	stream.indirect.scatter.add.f32 @!p2 [tilespmem:s22], [sflag:$0x2], $0x80, s21, s20, $0xb8;
	[tilespmem:$0x17980] =	vst v63  }
0x98: {  	_ =	swait.ge @!p2 [sflag:s23], $0x4000  }
0x99: {  	[sflag:s23] =	ssyncset.done @!p2 $0x0  }
0x9a: {  	[sflag:s23] =	ssyncadd.s32 @!p2 $0xFFFFC000  }
0x9b: {  	s20 =	simm.s32 @p1 $0x1FC2;
	[bflag:$0x0] =	sbarrier.arrive $0xFFFF  }
0x9c: {  	[hbm:s9], [sflag:s20] =	dma.local @p1 [spmem:s17], $0x1900  }
0x9d: {  	s20 =	simm.s32 @p1 $0x2  }
0x9e: {  	_ =	swait.ge @p1 [sflag:s20], $0x1900  }
0x9f: {  	[sflag:s20] =	ssyncset.done @p1 $0x0  }
.Ltmp6:
0xa0: {  	[sflag:s20] =	ssyncadd.s32 @p1 $0xFFFFE700;
	s20 =	simm.s32 @!p1 $0x2;
	(pc) =	sbr.rel .LBB2_8-.Ltmp6, $4  }
0xa1: {  	[hbm:s8], [sflag:s18] =	dma.local @!p1 [spmem:s19], $0x2800  }
0xa2: {  	_ =	swait.ge @!p1 [sflag:s20], $0x2800  }
0xa3: {  	[sflag:s20] =	ssyncset.done @!p1 $0x0  }
0xa4: {  	[sflag:s20] =	ssyncadd.s32 @!p1 $0xFFFFD800  }
.LBB2_9:
0xa5: {  	_ =	sfence.sel $0x180000  }
0xa6: {  	[bflag:$0x0] =	sbarrier.arrive $0xFFFF  }
0xa7: {  	p0 =	sne.s32 s2, $0x0;
	_ =	strace $0x90000050  }
0xa8: {  	s0 =	sadd.s32 @!p0 $0x100000, s0;
	[bflag:$0x2] =	sbarrier.arrive $0xFFFF  }
0xa9: {  	[sflag:s0] =	ssyncadd.tile.s32 @!p0 $0x1;
	_ =	shalt  }
.Lfunc_end2:
_tile_overlayer_lowered:
.L_overlay_start_2:
0xaa: {  	(tag) =	ssettag $0x2  }
0xab: {  	s0 =	rddreg [dreg:$0x0];
	s2 =	stileid.u32  }
0xac: {  	s1 =	rddreg [dreg:$0x1];
	p0 =	sne.s32 s2, $0x0  }
0xad: {  	s3 =	rddreg [dreg:$0x2];
	[bflag:$0x3] =	sbarrier.arrive $0xFFFF;
	s2 =	simm.s32 @!p0 $0x1C02  }
0xae: {  	[timem:s3], [sflag:s2] =	dma.local @!p0 [hbm:s0], s1  }
0xaf: {  	s0 =	simm.s32 @!p0 $0x2  }
0xb0: {  	_ =	swait.ge @!p0 [sflag:s0], s1  }
0xb1: {  	s1 =	ssub.s32 @!p0 $0x0, s1;
	[sflag:s0] =	ssyncset.done @!p0 $0x0  }
0xb2: {  	[sflag:s0] =	ssyncadd.s32 @!p0 s1  }
0xb3: {  	[bflag:$0x3] =	sbarrier.arrive $0xFFFF  }
0xb4: {  	_ =	shalt  }

// kernel: kernel.23.cloned.1.call-start
scs
__scs_entry_jumppad:
0x0: {  	(pc) =	sbr.rel $0x88, $3  }
0x1: {  	(tag) =	ssettag $0x0;
	lr =	simm.s32 $0x1  }
0x2: {  	[smem:$0x3F95] =	sst lr;
	_ =	strace $0xD0000000  }
0x3: {  	_ = 	snop  }
0x4: {  	_ = 	snop  }
0x5: {  	_ = 	snop  }
0x6: {  	_ = 	snop  }
0x7: {  	_ = 	snop  }
__scs_overlays_trampoline_lowered:
0x8: {  	[smem:$0x3FA4] =	sst s0  }
0x9: {  	[smem:$0x3FA5] =	sst s1  }
0xa: {  	[smem:$0x3FA6] =	sst s2  }
0xb: {  	[smem:$0x3FA7] =	sst s3  }
0xc: {  	[smem:$0x3FA8] =	sst s4  }
0xd: {  	[smem:$0x3FA9] =	sst s5  }
0xe: {  	[smem:$0x3FAA] =	sst s6  }
0xf: {  	[smem:$0x3FAB] =	sst s7  }
0x10: {  	[smem:$0x3FAC] =	sst s8  }
0x11: {  	[smem:$0x3FAD] =	sst s9;
	s0 =	simm.s32 @!p0 $0x0  }
0x12: {  	s1 =	sld [smem:$0x3F93];
	s0 =	simm.s32 @p0 $0x1  }
0x13: {  	[smem:$0x3FAE] =	sst s0;
	s0 =	simm.s32 @!p1 $0x0  }
0x14: {  	s2 =	sld [smem:$0x3F92];
	s0 =	simm.s32 @p1 $0x1  }
0x15: {  	[smem:$0x3FAF] =	sst s0;
	s0 =	simm.s32 @!p2 $0x0  }
0x16: {  	s3 =	sld [smem:$0x3FDB];
	s0 =	simm.s32 @p2 $0x1  }
0x17: {  	s4 =	simm.s32 $0x1BF5;
	[smem:$0x3FB1] =	sst s0  }
0x18: {  	s0 =	sld [smem:$0x3F94];
	_ =	swait.ge [sflag:s4], $0x0  }
0x19: {  	s7 =	sld [smem:$0x3F95]  }
0x1a: {  	s8 =	sadd.s32 $0xFFFFE003, lr  }
0x1b: {  	s9 =	sadd.s32 $0xFFFFFEF7, lr;
	s5 =	simm.s32 $0xFFFFFFFF;
	p2 =	slt.u32 s8, $0xFFFFF086  }
0x1c: {  	p1 =	slt.u32 s9, $0xF7A;
	s5 =	simm.s32 @!p2 $0x0  }
0x1d: {  	s5 =	simm.s32 @p1 $0x1;
	p0 =	seq.s32 s7, s2  }
0x1e: {  	s7 =	smul.u32 @!p0 $0xF7A, s2;
	p2 =	seq.s32 @!p0 s5, $0x0  }
0x1f: {  	s9 =	smul.u32 $0xF7A, s1;
	s8 =	simm.s32 @!p0 $0x1BF5;
	p2 =	por !p2, p0  }
0x20: {  	[sflag:s8] =	ssyncset.s32 @!p0 $0xFFFFF086;
	s6 =	sadd.s32 @!p0 s3, s7;
	s7 =	simm.s32 @!p0 $0x108  }
0x21: {  	s3 =	sadd.s32 s3, s9;
	s6 =	sadd.s32 @!p0 $0x88, s6;
	s7 =	simm.s32 @p2 $0x1082  }
0x22: {  	[simem:s7], [sflag:s8] =	dma.local @!p0 [hbm:s6], $0xF7A  }
0x23: {  	s9 =	sor.u32 $0xD0000000, s2;
	s6 =	simm.s32 $0x108;
	_ =	swait.ge @!p0 [sflag:s8], $0x0  }
0x24: {  	s3 =	sadd.s32 $0x88, s3;
	s6 =	simm.s32 @!p1 $0x1082;
	[sflag:s4] =	ssyncset.s32 $0xFFFFF086  }
0x25: {  	[simem:s6], [sflag:s4] =	dma.local [hbm:s3], $0xF7A  }
0x26: {  	[smem:$0x3F95] =	sst s1;
	(tag) =	ssettag s2;
	_ =	strace s9  }
0x27: {  	s1 =	sld [smem:$0x3FA5]  }
0x28: {  	s2 =	sld [smem:$0x3FA6]  }
0x29: {  	s4 =	sld [smem:$0x3FA8]  }
0x2a: {  	p0 =	seq.s32 s5, $0x0;
	s5 =	sld [smem:$0x3FA9]  }
0x2b: {  	s6 =	sld [smem:$0x3FAA]  }
0x2c: {  	s7 =	sld [smem:$0x3FAB]  }
0x2d: {  	s3 =	simm.s32 $0x108;
	s8 =	sld [smem:$0x3FAC]  }
0x2e: {  	s3 =	simm.s32 @!p0 $0x1082;
	s9 =	sld [smem:$0x3FAD]  }
0x2f: {  	lr =	sadd.s32 s0, s3;
	s0 =	sld [smem:$0x3FA4]  }
0x30: {  	s3 =	sld [smem:$0x3FA7]  }
0x31: {  	[smem:$0x3FB0] =	sst s10  }
0x32: {  	s10 =	sld [smem:$0x3FAE];
	_ =	sdelay $0x3  }
0x33: {  	p0 =	seq.s32 s10, $0x1;
	s10 =	sld [smem:$0x3FB0];
	_ =	sdelay $0x3  }
0x34: {  	[smem:$0x3FB0] =	sst s10  }
0x35: {  	s10 =	sld [smem:$0x3FAF];
	_ =	sdelay $0x3  }
0x36: {  	p1 =	seq.s32 s10, $0x1;
	s10 =	sld [smem:$0x3FB0];
	_ =	sdelay $0x3  }
0x37: {  	[smem:$0x3FB0] =	sst s10  }
0x38: {  	s10 =	sld [smem:$0x3FB1]  }
0x39: {  	_ = 	snop;
	(pc) =	sbr.ind lr, $3  }
0x3a: {  	_ = 	snop  }
0x3b: {  	_ = 	snop  }
0x3c: {  	p2 =	seq.s32 s10, $0x1;
	s10 =	sld [smem:$0x3FB0]  }
0x3d: {  	_ =	shalt  }
0x3e: {  	_ =	shalt  }
0x3f: {  	_ =	shalt  }
0x40: {  	_ =	shalt  }
0x41: {  	_ =	shalt  }
0x42: {  	_ =	shalt  }
0x43: {  	_ =	shalt  }
0x44: {  	_ =	shalt  }
0x45: {  	_ =	shalt  }
0x46: {  	_ =	shalt  }
0x47: {  	_ =	shalt  }
0x48: {  	_ =	shalt  }
0x49: {  	_ =	shalt  }
0x4a: {  	_ =	shalt  }
0x4b: {  	_ =	shalt  }
0x4c: {  	_ =	shalt  }
0x4d: {  	_ =	shalt  }
0x4e: {  	_ =	shalt  }
0x4f: {  	_ =	shalt  }
0x50: {  	_ =	shalt  }
0x51: {  	_ =	shalt  }
0x52: {  	_ =	shalt  }
0x53: {  	_ =	shalt  }
0x54: {  	_ =	shalt  }
0x55: {  	_ =	shalt  }
0x56: {  	_ =	shalt  }
0x57: {  	_ =	shalt  }
0x58: {  	_ =	shalt  }
0x59: {  	_ =	shalt  }
0x5a: {  	_ =	shalt  }
0x5b: {  	_ =	shalt  }
0x5c: {  	_ =	shalt  }
0x5d: {  	_ =	shalt  }
0x5e: {  	_ =	shalt  }
0x5f: {  	_ =	shalt  }
0x60: {  	_ =	shalt  }
0x61: {  	_ =	shalt  }
0x62: {  	_ =	shalt  }
0x63: {  	_ =	shalt  }
0x64: {  	_ =	shalt  }
0x65: {  	_ =	shalt  }
0x66: {  	_ =	shalt  }
0x67: {  	_ =	shalt  }
0x68: {  	_ =	shalt  }
0x69: {  	_ =	shalt  }
0x6a: {  	_ =	shalt  }
0x6b: {  	_ =	shalt  }
0x6c: {  	_ =	shalt  }
0x6d: {  	_ =	shalt  }
0x6e: {  	_ =	shalt  }
0x6f: {  	_ =	shalt  }
0x70: {  	_ =	shalt  }
0x71: {  	_ =	shalt  }
0x72: {  	_ =	shalt  }
0x73: {  	_ =	shalt  }
0x74: {  	_ =	shalt  }
0x75: {  	_ =	shalt  }
0x76: {  	_ =	shalt  }
0x77: {  	_ =	shalt  }
0x78: {  	_ =	shalt  }
0x79: {  	_ =	shalt  }
0x7a: {  	_ =	shalt  }
0x7b: {  	_ =	shalt  }
0x7c: {  	_ =	shalt  }
0x7d: {  	_ =	shalt  }
0x7e: {  	_ =	shalt  }
0x7f: {  	_ =	shalt  }
0x80: {  	_ =	shalt  }
0x81: {  	_ =	shalt  }
0x82: {  	_ =	shalt  }
0x83: {  	_ =	shalt  }
0x84: {  	_ =	shalt  }
0x85: {  	_ =	shalt  }
0x86: {  	_ =	shalt  }
0x87: {  	_ =	shalt  }
.Lfunc_end0:
.L_simem_size_0:
called_computation.4_lowered:
.L_overlay_start_0:
0x88: {  	s2 =	sld [smem:$0x3FD9]  }
0x89: {  	s3 =	sld [smem:$0x3FFE];
	_ =	sdelay $0x1  }
0x8a: {  	s1 =	srdreg.scid  }
0x8b: {  	s0 =	sand.u32 $0x1, s1  }
0x8c: {  	s17 =	sshll.u32 s0, $0xA;
	s2 =	sadd.s32 s3, s2  }
0x8d: {  	s2 =	sadd.s32 s2, s17  }
0x8e: {  	[smem:$0x3FBC] =	sst s2  }
0x8f: {  	_ = 	snop  }
0x90: {  	s2 =	sld [smem:$0x3FD0];
	(tm) =	ssettm $0x1  }
0x91: {  	s18 =	sld [smem:$0x3FFB];
	_ =	sdelay $0x3  }
0x92: {  	_ =	strace s18  }
0x93: {  	s3 =	sld [smem:$0x3FFC];
	_ =	sdelay $0x3  }
0x94: {  	_ =	strace s3  }
0x95: {  	s3 =	sld [smem:$0x3FFD];
	_ =	sdelay $0x3  }
0x96: {  	_ =	strace s3  }
0x97: {  	_ =	strace $0x8FFFFFFF  }
0x98: {  	s19 =	sld [smem:$0x3FDB];
	_ =	sdelay $0x1  }
0x99: {  	s4 =	simm.s32 $_scs_section_size  }
0x9a: {  	s5 =	simm.s32 $_size__tile_overlayer_lowered;
	s6 =	simm.s32 $_tile_overlayer_lowered  }
0x9b: {  	s22 =	simm.s32 $0x1BFF;
	s21 =	sshll.u32 s6, $0x1;
	s3 =	sadd.s32 s4, s19  }
0x9c: {  	s7 =	simm.s32 $0x0;
	s20 =	sshll.u32 s5, $0x1;
	s5 =	sadd.s32 s21, s3  }
0x9d: {  	[timem:s7], [sflag:s22] =	dma.local [hbm:s5], s20  }
0x9e: {  	_ =	swait.ge [sflag:s22], s20  }
0x9f: {  	s4 =	ssub.s32 $0x0, s20;
	[sflag:s22] =	ssyncset.done $0x0  }
0xa0: {  	[sflag:s22] =	ssyncadd.s32 s4;
	_ =	sdelay $0x1  }
0xa1: {  	s23 =	simm.s32 $0x1B8B  }
0xa2: {  	_ =	swait.ge [sflag:s23], $0x1  }
0xa3: {  	[sflag:s23] =	ssyncset.done $0x0  }
0xa4: {  	s25 =	simm.s32 $0x1B8E;
	s24 =	sld [smem:$0x3FFE];
	[sflag:s23] =	ssyncadd.s32 $0xFFFFFFFF  }
0xa5: {  	s26 =	simm.s32 $execute0_lowered;
	[smem:$0x3FD2] =	sst s25  }
0xa6: {  	s5 =	sshll.u32 s26, $0x1;
	_ =	strace $0x80000052;
	[dreg:$0x1] =	wrdreg $0xFFFFFFFF  }
0xa7: {  	s28 =	simm.s32 $_size_execute0_lowered;
	s3 =	sadd.s32 s3, s5;
	[dreg:$0x0] =	wrdreg $0x0  }
0xa8: {  	s5 =	sshll.u32 s28, $0x1;
	[dreg:$0x2] =	wrdreg s3  }
0xa9: {  	[dreg:$0x3] =	wrdreg s5  }
0xaa: {  	[dreg:$0x4] =	wrdreg $0xC0  }
0xab: {  	_ =	task [dreg:s7], $0x5FFFF  }
0xac: {  	[dreg:$0x1] =	wrdreg $0xFFFFFFFF  }
0xad: {  	[dreg:$0x0] =	wrdreg $0x60  }
0xae: {  	[dreg:$0x2] =	wrdreg s24  }
0xaf: {  	[dreg:$0x3] =	wrdreg s2  }
0xb0: {  	[dreg:$0x4] =	wrdreg $0x0  }
0xb1: {  	[dreg:$0x5] =	wrdreg $0x9  }
0xb2: {  	_ =	task.clear_ibuf [dreg:s7], $0x6FFFF;
	_ =	strace $0x90000052  }
0xb3: {  	s29 =	simm.s32 $0x9;
	_ =	strace $0x80000054  }
0xb4: {  	_ =	swait.ge [sflag:s29], $0x1  }
0xb5: {  	[sflag:s29] =	ssyncadd.s32 $0xFFFFFFFF  }
0xb6: {  	_ =	strace $0x90000054  }
0xb7: {  	_ =	sfence  }
0xb8: {  	s30 =	sld [smem:$0x0];
	_ =	sdelay $0x2  }
0xb9: {  	s31 =	sshll.u32 s1, $0xD;
	s1 =	sshrl.u32 s1, $0x2  }
0xba: {  	s3 =	sand.u32 $0x4000, s31;
	s1 =	sadd.s32 s1, s30  }
0xbb: {  	s0 =	sor.u32 s3, s0;
	s1 =	sshll.u32 s1, $0x11  }
0xbc: {  	s0 =	sor.u32 s1, s0  }
0xbd: {  	s0 =	sadd.s32 $0x8F2B, s0  }
0xbe: {  	[sflag:s0] =	ssyncadd.remote.s32 $0x1  }
0xbf: {  	_ =	sfence.sel $0xFFFF  }
0xc0: {  	[dreg:$0x0] =	wrdreg $0xFFFFFFFF;
	(pc) =	sbr.abs _section_cstart, $3  }
0xc1: {  	[dreg:$0x1] =	wrdreg $0xFFFFFFFF  }
0xc2: {  	_ =	task.clear_ibuf [dreg:s7], $0x2FFFF;
	_ =	strace $0x9FFFFFFF  }
0xc3: {  	(tm) =	ssettm $0x7FFFFFFF  }
tec
execute0_lowered:
.L_overlay_start_1:
0x0: {  	(tag) =	ssettag $0x1  }
0x1: {  	s6 =	rddreg [dreg:$0x0]  }
0x2: {  	s10 =	rddreg [dreg:$0x1]  }
0x3: {  	s2 =	rddreg [dreg:$0x2];
	s1 =	stileid.u32  }
0x4: {  	s0 =	rddreg [dreg:$0x3];
	s3 =	simm.s32 $0x0;
	s4 =	srdreg.scid  }
0x5: {  	s15 =	simm.s32 $0x2;
	s16 =	simm.s32 $0x900;
	s18 =	simm.s32 $0x680  }
0x6: {  	s19 =	simm.s32 $0x0;
	s7 =	smul.u32 $0x280, s1;
	[smem:$0x7FF] =	sst s3  }
0x7: {  	s17 =	sand.u32 $0x1, s4;
	s4 =	sadd.s32 $0x17800, s6;
	s5 =	sadd.s32 $0x17E00, s6  }
0x8: {  	s12 =	sshll.u32 s1, $0x4;
	s31 =	sshll.u32 s1, $0x6;
	_ =	strace $0x80000053  }
0x9: {  	s8 =	ssub.s32 $0x2, s17;
	s14 =	sadd.s32 s12, s6;
	p0 =	sne.s32 s17, $0x0  }
.Ltmp0:
0xa: {  	s17 =	simm.s32 $0x400;
	s11 =	sshrl.u32 s7, $0x3;
	(pc) =	sbr.rel .LBB2_1-.Ltmp0, $4  }
0xb: {  	s13 =	sshrl.u32 s8, $0x1;
	s12 =	sadd.s32 $0xD400, s14;
	s9 =	sadd.s32 s11, s6  }
0xc: {  	s30 =	ssub.s32 s8, s13;
	s6 =	sadd.s32 s7, s2;
	s7 =	sadd.s32 s4, s11  }
0xd: {  	s8 =	sor.u32 $0x1C02, s31;
	s10 =	sadd.s32 s10, s11;
	s13 =	sadd.s32 $0x3600, s14  }
0xe: {  	s9 =	sadd.s32 $0x17200, s9;
	s11 =	smax.u32 s30, $0x1;
	s14 =	sshrl.u32 s6, $0x3  }
.LBB2_5:
0xf: {  	s19 =	sadd.s32 $0x1, s19  }
0x10: {  	p1 =	sne.s32 s19, s11  }
.Ltmp1:
0x11: {  	_ = 	snop;
	(pc) =	sbr.rel @!p1 .LBB2_6-.Ltmp1, $1  }
0x12: {  	_ =	sdelay $0x3  }
.LBB2_1:
0x13: {  	[spmem:s14], [sflag:s8] =	dma.local [hbm:s7], $0x50  }
0x14: {  	_ =	swait.ge [sflag:s15], $0x50  }
0x15: {  	[sflag:s15] =	ssyncset.done $0x0  }
0x16: {  	[sflag:s15] =	ssyncadd.s32 $0xFFFFFFB0  }
0x17: {  	[tilespmem:s16], [sflag:$0x2] =	stream.linear.gather [hbm4b:s5+s3], $0x80, $0x38;
	[tilespmem:$0x980] =	vst v63  }
0x18: {  	_ =	swait.ge [sflag:s15], $0x80  }
0x19: {  	p1 =	sgt.u32 s1, $0x9C3;
	[sflag:s15] =	ssyncset.done $0x0  }
0x1a: {  	s20 =	sadd.s32 @!p1 $0x0, s13;
	s21 =	simm.s32 @!p1 $0x0;
	[sflag:s15] =	ssyncadd.s32 $0xFFFFFF80  }
0x1b: {  	s22 =	simm.s32 @!p1 $0x280;
	s23 =	simm.s32 @!p1 $0x3;
	[bflag:$0x0] =	sbarrier.arrive $0xFFFF  }
0x1c: {  	[tilespmem:s22], [sflag:$0x3] =	stream.linear.gather @!p1 [hbm4b:s20+s21], $0x80, $0x38;
	[tilespmem:$0x980] =	vst v63  }
0x1d: {  	_ =	swait.ge @!p1 [sflag:s23], $0x80  }
0x1e: {  	[sflag:s23] =	ssyncset.done @!p1 $0x0  }
0x1f: {  	s24 =	simm.s32 @!p1 $0x300;
	s20 =	sadd.s32 @!p1 $0x0, s12;
	[sflag:s23] =	ssyncadd.s32 @!p1 $0xFFFFFF80  }
0x20: {  	[tilespmem:s24], [sflag:$0x3] =	stream.linear.gather @!p1 [hbm4b:s20+s21], $0x80, $0x38;
	[tilespmem:$0x980] =	vst v63  }
0x21: {  	_ =	swait.ge @!p1 [sflag:s23], $0x80;
	p1 =	por p1, p1  }
0x22: {  	[sflag:s23] =	ssyncset.done @!p1 $0x0;
	s20 =	simm.s32 @!p1 $0x80  }
0x23: {  	s21 =	simm.s32 @!p1 $0x380;
	[sflag:s23] =	ssyncadd.s32 @!p1 $0xFFFFFF80;
	s23 =	simm.s32 @!p1 $0x1  }
0x24: {  	[tilespmem:s21], [sflag:$0x1] =	stream.indirect.gather @!p1 [hbm4b:s4+s20], $0x1, s22, s20, $0xb8;
	[tilespmem:$0x980] =	vst v63  }
0x25: {  	_ =	swait.ge @!p1 [sflag:s23], $0x80  }
0x26: {  	[sflag:s23] =	ssyncset.done @!p1 $0x0  }
0x27: {  	[sflag:s23] =	ssyncadd.s32 @!p1 $0xFFFFFF80  }
0x28: {  	[spmem:s2] =	stream.indirect.scatter.add.f32 @!p1 [tilespmem:s21], [sflag:$0x2], $0x1, s24, s20, $0xb8;
	[tilespmem:$0x980] =	vst v63  }
0x29: {  	s22 =	simm.s32 $0x200;
	s23 =	simm.s32 @!p1 $0x2;
	s21 =	sadd.s32 $0x10, s1  }
0x2a: {  	s20 =	simm.s32 $0x100;
	p2 =	sgt.u32 s21, $0x9C3;
	_ =	swait.ge @!p1 [sflag:s23], $0x80  }
.LBB2_2:
0x2b: {  	s24 =	sadd.s32 @!p2 s20, s13;
	s25 =	simm.s32 @!p2 $0x0;
	[sflag:s23] =	ssyncset.done @!p1 $0x0  }
0x2c: {  	s26 =	simm.s32 @!p2 $0x280;
	s28 =	simm.s32 @!p2 $0x3;
	[sflag:s23] =	ssyncadd.s32 @!p1 $0xFFFFFF80  }
0x2d: {  	[tilespmem:s26], [sflag:$0x3] =	stream.linear.gather @!p2 [hbm4b:s24+s25], $0x80, $0x38;
	[tilespmem:$0x980] =	vst v63  }
0x2e: {  	s23 =	smov.u32 s22;
	s22 =	sadd.s32 $0x100, s22;
	_ =	swait.ge @!p2 [sflag:s28], $0x80  }
0x2f: {  	s29 =	simm.s32 @!p2 $0x300;
	s24 =	sadd.s32 @!p2 s20, s12;
	[sflag:s28] =	ssyncset.done @!p2 $0x0  }
0x30: {  	p3 =	sne.s32 s22, $0x9D00;
	s20 =	smov.u32 s23;
	[sflag:s28] =	ssyncadd.s32 @!p2 $0xFFFFFF80  }
0x31: {  	[tilespmem:s29], [sflag:$0x3] =	stream.linear.gather @!p2 [hbm4b:s24+s25], $0x80, $0x38;
	[tilespmem:$0x980] =	vst v63  }
0x32: {  	p1 =	por p2, p2;
	_ =	swait.ge @!p2 [sflag:s28], $0x80  }
0x33: {  	s24 =	simm.s32 @!p1 $0x80;
	s25 =	simm.s32 @!p1 $0x380;
	[sflag:s28] =	ssyncset.done @!p1 $0x0  }
0x34: {  	s23 =	simm.s32 @!p1 $0x1;
	[sflag:s28] =	ssyncadd.s32 @!p1 $0xFFFFFF80  }
0x35: {  	[tilespmem:s25], [sflag:$0x1] =	stream.indirect.gather @!p1 [hbm4b:s4+s24], $0x1, s26, s24, $0xb8;
	[tilespmem:$0x980] =	vst v63  }
.Ltmp2:
0x36: {  	_ =	swait.ge @!p1 [sflag:s23], $0x80;
	(pc) =	sbr.rel @p3 .LBB2_2-.Ltmp2, $4  }
0x37: {  	[sflag:s23] =	ssyncset.done @!p1 $0x0  }
0x38: {  	s21 =	sadd.s32 $0x10, s21;
	[sflag:s23] =	ssyncadd.s32 @!p1 $0xFFFFFF80;
	s23 =	simm.s32 @!p1 $0x2  }
0x39: {  	[spmem:s2] =	stream.indirect.scatter.add.f32 @!p1 [tilespmem:s25], [sflag:$0x2], $0x1, s29, s24, $0xb8;
	[tilespmem:$0x980] =	vst v63  }
0x3a: {  	p2 =	sgt.u32 s21, $0x9C3;
	_ =	swait.ge @!p1 [sflag:s23], $0x80  }
0x3b: {  	s21 =	sadd.s32 @!p2 s20, s13;
	s22 =	simm.s32 @!p2 $0x0;
	[sflag:s23] =	ssyncset.done @!p1 $0x0  }
0x3c: {  	s24 =	simm.s32 @!p2 $0x280;
	s25 =	simm.s32 @!p2 $0x3;
	[sflag:s23] =	ssyncadd.s32 @!p1 $0xFFFFFF80  }
0x3d: {  	[tilespmem:s24], [sflag:$0x3] =	stream.linear.gather @!p2 [hbm4b:s21+s22], $0x80, $0x38;
	[tilespmem:$0x980] =	vst v63  }
0x3e: {  	_ =	swait.ge @!p2 [sflag:s25], $0x80  }
0x3f: {  	[sflag:s25] =	ssyncset.done @!p2 $0x0  }
0x40: {  	s20 =	sadd.s32 @!p2 s20, s12;
	s21 =	simm.s32 @!p2 $0x300;
	[sflag:s25] =	ssyncadd.s32 @!p2 $0xFFFFFF80  }
0x41: {  	[tilespmem:s21], [sflag:$0x3] =	stream.linear.gather @!p2 [hbm4b:s20+s22], $0x80, $0x38;
	[tilespmem:$0x980] =	vst v63  }
0x42: {  	p1 =	por p2, p2;
	_ =	swait.ge @!p2 [sflag:s25], $0x80  }
0x43: {  	s23 =	simm.s32 @!p1 $0x1;
	[sflag:s25] =	ssyncset.done @!p1 $0x0  }
0x44: {  	s20 =	simm.s32 @!p1 $0x80;
	s22 =	simm.s32 @!p1 $0x380;
	[sflag:s25] =	ssyncadd.s32 @!p1 $0xFFFFFF80  }
0x45: {  	[tilespmem:s22], [sflag:$0x1] =	stream.indirect.gather @!p1 [hbm4b:s4+s20], $0x1, s24, s20, $0xb8;
	[tilespmem:$0x980] =	vst v63  }
0x46: {  	_ =	swait.ge @!p1 [sflag:s23], $0x80  }
0x47: {  	[sflag:s23] =	ssyncset.done @!p1 $0x0  }
0x48: {  	[sflag:s23] =	ssyncadd.s32 @!p1 $0xFFFFFF80;
	s23 =	simm.s32 @!p1 $0x2  }
0x49: {  	[spmem:s2] =	stream.indirect.scatter.add.f32 @!p1 [tilespmem:s22], [sflag:$0x2], $0x1, s21, s20, $0xb8;
	[tilespmem:$0x980] =	vst v63  }
.Ltmp3:
0x4a: {  	_ =	swait.ge @!p1 [sflag:s23], $0x80;
	(pc) =	sbr.rel @p0 .LBB2_5-.Ltmp3, $3  }
0x4b: {  	[sflag:s23] =	ssyncset.done @!p1 $0x0  }
0x4c: {  	[sflag:s23] =	ssyncadd.s32 @!p1 $0xFFFFFF80  }
0x4d: {  	[bflag:$0x0] =	sbarrier.arrive $0xFFFF;
	_ =	sdelay $0x1  }
0x4e: {  	[tilespmem:s17], [sflag:$0x2] =	stream.linear.gather [spmem:s6], $0x280, $0x38;
	[tilespmem:$0x980] =	vst v63  }
0x4f: {  	_ =	swait.ge [sflag:s15], $0x280  }
0x50: {  	[sflag:s15] =	ssyncset.done $0x0  }
0x51: {  	[sflag:s15] =	ssyncadd.s32 $0xFFFFFD80  }
0x52: {  	[tilespmem:s18], [sflag:$0x2] =	stream.linear.gather [hbm4b:s9+s3], $0x280, $0x38;
	[tilespmem:$0x980] =	vst v63  }
0x53: {  	_ =	swait.ge [sflag:s15], $0x280  }
0x54: {  	[sflag:s15] =	ssyncset.done $0x0  }
0x55: {  	[sflag:s15] =	ssyncadd.s32 $0xFFFFFD80  }
0x56: {  	v1 =	vld [tilespmem:$0x400]  }
0x57: {  	v2 =	vld [tilespmem:$0x680];
	_ =	sdelay $0x1  }
0x58: {  	v0 =	vld [tilespmem:$0x900];
	_ =	sdelay $0x2  }
0x59: {  	v1 =	vmul.f32 v2, v1;
	_ =	sdelay $0x1  }
0x5a: {  	v1 =	vadd.f32 v1, v0;
	_ =	sdelay $0x1  }
0x5b: {  	v1 =	vsub.f32 $0.0e+00, v1;
	_ =	sdelay $0x1  }
0x5c: {  	v1 =	vmul.f32 $1.442695020e+00, v1  }
0x5d: {  	v48 =	vld [tilespmem:$0x410]  }
0x5e: {  	v49 =	vld [tilespmem:$0x690];
	(erf) = vpow2.f32 v1;
	_ =	sdelay $0x4  }
0x5f: {  	v1 =	vmul.f32 v49, v48;
	_ =	sdelay $0x1  }
0x60: {  	v1 =	vadd.f32 v1, v0;
	_ =	sdelay $0x1  }
0x61: {  	v1 =	vsub.f32 $0.0e+00, v1;
	v50 =	vpop (erf)  }
0x62: {  	v2 =	vadd.f32 $1.000000000e+00, v50  }
0x63: {  	v51 =	vld [tilespmem:$0x420];
	v1 =	vmul.f32 $1.442695020e+00, v1  }
0x64: {  	v52 =	vld [tilespmem:$0x6A0];
	(erf) = vrcp.f32 v2  }
0x65: {  	(erf) = vpow2.f32 v1;
	_ =	sdelay $0x3  }
0x66: {  	v1 =	vmul.f32 v52, v51;
	_ =	sdelay $0x2  }
0x67: {  	v2 =	vadd.f32 v1, v0  }
0x68: {  	v1 =	vpop (erf)  }
0x69: {  	v2 =	vsub.f32 $0.0e+00, v2;
	v3 =	vpop (erf)  }
0x6a: {  	v3 =	vadd.f32 $1.000000000e+00, v3  }
0x6b: {  	v53 =	vld [tilespmem:$0x430];
	v2 =	vmul.f32 $1.442695020e+00, v2  }
0x6c: {  	v54 =	vld [tilespmem:$0x6B0];
	(erf) = vrcp.f32 v3  }
0x6d: {  	(erf) = vpow2.f32 v2;
	_ =	sdelay $0x3  }
0x6e: {  	v2 =	vmul.f32 v54, v53;
	_ =	sdelay $0x2  }
0x6f: {  	v3 =	vadd.f32 v2, v0  }
0x70: {  	v2 =	vpop (erf)  }
0x71: {  	v3 =	vsub.f32 $0.0e+00, v3;
	v4 =	vpop (erf)  }
0x72: {  	v4 =	vadd.f32 $1.000000000e+00, v4  }
0x73: {  	v55 =	vld [tilespmem:$0x440];
	v3 =	vmul.f32 $1.442695020e+00, v3  }
0x74: {  	v56 =	vld [tilespmem:$0x6C0];
	(erf) = vrcp.f32 v4  }
0x75: {  	(erf) = vpow2.f32 v3;
	_ =	sdelay $0x3  }
0x76: {  	v3 =	vmul.f32 v56, v55;
	_ =	sdelay $0x2  }
0x77: {  	v4 =	vadd.f32 v3, v0  }
0x78: {  	v3 =	vpop (erf)  }
0x79: {  	v4 =	vsub.f32 $0.0e+00, v4;
	v5 =	vpop (erf)  }
0x7a: {  	v5 =	vadd.f32 $1.000000000e+00, v5  }
0x7b: {  	v57 =	vld [tilespmem:$0x450];
	v4 =	vmul.f32 $1.442695020e+00, v4  }
0x7c: {  	v58 =	vld [tilespmem:$0x6D0];
	(erf) = vrcp.f32 v5  }
0x7d: {  	(erf) = vpow2.f32 v4;
	_ =	sdelay $0x3  }
0x7e: {  	v4 =	vmul.f32 v58, v57;
	_ =	sdelay $0x2  }
0x7f: {  	v5 =	vadd.f32 v4, v0  }
0x80: {  	v4 =	vpop (erf)  }
0x81: {  	v5 =	vsub.f32 $0.0e+00, v5;
	v6 =	vpop (erf)  }
0x82: {  	v6 =	vadd.f32 $1.000000000e+00, v6  }
0x83: {  	v59 =	vld [tilespmem:$0x460];
	v5 =	vmul.f32 $1.442695020e+00, v5  }
0x84: {  	v60 =	vld [tilespmem:$0x6E0];
	(erf) = vrcp.f32 v6  }
0x85: {  	(erf) = vpow2.f32 v5;
	_ =	sdelay $0x3  }
0x86: {  	v5 =	vmul.f32 v60, v59;
	_ =	sdelay $0x2  }
0x87: {  	v6 =	vadd.f32 v5, v0  }
0x88: {  	v5 =	vpop (erf)  }
0x89: {  	v6 =	vsub.f32 $0.0e+00, v6;
	v7 =	vpop (erf)  }
0x8a: {  	v7 =	vadd.f32 $1.000000000e+00, v7  }
0x8b: {  	v61 =	vld [tilespmem:$0x470];
	v6 =	vmul.f32 $1.442695020e+00, v6  }
0x8c: {  	v62 =	vld [tilespmem:$0x6F0];
	(erf) = vrcp.f32 v7  }
0x8d: {  	(erf) = vpow2.f32 v6;
	_ =	sdelay $0x3  }
0x8e: {  	v6 =	vmul.f32 v62, v61;
	_ =	sdelay $0x2  }
0x8f: {  	v7 =	vadd.f32 v6, v0  }
0x90: {  	v6 =	vpop (erf)  }
0x91: {  	v7 =	vsub.f32 $0.0e+00, v7;
	v8 =	vpop (erf)  }
0x92: {  	v8 =	vadd.f32 $1.000000000e+00, v8  }
0x93: {  	v63 =	vld [tilespmem:$0x480];
	v7 =	vmul.f32 $1.442695020e+00, v7  }
0x94: {  	v12 =	vld [tilespmem:$0x700];
	(erf) = vrcp.f32 v8  }
0x95: {  	(erf) = vpow2.f32 v7;
	_ =	sdelay $0x3  }
0x96: {  	v7 =	vmul.f32 v12, v63;
	_ =	sdelay $0x2  }
0x97: {  	v8 =	vadd.f32 v7, v0  }
0x98: {  	v7 =	vpop (erf)  }
0x99: {  	v8 =	vsub.f32 $0.0e+00, v8;
	v9 =	vpop (erf)  }
0x9a: {  	v9 =	vadd.f32 $1.000000000e+00, v9  }
0x9b: {  	v13 =	vld [tilespmem:$0x490];
	v8 =	vmul.f32 $1.442695020e+00, v8  }
0x9c: {  	v14 =	vld [tilespmem:$0x710];
	(erf) = vrcp.f32 v9  }
0x9d: {  	(erf) = vpow2.f32 v8;
	_ =	sdelay $0x3  }
0x9e: {  	v8 =	vmul.f32 v14, v13;
	_ =	sdelay $0x2  }
0x9f: {  	v9 =	vadd.f32 v8, v0  }
0xa0: {  	v8 =	vpop (erf)  }
0xa1: {  	v9 =	vsub.f32 $0.0e+00, v9;
	v10 =	vpop (erf)  }
0xa2: {  	v10 =	vadd.f32 $1.000000000e+00, v10  }
0xa3: {  	v15 =	vld [tilespmem:$0x4A0];
	v9 =	vmul.f32 $1.442695020e+00, v9  }
0xa4: {  	v16 =	vld [tilespmem:$0x720];
	(erf) = vrcp.f32 v10  }
0xa5: {  	(erf) = vpow2.f32 v9;
	_ =	sdelay $0x3  }
0xa6: {  	v9 =	vmul.f32 v16, v15;
	_ =	sdelay $0x2  }
0xa7: {  	v10 =	vadd.f32 v9, v0  }
0xa8: {  	v9 =	vpop (erf)  }
0xa9: {  	v10 =	vsub.f32 $0.0e+00, v10;
	v11 =	vpop (erf)  }
0xaa: {  	v11 =	vadd.f32 $1.000000000e+00, v11  }
0xab: {  	v17 =	vld [tilespmem:$0x4B0];
	v10 =	vmul.f32 $1.442695020e+00, v10  }
0xac: {  	v18 =	vld [tilespmem:$0x730];
	(erf) = vrcp.f32 v11  }
0xad: {  	(erf) = vpow2.f32 v10;
	_ =	sdelay $0x3  }
0xae: {  	v10 =	vmul.f32 v18, v17;
	_ =	sdelay $0x2  }
0xaf: {  	v11 =	vadd.f32 v10, v0  }
0xb0: {  	v10 =	vpop (erf)  }
0xb1: {  	v11 =	vsub.f32 $0.0e+00, v11;
	v12 =	vpop (erf)  }
0xb2: {  	v12 =	vadd.f32 $1.000000000e+00, v12  }
0xb3: {  	v19 =	vld [tilespmem:$0x4C0];
	v11 =	vmul.f32 $1.442695020e+00, v11  }
0xb4: {  	v20 =	vld [tilespmem:$0x740];
	(erf) = vrcp.f32 v12  }
0xb5: {  	(erf) = vpow2.f32 v11;
	_ =	sdelay $0x3  }
0xb6: {  	v11 =	vmul.f32 v20, v19;
	_ =	sdelay $0x2  }
0xb7: {  	v12 =	vadd.f32 v11, v0  }
0xb8: {  	v11 =	vpop (erf)  }
0xb9: {  	v12 =	vsub.f32 $0.0e+00, v12;
	v13 =	vpop (erf)  }
0xba: {  	v13 =	vadd.f32 $1.000000000e+00, v13  }
0xbb: {  	v21 =	vld [tilespmem:$0x4D0];
	v12 =	vmul.f32 $1.442695020e+00, v12  }
0xbc: {  	v22 =	vld [tilespmem:$0x750];
	(erf) = vrcp.f32 v13  }
0xbd: {  	(erf) = vpow2.f32 v12;
	_ =	sdelay $0x3  }
0xbe: {  	v12 =	vmul.f32 v22, v21;
	_ =	sdelay $0x2  }
0xbf: {  	v13 =	vadd.f32 v12, v0  }
0xc0: {  	v12 =	vpop (erf)  }
0xc1: {  	v13 =	vsub.f32 $0.0e+00, v13;
	v14 =	vpop (erf)  }
0xc2: {  	v14 =	vadd.f32 $1.000000000e+00, v14  }
0xc3: {  	v23 =	vld [tilespmem:$0x4E0];
	v13 =	vmul.f32 $1.442695020e+00, v13  }
0xc4: {  	v24 =	vld [tilespmem:$0x760];
	(erf) = vrcp.f32 v14  }
0xc5: {  	(erf) = vpow2.f32 v13;
	_ =	sdelay $0x3  }
0xc6: {  	v13 =	vmul.f32 v24, v23;
	_ =	sdelay $0x2  }
0xc7: {  	v14 =	vadd.f32 v13, v0  }
0xc8: {  	v13 =	vpop (erf)  }
0xc9: {  	v14 =	vsub.f32 $0.0e+00, v14;
	v15 =	vpop (erf)  }
0xca: {  	v15 =	vadd.f32 $1.000000000e+00, v15  }
0xcb: {  	v25 =	vld [tilespmem:$0x4F0];
	v14 =	vmul.f32 $1.442695020e+00, v14  }
0xcc: {  	v26 =	vld [tilespmem:$0x770];
	(erf) = vrcp.f32 v15  }
0xcd: {  	(erf) = vpow2.f32 v14;
	_ =	sdelay $0x3  }
0xce: {  	v14 =	vmul.f32 v26, v25;
	_ =	sdelay $0x2  }
0xcf: {  	v15 =	vadd.f32 v14, v0  }
0xd0: {  	v14 =	vpop (erf)  }
0xd1: {  	v15 =	vsub.f32 $0.0e+00, v15;
	v16 =	vpop (erf)  }
0xd2: {  	v16 =	vadd.f32 $1.000000000e+00, v16  }
0xd3: {  	v27 =	vld [tilespmem:$0x500];
	v15 =	vmul.f32 $1.442695020e+00, v15  }
0xd4: {  	v28 =	vld [tilespmem:$0x780];
	(erf) = vrcp.f32 v16  }
0xd5: {  	(erf) = vpow2.f32 v15;
	_ =	sdelay $0x3  }
0xd6: {  	v15 =	vmul.f32 v28, v27;
	_ =	sdelay $0x2  }
0xd7: {  	v16 =	vadd.f32 v15, v0  }
0xd8: {  	v15 =	vpop (erf)  }
0xd9: {  	v16 =	vsub.f32 $0.0e+00, v16;
	v17 =	vpop (erf)  }
0xda: {  	v17 =	vadd.f32 $1.000000000e+00, v17  }
0xdb: {  	v29 =	vld [tilespmem:$0x510];
	v16 =	vmul.f32 $1.442695020e+00, v16  }
0xdc: {  	v30 =	vld [tilespmem:$0x790];
	(erf) = vrcp.f32 v17  }
0xdd: {  	(erf) = vpow2.f32 v16;
	_ =	sdelay $0x3  }
0xde: {  	v16 =	vmul.f32 v30, v29;
	_ =	sdelay $0x2  }
0xdf: {  	v17 =	vadd.f32 v16, v0  }
0xe0: {  	v16 =	vpop (erf)  }
0xe1: {  	v17 =	vsub.f32 $0.0e+00, v17;
	v18 =	vpop (erf)  }
0xe2: {  	v18 =	vadd.f32 $1.000000000e+00, v18  }
0xe3: {  	v31 =	vld [tilespmem:$0x520];
	v17 =	vmul.f32 $1.442695020e+00, v17  }
0xe4: {  	v32 =	vld [tilespmem:$0x7A0];
	(erf) = vrcp.f32 v18  }
0xe5: {  	(erf) = vpow2.f32 v17;
	_ =	sdelay $0x3  }
0xe6: {  	v17 =	vmul.f32 v32, v31;
	_ =	sdelay $0x2  }
0xe7: {  	v18 =	vadd.f32 v17, v0  }
0xe8: {  	v17 =	vpop (erf)  }
0xe9: {  	v18 =	vsub.f32 $0.0e+00, v18;
	v19 =	vpop (erf)  }
0xea: {  	v19 =	vadd.f32 $1.000000000e+00, v19  }
0xeb: {  	v33 =	vld [tilespmem:$0x530];
	v18 =	vmul.f32 $1.442695020e+00, v18  }
0xec: {  	v34 =	vld [tilespmem:$0x7B0];
	(erf) = vrcp.f32 v19  }
0xed: {  	(erf) = vpow2.f32 v18;
	_ =	sdelay $0x3  }
0xee: {  	v18 =	vmul.f32 v34, v33;
	_ =	sdelay $0x2  }
0xef: {  	v19 =	vadd.f32 v18, v0  }
0xf0: {  	v18 =	vpop (erf)  }
0xf1: {  	v19 =	vsub.f32 $0.0e+00, v19;
	v20 =	vpop (erf)  }
0xf2: {  	v20 =	vadd.f32 $1.000000000e+00, v20  }
0xf3: {  	v35 =	vld [tilespmem:$0x540];
	v19 =	vmul.f32 $1.442695020e+00, v19  }
0xf4: {  	v36 =	vld [tilespmem:$0x7C0];
	(erf) = vrcp.f32 v20  }
0xf5: {  	(erf) = vpow2.f32 v19;
	_ =	sdelay $0x3  }
0xf6: {  	v19 =	vmul.f32 v36, v35;
	_ =	sdelay $0x2  }
0xf7: {  	v20 =	vadd.f32 v19, v0  }
0xf8: {  	v19 =	vpop (erf)  }
0xf9: {  	v20 =	vsub.f32 $0.0e+00, v20;
	v21 =	vpop (erf)  }
0xfa: {  	v21 =	vadd.f32 $1.000000000e+00, v21  }
0xfb: {  	v37 =	vld [tilespmem:$0x550];
	v20 =	vmul.f32 $1.442695020e+00, v20  }
0xfc: {  	v38 =	vld [tilespmem:$0x7D0];
	(erf) = vrcp.f32 v21  }
0xfd: {  	(erf) = vpow2.f32 v20;
	_ =	sdelay $0x3  }
0xfe: {  	v20 =	vmul.f32 v38, v37;
	_ =	sdelay $0x2  }
0xff: {  	v21 =	vadd.f32 v20, v0  }
0x100: {  	v20 =	vpop (erf)  }
0x101: {  	v21 =	vsub.f32 $0.0e+00, v21;
	v22 =	vpop (erf)  }
0x102: {  	v22 =	vadd.f32 $1.000000000e+00, v22  }
0x103: {  	v39 =	vld [tilespmem:$0x560];
	v21 =	vmul.f32 $1.442695020e+00, v21  }
0x104: {  	v40 =	vld [tilespmem:$0x7E0];
	(erf) = vrcp.f32 v22  }
0x105: {  	(erf) = vpow2.f32 v21;
	_ =	sdelay $0x3  }
0x106: {  	v21 =	vmul.f32 v40, v39;
	_ =	sdelay $0x2  }
0x107: {  	v22 =	vadd.f32 v21, v0  }
0x108: {  	v21 =	vpop (erf)  }
0x109: {  	v22 =	vsub.f32 $0.0e+00, v22;
	v23 =	vpop (erf)  }
0x10a: {  	v23 =	vadd.f32 $1.000000000e+00, v23  }
0x10b: {  	v41 =	vld [tilespmem:$0x570];
	v22 =	vmul.f32 $1.442695020e+00, v22  }
0x10c: {  	v42 =	vld [tilespmem:$0x7F0];
	(erf) = vrcp.f32 v23  }
0x10d: {  	(erf) = vpow2.f32 v22;
	_ =	sdelay $0x3  }
0x10e: {  	v22 =	vmul.f32 v42, v41;
	_ =	sdelay $0x2  }
0x10f: {  	v23 =	vadd.f32 v22, v0  }
0x110: {  	v22 =	vpop (erf)  }
0x111: {  	v23 =	vsub.f32 $0.0e+00, v23;
	v24 =	vpop (erf)  }
0x112: {  	v24 =	vadd.f32 $1.000000000e+00, v24  }
0x113: {  	v43 =	vld [tilespmem:$0x580];
	v23 =	vmul.f32 $1.442695020e+00, v23  }
0x114: {  	v44 =	vld [tilespmem:$0x800];
	(erf) = vrcp.f32 v24  }
0x115: {  	(erf) = vpow2.f32 v23;
	_ =	sdelay $0x3  }
0x116: {  	v23 =	vmul.f32 v44, v43;
	_ =	sdelay $0x2  }
0x117: {  	v24 =	vadd.f32 v23, v0  }
0x118: {  	v23 =	vpop (erf)  }
0x119: {  	v24 =	vsub.f32 $0.0e+00, v24;
	v25 =	vpop (erf)  }
0x11a: {  	v25 =	vadd.f32 $1.000000000e+00, v25  }
0x11b: {  	v45 =	vld [tilespmem:$0x590];
	v24 =	vmul.f32 $1.442695020e+00, v24  }
0x11c: {  	v46 =	vld [tilespmem:$0x810];
	(erf) = vrcp.f32 v25  }
0x11d: {  	(erf) = vpow2.f32 v24;
	_ =	sdelay $0x3  }
0x11e: {  	v24 =	vmul.f32 v46, v45;
	_ =	sdelay $0x2  }
0x11f: {  	v25 =	vadd.f32 v24, v0  }
0x120: {  	v24 =	vpop (erf)  }
0x121: {  	v25 =	vsub.f32 $0.0e+00, v25;
	v26 =	vpop (erf)  }
0x122: {  	v26 =	vadd.f32 $1.000000000e+00, v26  }
0x123: {  	v47 =	vld [tilespmem:$0x5A0];
	v25 =	vmul.f32 $1.442695020e+00, v25  }
0x124: {  	v48 =	vld [tilespmem:$0x820];
	(erf) = vrcp.f32 v26  }
0x125: {  	(erf) = vpow2.f32 v25;
	_ =	sdelay $0x3  }
0x126: {  	v25 =	vmul.f32 v48, v47;
	_ =	sdelay $0x2  }
0x127: {  	v26 =	vadd.f32 v25, v0  }
0x128: {  	v25 =	vpop (erf)  }
0x129: {  	v26 =	vsub.f32 $0.0e+00, v26;
	v27 =	vpop (erf)  }
0x12a: {  	v27 =	vadd.f32 $1.000000000e+00, v27  }
0x12b: {  	v49 =	vld [tilespmem:$0x5B0];
	v26 =	vmul.f32 $1.442695020e+00, v26  }
0x12c: {  	v50 =	vld [tilespmem:$0x830];
	(erf) = vrcp.f32 v27  }
0x12d: {  	(erf) = vpow2.f32 v26;
	_ =	sdelay $0x3  }
0x12e: {  	v26 =	vmul.f32 v50, v49;
	_ =	sdelay $0x2  }
0x12f: {  	v27 =	vadd.f32 v26, v0  }
0x130: {  	v26 =	vpop (erf)  }
0x131: {  	v27 =	vsub.f32 $0.0e+00, v27;
	v28 =	vpop (erf)  }
0x132: {  	v28 =	vadd.f32 $1.000000000e+00, v28  }
0x133: {  	v51 =	vld [tilespmem:$0x5C0];
	v27 =	vmul.f32 $1.442695020e+00, v27  }
0x134: {  	v52 =	vld [tilespmem:$0x840];
	(erf) = vrcp.f32 v28  }
0x135: {  	(erf) = vpow2.f32 v27;
	_ =	sdelay $0x3  }
0x136: {  	v27 =	vmul.f32 v52, v51;
	_ =	sdelay $0x2  }
0x137: {  	v28 =	vadd.f32 v27, v0  }
0x138: {  	v27 =	vpop (erf)  }
0x139: {  	v28 =	vsub.f32 $0.0e+00, v28;
	v29 =	vpop (erf)  }
0x13a: {  	v29 =	vadd.f32 $1.000000000e+00, v29  }
0x13b: {  	v53 =	vld [tilespmem:$0x5D0];
	v28 =	vmul.f32 $1.442695020e+00, v28  }
0x13c: {  	v54 =	vld [tilespmem:$0x850];
	(erf) = vrcp.f32 v29  }
0x13d: {  	(erf) = vpow2.f32 v28;
	_ =	sdelay $0x3  }
0x13e: {  	v28 =	vmul.f32 v54, v53;
	_ =	sdelay $0x2  }
0x13f: {  	v29 =	vadd.f32 v28, v0  }
0x140: {  	v28 =	vpop (erf)  }
0x141: {  	v29 =	vsub.f32 $0.0e+00, v29;
	v30 =	vpop (erf)  }
0x142: {  	v30 =	vadd.f32 $1.000000000e+00, v30  }
0x143: {  	v55 =	vld [tilespmem:$0x5E0];
	v29 =	vmul.f32 $1.442695020e+00, v29  }
0x144: {  	v56 =	vld [tilespmem:$0x860];
	(erf) = vrcp.f32 v30  }
0x145: {  	(erf) = vpow2.f32 v29;
	_ =	sdelay $0x3  }
0x146: {  	v29 =	vmul.f32 v56, v55;
	_ =	sdelay $0x2  }
0x147: {  	v30 =	vadd.f32 v29, v0  }
0x148: {  	v29 =	vpop (erf)  }
0x149: {  	v30 =	vsub.f32 $0.0e+00, v30;
	v31 =	vpop (erf)  }
0x14a: {  	v31 =	vadd.f32 $1.000000000e+00, v31  }
0x14b: {  	v30 =	vmul.f32 $1.442695020e+00, v30  }
0x14c: {  	v57 =	vld [tilespmem:$0x5F0];
	(erf) = vrcp.f32 v31  }
0x14d: {  	v58 =	vld [tilespmem:$0x870];
	(erf) = vpow2.f32 v30;
	_ =	sdelay $0x4  }
0x14e: {  	v30 =	vmul.f32 v58, v57;
	_ =	sdelay $0x1  }
0x14f: {  	v30 =	vadd.f32 v30, v0  }
0x150: {  	v31 =	vpop (erf)  }
0x151: {  	v30 =	vsub.f32 $0.0e+00, v30;
	v32 =	vpop (erf)  }
0x152: {  	v32 =	vadd.f32 $1.000000000e+00, v32  }
0x153: {  	v30 =	vmul.f32 $1.442695020e+00, v30  }
0x154: {  	v59 =	vld [tilespmem:$0x600];
	(erf) = vrcp.f32 v32  }
0x155: {  	v60 =	vld [tilespmem:$0x880];
	(erf) = vpow2.f32 v30;
	_ =	sdelay $0x4  }
0x156: {  	v30 =	vmul.f32 v60, v59;
	_ =	sdelay $0x1  }
0x157: {  	v30 =	vadd.f32 v30, v0  }
0x158: {  	v32 =	vpop (erf)  }
0x159: {  	v30 =	vsub.f32 $0.0e+00, v30;
	v33 =	vpop (erf)  }
0x15a: {  	v33 =	vadd.f32 $1.000000000e+00, v33  }
0x15b: {  	v30 =	vmul.f32 $1.442695020e+00, v30  }
0x15c: {  	v61 =	vld [tilespmem:$0x610];
	(erf) = vrcp.f32 v33  }
0x15d: {  	v62 =	vld [tilespmem:$0x890];
	(erf) = vpow2.f32 v30;
	_ =	sdelay $0x4  }
0x15e: {  	v30 =	vmul.f32 v62, v61;
	_ =	sdelay $0x1  }
0x15f: {  	v30 =	vadd.f32 v30, v0  }
0x160: {  	v63 =	vpop (erf)  }
0x161: {  	v30 =	vsub.f32 $0.0e+00, v30;
	v34 =	vpop (erf)  }
0x162: {  	v34 =	vadd.f32 $1.000000000e+00, v34  }
0x163: {  	v30 =	vmul.f32 $1.442695020e+00, v30  }
0x164: {  	v40 =	vld [tilespmem:$0x620];
	(erf) = vrcp.f32 v34  }
0x165: {  	v41 =	vld [tilespmem:$0x8A0];
	(erf) = vpow2.f32 v30;
	_ =	sdelay $0x4  }
0x166: {  	v30 =	vmul.f32 v41, v40;
	_ =	sdelay $0x1  }
0x167: {  	v30 =	vadd.f32 v30, v0  }
0x168: {  	v42 =	vpop (erf)  }
0x169: {  	v30 =	vsub.f32 $0.0e+00, v30;
	v35 =	vpop (erf)  }
0x16a: {  	v35 =	vadd.f32 $1.000000000e+00, v35  }
0x16b: {  	v30 =	vmul.f32 $1.442695020e+00, v30  }
0x16c: {  	v43 =	vld [tilespmem:$0x630];
	(erf) = vrcp.f32 v35  }
0x16d: {  	v44 =	vld [tilespmem:$0x8B0];
	(erf) = vpow2.f32 v30;
	_ =	sdelay $0x4  }
0x16e: {  	v30 =	vmul.f32 v44, v43;
	_ =	sdelay $0x1  }
0x16f: {  	v30 =	vadd.f32 v30, v0  }
0x170: {  	v45 =	vpop (erf)  }
0x171: {  	v30 =	vsub.f32 $0.0e+00, v30;
	v36 =	vpop (erf)  }
0x172: {  	v36 =	vadd.f32 $1.000000000e+00, v36  }
0x173: {  	v30 =	vmul.f32 $1.442695020e+00, v30  }
0x174: {  	v46 =	vld [tilespmem:$0x640];
	(erf) = vrcp.f32 v36  }
0x175: {  	v47 =	vld [tilespmem:$0x8C0];
	(erf) = vpow2.f32 v30;
	_ =	sdelay $0x4  }
0x176: {  	v30 =	vmul.f32 v47, v46;
	_ =	sdelay $0x1  }
0x177: {  	v30 =	vadd.f32 v30, v0  }
0x178: {  	v48 =	vpop (erf)  }
0x179: {  	v30 =	vsub.f32 $0.0e+00, v30;
	v37 =	vpop (erf)  }
0x17a: {  	v37 =	vadd.f32 $1.000000000e+00, v37  }
0x17b: {  	v30 =	vmul.f32 $1.442695020e+00, v30  }
0x17c: {  	v49 =	vld [tilespmem:$0x650];
	(erf) = vrcp.f32 v37  }
0x17d: {  	v50 =	vld [tilespmem:$0x8D0];
	(erf) = vpow2.f32 v30;
	_ =	sdelay $0x4  }
0x17e: {  	v30 =	vmul.f32 v50, v49;
	_ =	sdelay $0x1  }
0x17f: {  	v30 =	vadd.f32 v30, v0  }
0x180: {  	v51 =	vpop (erf)  }
0x181: {  	v30 =	vsub.f32 $0.0e+00, v30;
	v38 =	vpop (erf)  }
0x182: {  	v38 =	vadd.f32 $1.000000000e+00, v38  }
0x183: {  	v30 =	vmul.f32 $1.442695020e+00, v30  }
0x184: {  	v52 =	vld [tilespmem:$0x660];
	(erf) = vrcp.f32 v38  }
0x185: {  	v53 =	vld [tilespmem:$0x8E0];
	(erf) = vpow2.f32 v30;
	_ =	sdelay $0x4  }
0x186: {  	v30 =	vmul.f32 v53, v52;
	_ =	sdelay $0x1  }
0x187: {  	v30 =	vadd.f32 v30, v0  }
0x188: {  	v54 =	vpop (erf)  }
0x189: {  	[tilespmem:$0x400] =	vst v1;
	v30 =	vsub.f32 $0.0e+00, v30;
	v55 =	vpop (erf)  }
0x18a: {  	[tilespmem:$0x410] =	vst v2;
	v1 =	vadd.f32 $1.000000000e+00, v55  }
0x18b: {  	[tilespmem:$0x420] =	vst v3;
	v56 =	vmul.f32 $1.442695020e+00, v30  }
0x18c: {  	[tilespmem:$0x430] =	vst v4;
	v57 =	vld [tilespmem:$0x670];
	(erf) = vrcp.f32 v1  }
0x18d: {  	[tilespmem:$0x440] =	vst v5;
	v58 =	vld [tilespmem:$0x8F0];
	(erf) = vpow2.f32 v56  }
0x18e: {  	[tilespmem:$0x450] =	vst v6  }
0x18f: {  	[tilespmem:$0x460] =	vst v7  }
0x190: {  	[tilespmem:$0x470] =	vst v8  }
0x191: {  	[tilespmem:$0x480] =	vst v9  }
0x192: {  	[tilespmem:$0x490] =	vst v10;
	v1 =	vmul.f32 v58, v57  }
0x193: {  	[tilespmem:$0x4A0] =	vst v11  }
0x194: {  	[tilespmem:$0x4B0] =	vst v12;
	v0 =	vadd.f32 v1, v0  }
0x195: {  	[tilespmem:$0x4C0] =	vst v13;
	v59 =	vpop (erf)  }
0x196: {  	[tilespmem:$0x4D0] =	vst v14;
	v0 =	vsub.f32 $0.0e+00, v0;
	v60 =	vpop (erf)  }
0x197: {  	[tilespmem:$0x4E0] =	vst v15;
	v2 =	vadd.f32 $1.000000000e+00, v60  }
0x198: {  	[tilespmem:$0x4F0] =	vst v16;
	v0 =	vmul.f32 $1.442695020e+00, v0  }
0x199: {  	[tilespmem:$0x500] =	vst v17;
	(erf) = vrcp.f32 v2  }
0x19a: {  	[tilespmem:$0x510] =	vst v18;
	(erf) = vpow2.f32 v0  }
0x19b: {  	[tilespmem:$0x520] =	vst v19  }
0x19c: {  	[tilespmem:$0x530] =	vst v20  }
0x19d: {  	[tilespmem:$0x540] =	vst v21  }
0x19e: {  	[tilespmem:$0x550] =	vst v22  }
0x19f: {  	[tilespmem:$0x560] =	vst v23  }
0x1a0: {  	[tilespmem:$0x570] =	vst v24  }
0x1a1: {  	[tilespmem:$0x580] =	vst v25  }
0x1a2: {  	[tilespmem:$0x590] =	vst v26;
	v61 =	vpop (erf)  }
0x1a3: {  	[tilespmem:$0x5A0] =	vst v27;
	v62 =	vpop (erf)  }
0x1a4: {  	[tilespmem:$0x5B0] =	vst v28;
	v2 =	vadd.f32 $1.000000000e+00, v62  }
0x1a5: {  	[tilespmem:$0x5C0] =	vst v29  }
0x1a6: {  	[tilespmem:$0x5D0] =	vst v31;
	(erf) = vrcp.f32 v2  }
0x1a7: {  	[tilespmem:$0x5E0] =	vst v32  }
0x1a8: {  	[tilespmem:$0x5F0] =	vst v63  }
0x1a9: {  	[tilespmem:$0x600] =	vst v42  }
0x1aa: {  	[tilespmem:$0x610] =	vst v45  }
0x1ab: {  	[tilespmem:$0x620] =	vst v48  }
0x1ac: {  	[tilespmem:$0x630] =	vst v51  }
0x1ad: {  	[tilespmem:$0x640] =	vst v54  }
0x1ae: {  	[tilespmem:$0x650] =	vst v59  }
0x1af: {  	[tilespmem:$0x660] =	vst v61;
	v63 =	vpop (erf)  }
.Ltmp4:
0x1b0: {  	[tilespmem:$0x670] =	vst v63;
	(pc) =	sbr.rel .LBB2_5-.Ltmp4, $4  }
0x1b1: {  	[hbm4b:s10+s3] =	stream.linear.scatter [tilespmem:s17], [sflag:$0x2], $0x280, $0x38;
	[tilespmem:$0x980] =	vst v63  }
0x1b2: {  	_ =	swait.ge [sflag:s15], $0x280  }
0x1b3: {  	[sflag:s15] =	ssyncset.done $0x0  }
0x1b4: {  	[sflag:s15] =	ssyncadd.s32 $0xFFFFFD80  }
.LBB2_6:
0x1b5: {  	_ =	sfence.sel $0x180000  }
0x1b6: {  	[bflag:$0x0] =	sbarrier.arrive $0xFFFF  }
0x1b7: {  	p0 =	sne.s32 s1, $0x0;
	_ =	strace $0x90000053  }
0x1b8: {  	s0 =	sadd.s32 @!p0 $0x100000, s0;
	[bflag:$0x2] =	sbarrier.arrive $0xFFFF  }
0x1b9: {  	[sflag:s0] =	ssyncadd.tile.s32 @!p0 $0x1;
	_ =	shalt  }
.Lfunc_end2:
_tile_overlayer_lowered:
.L_overlay_start_2:
0x1ba: {  	(tag) =	ssettag $0x2  }
0x1bb: {  	s0 =	rddreg [dreg:$0x0];
	s2 =	stileid.u32  }
0x1bc: {  	s1 =	rddreg [dreg:$0x1];
	p0 =	sne.s32 s2, $0x0  }
0x1bd: {  	s3 =	rddreg [dreg:$0x2];
	[bflag:$0x3] =	sbarrier.arrive $0xFFFF;
	s2 =	simm.s32 @!p0 $0x1C02  }
0x1be: {  	[timem:s3], [sflag:s2] =	dma.local @!p0 [hbm:s0], s1  }
0x1bf: {  	s0 =	simm.s32 @!p0 $0x2  }
0x1c0: {  	_ =	swait.ge @!p0 [sflag:s0], s1  }
0x1c1: {  	s1 =	ssub.s32 @!p0 $0x0, s1;
	[sflag:s0] =	ssyncset.done @!p0 $0x0  }
0x1c2: {  	[sflag:s0] =	ssyncadd.s32 @!p0 s1  }
0x1c3: {  	[bflag:$0x3] =	sbarrier.arrive $0xFFFF  }
0x1c4: {  	_ =	shalt  }

</sc_bundles>
